<compile_context>
chip_gen: v7x
topology: tpu7x:2x2x1
jax: 0.10.2.dev20260603
libtpu: 0.0.44.dev20260713+nightly
codegen_flags: <defaults>
</compile_context>

<pallas_src>
import jax
import jax.numpy as jnp
from jax import lax
from jax.experimental import pallas as pl
from jax.experimental.pallas import tpu as pltpu
from jax.experimental.pallas import tpu_sc as plsc

NUM_GRAPHS = 1024
HIDDEN = 14
N_NODES = 100000

NC = 2
NS = 16
NW = NC * NS
CHUNK = 3200
GB = 128
G = CHUNK // GB
N_PAD = NW * CHUNK
ROWS_PER_TILE = NUM_GRAPHS // NS
LAST_REAL = N_NODES - (NW - 1) * CHUNK
LAST_FULL = LAST_REAL // GB
LAST_TAIL = LAST_REAL - LAST_FULL * GB


def _seg_body(x_hbm, idx_hbm, z_hbm, zc_hbm, ones_hbm, out_s, out_c,
              xv0, xv1, idxv, onesv, accs, accc, sem):
    cid = lax.axis_index("c")
    sid = lax.axis_index("s")
    wid = cid * NS + sid
    base = wid * CHUNK

    pltpu.sync_copy(z_hbm, accs.at[pl.ds(sid * ROWS_PER_TILE, ROWS_PER_TILE), :])
    pltpu.sync_copy(zc_hbm, accc.at[pl.ds(sid * ROWS_PER_TILE, ROWS_PER_TILE), :])
    pltpu.sync_copy(ones_hbm, onesv)
    for g in range(G):
        pltpu.sync_copy(idx_hbm.at[pl.ds(base + g * GB, GB)], idxv.at[g, :])

    plsc.subcore_barrier()

    def scatter(buf, g):
        pltpu.sync_copy(buf, accs.at[idxv.at[g, :]], add=True)
        pltpu.sync_copy(onesv, accc.at[idxv.at[g, :]], add=True)

    @pl.when(wid < NW - 1)
    def _():
        h = pltpu.async_copy(x_hbm.at[pl.ds(base, GB), :], xv0, sem)
        for g in range(G):
            buf, nbuf = (xv0, xv1) if g % 2 == 0 else (xv1, xv0)
            h.wait()
            if g + 1 < G:
                h = pltpu.async_copy(
                    x_hbm.at[pl.ds(base + (g + 1) * GB, GB), :], nbuf, sem)
            scatter(buf, g)

    @pl.when(wid == NW - 1)
    def _():
        h = pltpu.async_copy(x_hbm.at[pl.ds(base, GB), :], xv0, sem)
        for g in range(LAST_FULL):
            buf, nbuf = (xv0, xv1) if g % 2 == 0 else (xv1, xv0)
            h.wait()
            if g + 1 < LAST_FULL:
                h = pltpu.async_copy(
                    x_hbm.at[pl.ds(base + (g + 1) * GB, GB), :], nbuf, sem)
            scatter(buf, g)
        tbuf = xv0 if LAST_FULL % 2 == 0 else xv1
        pltpu.sync_copy(x_hbm.at[pl.ds(base + LAST_FULL * GB, LAST_TAIL), :],
                        tbuf.at[pl.ds(0, LAST_TAIL), :])
        scatter(tbuf, LAST_FULL)

    plsc.subcore_barrier()

    pltpu.sync_copy(accs.at[pl.ds(sid * ROWS_PER_TILE, ROWS_PER_TILE), :],
                    out_s.at[cid, pl.ds(sid * ROWS_PER_TILE, ROWS_PER_TILE), :])
    pltpu.sync_copy(accc.at[pl.ds(sid * ROWS_PER_TILE, ROWS_PER_TILE), :],
                    out_c.at[cid, pl.ds(sid * ROWS_PER_TILE, ROWS_PER_TILE), :])


_seg_kernel = pl.kernel(
    _seg_body,
    out_type=(
        jax.ShapeDtypeStruct((NC, NUM_GRAPHS, HIDDEN), jnp.float32),
        jax.ShapeDtypeStruct((NC, NUM_GRAPHS, 1), jnp.float32),
    ),
    mesh=plsc.VectorSubcoreMesh(core_axis_name="c", subcore_axis_name="s",
                                num_cores=NC, num_subcores=NS),
    scratch_types=[
        pltpu.VMEM((GB, HIDDEN), jnp.float32),
        pltpu.VMEM((GB, HIDDEN), jnp.float32),
        pltpu.VMEM((G, GB), jnp.int32),
        pltpu.VMEM((GB, 1), jnp.float32),
        pltpu.VMEM_SHARED((NUM_GRAPHS + 1, HIDDEN), jnp.float32),
        pltpu.VMEM_SHARED((NUM_GRAPHS + 1, 1), jnp.float32),
        pltpu.SemaphoreType.DMA,
    ],
    compiler_params=pltpu.CompilerParams(use_tc_tiling_on_sc=True),
)


def _mlp_body(ps, pc, w1t, b1, w2t, b2, o):
    cnt = jnp.maximum(pc[0] + pc[1], 1.0)
    mean = (ps[0] + ps[1]) / cnt
    h = jnp.maximum(
        jnp.dot(mean, w1t[...], preferred_element_type=jnp.float32) + b1[...], 0.0)
    o[...] = jnp.dot(h, w2t[...], preferred_element_type=jnp.float32) + b2[...]


def _mlp(ps, pc, w1t, b1, w2t, b2):
    return pl.pallas_call(
        _mlp_body,
        out_shape=jax.ShapeDtypeStruct((NUM_GRAPHS, 2), jnp.float32),
    )(ps, pc, w1t, b1, w2t, b2)


def kernel(x, edge_index, edge_attr, u, batch, W1, b1, W2, b2):
    idx = jnp.pad(batch.astype(jnp.int32), (0, N_PAD - N_NODES),
                  constant_values=NUM_GRAPHS)
    z = jnp.zeros((ROWS_PER_TILE, HIDDEN), jnp.float32)
    zc = jnp.zeros((ROWS_PER_TILE, 1), jnp.float32)
    ones = jnp.ones((GB, 1), jnp.float32)
    ps, pc = _seg_kernel(x, idx, z, zc, ones)
    return _mlp(ps, pc, W1.T, b1[None, :], W2.T, b2[None, :])

# --- scband reference (transcript-rebuilt; emitter-appended) ---
"""Pipeline reference for scband-global-block-69861938037252 (READ-ONLY COPY).

The authoritative reference and input builder live on the scoring server;
editing this copy changes nothing except your own understanding.
"""

import jax, jax.numpy as jnp
import numpy as np

NUM_GRAPHS = 1024
HIDDEN = 14
OUTPUTS = 2
N_NODES = 100000
N_EDGES = 1600000

def setup_inputs(seed: int = 0) -> dict:
    key = jax.random.key(seed)
    ks = jax.random.split(key, 9)
    x = jax.random.normal(ks[0], (N_NODES, HIDDEN), dtype=jnp.float32)
    edge_index = jax.random.randint(ks[1], (2, N_EDGES), 0, N_NODES)
    edge_attr = jax.random.normal(ks[2], (N_EDGES, 4), dtype=jnp.float32)
    u = jax.random.normal(ks[3], (NUM_GRAPHS, HIDDEN), dtype=jnp.float32)
    batch = jnp.sort(jax.random.randint(ks[4], (N_NODES,), 0, NUM_GRAPHS))
    # MLP parameters (nn.Linear stores weight as [out, in]; y = x @ W.T + b)
    W1 = jax.random.normal(ks[5], (HIDDEN, HIDDEN), dtype=jnp.float32) * (1.0 / np.sqrt(HIDDEN))
    b1 = jax.random.normal(ks[6], (HIDDEN,), dtype=jnp.float32) * 0.01
    W2 = jax.random.normal(ks[7], (OUTPUTS, HIDDEN), dtype=jnp.float32) * (1.0 / np.sqrt(HIDDEN))
    b2 = jax.random.normal(ks[8], (OUTPUTS,), dtype=jnp.float32) * 0.01
    return {"x": x, "edge_index": edge_index, "edge_attr": edge_attr, "u": u, "batch": batch,
            "W1": W1, "b1": b1, "W2": W2, "b2": b2}

def reference(x, edge_index, edge_attr, u, batch, W1, b1, W2, b2):
    # scatter_mean(x, batch, dim=0): per-segment sum / per-segment count (clamped to 1)
    sums = jax.ops.segment_sum(x, batch, num_segments=NUM_GRAPHS)
    ones = jnp.ones((x.shape[0], 1), dtype=x.dtype)
    counts = jax.ops.segment_sum(ones, batch, num_segments=NUM_GRAPHS)
    mean = sums / jnp.maximum(counts, 1.0)
    # global_mlp: Linear -> ReLU -> Linear
    h = jnp.maximum(mean @ W1.T + b1, 0.0)
    out = h @ W2.T + b2
    return out

if __name__ == "__main__":
    import jax
    _d = setup_inputs()
    print(jax.jit(kernel)(*tuple(_d.values())))

</pallas_src>

<mosaic_0001>
#map = affine_map<(d0, d1) -> (0, 0)>
#map1 = affine_map<(d0, d1) -> (0)>
#map2 = affine_map<(d0, d1) -> (0, 0, 0)>
module attributes {stable_mosaic.version = 14 : i64} {
  func.func @_seg_body(%arg0: i32, %arg1: i32, %arg2: memref<100000x14xf32, #tpu.memory_space<hbm>>, %arg3: memref<102400xi32, #tpu.memory_space<hbm>>, %arg4: memref<64x14xf32, #tpu.memory_space<hbm>>, %arg5: memref<64x1xf32, #tpu.memory_space<hbm>>, %arg6: memref<128x1xf32, #tpu.memory_space<hbm>>, %arg7: memref<2x1024x14xf32, #tpu.memory_space<hbm>>, %arg8: memref<2x1024x1xf32, #tpu.memory_space<hbm>>, %arg9: memref<128x14xf32, #tpu.memory_space<vmem>>, %arg10: memref<128x14xf32, #tpu.memory_space<vmem>>, %arg11: memref<25x128xi32, #tpu.memory_space<vmem>>, %arg12: memref<128x1xf32, #tpu.memory_space<vmem>>, %arg13: memref<1025x14xf32, #tpu.memory_space<vmem_shared>>, %arg14: memref<1025x1xf32, #tpu.memory_space<vmem_shared>>, %arg15: memref<!tpu.dma_semaphore, #tpu.memory_space<semaphore_mem>>) attributes {dimension_semantics = [#tpu.dimension_semantics<core_parallel>, #tpu.dimension_semantics<subcore_parallel>], iteration_bounds = array<i64: 2, 16>, scalar_prefetch = 0 : i64, scratch_operands = 7 : i64, tpu.core_type = #tpu.core_type<sc_vector_subcore>, window_params = [{transform_indices = #map}, {transform_indices = #map1}, {transform_indices = #map}, {transform_indices = #map}, {transform_indices = #map}, {transform_indices = #map2}, {transform_indices = #map2}]} {
    %mul3A = arith.constant 16 : i32
    %mul3A_0 = arith.muli %arg0, %mul3A : i32
    %add3A = arith.addi %mul3A_0, %arg1 : i32
    %mul3A_1 = arith.constant 3200 : i32
    %mul3A_2 = arith.muli %add3A, %mul3A_1 : i32
    %mul3A_3 = arith.constant 64 : i32
    %mul3A_4 = arith.muli %arg1, %mul3A_3 : i32
    "tpu.region"() ({
      %run_scoped3A_96 = tpu.sem_alloc : memref<!tpu.dma_semaphore, #tpu.memory_space<semaphore_mem>>
      %dma_start3A = arith.constant 0 : i32
      %dma_start3A_97 = tpu.memref_slice %arg13[%mul3A_4, %dma_start3A] : memref<1025x14xf32, #tpu.memory_space<vmem_shared>> -> memref<64x14xf32, #tpu.memory_space<vmem_shared>>
      tpu.enqueue_dma source(%arg4 : memref<64x14xf32, #tpu.memory_space<hbm>>) target(%dma_start3A_97 : memref<64x14xf32, #tpu.memory_space<vmem_shared>>) target_semaphore(%run_scoped3A_96 : memref<!tpu.dma_semaphore, #tpu.memory_space<semaphore_mem>>)
      %dma_wait3A = arith.constant 0 : i32
      %dma_wait3A_98 = tpu.memref_slice %arg13[%mul3A_4, %dma_wait3A] : memref<1025x14xf32, #tpu.memory_space<vmem_shared>> -> memref<64x14xf32, #tpu.memory_space<vmem_shared>>
      tpu.wait_dma2 semaphore(%run_scoped3A_96 : memref<!tpu.dma_semaphore, #tpu.memory_space<semaphore_mem>>) src(%arg4 : memref<64x14xf32, #tpu.memory_space<hbm>>) dst(%dma_wait3A_98 : memref<64x14xf32, #tpu.memory_space<vmem_shared>>)
      tpu.yield
    }) : () -> ()
    %mul3A_5 = arith.constant 64 : i32
    %mul3A_6 = arith.muli %arg1, %mul3A_5 : i32
    "tpu.region"() ({
      %run_scoped3A_96 = tpu.sem_alloc : memref<!tpu.dma_semaphore, #tpu.memory_space<semaphore_mem>>
      %dma_start3A = arith.constant 0 : i32
      %dma_start3A_97 = tpu.memref_slice %arg14[%mul3A_6, %dma_start3A] : memref<1025x1xf32, #tpu.memory_space<vmem_shared>> -> memref<64x1xf32, #tpu.memory_space<vmem_shared>>
      tpu.enqueue_dma source(%arg5 : memref<64x1xf32, #tpu.memory_space<hbm>>) target(%dma_start3A_97 : memref<64x1xf32, #tpu.memory_space<vmem_shared>>) target_semaphore(%run_scoped3A_96 : memref<!tpu.dma_semaphore, #tpu.memory_space<semaphore_mem>>)
      %dma_wait3A = arith.constant 0 : i32
      %dma_wait3A_98 = tpu.memref_slice %arg14[%mul3A_6, %dma_wait3A] : memref<1025x1xf32, #tpu.memory_space<vmem_shared>> -> memref<64x1xf32, #tpu.memory_space<vmem_shared>>
      tpu.wait_dma2 semaphore(%run_scoped3A_96 : memref<!tpu.dma_semaphore, #tpu.memory_space<semaphore_mem>>) src(%arg5 : memref<64x1xf32, #tpu.memory_space<hbm>>) dst(%dma_wait3A_98 : memref<64x1xf32, #tpu.memory_space<vmem_shared>>)
      tpu.yield
    }) : () -> ()
    "tpu.region"() ({
      %run_scoped3A_96 = tpu.sem_alloc : memref<!tpu.dma_semaphore, #tpu.memory_space<semaphore_mem>>
      tpu.enqueue_dma source(%arg6 : memref<128x1xf32, #tpu.memory_space<hbm>>) target(%arg12 : memref<128x1xf32, #tpu.memory_space<vmem>>) target_semaphore(%run_scoped3A_96 : memref<!tpu.dma_semaphore, #tpu.memory_space<semaphore_mem>>)
      tpu.wait_dma2 semaphore(%run_scoped3A_96 : memref<!tpu.dma_semaphore, #tpu.memory_space<semaphore_mem>>) src(%arg6 : memref<128x1xf32, #tpu.memory_space<hbm>>) dst(%arg12 : memref<128x1xf32, #tpu.memory_space<vmem>>)
      tpu.yield
    }) : () -> ()
    %add3A_7 = arith.constant 0 : i32
    %add3A_8 = arith.addi %mul3A_2, %add3A_7 : i32
    %run_scoped3A = arith.constant 0 : i32
    "tpu.region"() ({
      %run_scoped3A_96 = tpu.sem_alloc : memref<!tpu.dma_semaphore, #tpu.memory_space<semaphore_mem>>
      %dma_start3A = arith.constant 0 : i32
      %dma_start3A_97 = tpu.memref_slice %arg11[%run_scoped3A, %dma_start3A] : memref<25x128xi32, #tpu.memory_space<vmem>> -> memref<1x128xi32, #tpu.memory_space<vmem>>
      %dma_start3A_98 = tpu.memref_squeeze %dma_start3A_97 : memref<1x128xi32, #tpu.memory_space<vmem>> -> memref<128xi32, #tpu.memory_space<vmem>>
      %dma_start3A_99 = tpu.memref_slice %arg3[%add3A_8] : memref<102400xi32, #tpu.memory_space<hbm>> -> memref<128xi32, #tpu.memory_space<hbm>>
      %dma_start3A_100 = arith.constant 0 : i32
      %dma_start3A_101 = tpu.memref_slice %arg11[%run_scoped3A, %dma_start3A_100] : memref<25x128xi32, #tpu.memory_space<vmem>> -> memref<1x128xi32, #tpu.memory_space<vmem>>
      %dma_start3A_102 = tpu.memref_squeeze %dma_start3A_101 : memref<1x128xi32, #tpu.memory_space<vmem>> -> memref<128xi32, #tpu.memory_space<vmem>>
      %dma_start3A_103 = tpu.memref_slice %arg3[%add3A_8] : memref<102400xi32, #tpu.memory_space<hbm>> -> memref<128xi32, #tpu.memory_space<hbm>>
      tpu.enqueue_dma source(%dma_start3A_103 : memref<128xi32, #tpu.memory_space<hbm>>) target(%dma_start3A_102 : memref<128xi32, #tpu.memory_space<vmem>>) target_semaphore(%run_scoped3A_96 : memref<!tpu.dma_semaphore, #tpu.memory_space<semaphore_mem>>)
      %dma_wait3A = arith.constant 0 : i32
      %dma_wait3A_104 = tpu.memref_slice %arg11[%run_scoped3A, %dma_wait3A] : memref<25x128xi32, #tpu.memory_space<vmem>> -> memref<1x128xi32, #tpu.memory_space<vmem>>
      %dma_wait3A_105 = tpu.memref_squeeze %dma_wait3A_104 : memref<1x128xi32, #tpu.memory_space<vmem>> -> memref<128xi32, #tpu.memory_space<vmem>>
      %dma_wait3A_106 = tpu.memref_slice %arg3[%add3A_8] : memref<102400xi32, #tpu.memory_space<hbm>> -> memref<128xi32, #tpu.memory_space<hbm>>
      %dma_wait3A_107 = arith.constant 0 : i32
      %dma_wait3A_108 = tpu.memref_slice %arg11[%run_scoped3A, %dma_wait3A_107] : memref<25x128xi32, #tpu.memory_space<vmem>> -> memref<1x128xi32, #tpu.memory_space<vmem>>
      %dma_wait3A_109 = tpu.memref_squeeze %dma_wait3A_108 : memref<1x128xi32, #tpu.memory_space<vmem>> -> memref<128xi32, #tpu.memory_space<vmem>>
      %dma_wait3A_110 = tpu.memref_slice %arg3[%add3A_8] : memref<102400xi32, #tpu.memory_space<hbm>> -> memref<128xi32, #tpu.memory_space<hbm>>
      tpu.wait_dma2 semaphore(%run_scoped3A_96 : memref<!tpu.dma_semaphore, #tpu.memory_space<semaphore_mem>>) src(%dma_wait3A_110 : memref<128xi32, #tpu.memory_space<hbm>>) dst(%dma_wait3A_109 : memref<128xi32, #tpu.memory_space<vmem>>)
      tpu.yield
    }) : () -> ()
    %add3A_9 = arith.constant 128 : i32
    %add3A_10 = arith.addi %mul3A_2, %add3A_9 : i32
    %run_scoped3A_11 = arith.constant 1 : i32
    "tpu.region"() ({
      %run_scoped3A_96 = tpu.sem_alloc : memref<!tpu.dma_semaphore, #tpu.memory_space<semaphore_mem>>
      %dma_start3A = arith.constant 0 : i32
      %dma_start3A_97 = tpu.memref_slice %arg11[%run_scoped3A_11, %dma_start3A] : memref<25x128xi32, #tpu.memory_space<vmem>> -> memref<1x128xi32, #tpu.memory_space<vmem>>
      %dma_start3A_98 = tpu.memref_squeeze %dma_start3A_97 : memref<1x128xi32, #tpu.memory_space<vmem>> -> memref<128xi32, #tpu.memory_space<vmem>>
      %dma_start3A_99 = tpu.memref_slice %arg3[%add3A_10] : memref<102400xi32, #tpu.memory_space<hbm>> -> memref<128xi32, #tpu.memory_space<hbm>>
      %dma_start3A_100 = arith.constant 0 : i32
      %dma_start3A_101 = tpu.memref_slice %arg11[%run_scoped3A_11, %dma_start3A_100] : memref<25x128xi32, #tpu.memory_space<vmem>> -> memref<1x128xi32, #tpu.memory_space<vmem>>
      %dma_start3A_102 = tpu.memref_squeeze %dma_start3A_101 : memref<1x128xi32, #tpu.memory_space<vmem>> -> memref<128xi32, #tpu.memory_space<vmem>>
      %dma_start3A_103 = tpu.memref_slice %arg3[%add3A_10] : memref<102400xi32, #tpu.memory_space<hbm>> -> memref<128xi32, #tpu.memory_space<hbm>>
      tpu.enqueue_dma source(%dma_start3A_103 : memref<128xi32, #tpu.memory_space<hbm>>) target(%dma_start3A_102 : memref<128xi32, #tpu.memory_space<vmem>>) target_semaphore(%run_scoped3A_96 : memref<!tpu.dma_semaphore, #tpu.memory_space<semaphore_mem>>)
      %dma_wait3A = arith.constant 0 : i32
      %dma_wait3A_104 = tpu.memref_slice %arg11[%run_scoped3A_11, %dma_wait3A] : memref<25x128xi32, #tpu.memory_space<vmem>> -> memref<1x128xi32, #tpu.memory_space<vmem>>
      %dma_wait3A_105 = tpu.memref_squeeze %dma_wait3A_104 : memref<1x128xi32, #tpu.memory_space<vmem>> -> memref<128xi32, #tpu.memory_space<vmem>>
      %dma_wait3A_106 = tpu.memref_slice %arg3[%add3A_10] : memref<102400xi32, #tpu.memory_space<hbm>> -> memref<128xi32, #tpu.memory_space<hbm>>
      %dma_wait3A_107 = arith.constant 0 : i32
      %dma_wait3A_108 = tpu.memref_slice %arg11[%run_scoped3A_11, %dma_wait3A_107] : memref<25x128xi32, #tpu.memory_space<vmem>> -> memref<1x128xi32, #tpu.memory_space<vmem>>
      %dma_wait3A_109 = tpu.memref_squeeze %dma_wait3A_108 : memref<1x128xi32, #tpu.memory_space<vmem>> -> memref<128xi32, #tpu.memory_space<vmem>>
      %dma_wait3A_110 = tpu.memref_slice %arg3[%add3A_10] : memref<102400xi32, #tpu.memory_space<hbm>> -> memref<128xi32, #tpu.memory_space<hbm>>
      tpu.wait_dma2 semaphore(%run_scoped3A_96 : memref<!tpu.dma_semaphore, #tpu.memory_space<semaphore_mem>>) src(%dma_wait3A_110 : memref<128xi32, #tpu.memory_space<hbm>>) dst(%dma_wait3A_109 : memref<128xi32, #tpu.memory_space<vmem>>)
      tpu.yield
    }) : () -> ()
    %add3A_12 = arith.constant 256 : i32
    %add3A_13 = arith.addi %mul3A_2, %add3A_12 : i32
    %run_scoped3A_14 = arith.constant 2 : i32
    "tpu.region"() ({
      %run_scoped3A_96 = tpu.sem_alloc : memref<!tpu.dma_semaphore, #tpu.memory_space<semaphore_mem>>
      %dma_start3A = arith.constant 0 : i32
      %dma_start3A_97 = tpu.memref_slice %arg11[%run_scoped3A_14, %dma_start3A] : memref<25x128xi32, #tpu.memory_space<vmem>> -> memref<1x128xi32, #tpu.memory_space<vmem>>
      %dma_start3A_98 = tpu.memref_squeeze %dma_start3A_97 : memref<1x128xi32, #tpu.memory_space<vmem>> -> memref<128xi32, #tpu.memory_space<vmem>>
      %dma_start3A_99 = tpu.memref_slice %arg3[%add3A_13] : memref<102400xi32, #tpu.memory_space<hbm>> -> memref<128xi32, #tpu.memory_space<hbm>>
      %dma_start3A_100 = arith.constant 0 : i32
      %dma_start3A_101 = tpu.memref_slice %arg11[%run_scoped3A_14, %dma_start3A_100] : memref<25x128xi32, #tpu.memory_space<vmem>> -> memref<1x128xi32, #tpu.memory_space<vmem>>
      %dma_start3A_102 = tpu.memref_squeeze %dma_start3A_101 : memref<1x128xi32, #tpu.memory_space<vmem>> -> memref<128xi32, #tpu.memory_space<vmem>>
      %dma_start3A_103 = tpu.memref_slice %arg3[%add3A_13] : memref<102400xi32, #tpu.memory_space<hbm>> -> memref<128xi32, #tpu.memory_space<hbm>>
      tpu.enqueue_dma source(%dma_start3A_103 : memref<128xi32, #tpu.memory_space<hbm>>) target(%dma_start3A_102 : memref<128xi32, #tpu.memory_space<vmem>>) target_semaphore(%run_scoped3A_96 : memref<!tpu.dma_semaphore, #tpu.memory_space<semaphore_mem>>)
      %dma_wait3A = arith.constant 0 : i32
      %dma_wait3A_104 = tpu.memref_slice %arg11[%run_scoped3A_14, %dma_wait3A] : memref<25x128xi32, #tpu.memory_space<vmem>> -> memref<1x128xi32, #tpu.memory_space<vmem>>
      %dma_wait3A_105 = tpu.memref_squeeze %dma_wait3A_104 : memref<1x128xi32, #tpu.memory_space<vmem>> -> memref<128xi32, #tpu.memory_space<vmem>>
      %dma_wait3A_106 = tpu.memref_slice %arg3[%add3A_13] : memref<102400xi32, #tpu.memory_space<hbm>> -> memref<128xi32, #tpu.memory_space<hbm>>
      %dma_wait3A_107 = arith.constant 0 : i32
      %dma_wait3A_108 = tpu.memref_slice %arg11[%run_scoped3A_14, %dma_wait3A_107] : memref<25x128xi32, #tpu.memory_space<vmem>> -> memref<1x128xi32, #tpu.memory_space<vmem>>
      %dma_wait3A_109 = tpu.memref_squeeze %dma_wait3A_108 : memref<1x128xi32, #tpu.memory_space<vmem>> -> memref<128xi32, #tpu.memory_space<vmem>>
      %dma_wait3A_110 = tpu.memref_slice %arg3[%add3A_13] : memref<102400xi32, #tpu.memory_space<hbm>> -> memref<128xi32, #tpu.memory_space<hbm>>
      tpu.wait_dma2 semaphore(%run_scoped3A_96 : memref<!tpu.dma_semaphore, #tpu.memory_space<semaphore_mem>>) src(%dma_wait3A_110 : memref<128xi32, #tpu.memory_space<hbm>>) dst(%dma_wait3A_109 : memref<128xi32, #tpu.memory_space<vmem>>)
      tpu.yield
    }) : () -> ()
    %add3A_15 = arith.constant 384 : i32
    %add3A_16 = arith.addi %mul3A_2, %add3A_15 : i32
    %run_scoped3A_17 = arith.constant 3 : i32
    "tpu.region"() ({
      %run_scoped3A_96 = tpu.sem_alloc : memref<!tpu.dma_semaphore, #tpu.memory_space<semaphore_mem>>
      %dma_start3A = arith.constant 0 : i32
      %dma_start3A_97 = tpu.memref_slice %arg11[%run_scoped3A_17, %dma_start3A] : memref<25x128xi32, #tpu.memory_space<vmem>> -> memref<1x128xi32, #tpu.memory_space<vmem>>
      %dma_start3A_98 = tpu.memref_squeeze %dma_start3A_97 : memref<1x128xi32, #tpu.memory_space<vmem>> -> memref<128xi32, #tpu.memory_space<vmem>>
      %dma_start3A_99 = tpu.memref_slice %arg3[%add3A_16] : memref<102400xi32, #tpu.memory_space<hbm>> -> memref<128xi32, #tpu.memory_space<hbm>>
      %dma_start3A_100 = arith.constant 0 : i32
      %dma_start3A_101 = tpu.memref_slice %arg11[%run_scoped3A_17, %dma_start3A_100] : memref<25x128xi32, #tpu.memory_space<vmem>> -> memref<1x128xi32, #tpu.memory_space<vmem>>
      %dma_start3A_102 = tpu.memref_squeeze %dma_start3A_101 : memref<1x128xi32, #tpu.memory_space<vmem>> -> memref<128xi32, #tpu.memory_space<vmem>>
      %dma_start3A_103 = tpu.memref_slice %arg3[%add3A_16] : memref<102400xi32, #tpu.memory_space<hbm>> -> memref<128xi32, #tpu.memory_space<hbm>>
      tpu.enqueue_dma source(%dma_start3A_103 : memref<128xi32, #tpu.memory_space<hbm>>) target(%dma_start3A_102 : memref<128xi32, #tpu.memory_space<vmem>>) target_semaphore(%run_scoped3A_96 : memref<!tpu.dma_semaphore, #tpu.memory_space<semaphore_mem>>)
      %dma_wait3A = arith.constant 0 : i32
      %dma_wait3A_104 = tpu.memref_slice %arg11[%run_scoped3A_17, %dma_wait3A] : memref<25x128xi32, #tpu.memory_space<vmem>> -> memref<1x128xi32, #tpu.memory_space<vmem>>
      %dma_wait3A_105 = tpu.memref_squeeze %dma_wait3A_104 : memref<1x128xi32, #tpu.memory_space<vmem>> -> memref<128xi32, #tpu.memory_space<vmem>>
      %dma_wait3A_106 = tpu.memref_slice %arg3[%add3A_16] : memref<102400xi32, #tpu.memory_space<hbm>> -> memref<128xi32, #tpu.memory_space<hbm>>
      %dma_wait3A_107 = arith.constant 0 : i32
      %dma_wait3A_108 = tpu.memref_slice %arg11[%run_scoped3A_17, %dma_wait3A_107] : memref<25x128xi32, #tpu.memory_space<vmem>> -> memref<1x128xi32, #tpu.memory_space<vmem>>
      %dma_wait3A_109 = tpu.memref_squeeze %dma_wait3A_108 : memref<1x128xi32, #tpu.memory_space<vmem>> -> memref<128xi32, #tpu.memory_space<vmem>>
      %dma_wait3A_110 = tpu.memref_slice %arg3[%add3A_16] : memref<102400xi32, #tpu.memory_space<hbm>> -> memref<128xi32, #tpu.memory_space<hbm>>
      tpu.wait_dma2 semaphore(%run_scoped3A_96 : memref<!tpu.dma_semaphore, #tpu.memory_space<semaphore_mem>>) src(%dma_wait3A_110 : memref<128xi32, #tpu.memory_space<hbm>>) dst(%dma_wait3A_109 : memref<128xi32, #tpu.memory_space<vmem>>)
      tpu.yield
    }) : () -> ()
    %add3A_18 = arith.constant 512 : i32
    %add3A_19 = arith.addi %mul3A_2, %add3A_18 : i32
    %run_scoped3A_20 = arith.constant 4 : i32
    "tpu.region"() ({
      %run_scoped3A_96 = tpu.sem_alloc : memref<!tpu.dma_semaphore, #tpu.memory_space<semaphore_mem>>
      %dma_start3A = arith.constant 0 : i32
      %dma_start3A_97 = tpu.memref_slice %arg11[%run_scoped3A_20, %dma_start3A] : memref<25x128xi32, #tpu.memory_space<vmem>> -> memref<1x128xi32, #tpu.memory_space<vmem>>
      %dma_start3A_98 = tpu.memref_squeeze %dma_start3A_97 : memref<1x128xi32, #tpu.memory_space<vmem>> -> memref<128xi32, #tpu.memory_space<vmem>>
      %dma_start3A_99 = tpu.memref_slice %arg3[%add3A_19] : memref<102400xi32, #tpu.memory_space<hbm>> -> memref<128xi32, #tpu.memory_space<hbm>>
      %dma_start3A_100 = arith.constant 0 : i32
      %dma_start3A_101 = tpu.memref_slice %arg11[%run_scoped3A_20, %dma_start3A_100] : memref<25x128xi32, #tpu.memory_space<vmem>> -> memref<1x128xi32, #tpu.memory_space<vmem>>
      %dma_start3A_102 = tpu.memref_squeeze %dma_start3A_101 : memref<1x128xi32, #tpu.memory_space<vmem>> -> memref<128xi32, #tpu.memory_space<vmem>>
      %dma_start3A_103 = tpu.memref_slice %arg3[%add3A_19] : memref<102400xi32, #tpu.memory_space<hbm>> -> memref<128xi32, #tpu.memory_space<hbm>>
      tpu.enqueue_dma source(%dma_start3A_103 : memref<128xi32, #tpu.memory_space<hbm>>) target(%dma_start3A_102 : memref<128xi32, #tpu.memory_space<vmem>>) target_semaphore(%run_scoped3A_96 : memref<!tpu.dma_semaphore, #tpu.memory_space<semaphore_mem>>)
      %dma_wait3A = arith.constant 0 : i32
      %dma_wait3A_104 = tpu.memref_slice %arg11[%run_scoped3A_20, %dma_wait3A] : memref<25x128xi32, #tpu.memory_space<vmem>> -> memref<1x128xi32, #tpu.memory_space<vmem>>
      %dma_wait3A_105 = tpu.memref_squeeze %dma_wait3A_104 : memref<1x128xi32, #tpu.memory_space<vmem>> -> memref<128xi32, #tpu.memory_space<vmem>>
      %dma_wait3A_106 = tpu.memref_slice %arg3[%add3A_19] : memref<102400xi32, #tpu.memory_space<hbm>> -> memref<128xi32, #tpu.memory_space<hbm>>
      %dma_wait3A_107 = arith.constant 0 : i32
      %dma_wait3A_108 = tpu.memref_slice %arg11[%run_scoped3A_20, %dma_wait3A_107] : memref<25x128xi32, #tpu.memory_space<vmem>> -> memref<1x128xi32, #tpu.memory_space<vmem>>
      %dma_wait3A_109 = tpu.memref_squeeze %dma_wait3A_108 : memref<1x128xi32, #tpu.memory_space<vmem>> -> memref<128xi32, #tpu.memory_space<vmem>>
      %dma_wait3A_110 = tpu.memref_slice %arg3[%add3A_19] : memref<102400xi32, #tpu.memory_space<hbm>> -> memref<128xi32, #tpu.memory_space<hbm>>
      tpu.wait_dma2 semaphore(%run_scoped3A_96 : memref<!tpu.dma_semaphore, #tpu.memory_space<semaphore_mem>>) src(%dma_wait3A_110 : memref<128xi32, #tpu.memory_space<hbm>>) dst(%dma_wait3A_109 : memref<128xi32, #tpu.memory_space<vmem>>)
      tpu.yield
    }) : () -> ()
    %add3A_21 = arith.constant 640 : i32
    %add3A_22 = arith.addi %mul3A_2, %add3A_21 : i32
    %run_scoped3A_23 = arith.constant 5 : i32
    "tpu.region"() ({
      %run_scoped3A_96 = tpu.sem_alloc : memref<!tpu.dma_semaphore, #tpu.memory_space<semaphore_mem>>
      %dma_start3A = arith.constant 0 : i32
      %dma_start3A_97 = tpu.memref_slice %arg11[%run_scoped3A_23, %dma_start3A] : memref<25x128xi32, #tpu.memory_space<vmem>> -> memref<1x128xi32, #tpu.memory_space<vmem>>
      %dma_start3A_98 = tpu.memref_squeeze %dma_start3A_97 : memref<1x128xi32, #tpu.memory_space<vmem>> -> memref<128xi32, #tpu.memory_space<vmem>>
      %dma_start3A_99 = tpu.memref_slice %arg3[%add3A_22] : memref<102400xi32, #tpu.memory_space<hbm>> -> memref<128xi32, #tpu.memory_space<hbm>>
      %dma_start3A_100 = arith.constant 0 : i32
      %dma_start3A_101 = tpu.memref_slice %arg11[%run_scoped3A_23, %dma_start3A_100] : memref<25x128xi32, #tpu.memory_space<vmem>> -> memref<1x128xi32, #tpu.memory_space<vmem>>
      %dma_start3A_102 = tpu.memref_squeeze %dma_start3A_101 : memref<1x128xi32, #tpu.memory_space<vmem>> -> memref<128xi32, #tpu.memory_space<vmem>>
      %dma_start3A_103 = tpu.memref_slice %arg3[%add3A_22] : memref<102400xi32, #tpu.memory_space<hbm>> -> memref<128xi32, #tpu.memory_space<hbm>>
      tpu.enqueue_dma source(%dma_start3A_103 : memref<128xi32, #tpu.memory_space<hbm>>) target(%dma_start3A_102 : memref<128xi32, #tpu.memory_space<vmem>>) target_semaphore(%run_scoped3A_96 : memref<!tpu.dma_semaphore, #tpu.memory_space<semaphore_mem>>)
      %dma_wait3A = arith.constant 0 : i32
      %dma_wait3A_104 = tpu.memref_slice %arg11[%run_scoped3A_23, %dma_wait3A] : memref<25x128xi32, #tpu.memory_space<vmem>> -> memref<1x128xi32, #tpu.memory_space<vmem>>
      %dma_wait3A_105 = tpu.memref_squeeze %dma_wait3A_104 : memref<1x128xi32, #tpu.memory_space<vmem>> -> memref<128xi32, #tpu.memory_space<vmem>>
      %dma_wait3A_106 = tpu.memref_slice %arg3[%add3A_22] : memref<102400xi32, #tpu.memory_space<hbm>> -> memref<128xi32, #tpu.memory_space<hbm>>
      %dma_wait3A_107 = arith.constant 0 : i32
      %dma_wait3A_108 = tpu.memref_slice %arg11[%run_scoped3A_23, %dma_wait3A_107] : memref<25x128xi32, #tpu.memory_space<vmem>> -> memref<1x128xi32, #tpu.memory_space<vmem>>
      %dma_wait3A_109 = tpu.memref_squeeze %dma_wait3A_108 : memref<1x128xi32, #tpu.memory_space<vmem>> -> memref<128xi32, #tpu.memory_space<vmem>>
      %dma_wait3A_110 = tpu.memref_slice %arg3[%add3A_22] : memref<102400xi32, #tpu.memory_space<hbm>> -> memref<128xi32, #tpu.memory_space<hbm>>
      tpu.wait_dma2 semaphore(%run_scoped3A_96 : memref<!tpu.dma_semaphore, #tpu.memory_space<semaphore_mem>>) src(%dma_wait3A_110 : memref<128xi32, #tpu.memory_space<hbm>>) dst(%dma_wait3A_109 : memref<128xi32, #tpu.memory_space<vmem>>)
      tpu.yield
    }) : () -> ()
    %add3A_24 = arith.constant 768 : i32
    %add3A_25 = arith.addi %mul3A_2, %add3A_24 : i32
    %run_scoped3A_26 = arith.constant 6 : i32
    "tpu.region"() ({
      %run_scoped3A_96 = tpu.sem_alloc : memref<!tpu.dma_semaphore, #tpu.memory_space<semaphore_mem>>
      %dma_start3A = arith.constant 0 : i32
      %dma_start3A_97 = tpu.memref_slice %arg11[%run_scoped3A_26, %dma_start3A] : memref<25x128xi32, #tpu.memory_space<vmem>> -> memref<1x128xi32, #tpu.memory_space<vmem>>
      %dma_start3A_98 = tpu.memref_squeeze %dma_start3A_97 : memref<1x128xi32, #tpu.memory_space<vmem>> -> memref<128xi32, #tpu.memory_space<vmem>>
      %dma_start3A_99 = tpu.memref_slice %arg3[%add3A_25] : memref<102400xi32, #tpu.memory_space<hbm>> -> memref<128xi32, #tpu.memory_space<hbm>>
      %dma_start3A_100 = arith.constant 0 : i32
      %dma_start3A_101 = tpu.memref_slice %arg11[%run_scoped3A_26, %dma_start3A_100] : memref<25x128xi32, #tpu.memory_space<vmem>> -> memref<1x128xi32, #tpu.memory_space<vmem>>
      %dma_start3A_102 = tpu.memref_squeeze %dma_start3A_101 : memref<1x128xi32, #tpu.memory_space<vmem>> -> memref<128xi32, #tpu.memory_space<vmem>>
      %dma_start3A_103 = tpu.memref_slice %arg3[%add3A_25] : memref<102400xi32, #tpu.memory_space<hbm>> -> memref<128xi32, #tpu.memory_space<hbm>>
      tpu.enqueue_dma source(%dma_start3A_103 : memref<128xi32, #tpu.memory_space<hbm>>) target(%dma_start3A_102 : memref<128xi32, #tpu.memory_space<vmem>>) target_semaphore(%run_scoped3A_96 : memref<!tpu.dma_semaphore, #tpu.memory_space<semaphore_mem>>)
      %dma_wait3A = arith.constant 0 : i32
      %dma_wait3A_104 = tpu.memref_slice %arg11[%run_scoped3A_26, %dma_wait3A] : memref<25x128xi32, #tpu.memory_space<vmem>> -> memref<1x128xi32, #tpu.memory_space<vmem>>
      %dma_wait3A_105 = tpu.memref_squeeze %dma_wait3A_104 : memref<1x128xi32, #tpu.memory_space<vmem>> -> memref<128xi32, #tpu.memory_space<vmem>>
      %dma_wait3A_106 = tpu.memref_slice %arg3[%add3A_25] : memref<102400xi32, #tpu.memory_space<hbm>> -> memref<128xi32, #tpu.memory_space<hbm>>
      %dma_wait3A_107 = arith.constant 0 : i32
      %dma_wait3A_108 = tpu.memref_slice %arg11[%run_scoped3A_26, %dma_wait3A_107] : memref<25x128xi32, #tpu.memory_space<vmem>> -> memref<1x128xi32, #tpu.memory_space<vmem>>
      %dma_wait3A_109 = tpu.memref_squeeze %dma_wait3A_108 : memref<1x128xi32, #tpu.memory_space<vmem>> -> memref<128xi32, #tpu.memory_space<vmem>>
      %dma_wait3A_110 = tpu.memref_slice %arg3[%add3A_25] : memref<102400xi32, #tpu.memory_space<hbm>> -> memref<128xi32, #tpu.memory_space<hbm>>
      tpu.wait_dma2 semaphore(%run_scoped3A_96 : memref<!tpu.dma_semaphore, #tpu.memory_space<semaphore_mem>>) src(%dma_wait3A_110 : memref<128xi32, #tpu.memory_space<hbm>>) dst(%dma_wait3A_109 : memref<128xi32, #tpu.memory_space<vmem>>)
      tpu.yield
    }) : () -> ()
    %add3A_27 = arith.constant 896 : i32
    %add3A_28 = arith.addi %mul3A_2, %add3A_27 : i32
    %run_scoped3A_29 = arith.constant 7 : i32
    "tpu.region"() ({
      %run_scoped3A_96 = tpu.sem_alloc : memref<!tpu.dma_semaphore, #tpu.memory_space<semaphore_mem>>
      %dma_start3A = arith.constant 0 : i32
      %dma_start3A_97 = tpu.memref_slice %arg11[%run_scoped3A_29, %dma_start3A] : memref<25x128xi32, #tpu.memory_space<vmem>> -> memref<1x128xi32, #tpu.memory_space<vmem>>
      %dma_start3A_98 = tpu.memref_squeeze %dma_start3A_97 : memref<1x128xi32, #tpu.memory_space<vmem>> -> memref<128xi32, #tpu.memory_space<vmem>>
      %dma_start3A_99 = tpu.memref_slice %arg3[%add3A_28] : memref<102400xi32, #tpu.memory_space<hbm>> -> memref<128xi32, #tpu.memory_space<hbm>>
      %dma_start3A_100 = arith.constant 0 : i32
      %dma_start3A_101 = tpu.memref_slice %arg11[%run_scoped3A_29, %dma_start3A_100] : memref<25x128xi32, #tpu.memory_space<vmem>> -> memref<1x128xi32, #tpu.memory_space<vmem>>
      %dma_start3A_102 = tpu.memref_squeeze %dma_start3A_101 : memref<1x128xi32, #tpu.memory_space<vmem>> -> memref<128xi32, #tpu.memory_space<vmem>>
      %dma_start3A_103 = tpu.memref_slice %arg3[%add3A_28] : memref<102400xi32, #tpu.memory_space<hbm>> -> memref<128xi32, #tpu.memory_space<hbm>>
      tpu.enqueue_dma source(%dma_start3A_103 : memref<128xi32, #tpu.memory_space<hbm>>) target(%dma_start3A_102 : memref<128xi32, #tpu.memory_space<vmem>>) target_semaphore(%run_scoped3A_96 : memref<!tpu.dma_semaphore, #tpu.memory_space<semaphore_mem>>)
      %dma_wait3A = arith.constant 0 : i32
      %dma_wait3A_104 = tpu.memref_slice %arg11[%run_scoped3A_29, %dma_wait3A] : memref<25x128xi32, #tpu.memory_space<vmem>> -> memref<1x128xi32, #tpu.memory_space<vmem>>
      %dma_wait3A_105 = tpu.memref_squeeze %dma_wait3A_104 : memref<1x128xi32, #tpu.memory_space<vmem>> -> memref<128xi32, #tpu.memory_space<vmem>>
      %dma_wait3A_106 = tpu.memref_slice %arg3[%add3A_28] : memref<102400xi32, #tpu.memory_space<hbm>> -> memref<128xi32, #tpu.memory_space<hbm>>
      %dma_wait3A_107 = arith.constant 0 : i32
      %dma_wait3A_108 = tpu.memref_slice %arg11[%run_scoped3A_29, %dma_wait3A_107] : memref<25x128xi32, #tpu.memory_space<vmem>> -> memref<1x128xi32, #tpu.memory_space<vmem>>
      %dma_wait3A_109 = tpu.memref_squeeze %dma_wait3A_108 : memref<1x128xi32, #tpu.memory_space<vmem>> -> memref<128xi32, #tpu.memory_space<vmem>>
      %dma_wait3A_110 = tpu.memref_slice %arg3[%add3A_28] : memref<102400xi32, #tpu.memory_space<hbm>> -> memref<128xi32, #tpu.memory_space<hbm>>
      tpu.wait_dma2 semaphore(%run_scoped3A_96 : memref<!tpu.dma_semaphore, #tpu.memory_space<semaphore_mem>>) src(%dma_wait3A_110 : memref<128xi32, #tpu.memory_space<hbm>>) dst(%dma_wait3A_109 : memref<128xi32, #tpu.memory_space<vmem>>)
      tpu.yield
    }) : () -> ()
    %add3A_30 = arith.constant 1024 : i32
    %add3A_31 = arith.addi %mul3A_2, %add3A_30 : i32
    %run_scoped3A_32 = arith.constant 8 : i32
    "tpu.region"() ({
      %run_scoped3A_96 = tpu.sem_alloc : memref<!tpu.dma_semaphore, #tpu.memory_space<semaphore_mem>>
      %dma_start3A = arith.constant 0 : i32
      %dma_start3A_97 = tpu.memref_slice %arg11[%run_scoped3A_32, %dma_start3A] : memref<25x128xi32, #tpu.memory_space<vmem>> -> memref<1x128xi32, #tpu.memory_space<vmem>>
      %dma_start3A_98 = tpu.memref_squeeze %dma_start3A_97 : memref<1x128xi32, #tpu.memory_space<vmem>> -> memref<128xi32, #tpu.memory_space<vmem>>
      %dma_start3A_99 = tpu.memref_slice %arg3[%add3A_31] : memref<102400xi32, #tpu.memory_space<hbm>> -> memref<128xi32, #tpu.memory_space<hbm>>
      %dma_start3A_100 = arith.constant 0 : i32
      %dma_start3A_101 = tpu.memref_slice %arg11[%run_scoped3A_32, %dma_start3A_100] : memref<25x128xi32, #tpu.memory_space<vmem>> -> memref<1x128xi32, #tpu.memory_space<vmem>>
      %dma_start3A_102 = tpu.memref_squeeze %dma_start3A_101 : memref<1x128xi32, #tpu.memory_space<vmem>> -> memref<128xi32, #tpu.memory_space<vmem>>
      %dma_start3A_103 = tpu.memref_slice %arg3[%add3A_31] : memref<102400xi32, #tpu.memory_space<hbm>> -> memref<128xi32, #tpu.memory_space<hbm>>
      tpu.enqueue_dma source(%dma_start3A_103 : memref<128xi32, #tpu.memory_space<hbm>>) target(%dma_start3A_102 : memref<128xi32, #tpu.memory_space<vmem>>) target_semaphore(%run_scoped3A_96 : memref<!tpu.dma_semaphore, #tpu.memory_space<semaphore_mem>>)
      %dma_wait3A = arith.constant 0 : i32
      %dma_wait3A_104 = tpu.memref_slice %arg11[%run_scoped3A_32, %dma_wait3A] : memref<25x128xi32, #tpu.memory_space<vmem>> -> memref<1x128xi32, #tpu.memory_space<vmem>>
      %dma_wait3A_105 = tpu.memref_squeeze %dma_wait3A_104 : memref<1x128xi32, #tpu.memory_space<vmem>> -> memref<128xi32, #tpu.memory_space<vmem>>
      %dma_wait3A_106 = tpu.memref_slice %arg3[%add3A_31] : memref<102400xi32, #tpu.memory_space<hbm>> -> memref<128xi32, #tpu.memory_space<hbm>>
      %dma_wait3A_107 = arith.constant 0 : i32
      %dma_wait3A_108 = tpu.memref_slice %arg11[%run_scoped3A_32, %dma_wait3A_107] : memref<25x128xi32, #tpu.memory_space<vmem>> -> memref<1x128xi32, #tpu.memory_space<vmem>>
      %dma_wait3A_109 = tpu.memref_squeeze %dma_wait3A_108 : memref<1x128xi32, #tpu.memory_space<vmem>> -> memref<128xi32, #tpu.memory_space<vmem>>
      %dma_wait3A_110 = tpu.memref_slice %arg3[%add3A_31] : memref<102400xi32, #tpu.memory_space<hbm>> -> memref<128xi32, #tpu.memory_space<hbm>>
      tpu.wait_dma2 semaphore(%run_scoped3A_96 : memref<!tpu.dma_semaphore, #tpu.memory_space<semaphore_mem>>) src(%dma_wait3A_110 : memref<128xi32, #tpu.memory_space<hbm>>) dst(%dma_wait3A_109 : memref<128xi32, #tpu.memory_space<vmem>>)
      tpu.yield
    }) : () -> ()
    %add3A_33 = arith.constant 1152 : i32
    %add3A_34 = arith.addi %mul3A_2, %add3A_33 : i32
    %run_scoped3A_35 = arith.constant 9 : i32
    "tpu.region"() ({
      %run_scoped3A_96 = tpu.sem_alloc : memref<!tpu.dma_semaphore, #tpu.memory_space<semaphore_mem>>
      %dma_start3A = arith.constant 0 : i32
      %dma_start3A_97 = tpu.memref_slice %arg11[%run_scoped3A_35, %dma_start3A] : memref<25x128xi32, #tpu.memory_space<vmem>> -> memref<1x128xi32, #tpu.memory_space<vmem>>
      %dma_start3A_98 = tpu.memref_squeeze %dma_start3A_97 : memref<1x128xi32, #tpu.memory_space<vmem>> -> memref<128xi32, #tpu.memory_space<vmem>>
      %dma_start3A_99 = tpu.memref_slice %arg3[%add3A_34] : memref<102400xi32, #tpu.memory_space<hbm>> -> memref<128xi32, #tpu.memory_space<hbm>>
      %dma_start3A_100 = arith.constant 0 : i32
      %dma_start3A_101 = tpu.memref_slice %arg11[%run_scoped3A_35, %dma_start3A_100] : memref<25x128xi32, #tpu.memory_space<vmem>> -> memref<1x128xi32, #tpu.memory_space<vmem>>
      %dma_start3A_102 = tpu.memref_squeeze %dma_start3A_101 : memref<1x128xi32, #tpu.memory_space<vmem>> -> memref<128xi32, #tpu.memory_space<vmem>>
      %dma_start3A_103 = tpu.memref_slice %arg3[%add3A_34] : memref<102400xi32, #tpu.memory_space<hbm>> -> memref<128xi32, #tpu.memory_space<hbm>>
      tpu.enqueue_dma source(%dma_start3A_103 : memref<128xi32, #tpu.memory_space<hbm>>) target(%dma_start3A_102 : memref<128xi32, #tpu.memory_space<vmem>>) target_semaphore(%run_scoped3A_96 : memref<!tpu.dma_semaphore, #tpu.memory_space<semaphore_mem>>)
      %dma_wait3A = arith.constant 0 : i32
      %dma_wait3A_104 = tpu.memref_slice %arg11[%run_scoped3A_35, %dma_wait3A] : memref<25x128xi32, #tpu.memory_space<vmem>> -> memref<1x128xi32, #tpu.memory_space<vmem>>
      %dma_wait3A_105 = tpu.memref_squeeze %dma_wait3A_104 : memref<1x128xi32, #tpu.memory_space<vmem>> -> memref<128xi32, #tpu.memory_space<vmem>>
      %dma_wait3A_106 = tpu.memref_slice %arg3[%add3A_34] : memref<102400xi32, #tpu.memory_space<hbm>> -> memref<128xi32, #tpu.memory_space<hbm>>
      %dma_wait3A_107 = arith.constant 0 : i32
      %dma_wait3A_108 = tpu.memref_slice %arg11[%run_scoped3A_35, %dma_wait3A_107] : memref<25x128xi32, #tpu.memory_space<vmem>> -> memref<1x128xi32, #tpu.memory_space<vmem>>
      %dma_wait3A_109 = tpu.memref_squeeze %dma_wait3A_108 : memref<1x128xi32, #tpu.memory_space<vmem>> -> memref<128xi32, #tpu.memory_space<vmem>>
      %dma_wait3A_110 = tpu.memref_slice %arg3[%add3A_34] : memref<102400xi32, #tpu.memory_space<hbm>> -> memref<128xi32, #tpu.memory_space<hbm>>
      tpu.wait_dma2 semaphore(%run_scoped3A_96 : memref<!tpu.dma_semaphore, #tpu.memory_space<semaphore_mem>>) src(%dma_wait3A_110 : memref<128xi32, #tpu.memory_space<hbm>>) dst(%dma_wait3A_109 : memref<128xi32, #tpu.memory_space<vmem>>)
      tpu.yield
    }) : () -> ()
    %add3A_36 = arith.constant 1280 : i32
    %add3A_37 = arith.addi %mul3A_2, %add3A_36 : i32
    %run_scoped3A_38 = arith.constant 10 : i32
    "tpu.region"() ({
      %run_scoped3A_96 = tpu.sem_alloc : memref<!tpu.dma_semaphore, #tpu.memory_space<semaphore_mem>>
      %dma_start3A = arith.constant 0 : i32
      %dma_start3A_97 = tpu.memref_slice %arg11[%run_scoped3A_38, %dma_start3A] : memref<25x128xi32, #tpu.memory_space<vmem>> -> memref<1x128xi32, #tpu.memory_space<vmem>>
      %dma_start3A_98 = tpu.memref_squeeze %dma_start3A_97 : memref<1x128xi32, #tpu.memory_space<vmem>> -> memref<128xi32, #tpu.memory_space<vmem>>
      %dma_start3A_99 = tpu.memref_slice %arg3[%add3A_37] : memref<102400xi32, #tpu.memory_space<hbm>> -> memref<128xi32, #tpu.memory_space<hbm>>
      %dma_start3A_100 = arith.constant 0 : i32
      %dma_start3A_101 = tpu.memref_slice %arg11[%run_scoped3A_38, %dma_start3A_100] : memref<25x128xi32, #tpu.memory_space<vmem>> -> memref<1x128xi32, #tpu.memory_space<vmem>>
      %dma_start3A_102 = tpu.memref_squeeze %dma_start3A_101 : memref<1x128xi32, #tpu.memory_space<vmem>> -> memref<128xi32, #tpu.memory_space<vmem>>
      %dma_start3A_103 = tpu.memref_slice %arg3[%add3A_37] : memref<102400xi32, #tpu.memory_space<hbm>> -> memref<128xi32, #tpu.memory_space<hbm>>
      tpu.enqueue_dma source(%dma_start3A_103 : memref<128xi32, #tpu.memory_space<hbm>>) target(%dma_start3A_102 : memref<128xi32, #tpu.memory_space<vmem>>) target_semaphore(%run_scoped3A_96 : memref<!tpu.dma_semaphore, #tpu.memory_space<semaphore_mem>>)
      %dma_wait3A = arith.constant 0 : i32
      %dma_wait3A_104 = tpu.memref_slice %arg11[%run_scoped3A_38, %dma_wait3A] : memref<25x128xi32, #tpu.memory_space<vmem>> -> memref<1x128xi32, #tpu.memory_space<vmem>>
      %dma_wait3A_105 = tpu.memref_squeeze %dma_wait3A_104 : memref<1x128xi32, #tpu.memory_space<vmem>> -> memref<128xi32, #tpu.memory_space<vmem>>
      %dma_wait3A_106 = tpu.memref_slice %arg3[%add3A_37] : memref<102400xi32, #tpu.memory_space<hbm>> -> memref<128xi32, #tpu.memory_space<hbm>>
      %dma_wait3A_107 = arith.constant 0 : i32
      %dma_wait3A_108 = tpu.memref_slice %arg11[%run_scoped3A_38, %dma_wait3A_107] : memref<25x128xi32, #tpu.memory_space<vmem>> -> memref<1x128xi32, #tpu.memory_space<vmem>>
      %dma_wait3A_109 = tpu.memref_squeeze %dma_wait3A_108 : memref<1x128xi32, #tpu.memory_space<vmem>> -> memref<128xi32, #tpu.memory_space<vmem>>
      %dma_wait3A_110 = tpu.memref_slice %arg3[%add3A_37] : memref<102400xi32, #tpu.memory_space<hbm>> -> memref<128xi32, #tpu.memory_space<hbm>>
      tpu.wait_dma2 semaphore(%run_scoped3A_96 : memref<!tpu.dma_semaphore, #tpu.memory_space<semaphore_mem>>) src(%dma_wait3A_110 : memref<128xi32, #tpu.memory_space<hbm>>) dst(%dma_wait3A_109 : memref<128xi32, #tpu.memory_space<vmem>>)
      tpu.yield
    }) : () -> ()
    %add3A_39 = arith.constant 1408 : i32
    %add3A_40 = arith.addi %mul3A_2, %add3A_39 : i32
    %run_scoped3A_41 = arith.constant 11 : i32
    "tpu.region"() ({
      %run_scoped3A_96 = tpu.sem_alloc : memref<!tpu.dma_semaphore, #tpu.memory_space<semaphore_mem>>
      %dma_start3A = arith.constant 0 : i32
      %dma_start3A_97 = tpu.memref_slice %arg11[%run_scoped3A_41, %dma_start3A] : memref<25x128xi32, #tpu.memory_space<vmem>> -> memref<1x128xi32, #tpu.memory_space<vmem>>
      %dma_start3A_98 = tpu.memref_squeeze %dma_start3A_97 : memref<1x128xi32, #tpu.memory_space<vmem>> -> memref<128xi32, #tpu.memory_space<vmem>>
      %dma_start3A_99 = tpu.memref_slice %arg3[%add3A_40] : memref<102400xi32, #tpu.memory_space<hbm>> -> memref<128xi32, #tpu.memory_space<hbm>>
      %dma_start3A_100 = arith.constant 0 : i32
      %dma_start3A_101 = tpu.memref_slice %arg11[%run_scoped3A_41, %dma_start3A_100] : memref<25x128xi32, #tpu.memory_space<vmem>> -> memref<1x128xi32, #tpu.memory_space<vmem>>
      %dma_start3A_102 = tpu.memref_squeeze %dma_start3A_101 : memref<1x128xi32, #tpu.memory_space<vmem>> -> memref<128xi32, #tpu.memory_space<vmem>>
      %dma_start3A_103 = tpu.memref_slice %arg3[%add3A_40] : memref<102400xi32, #tpu.memory_space<hbm>> -> memref<128xi32, #tpu.memory_space<hbm>>
      tpu.enqueue_dma source(%dma_start3A_103 : memref<128xi32, #tpu.memory_space<hbm>>) target(%dma_start3A_102 : memref<128xi32, #tpu.memory_space<vmem>>) target_semaphore(%run_scoped3A_96 : memref<!tpu.dma_semaphore, #tpu.memory_space<semaphore_mem>>)
      %dma_wait3A = arith.constant 0 : i32
      %dma_wait3A_104 = tpu.memref_slice %arg11[%run_scoped3A_41, %dma_wait3A] : memref<25x128xi32, #tpu.memory_space<vmem>> -> memref<1x128xi32, #tpu.memory_space<vmem>>
      %dma_wait3A_105 = tpu.memref_squeeze %dma_wait3A_104 : memref<1x128xi32, #tpu.memory_space<vmem>> -> memref<128xi32, #tpu.memory_space<vmem>>
      %dma_wait3A_106 = tpu.memref_slice %arg3[%add3A_40] : memref<102400xi32, #tpu.memory_space<hbm>> -> memref<128xi32, #tpu.memory_space<hbm>>
      %dma_wait3A_107 = arith.constant 0 : i32
      %dma_wait3A_108 = tpu.memref_slice %arg11[%run_scoped3A_41, %dma_wait3A_107] : memref<25x128xi32, #tpu.memory_space<vmem>> -> memref<1x128xi32, #tpu.memory_space<vmem>>
      %dma_wait3A_109 = tpu.memref_squeeze %dma_wait3A_108 : memref<1x128xi32, #tpu.memory_space<vmem>> -> memref<128xi32, #tpu.memory_space<vmem>>
      %dma_wait3A_110 = tpu.memref_slice %arg3[%add3A_40] : memref<102400xi32, #tpu.memory_space<hbm>> -> memref<128xi32, #tpu.memory_space<hbm>>
      tpu.wait_dma2 semaphore(%run_scoped3A_96 : memref<!tpu.dma_semaphore, #tpu.memory_space<semaphore_mem>>) src(%dma_wait3A_110 : memref<128xi32, #tpu.memory_space<hbm>>) dst(%dma_wait3A_109 : memref<128xi32, #tpu.memory_space<vmem>>)
      tpu.yield
    }) : () -> ()
    %add3A_42 = arith.constant 1536 : i32
    %add3A_43 = arith.addi %mul3A_2, %add3A_42 : i32
    %run_scoped3A_44 = arith.constant 12 : i32
    "tpu.region"() ({
      %run_scoped3A_96 = tpu.sem_alloc : memref<!tpu.dma_semaphore, #tpu.memory_space<semaphore_mem>>
      %dma_start3A = arith.constant 0 : i32
      %dma_start3A_97 = tpu.memref_slice %arg11[%run_scoped3A_44, %dma_start3A] : memref<25x128xi32, #tpu.memory_space<vmem>> -> memref<1x128xi32, #tpu.memory_space<vmem>>
      %dma_start3A_98 = tpu.memref_squeeze %dma_start3A_97 : memref<1x128xi32, #tpu.memory_space<vmem>> -> memref<128xi32, #tpu.memory_space<vmem>>
      %dma_start3A_99 = tpu.memref_slice %arg3[%add3A_43] : memref<102400xi32, #tpu.memory_space<hbm>> -> memref<128xi32, #tpu.memory_space<hbm>>
      %dma_start3A_100 = arith.constant 0 : i32
      %dma_start3A_101 = tpu.memref_slice %arg11[%run_scoped3A_44, %dma_start3A_100] : memref<25x128xi32, #tpu.memory_space<vmem>> -> memref<1x128xi32, #tpu.memory_space<vmem>>
      %dma_start3A_102 = tpu.memref_squeeze %dma_start3A_101 : memref<1x128xi32, #tpu.memory_space<vmem>> -> memref<128xi32, #tpu.memory_space<vmem>>
      %dma_start3A_103 = tpu.memref_slice %arg3[%add3A_43] : memref<102400xi32, #tpu.memory_space<hbm>> -> memref<128xi32, #tpu.memory_space<hbm>>
      tpu.enqueue_dma source(%dma_start3A_103 : memref<128xi32, #tpu.memory_space<hbm>>) target(%dma_start3A_102 : memref<128xi32, #tpu.memory_space<vmem>>) target_semaphore(%run_scoped3A_96 : memref<!tpu.dma_semaphore, #tpu.memory_space<semaphore_mem>>)
      %dma_wait3A = arith.constant 0 : i32
      %dma_wait3A_104 = tpu.memref_slice %arg11[%run_scoped3A_44, %dma_wait3A] : memref<25x128xi32, #tpu.memory_space<vmem>> -> memref<1x128xi32, #tpu.memory_space<vmem>>
      %dma_wait3A_105 = tpu.memref_squeeze %dma_wait3A_104 : memref<1x128xi32, #tpu.memory_space<vmem>> -> memref<128xi32, #tpu.memory_space<vmem>>
      %dma_wait3A_106 = tpu.memref_slice %arg3[%add3A_43] : memref<102400xi32, #tpu.memory_space<hbm>> -> memref<128xi32, #tpu.memory_space<hbm>>
      %dma_wait3A_107 = arith.constant 0 : i32
      %dma_wait3A_108 = tpu.memref_slice %arg11[%run_scoped3A_44, %dma_wait3A_107] : memref<25x128xi32, #tpu.memory_space<vmem>> -> memref<1x128xi32, #tpu.memory_space<vmem>>
      %dma_wait3A_109 = tpu.memref_squeeze %dma_wait3A_108 : memref<1x128xi32, #tpu.memory_space<vmem>> -> memref<128xi32, #tpu.memory_space<vmem>>
      %dma_wait3A_110 = tpu.memref_slice %arg3[%add3A_43] : memref<102400xi32, #tpu.memory_space<hbm>> -> memref<128xi32, #tpu.memory_space<hbm>>
      tpu.wait_dma2 semaphore(%run_scoped3A_96 : memref<!tpu.dma_semaphore, #tpu.memory_space<semaphore_mem>>) src(%dma_wait3A_110 : memref<128xi32, #tpu.memory_space<hbm>>) dst(%dma_wait3A_109 : memref<128xi32, #tpu.memory_space<vmem>>)
      tpu.yield
    }) : () -> ()
    %add3A_45 = arith.constant 1664 : i32
    %add3A_46 = arith.addi %mul3A_2, %add3A_45 : i32
    %run_scoped3A_47 = arith.constant 13 : i32
    "tpu.region"() ({
      %run_scoped3A_96 = tpu.sem_alloc : memref<!tpu.dma_semaphore, #tpu.memory_space<semaphore_mem>>
      %dma_start3A = arith.constant 0 : i32
      %dma_start3A_97 = tpu.memref_slice %arg11[%run_scoped3A_47, %dma_start3A] : memref<25x128xi32, #tpu.memory_space<vmem>> -> memref<1x128xi32, #tpu.memory_space<vmem>>
      %dma_start3A_98 = tpu.memref_squeeze %dma_start3A_97 : memref<1x128xi32, #tpu.memory_space<vmem>> -> memref<128xi32, #tpu.memory_space<vmem>>
      %dma_start3A_99 = tpu.memref_slice %arg3[%add3A_46] : memref<102400xi32, #tpu.memory_space<hbm>> -> memref<128xi32, #tpu.memory_space<hbm>>
      %dma_start3A_100 = arith.constant 0 : i32
      %dma_start3A_101 = tpu.memref_slice %arg11[%run_scoped3A_47, %dma_start3A_100] : memref<25x128xi32, #tpu.memory_space<vmem>> -> memref<1x128xi32, #tpu.memory_space<vmem>>
      %dma_start3A_102 = tpu.memref_squeeze %dma_start3A_101 : memref<1x128xi32, #tpu.memory_space<vmem>> -> memref<128xi32, #tpu.memory_space<vmem>>
      %dma_start3A_103 = tpu.memref_slice %arg3[%add3A_46] : memref<102400xi32, #tpu.memory_space<hbm>> -> memref<128xi32, #tpu.memory_space<hbm>>
      tpu.enqueue_dma source(%dma_start3A_103 : memref<128xi32, #tpu.memory_space<hbm>>) target(%dma_start3A_102 : memref<128xi32, #tpu.memory_space<vmem>>) target_semaphore(%run_scoped3A_96 : memref<!tpu.dma_semaphore, #tpu.memory_space<semaphore_mem>>)
      %dma_wait3A = arith.constant 0 : i32
      %dma_wait3A_104 = tpu.memref_slice %arg11[%run_scoped3A_47, %dma_wait3A] : memref<25x128xi32, #tpu.memory_space<vmem>> -> memref<1x128xi32, #tpu.memory_space<vmem>>
      %dma_wait3A_105 = tpu.memref_squeeze %dma_wait3A_104 : memref<1x128xi32, #tpu.memory_space<vmem>> -> memref<128xi32, #tpu.memory_space<vmem>>
      %dma_wait3A_106 = tpu.memref_slice %arg3[%add3A_46] : memref<102400xi32, #tpu.memory_space<hbm>> -> memref<128xi32, #tpu.memory_space<hbm>>
      %dma_wait3A_107 = arith.constant 0 : i32
      %dma_wait3A_108 = tpu.memref_slice %arg11[%run_scoped3A_47, %dma_wait3A_107] : memref<25x128xi32, #tpu.memory_space<vmem>> -> memref<1x128xi32, #tpu.memory_space<vmem>>
      %dma_wait3A_109 = tpu.memref_squeeze %dma_wait3A_108 : memref<1x128xi32, #tpu.memory_space<vmem>> -> memref<128xi32, #tpu.memory_space<vmem>>
      %dma_wait3A_110 = tpu.memref_slice %arg3[%add3A_46] : memref<102400xi32, #tpu.memory_space<hbm>> -> memref<128xi32, #tpu.memory_space<hbm>>
      tpu.wait_dma2 semaphore(%run_scoped3A_96 : memref<!tpu.dma_semaphore, #tpu.memory_space<semaphore_mem>>) src(%dma_wait3A_110 : memref<128xi32, #tpu.memory_space<hbm>>) dst(%dma_wait3A_109 : memref<128xi32, #tpu.memory_space<vmem>>)
      tpu.yield
    }) : () -> ()
    %add3A_48 = arith.constant 1792 : i32
    %add3A_49 = arith.addi %mul3A_2, %add3A_48 : i32
    %run_scoped3A_50 = arith.constant 14 : i32
    "tpu.region"() ({
      %run_scoped3A_96 = tpu.sem_alloc : memref<!tpu.dma_semaphore, #tpu.memory_space<semaphore_mem>>
      %dma_start3A = arith.constant 0 : i32
      %dma_start3A_97 = tpu.memref_slice %arg11[%run_scoped3A_50, %dma_start3A] : memref<25x128xi32, #tpu.memory_space<vmem>> -> memref<1x128xi32, #tpu.memory_space<vmem>>
      %dma_start3A_98 = tpu.memref_squeeze %dma_start3A_97 : memref<1x128xi32, #tpu.memory_space<vmem>> -> memref<128xi32, #tpu.memory_space<vmem>>
      %dma_start3A_99 = tpu.memref_slice %arg3[%add3A_49] : memref<102400xi32, #tpu.memory_space<hbm>> -> memref<128xi32, #tpu.memory_space<hbm>>
      %dma_start3A_100 = arith.constant 0 : i32
      %dma_start3A_101 = tpu.memref_slice %arg11[%run_scoped3A_50, %dma_start3A_100] : memref<25x128xi32, #tpu.memory_space<vmem>> -> memref<1x128xi32, #tpu.memory_space<vmem>>
      %dma_start3A_102 = tpu.memref_squeeze %dma_start3A_101 : memref<1x128xi32, #tpu.memory_space<vmem>> -> memref<128xi32, #tpu.memory_space<vmem>>
      %dma_start3A_103 = tpu.memref_slice %arg3[%add3A_49] : memref<102400xi32, #tpu.memory_space<hbm>> -> memref<128xi32, #tpu.memory_space<hbm>>
      tpu.enqueue_dma source(%dma_start3A_103 : memref<128xi32, #tpu.memory_space<hbm>>) target(%dma_start3A_102 : memref<128xi32, #tpu.memory_space<vmem>>) target_semaphore(%run_scoped3A_96 : memref<!tpu.dma_semaphore, #tpu.memory_space<semaphore_mem>>)
      %dma_wait3A = arith.constant 0 : i32
      %dma_wait3A_104 = tpu.memref_slice %arg11[%run_scoped3A_50, %dma_wait3A] : memref<25x128xi32, #tpu.memory_space<vmem>> -> memref<1x128xi32, #tpu.memory_space<vmem>>
      %dma_wait3A_105 = tpu.memref_squeeze %dma_wait3A_104 : memref<1x128xi32, #tpu.memory_space<vmem>> -> memref<128xi32, #tpu.memory_space<vmem>>
      %dma_wait3A_106 = tpu.memref_slice %arg3[%add3A_49] : memref<102400xi32, #tpu.memory_space<hbm>> -> memref<128xi32, #tpu.memory_space<hbm>>
      %dma_wait3A_107 = arith.constant 0 : i32
      %dma_wait3A_108 = tpu.memref_slice %arg11[%run_scoped3A_50, %dma_wait3A_107] : memref<25x128xi32, #tpu.memory_space<vmem>> -> memref<1x128xi32, #tpu.memory_space<vmem>>
      %dma_wait3A_109 = tpu.memref_squeeze %dma_wait3A_108 : memref<1x128xi32, #tpu.memory_space<vmem>> -> memref<128xi32, #tpu.memory_space<vmem>>
      %dma_wait3A_110 = tpu.memref_slice %arg3[%add3A_49] : memref<102400xi32, #tpu.memory_space<hbm>> -> memref<128xi32, #tpu.memory_space<hbm>>
      tpu.wait_dma2 semaphore(%run_scoped3A_96 : memref<!tpu.dma_semaphore, #tpu.memory_space<semaphore_mem>>) src(%dma_wait3A_110 : memref<128xi32, #tpu.memory_space<hbm>>) dst(%dma_wait3A_109 : memref<128xi32, #tpu.memory_space<vmem>>)
      tpu.yield
    }) : () -> ()
    %add3A_51 = arith.constant 1920 : i32
    %add3A_52 = arith.addi %mul3A_2, %add3A_51 : i32
    %run_scoped3A_53 = arith.constant 15 : i32
    "tpu.region"() ({
      %run_scoped3A_96 = tpu.sem_alloc : memref<!tpu.dma_semaphore, #tpu.memory_space<semaphore_mem>>
      %dma_start3A = arith.constant 0 : i32
      %dma_start3A_97 = tpu.memref_slice %arg11[%run_scoped3A_53, %dma_start3A] : memref<25x128xi32, #tpu.memory_space<vmem>> -> memref<1x128xi32, #tpu.memory_space<vmem>>
      %dma_start3A_98 = tpu.memref_squeeze %dma_start3A_97 : memref<1x128xi32, #tpu.memory_space<vmem>> -> memref<128xi32, #tpu.memory_space<vmem>>
      %dma_start3A_99 = tpu.memref_slice %arg3[%add3A_52] : memref<102400xi32, #tpu.memory_space<hbm>> -> memref<128xi32, #tpu.memory_space<hbm>>
      %dma_start3A_100 = arith.constant 0 : i32
      %dma_start3A_101 = tpu.memref_slice %arg11[%run_scoped3A_53, %dma_start3A_100] : memref<25x128xi32, #tpu.memory_space<vmem>> -> memref<1x128xi32, #tpu.memory_space<vmem>>
      %dma_start3A_102 = tpu.memref_squeeze %dma_start3A_101 : memref<1x128xi32, #tpu.memory_space<vmem>> -> memref<128xi32, #tpu.memory_space<vmem>>
      %dma_start3A_103 = tpu.memref_slice %arg3[%add3A_52] : memref<102400xi32, #tpu.memory_space<hbm>> -> memref<128xi32, #tpu.memory_space<hbm>>
      tpu.enqueue_dma source(%dma_start3A_103 : memref<128xi32, #tpu.memory_space<hbm>>) target(%dma_start3A_102 : memref<128xi32, #tpu.memory_space<vmem>>) target_semaphore(%run_scoped3A_96 : memref<!tpu.dma_semaphore, #tpu.memory_space<semaphore_mem>>)
      %dma_wait3A = arith.constant 0 : i32
      %dma_wait3A_104 = tpu.memref_slice %arg11[%run_scoped3A_53, %dma_wait3A] : memref<25x128xi32, #tpu.memory_space<vmem>> -> memref<1x128xi32, #tpu.memory_space<vmem>>
      %dma_wait3A_105 = tpu.memref_squeeze %dma_wait3A_104 : memref<1x128xi32, #tpu.memory_space<vmem>> -> memref<128xi32, #tpu.memory_space<vmem>>
      %dma_wait3A_106 = tpu.memref_slice %arg3[%add3A_52] : memref<102400xi32, #tpu.memory_space<hbm>> -> memref<128xi32, #tpu.memory_space<hbm>>
      %dma_wait3A_107 = arith.constant 0 : i32
      %dma_wait3A_108 = tpu.memref_slice %arg11[%run_scoped3A_53, %dma_wait3A_107] : memref<25x128xi32, #tpu.memory_space<vmem>> -> memref<1x128xi32, #tpu.memory_space<vmem>>
      %dma_wait3A_109 = tpu.memref_squeeze %dma_wait3A_108 : memref<1x128xi32, #tpu.memory_space<vmem>> -> memref<128xi32, #tpu.memory_space<vmem>>
      %dma_wait3A_110 = tpu.memref_slice %arg3[%add3A_52] : memref<102400xi32, #tpu.memory_space<hbm>> -> memref<128xi32, #tpu.memory_space<hbm>>
      tpu.wait_dma2 semaphore(%run_scoped3A_96 : memref<!tpu.dma_semaphore, #tpu.memory_space<semaphore_mem>>) src(%dma_wait3A_110 : memref<128xi32, #tpu.memory_space<hbm>>) dst(%dma_wait3A_109 : memref<128xi32, #tpu.memory_space<vmem>>)
      tpu.yield
    }) : () -> ()
    %add3A_54 = arith.constant 2048 : i32
    %add3A_55 = arith.addi %mul3A_2, %add3A_54 : i32
    %run_scoped3A_56 = arith.constant 16 : i32
    "tpu.region"() ({
      %run_scoped3A_96 = tpu.sem_alloc : memref<!tpu.dma_semaphore, #tpu.memory_space<semaphore_mem>>
      %dma_start3A = arith.constant 0 : i32
      %dma_start3A_97 = tpu.memref_slice %arg11[%run_scoped3A_56, %dma_start3A] : memref<25x128xi32, #tpu.memory_space<vmem>> -> memref<1x128xi32, #tpu.memory_space<vmem>>
      %dma_start3A_98 = tpu.memref_squeeze %dma_start3A_97 : memref<1x128xi32, #tpu.memory_space<vmem>> -> memref<128xi32, #tpu.memory_space<vmem>>
      %dma_start3A_99 = tpu.memref_slice %arg3[%add3A_55] : memref<102400xi32, #tpu.memory_space<hbm>> -> memref<128xi32, #tpu.memory_space<hbm>>
      %dma_start3A_100 = arith.constant 0 : i32
      %dma_start3A_101 = tpu.memref_slice %arg11[%run_scoped3A_56, %dma_start3A_100] : memref<25x128xi32, #tpu.memory_space<vmem>> -> memref<1x128xi32, #tpu.memory_space<vmem>>
      %dma_start3A_102 = tpu.memref_squeeze %dma_start3A_101 : memref<1x128xi32, #tpu.memory_space<vmem>> -> memref<128xi32, #tpu.memory_space<vmem>>
      %dma_start3A_103 = tpu.memref_slice %arg3[%add3A_55] : memref<102400xi32, #tpu.memory_space<hbm>> -> memref<128xi32, #tpu.memory_space<hbm>>
      tpu.enqueue_dma source(%dma_start3A_103 : memref<128xi32, #tpu.memory_space<hbm>>) target(%dma_start3A_102 : memref<128xi32, #tpu.memory_space<vmem>>) target_semaphore(%run_scoped3A_96 : memref<!tpu.dma_semaphore, #tpu.memory_space<semaphore_mem>>)
      %dma_wait3A = arith.constant 0 : i32
      %dma_wait3A_104 = tpu.memref_slice %arg11[%run_scoped3A_56, %dma_wait3A] : memref<25x128xi32, #tpu.memory_space<vmem>> -> memref<1x128xi32, #tpu.memory_space<vmem>>
      %dma_wait3A_105 = tpu.memref_squeeze %dma_wait3A_104 : memref<1x128xi32, #tpu.memory_space<vmem>> -> memref<128xi32, #tpu.memory_space<vmem>>
      %dma_wait3A_106 = tpu.memref_slice %arg3[%add3A_55] : memref<102400xi32, #tpu.memory_space<hbm>> -> memref<128xi32, #tpu.memory_space<hbm>>
      %dma_wait3A_107 = arith.constant 0 : i32
      %dma_wait3A_108 = tpu.memref_slice %arg11[%run_scoped3A_56, %dma_wait3A_107] : memref<25x128xi32, #tpu.memory_space<vmem>> -> memref<1x128xi32, #tpu.memory_space<vmem>>
      %dma_wait3A_109 = tpu.memref_squeeze %dma_wait3A_108 : memref<1x128xi32, #tpu.memory_space<vmem>> -> memref<128xi32, #tpu.memory_space<vmem>>
      %dma_wait3A_110 = tpu.memref_slice %arg3[%add3A_55] : memref<102400xi32, #tpu.memory_space<hbm>> -> memref<128xi32, #tpu.memory_space<hbm>>
      tpu.wait_dma2 semaphore(%run_scoped3A_96 : memref<!tpu.dma_semaphore, #tpu.memory_space<semaphore_mem>>) src(%dma_wait3A_110 : memref<128xi32, #tpu.memory_space<hbm>>) dst(%dma_wait3A_109 : memref<128xi32, #tpu.memory_space<vmem>>)
      tpu.yield
    }) : () -> ()
    %add3A_57 = arith.constant 2176 : i32
    %add3A_58 = arith.addi %mul3A_2, %add3A_57 : i32
    %run_scoped3A_59 = arith.constant 17 : i32
    "tpu.region"() ({
      %run_scoped3A_96 = tpu.sem_alloc : memref<!tpu.dma_semaphore, #tpu.memory_space<semaphore_mem>>
      %dma_start3A = arith.constant 0 : i32
      %dma_start3A_97 = tpu.memref_slice %arg11[%run_scoped3A_59, %dma_start3A] : memref<25x128xi32, #tpu.memory_space<vmem>> -> memref<1x128xi32, #tpu.memory_space<vmem>>
      %dma_start3A_98 = tpu.memref_squeeze %dma_start3A_97 : memref<1x128xi32, #tpu.memory_space<vmem>> -> memref<128xi32, #tpu.memory_space<vmem>>
      %dma_start3A_99 = tpu.memref_slice %arg3[%add3A_58] : memref<102400xi32, #tpu.memory_space<hbm>> -> memref<128xi32, #tpu.memory_space<hbm>>
      %dma_start3A_100 = arith.constant 0 : i32
      %dma_start3A_101 = tpu.memref_slice %arg11[%run_scoped3A_59, %dma_start3A_100] : memref<25x128xi32, #tpu.memory_space<vmem>> -> memref<1x128xi32, #tpu.memory_space<vmem>>
      %dma_start3A_102 = tpu.memref_squeeze %dma_start3A_101 : memref<1x128xi32, #tpu.memory_space<vmem>> -> memref<128xi32, #tpu.memory_space<vmem>>
      %dma_start3A_103 = tpu.memref_slice %arg3[%add3A_58] : memref<102400xi32, #tpu.memory_space<hbm>> -> memref<128xi32, #tpu.memory_space<hbm>>
      tpu.enqueue_dma source(%dma_start3A_103 : memref<128xi32, #tpu.memory_space<hbm>>) target(%dma_start3A_102 : memref<128xi32, #tpu.memory_space<vmem>>) target_semaphore(%run_scoped3A_96 : memref<!tpu.dma_semaphore, #tpu.memory_space<semaphore_mem>>)
      %dma_wait3A = arith.constant 0 : i32
      %dma_wait3A_104 = tpu.memref_slice %arg11[%run_scoped3A_59, %dma_wait3A] : memref<25x128xi32, #tpu.memory_space<vmem>> -> memref<1x128xi32, #tpu.memory_space<vmem>>
      %dma_wait3A_105 = tpu.memref_squeeze %dma_wait3A_104 : memref<1x128xi32, #tpu.memory_space<vmem>> -> memref<128xi32, #tpu.memory_space<vmem>>
      %dma_wait3A_106 = tpu.memref_slice %arg3[%add3A_58] : memref<102400xi32, #tpu.memory_space<hbm>> -> memref<128xi32, #tpu.memory_space<hbm>>
      %dma_wait3A_107 = arith.constant 0 : i32
      %dma_wait3A_108 = tpu.memref_slice %arg11[%run_scoped3A_59, %dma_wait3A_107] : memref<25x128xi32, #tpu.memory_space<vmem>> -> memref<1x128xi32, #tpu.memory_space<vmem>>
      %dma_wait3A_109 = tpu.memref_squeeze %dma_wait3A_108 : memref<1x128xi32, #tpu.memory_space<vmem>> -> memref<128xi32, #tpu.memory_space<vmem>>
      %dma_wait3A_110 = tpu.memref_slice %arg3[%add3A_58] : memref<102400xi32, #tpu.memory_space<hbm>> -> memref<128xi32, #tpu.memory_space<hbm>>
      tpu.wait_dma2 semaphore(%run_scoped3A_96 : memref<!tpu.dma_semaphore, #tpu.memory_space<semaphore_mem>>) src(%dma_wait3A_110 : memref<128xi32, #tpu.memory_space<hbm>>) dst(%dma_wait3A_109 : memref<128xi32, #tpu.memory_space<vmem>>)
      tpu.yield
    }) : () -> ()
    %add3A_60 = arith.constant 2304 : i32
    %add3A_61 = arith.addi %mul3A_2, %add3A_60 : i32
    %run_scoped3A_62 = arith.constant 18 : i32
    "tpu.region"() ({
      %run_scoped3A_96 = tpu.sem_alloc : memref<!tpu.dma_semaphore, #tpu.memory_space<semaphore_mem>>
      %dma_start3A = arith.constant 0 : i32
      %dma_start3A_97 = tpu.memref_slice %arg11[%run_scoped3A_62, %dma_start3A] : memref<25x128xi32, #tpu.memory_space<vmem>> -> memref<1x128xi32, #tpu.memory_space<vmem>>
      %dma_start3A_98 = tpu.memref_squeeze %dma_start3A_97 : memref<1x128xi32, #tpu.memory_space<vmem>> -> memref<128xi32, #tpu.memory_space<vmem>>
      %dma_start3A_99 = tpu.memref_slice %arg3[%add3A_61] : memref<102400xi32, #tpu.memory_space<hbm>> -> memref<128xi32, #tpu.memory_space<hbm>>
      %dma_start3A_100 = arith.constant 0 : i32
      %dma_start3A_101 = tpu.memref_slice %arg11[%run_scoped3A_62, %dma_start3A_100] : memref<25x128xi32, #tpu.memory_space<vmem>> -> memref<1x128xi32, #tpu.memory_space<vmem>>
      %dma_start3A_102 = tpu.memref_squeeze %dma_start3A_101 : memref<1x128xi32, #tpu.memory_space<vmem>> -> memref<128xi32, #tpu.memory_space<vmem>>
      %dma_start3A_103 = tpu.memref_slice %arg3[%add3A_61] : memref<102400xi32, #tpu.memory_space<hbm>> -> memref<128xi32, #tpu.memory_space<hbm>>
      tpu.enqueue_dma source(%dma_start3A_103 : memref<128xi32, #tpu.memory_space<hbm>>) target(%dma_start3A_102 : memref<128xi32, #tpu.memory_space<vmem>>) target_semaphore(%run_scoped3A_96 : memref<!tpu.dma_semaphore, #tpu.memory_space<semaphore_mem>>)
      %dma_wait3A = arith.constant 0 : i32
      %dma_wait3A_104 = tpu.memref_slice %arg11[%run_scoped3A_62, %dma_wait3A] : memref<25x128xi32, #tpu.memory_space<vmem>> -> memref<1x128xi32, #tpu.memory_space<vmem>>
      %dma_wait3A_105 = tpu.memref_squeeze %dma_wait3A_104 : memref<1x128xi32, #tpu.memory_space<vmem>> -> memref<128xi32, #tpu.memory_space<vmem>>
      %dma_wait3A_106 = tpu.memref_slice %arg3[%add3A_61] : memref<102400xi32, #tpu.memory_space<hbm>> -> memref<128xi32, #tpu.memory_space<hbm>>
      %dma_wait3A_107 = arith.constant 0 : i32
      %dma_wait3A_108 = tpu.memref_slice %arg11[%run_scoped3A_62, %dma_wait3A_107] : memref<25x128xi32, #tpu.memory_space<vmem>> -> memref<1x128xi32, #tpu.memory_space<vmem>>
      %dma_wait3A_109 = tpu.memref_squeeze %dma_wait3A_108 : memref<1x128xi32, #tpu.memory_space<vmem>> -> memref<128xi32, #tpu.memory_space<vmem>>
      %dma_wait3A_110 = tpu.memref_slice %arg3[%add3A_61] : memref<102400xi32, #tpu.memory_space<hbm>> -> memref<128xi32, #tpu.memory_space<hbm>>
      tpu.wait_dma2 semaphore(%run_scoped3A_96 : memref<!tpu.dma_semaphore, #tpu.memory_space<semaphore_mem>>) src(%dma_wait3A_110 : memref<128xi32, #tpu.memory_space<hbm>>) dst(%dma_wait3A_109 : memref<128xi32, #tpu.memory_space<vmem>>)
      tpu.yield
    }) : () -> ()
    %add3A_63 = arith.constant 2432 : i32
    %add3A_64 = arith.addi %mul3A_2, %add3A_63 : i32
    %run_scoped3A_65 = arith.constant 19 : i32
    "tpu.region"() ({
      %run_scoped3A_96 = tpu.sem_alloc : memref<!tpu.dma_semaphore, #tpu.memory_space<semaphore_mem>>
      %dma_start3A = arith.constant 0 : i32
      %dma_start3A_97 = tpu.memref_slice %arg11[%run_scoped3A_65, %dma_start3A] : memref<25x128xi32, #tpu.memory_space<vmem>> -> memref<1x128xi32, #tpu.memory_space<vmem>>
      %dma_start3A_98 = tpu.memref_squeeze %dma_start3A_97 : memref<1x128xi32, #tpu.memory_space<vmem>> -> memref<128xi32, #tpu.memory_space<vmem>>
      %dma_start3A_99 = tpu.memref_slice %arg3[%add3A_64] : memref<102400xi32, #tpu.memory_space<hbm>> -> memref<128xi32, #tpu.memory_space<hbm>>
      %dma_start3A_100 = arith.constant 0 : i32
      %dma_start3A_101 = tpu.memref_slice %arg11[%run_scoped3A_65, %dma_start3A_100] : memref<25x128xi32, #tpu.memory_space<vmem>> -> memref<1x128xi32, #tpu.memory_space<vmem>>
      %dma_start3A_102 = tpu.memref_squeeze %dma_start3A_101 : memref<1x128xi32, #tpu.memory_space<vmem>> -> memref<128xi32, #tpu.memory_space<vmem>>
      %dma_start3A_103 = tpu.memref_slice %arg3[%add3A_64] : memref<102400xi32, #tpu.memory_space<hbm>> -> memref<128xi32, #tpu.memory_space<hbm>>
      tpu.enqueue_dma source(%dma_start3A_103 : memref<128xi32, #tpu.memory_space<hbm>>) target(%dma_start3A_102 : memref<128xi32, #tpu.memory_space<vmem>>) target_semaphore(%run_scoped3A_96 : memref<!tpu.dma_semaphore, #tpu.memory_space<semaphore_mem>>)
      %dma_wait3A = arith.constant 0 : i32
      %dma_wait3A_104 = tpu.memref_slice %arg11[%run_scoped3A_65, %dma_wait3A] : memref<25x128xi32, #tpu.memory_space<vmem>> -> memref<1x128xi32, #tpu.memory_space<vmem>>
      %dma_wait3A_105 = tpu.memref_squeeze %dma_wait3A_104 : memref<1x128xi32, #tpu.memory_space<vmem>> -> memref<128xi32, #tpu.memory_space<vmem>>
      %dma_wait3A_106 = tpu.memref_slice %arg3[%add3A_64] : memref<102400xi32, #tpu.memory_space<hbm>> -> memref<128xi32, #tpu.memory_space<hbm>>
      %dma_wait3A_107 = arith.constant 0 : i32
      %dma_wait3A_108 = tpu.memref_slice %arg11[%run_scoped3A_65, %dma_wait3A_107] : memref<25x128xi32, #tpu.memory_space<vmem>> -> memref<1x128xi32, #tpu.memory_space<vmem>>
      %dma_wait3A_109 = tpu.memref_squeeze %dma_wait3A_108 : memref<1x128xi32, #tpu.memory_space<vmem>> -> memref<128xi32, #tpu.memory_space<vmem>>
      %dma_wait3A_110 = tpu.memref_slice %arg3[%add3A_64] : memref<102400xi32, #tpu.memory_space<hbm>> -> memref<128xi32, #tpu.memory_space<hbm>>
      tpu.wait_dma2 semaphore(%run_scoped3A_96 : memref<!tpu.dma_semaphore, #tpu.memory_space<semaphore_mem>>) src(%dma_wait3A_110 : memref<128xi32, #tpu.memory_space<hbm>>) dst(%dma_wait3A_109 : memref<128xi32, #tpu.memory_space<vmem>>)
      tpu.yield
    }) : () -> ()
    %add3A_66 = arith.constant 2560 : i32
    %add3A_67 = arith.addi %mul3A_2, %add3A_66 : i32
    %run_scoped3A_68 = arith.constant 20 : i32
    "tpu.region"() ({
      %run_scoped3A_96 = tpu.sem_alloc : memref<!tpu.dma_semaphore, #tpu.memory_space<semaphore_mem>>
      %dma_start3A = arith.constant 0 : i32
      %dma_start3A_97 = tpu.memref_slice %arg11[%run_scoped3A_68, %dma_start3A] : memref<25x128xi32, #tpu.memory_space<vmem>> -> memref<1x128xi32, #tpu.memory_space<vmem>>
      %dma_start3A_98 = tpu.memref_squeeze %dma_start3A_97 : memref<1x128xi32, #tpu.memory_space<vmem>> -> memref<128xi32, #tpu.memory_space<vmem>>
      %dma_start3A_99 = tpu.memref_slice %arg3[%add3A_67] : memref<102400xi32, #tpu.memory_space<hbm>> -> memref<128xi32, #tpu.memory_space<hbm>>
      %dma_start3A_100 = arith.constant 0 : i32
      %dma_start3A_101 = tpu.memref_slice %arg11[%run_scoped3A_68, %dma_start3A_100] : memref<25x128xi32, #tpu.memory_space<vmem>> -> memref<1x128xi32, #tpu.memory_space<vmem>>
      %dma_start3A_102 = tpu.memref_squeeze %dma_start3A_101 : memref<1x128xi32, #tpu.memory_space<vmem>> -> memref<128xi32, #tpu.memory_space<vmem>>
      %dma_start3A_103 = tpu.memref_slice %arg3[%add3A_67] : memref<102400xi32, #tpu.memory_space<hbm>> -> memref<128xi32, #tpu.memory_space<hbm>>
      tpu.enqueue_dma source(%dma_start3A_103 : memref<128xi32, #tpu.memory_space<hbm>>) target(%dma_start3A_102 : memref<128xi32, #tpu.memory_space<vmem>>) target_semaphore(%run_scoped3A_96 : memref<!tpu.dma_semaphore, #tpu.memory_space<semaphore_mem>>)
      %dma_wait3A = arith.constant 0 : i32
      %dma_wait3A_104 = tpu.memref_slice %arg11[%run_scoped3A_68, %dma_wait3A] : memref<25x128xi32, #tpu.memory_space<vmem>> -> memref<1x128xi32, #tpu.memory_space<vmem>>
      %dma_wait3A_105 = tpu.memref_squeeze %dma_wait3A_104 : memref<1x128xi32, #tpu.memory_space<vmem>> -> memref<128xi32, #tpu.memory_space<vmem>>
      %dma_wait3A_106 = tpu.memref_slice %arg3[%add3A_67] : memref<102400xi32, #tpu.memory_space<hbm>> -> memref<128xi32, #tpu.memory_space<hbm>>
      %dma_wait3A_107 = arith.constant 0 : i32
      %dma_wait3A_108 = tpu.memref_slice %arg11[%run_scoped3A_68, %dma_wait3A_107] : memref<25x128xi32, #tpu.memory_space<vmem>> -> memref<1x128xi32, #tpu.memory_space<vmem>>
      %dma_wait3A_109 = tpu.memref_squeeze %dma_wait3A_108 : memref<1x128xi32, #tpu.memory_space<vmem>> -> memref<128xi32, #tpu.memory_space<vmem>>
      %dma_wait3A_110 = tpu.memref_slice %arg3[%add3A_67] : memref<102400xi32, #tpu.memory_space<hbm>> -> memref<128xi32, #tpu.memory_space<hbm>>
      tpu.wait_dma2 semaphore(%run_scoped3A_96 : memref<!tpu.dma_semaphore, #tpu.memory_space<semaphore_mem>>) src(%dma_wait3A_110 : memref<128xi32, #tpu.memory_space<hbm>>) dst(%dma_wait3A_109 : memref<128xi32, #tpu.memory_space<vmem>>)
      tpu.yield
    }) : () -> ()
    %add3A_69 = arith.constant 2688 : i32
    %add3A_70 = arith.addi %mul3A_2, %add3A_69 : i32
    %run_scoped3A_71 = arith.constant 21 : i32
    "tpu.region"() ({
      %run_scoped3A_96 = tpu.sem_alloc : memref<!tpu.dma_semaphore, #tpu.memory_space<semaphore_mem>>
      %dma_start3A = arith.constant 0 : i32
      %dma_start3A_97 = tpu.memref_slice %arg11[%run_scoped3A_71, %dma_start3A] : memref<25x128xi32, #tpu.memory_space<vmem>> -> memref<1x128xi32, #tpu.memory_space<vmem>>
      %dma_start3A_98 = tpu.memref_squeeze %dma_start3A_97 : memref<1x128xi32, #tpu.memory_space<vmem>> -> memref<128xi32, #tpu.memory_space<vmem>>
      %dma_start3A_99 = tpu.memref_slice %arg3[%add3A_70] : memref<102400xi32, #tpu.memory_space<hbm>> -> memref<128xi32, #tpu.memory_space<hbm>>
      %dma_start3A_100 = arith.constant 0 : i32
      %dma_start3A_101 = tpu.memref_slice %arg11[%run_scoped3A_71, %dma_start3A_100] : memref<25x128xi32, #tpu.memory_space<vmem>> -> memref<1x128xi32, #tpu.memory_space<vmem>>
      %dma_start3A_102 = tpu.memref_squeeze %dma_start3A_101 : memref<1x128xi32, #tpu.memory_space<vmem>> -> memref<128xi32, #tpu.memory_space<vmem>>
      %dma_start3A_103 = tpu.memref_slice %arg3[%add3A_70] : memref<102400xi32, #tpu.memory_space<hbm>> -> memref<128xi32, #tpu.memory_space<hbm>>
      tpu.enqueue_dma source(%dma_start3A_103 : memref<128xi32, #tpu.memory_space<hbm>>) target(%dma_start3A_102 : memref<128xi32, #tpu.memory_space<vmem>>) target_semaphore(%run_scoped3A_96 : memref<!tpu.dma_semaphore, #tpu.memory_space<semaphore_mem>>)
      %dma_wait3A = arith.constant 0 : i32
      %dma_wait3A_104 = tpu.memref_slice %arg11[%run_scoped3A_71, %dma_wait3A] : memref<25x128xi32, #tpu.memory_space<vmem>> -> memref<1x128xi32, #tpu.memory_space<vmem>>
      %dma_wait3A_105 = tpu.memref_squeeze %dma_wait3A_104 : memref<1x128xi32, #tpu.memory_space<vmem>> -> memref<128xi32, #tpu.memory_space<vmem>>
      %dma_wait3A_106 = tpu.memref_slice %arg3[%add3A_70] : memref<102400xi32, #tpu.memory_space<hbm>> -> memref<128xi32, #tpu.memory_space<hbm>>
      %dma_wait3A_107 = arith.constant 0 : i32
      %dma_wait3A_108 = tpu.memref_slice %arg11[%run_scoped3A_71, %dma_wait3A_107] : memref<25x128xi32, #tpu.memory_space<vmem>> -> memref<1x128xi32, #tpu.memory_space<vmem>>
      %dma_wait3A_109 = tpu.memref_squeeze %dma_wait3A_108 : memref<1x128xi32, #tpu.memory_space<vmem>> -> memref<128xi32, #tpu.memory_space<vmem>>
      %dma_wait3A_110 = tpu.memref_slice %arg3[%add3A_70] : memref<102400xi32, #tpu.memory_space<hbm>> -> memref<128xi32, #tpu.memory_space<hbm>>
      tpu.wait_dma2 semaphore(%run_scoped3A_96 : memref<!tpu.dma_semaphore, #tpu.memory_space<semaphore_mem>>) src(%dma_wait3A_110 : memref<128xi32, #tpu.memory_space<hbm>>) dst(%dma_wait3A_109 : memref<128xi32, #tpu.memory_space<vmem>>)
      tpu.yield
    }) : () -> ()
    %add3A_72 = arith.constant 2816 : i32
    %add3A_73 = arith.addi %mul3A_2, %add3A_72 : i32
    %run_scoped3A_74 = arith.constant 22 : i32
    "tpu.region"() ({
      %run_scoped3A_96 = tpu.sem_alloc : memref<!tpu.dma_semaphore, #tpu.memory_space<semaphore_mem>>
      %dma_start3A = arith.constant 0 : i32
      %dma_start3A_97 = tpu.memref_slice %arg11[%run_scoped3A_74, %dma_start3A] : memref<25x128xi32, #tpu.memory_space<vmem>> -> memref<1x128xi32, #tpu.memory_space<vmem>>
      %dma_start3A_98 = tpu.memref_squeeze %dma_start3A_97 : memref<1x128xi32, #tpu.memory_space<vmem>> -> memref<128xi32, #tpu.memory_space<vmem>>
      %dma_start3A_99 = tpu.memref_slice %arg3[%add3A_73] : memref<102400xi32, #tpu.memory_space<hbm>> -> memref<128xi32, #tpu.memory_space<hbm>>
      %dma_start3A_100 = arith.constant 0 : i32
      %dma_start3A_101 = tpu.memref_slice %arg11[%run_scoped3A_74, %dma_start3A_100] : memref<25x128xi32, #tpu.memory_space<vmem>> -> memref<1x128xi32, #tpu.memory_space<vmem>>
      %dma_start3A_102 = tpu.memref_squeeze %dma_start3A_101 : memref<1x128xi32, #tpu.memory_space<vmem>> -> memref<128xi32, #tpu.memory_space<vmem>>
      %dma_start3A_103 = tpu.memref_slice %arg3[%add3A_73] : memref<102400xi32, #tpu.memory_space<hbm>> -> memref<128xi32, #tpu.memory_space<hbm>>
      tpu.enqueue_dma source(%dma_start3A_103 : memref<128xi32, #tpu.memory_space<hbm>>) target(%dma_start3A_102 : memref<128xi32, #tpu.memory_space<vmem>>) target_semaphore(%run_scoped3A_96 : memref<!tpu.dma_semaphore, #tpu.memory_space<semaphore_mem>>)
      %dma_wait3A = arith.constant 0 : i32
      %dma_wait3A_104 = tpu.memref_slice %arg11[%run_scoped3A_74, %dma_wait3A] : memref<25x128xi32, #tpu.memory_space<vmem>> -> memref<1x128xi32, #tpu.memory_space<vmem>>
      %dma_wait3A_105 = tpu.memref_squeeze %dma_wait3A_104 : memref<1x128xi32, #tpu.memory_space<vmem>> -> memref<128xi32, #tpu.memory_space<vmem>>
      %dma_wait3A_106 = tpu.memref_slice %arg3[%add3A_73] : memref<102400xi32, #tpu.memory_space<hbm>> -> memref<128xi32, #tpu.memory_space<hbm>>
      %dma_wait3A_107 = arith.constant 0 : i32
      %dma_wait3A_108 = tpu.memref_slice %arg11[%run_scoped3A_74, %dma_wait3A_107] : memref<25x128xi32, #tpu.memory_space<vmem>> -> memref<1x128xi32, #tpu.memory_space<vmem>>
      %dma_wait3A_109 = tpu.memref_squeeze %dma_wait3A_108 : memref<1x128xi32, #tpu.memory_space<vmem>> -> memref<128xi32, #tpu.memory_space<vmem>>
      %dma_wait3A_110 = tpu.memref_slice %arg3[%add3A_73] : memref<102400xi32, #tpu.memory_space<hbm>> -> memref<128xi32, #tpu.memory_space<hbm>>
      tpu.wait_dma2 semaphore(%run_scoped3A_96 : memref<!tpu.dma_semaphore, #tpu.memory_space<semaphore_mem>>) src(%dma_wait3A_110 : memref<128xi32, #tpu.memory_space<hbm>>) dst(%dma_wait3A_109 : memref<128xi32, #tpu.memory_space<vmem>>)
      tpu.yield
    }) : () -> ()
    %add3A_75 = arith.constant 2944 : i32
    %add3A_76 = arith.addi %mul3A_2, %add3A_75 : i32
    %run_scoped3A_77 = arith.constant 23 : i32
    "tpu.region"() ({
      %run_scoped3A_96 = tpu.sem_alloc : memref<!tpu.dma_semaphore, #tpu.memory_space<semaphore_mem>>
      %dma_start3A = arith.constant 0 : i32
      %dma_start3A_97 = tpu.memref_slice %arg11[%run_scoped3A_77, %dma_start3A] : memref<25x128xi32, #tpu.memory_space<vmem>> -> memref<1x128xi32, #tpu.memory_space<vmem>>
      %dma_start3A_98 = tpu.memref_squeeze %dma_start3A_97 : memref<1x128xi32, #tpu.memory_space<vmem>> -> memref<128xi32, #tpu.memory_space<vmem>>
      %dma_start3A_99 = tpu.memref_slice %arg3[%add3A_76] : memref<102400xi32, #tpu.memory_space<hbm>> -> memref<128xi32, #tpu.memory_space<hbm>>
      %dma_start3A_100 = arith.constant 0 : i32
      %dma_start3A_101 = tpu.memref_slice %arg11[%run_scoped3A_77, %dma_start3A_100] : memref<25x128xi32, #tpu.memory_space<vmem>> -> memref<1x128xi32, #tpu.memory_space<vmem>>
      %dma_start3A_102 = tpu.memref_squeeze %dma_start3A_101 : memref<1x128xi32, #tpu.memory_space<vmem>> -> memref<128xi32, #tpu.memory_space<vmem>>
      %dma_start3A_103 = tpu.memref_slice %arg3[%add3A_76] : memref<102400xi32, #tpu.memory_space<hbm>> -> memref<128xi32, #tpu.memory_space<hbm>>
      tpu.enqueue_dma source(%dma_start3A_103 : memref<128xi32, #tpu.memory_space<hbm>>) target(%dma_start3A_102 : memref<128xi32, #tpu.memory_space<vmem>>) target_semaphore(%run_scoped3A_96 : memref<!tpu.dma_semaphore, #tpu.memory_space<semaphore_mem>>)
      %dma_wait3A = arith.constant 0 : i32
      %dma_wait3A_104 = tpu.memref_slice %arg11[%run_scoped3A_77, %dma_wait3A] : memref<25x128xi32, #tpu.memory_space<vmem>> -> memref<1x128xi32, #tpu.memory_space<vmem>>
      %dma_wait3A_105 = tpu.memref_squeeze %dma_wait3A_104 : memref<1x128xi32, #tpu.memory_space<vmem>> -> memref<128xi32, #tpu.memory_space<vmem>>
      %dma_wait3A_106 = tpu.memref_slice %arg3[%add3A_76] : memref<102400xi32, #tpu.memory_space<hbm>> -> memref<128xi32, #tpu.memory_space<hbm>>
      %dma_wait3A_107 = arith.constant 0 : i32
      %dma_wait3A_108 = tpu.memref_slice %arg11[%run_scoped3A_77, %dma_wait3A_107] : memref<25x128xi32, #tpu.memory_space<vmem>> -> memref<1x128xi32, #tpu.memory_space<vmem>>
      %dma_wait3A_109 = tpu.memref_squeeze %dma_wait3A_108 : memref<1x128xi32, #tpu.memory_space<vmem>> -> memref<128xi32, #tpu.memory_space<vmem>>
      %dma_wait3A_110 = tpu.memref_slice %arg3[%add3A_76] : memref<102400xi32, #tpu.memory_space<hbm>> -> memref<128xi32, #tpu.memory_space<hbm>>
      tpu.wait_dma2 semaphore(%run_scoped3A_96 : memref<!tpu.dma_semaphore, #tpu.memory_space<semaphore_mem>>) src(%dma_wait3A_110 : memref<128xi32, #tpu.memory_space<hbm>>) dst(%dma_wait3A_109 : memref<128xi32, #tpu.memory_space<vmem>>)
      tpu.yield
    }) : () -> ()
    %add3A_78 = arith.constant 3072 : i32
    %add3A_79 = arith.addi %mul3A_2, %add3A_78 : i32
    %run_scoped3A_80 = arith.constant 24 : i32
    "tpu.region"() ({
      %run_scoped3A_96 = tpu.sem_alloc : memref<!tpu.dma_semaphore, #tpu.memory_space<semaphore_mem>>
      %dma_start3A = arith.constant 0 : i32
      %dma_start3A_97 = tpu.memref_slice %arg11[%run_scoped3A_80, %dma_start3A] : memref<25x128xi32, #tpu.memory_space<vmem>> -> memref<1x128xi32, #tpu.memory_space<vmem>>
      %dma_start3A_98 = tpu.memref_squeeze %dma_start3A_97 : memref<1x128xi32, #tpu.memory_space<vmem>> -> memref<128xi32, #tpu.memory_space<vmem>>
      %dma_start3A_99 = tpu.memref_slice %arg3[%add3A_79] : memref<102400xi32, #tpu.memory_space<hbm>> -> memref<128xi32, #tpu.memory_space<hbm>>
      %dma_start3A_100 = arith.constant 0 : i32
      %dma_start3A_101 = tpu.memref_slice %arg11[%run_scoped3A_80, %dma_start3A_100] : memref<25x128xi32, #tpu.memory_space<vmem>> -> memref<1x128xi32, #tpu.memory_space<vmem>>
      %dma_start3A_102 = tpu.memref_squeeze %dma_start3A_101 : memref<1x128xi32, #tpu.memory_space<vmem>> -> memref<128xi32, #tpu.memory_space<vmem>>
      %dma_start3A_103 = tpu.memref_slice %arg3[%add3A_79] : memref<102400xi32, #tpu.memory_space<hbm>> -> memref<128xi32, #tpu.memory_space<hbm>>
      tpu.enqueue_dma source(%dma_start3A_103 : memref<128xi32, #tpu.memory_space<hbm>>) target(%dma_start3A_102 : memref<128xi32, #tpu.memory_space<vmem>>) target_semaphore(%run_scoped3A_96 : memref<!tpu.dma_semaphore, #tpu.memory_space<semaphore_mem>>)
      %dma_wait3A = arith.constant 0 : i32
      %dma_wait3A_104 = tpu.memref_slice %arg11[%run_scoped3A_80, %dma_wait3A] : memref<25x128xi32, #tpu.memory_space<vmem>> -> memref<1x128xi32, #tpu.memory_space<vmem>>
      %dma_wait3A_105 = tpu.memref_squeeze %dma_wait3A_104 : memref<1x128xi32, #tpu.memory_space<vmem>> -> memref<128xi32, #tpu.memory_space<vmem>>
      %dma_wait3A_106 = tpu.memref_slice %arg3[%add3A_79] : memref<102400xi32, #tpu.memory_space<hbm>> -> memref<128xi32, #tpu.memory_space<hbm>>
      %dma_wait3A_107 = arith.constant 0 : i32
      %dma_wait3A_108 = tpu.memref_slice %arg11[%run_scoped3A_80, %dma_wait3A_107] : memref<25x128xi32, #tpu.memory_space<vmem>> -> memref<1x128xi32, #tpu.memory_space<vmem>>
      %dma_wait3A_109 = tpu.memref_squeeze %dma_wait3A_108 : memref<1x128xi32, #tpu.memory_space<vmem>> -> memref<128xi32, #tpu.memory_space<vmem>>
      %dma_wait3A_110 = tpu.memref_slice %arg3[%add3A_79] : memref<102400xi32, #tpu.memory_space<hbm>> -> memref<128xi32, #tpu.memory_space<hbm>>
      tpu.wait_dma2 semaphore(%run_scoped3A_96 : memref<!tpu.dma_semaphore, #tpu.memory_space<semaphore_mem>>) src(%dma_wait3A_110 : memref<128xi32, #tpu.memory_space<hbm>>) dst(%dma_wait3A_109 : memref<128xi32, #tpu.memory_space<vmem>>)
      tpu.yield
    }) : () -> ()
    %barrier3A = arith.constant 0 : index
    tpu.barrier barrier_id(%barrier3A)
    %lt3A = arith.constant 31 : i32
    %lt3A_81 = arith.cmpi slt, %add3A, %lt3A : i32
    %convert_element_type3A = arith.extui %lt3A_81 : i1 to i32
    %cond3A = arith.constant 0 : i32
    %cond3A_82 = arith.cmpi ne, %convert_element_type3A, %cond3A : i32
    scf.if %cond3A_82 {
      %dma_start3A = arith.constant 0 : i32
      %dma_start3A_96 = tpu.memref_slice %arg2[%mul3A_2, %dma_start3A] : memref<100000x14xf32, #tpu.memory_space<hbm>> -> memref<128x14xf32, #tpu.memory_space<hbm>>
      %dma_start3A_97 = arith.constant 0 : i32
      %dma_start3A_98 = tpu.memref_slice %arg2[%mul3A_2, %dma_start3A_97] : memref<100000x14xf32, #tpu.memory_space<hbm>> -> memref<128x14xf32, #tpu.memory_space<hbm>>
      tpu.enqueue_dma source(%dma_start3A_98 : memref<128x14xf32, #tpu.memory_space<hbm>>) target(%arg9 : memref<128x14xf32, #tpu.memory_space<vmem>>) target_semaphore(%arg15 : memref<!tpu.dma_semaphore, #tpu.memory_space<semaphore_mem>>)
      %dma_wait3A = arith.constant 0 : i32
      %dma_wait3A_99 = tpu.memref_slice %arg2[%mul3A_2, %dma_wait3A] : memref<100000x14xf32, #tpu.memory_space<hbm>> -> memref<128x14xf32, #tpu.memory_space<hbm>>
      %dma_wait3A_100 = arith.constant 0 : i32
      %dma_wait3A_101 = tpu.memref_slice %arg2[%mul3A_2, %dma_wait3A_100] : memref<100000x14xf32, #tpu.memory_space<hbm>> -> memref<128x14xf32, #tpu.memory_space<hbm>>
      tpu.wait_dma2 semaphore(%arg15 : memref<!tpu.dma_semaphore, #tpu.memory_space<semaphore_mem>>) src(%dma_wait3A_101 : memref<128x14xf32, #tpu.memory_space<hbm>>) dst(%arg9 : memref<128x14xf32, #tpu.memory_space<vmem>>)
      %add3A_102 = arith.constant 128 : i32
      %add3A_103 = arith.addi %mul3A_2, %add3A_102 : i32
      %dma_start3A_104 = arith.constant 0 : i32
      %dma_start3A_105 = tpu.memref_slice %arg2[%add3A_103, %dma_start3A_104] : memref<100000x14xf32, #tpu.memory_space<hbm>> -> memref<128x14xf32, #tpu.memory_space<hbm>>
      %dma_start3A_106 = arith.constant 0 : i32
      %dma_start3A_107 = tpu.memref_slice %arg2[%add3A_103, %dma_start3A_106] : memref<100000x14xf32, #tpu.memory_space<hbm>> -> memref<128x14xf32, #tpu.memory_space<hbm>>
      tpu.enqueue_dma source(%dma_start3A_107 : memref<128x14xf32, #tpu.memory_space<hbm>>) target(%arg10 : memref<128x14xf32, #tpu.memory_space<vmem>>) target_semaphore(%arg15 : memref<!tpu.dma_semaphore, #tpu.memory_space<semaphore_mem>>)
      %run_scoped3A_108 = arith.constant 0 : i32
      "tpu.region"() ({
        %run_scoped3A_392 = tpu.sem_alloc : memref<!tpu.dma_semaphore, #tpu.memory_space<semaphore_mem>>
        %dma_start3A_393 = arith.constant 0 : i32
        %dma_start3A_394 = tpu.memref_slice %arg11[%run_scoped3A_108, %dma_start3A_393] : memref<25x128xi32, #tpu.memory_space<vmem>> -> memref<1x128xi32, #tpu.memory_space<vmem>>
        %dma_start3A_395 = tpu.memref_squeeze %dma_start3A_394 : memref<1x128xi32, #tpu.memory_space<vmem>> -> memref<128xi32, #tpu.memory_space<vmem>>
        %dma_start3A_396 = arith.constant 0 : i32
        %dma_start3A_397 = arith.constant 0 : i32
        %dma_start3A_398 = tpu.memref_slice %arg13[%dma_start3A_396, %dma_start3A_397] : memref<1025x14xf32, #tpu.memory_space<vmem_shared>> -> memref<1025x14xf32, #tpu.memory_space<vmem_shared>>
        tpu.enqueue_indirect_dma source(%arg9 : memref<128x14xf32, #tpu.memory_space<vmem>>) target(%dma_start3A_398 : memref<1025x14xf32, #tpu.memory_space<vmem_shared>>) offsets(%dma_start3A_395 : memref<128xi32, #tpu.memory_space<vmem>>) semaphore(%run_scoped3A_392 : memref<!tpu.dma_semaphore, #tpu.memory_space<semaphore_mem>>) {add = true}
        %dma_wait3A_399 = arith.constant 0 : i32
        %dma_wait3A_400 = tpu.memref_slice %arg11[%run_scoped3A_108, %dma_wait3A_399] : memref<25x128xi32, #tpu.memory_space<vmem>> -> memref<1x128xi32, #tpu.memory_space<vmem>>
        %dma_wait3A_401 = tpu.memref_squeeze %dma_wait3A_400 : memref<1x128xi32, #tpu.memory_space<vmem>> -> memref<128xi32, #tpu.memory_space<vmem>>
        %dma_wait3A_402 = arith.constant 0 : i32
        %dma_wait3A_403 = arith.constant 0 : i32
        %dma_wait3A_404 = tpu.memref_slice %arg13[%dma_wait3A_402, %dma_wait3A_403] : memref<1025x14xf32, #tpu.memory_space<vmem_shared>> -> memref<1025x14xf32, #tpu.memory_space<vmem_shared>>
        tpu.wait_indirect_dma semaphore(%run_scoped3A_392 : memref<!tpu.dma_semaphore, #tpu.memory_space<semaphore_mem>>) src(%arg9 : memref<128x14xf32, #tpu.memory_space<vmem>>) dst(%dma_wait3A_404 : memref<1025x14xf32, #tpu.memory_space<vmem_shared>>)
        tpu.yield
      }) : () -> ()
      %run_scoped3A_109 = arith.constant 0 : i32
      "tpu.region"() ({
        %run_scoped3A_392 = tpu.sem_alloc : memref<!tpu.dma_semaphore, #tpu.memory_space<semaphore_mem>>
        %dma_start3A_393 = arith.constant 0 : i32
        %dma_start3A_394 = tpu.memref_slice %arg11[%run_scoped3A_109, %dma_start3A_393] : memref<25x128xi32, #tpu.memory_space<vmem>> -> memref<1x128xi32, #tpu.memory_space<vmem>>
        %dma_start3A_395 = tpu.memref_squeeze %dma_start3A_394 : memref<1x128xi32, #tpu.memory_space<vmem>> -> memref<128xi32, #tpu.memory_space<vmem>>
        %dma_start3A_396 = arith.constant 0 : i32
        %dma_start3A_397 = arith.constant 0 : i32
        %dma_start3A_398 = tpu.memref_slice %arg14[%dma_start3A_396, %dma_start3A_397] : memref<1025x1xf32, #tpu.memory_space<vmem_shared>> -> memref<1025x1xf32, #tpu.memory_space<vmem_shared>>
        tpu.enqueue_indirect_dma source(%arg12 : memref<128x1xf32, #tpu.memory_space<vmem>>) target(%dma_start3A_398 : memref<1025x1xf32, #tpu.memory_space<vmem_shared>>) offsets(%dma_start3A_395 : memref<128xi32, #tpu.memory_space<vmem>>) semaphore(%run_scoped3A_392 : memref<!tpu.dma_semaphore, #tpu.memory_space<semaphore_mem>>) {add = true}
        %dma_wait3A_399 = arith.constant 0 : i32
        %dma_wait3A_400 = tpu.memref_slice %arg11[%run_scoped3A_109, %dma_wait3A_399] : memref<25x128xi32, #tpu.memory_space<vmem>> -> memref<1x128xi32, #tpu.memory_space<vmem>>
        %dma_wait3A_401 = tpu.memref_squeeze %dma_wait3A_400 : memref<1x128xi32, #tpu.memory_space<vmem>> -> memref<128xi32, #tpu.memory_space<vmem>>
        %dma_wait3A_402 = arith.constant 0 : i32
        %dma_wait3A_403 = arith.constant 0 : i32
        %dma_wait3A_404 = tpu.memref_slice %arg14[%dma_wait3A_402, %dma_wait3A_403] : memref<1025x1xf32, #tpu.memory_space<vmem_shared>> -> memref<1025x1xf32, #tpu.memory_space<vmem_shared>>
        tpu.wait_indirect_dma semaphore(%run_scoped3A_392 : memref<!tpu.dma_semaphore, #tpu.memory_space<semaphore_mem>>) src(%arg12 : memref<128x1xf32, #tpu.memory_space<vmem>>) dst(%dma_wait3A_404 : memref<1025x1xf32, #tpu.memory_space<vmem_shared>>)
        tpu.yield
      }) : () -> ()
      %dma_wait3A_110 = arith.constant 0 : i32
      %dma_wait3A_111 = tpu.memref_slice %arg2[%add3A_103, %dma_wait3A_110] : memref<100000x14xf32, #tpu.memory_space<hbm>> -> memref<128x14xf32, #tpu.memory_space<hbm>>
      %dma_wait3A_112 = arith.constant 0 : i32
      %dma_wait3A_113 = tpu.memref_slice %arg2[%add3A_103, %dma_wait3A_112] : memref<100000x14xf32, #tpu.memory_space<hbm>> -> memref<128x14xf32, #tpu.memory_space<hbm>>
      tpu.wait_dma2 semaphore(%arg15 : memref<!tpu.dma_semaphore, #tpu.memory_space<semaphore_mem>>) src(%dma_wait3A_113 : memref<128x14xf32, #tpu.memory_space<hbm>>) dst(%arg10 : memref<128x14xf32, #tpu.memory_space<vmem>>)
      %add3A_114 = arith.constant 256 : i32
      %add3A_115 = arith.addi %mul3A_2, %add3A_114 : i32
      %dma_start3A_116 = arith.constant 0 : i32
      %dma_start3A_117 = tpu.memref_slice %arg2[%add3A_115, %dma_start3A_116] : memref<100000x14xf32, #tpu.memory_space<hbm>> -> memref<128x14xf32, #tpu.memory_space<hbm>>
      %dma_start3A_118 = arith.constant 0 : i32
      %dma_start3A_119 = tpu.memref_slice %arg2[%add3A_115, %dma_start3A_118] : memref<100000x14xf32, #tpu.memory_space<hbm>> -> memref<128x14xf32, #tpu.memory_space<hbm>>
      tpu.enqueue_dma source(%dma_start3A_119 : memref<128x14xf32, #tpu.memory_space<hbm>>) target(%arg9 : memref<128x14xf32, #tpu.memory_space<vmem>>) target_semaphore(%arg15 : memref<!tpu.dma_semaphore, #tpu.memory_space<semaphore_mem>>)
      %run_scoped3A_120 = arith.constant 1 : i32
      "tpu.region"() ({
        %run_scoped3A_392 = tpu.sem_alloc : memref<!tpu.dma_semaphore, #tpu.memory_space<semaphore_mem>>
        %dma_start3A_393 = arith.constant 0 : i32
        %dma_start3A_394 = tpu.memref_slice %arg11[%run_scoped3A_120, %dma_start3A_393] : memref<25x128xi32, #tpu.memory_space<vmem>> -> memref<1x128xi32, #tpu.memory_space<vmem>>
        %dma_start3A_395 = tpu.memref_squeeze %dma_start3A_394 : memref<1x128xi32, #tpu.memory_space<vmem>> -> memref<128xi32, #tpu.memory_space<vmem>>
        %dma_start3A_396 = arith.constant 0 : i32
        %dma_start3A_397 = arith.constant 0 : i32
        %dma_start3A_398 = tpu.memref_slice %arg13[%dma_start3A_396, %dma_start3A_397] : memref<1025x14xf32, #tpu.memory_space<vmem_shared>> -> memref<1025x14xf32, #tpu.memory_space<vmem_shared>>
        tpu.enqueue_indirect_dma source(%arg10 : memref<128x14xf32, #tpu.memory_space<vmem>>) target(%dma_start3A_398 : memref<1025x14xf32, #tpu.memory_space<vmem_shared>>) offsets(%dma_start3A_395 : memref<128xi32, #tpu.memory_space<vmem>>) semaphore(%run_scoped3A_392 : memref<!tpu.dma_semaphore, #tpu.memory_space<semaphore_mem>>) {add = true}
        %dma_wait3A_399 = arith.constant 0 : i32
        %dma_wait3A_400 = tpu.memref_slice %arg11[%run_scoped3A_120, %dma_wait3A_399] : memref<25x128xi32, #tpu.memory_space<vmem>> -> memref<1x128xi32, #tpu.memory_space<vmem>>
        %dma_wait3A_401 = tpu.memref_squeeze %dma_wait3A_400 : memref<1x128xi32, #tpu.memory_space<vmem>> -> memref<128xi32, #tpu.memory_space<vmem>>
        %dma_wait3A_402 = arith.constant 0 : i32
        %dma_wait3A_403 = arith.constant 0 : i32
        %dma_wait3A_404 = tpu.memref_slice %arg13[%dma_wait3A_402, %dma_wait3A_403] : memref<1025x14xf32, #tpu.memory_space<vmem_shared>> -> memref<1025x14xf32, #tpu.memory_space<vmem_shared>>
        tpu.wait_indirect_dma semaphore(%run_scoped3A_392 : memref<!tpu.dma_semaphore, #tpu.memory_space<semaphore_mem>>) src(%arg10 : memref<128x14xf32, #tpu.memory_space<vmem>>) dst(%dma_wait3A_404 : memref<1025x14xf32, #tpu.memory_space<vmem_shared>>)
        tpu.yield
      }) : () -> ()
      %run_scoped3A_121 = arith.constant 1 : i32
      "tpu.region"() ({
        %run_scoped3A_392 = tpu.sem_alloc : memref<!tpu.dma_semaphore, #tpu.memory_space<semaphore_mem>>
        %dma_start3A_393 = arith.constant 0 : i32
        %dma_start3A_394 = tpu.memref_slice %arg11[%run_scoped3A_121, %dma_start3A_393] : memref<25x128xi32, #tpu.memory_space<vmem>> -> memref<1x128xi32, #tpu.memory_space<vmem>>
        %dma_start3A_395 = tpu.memref_squeeze %dma_start3A_394 : memref<1x128xi32, #tpu.memory_space<vmem>> -> memref<128xi32, #tpu.memory_space<vmem>>
        %dma_start3A_396 = arith.constant 0 : i32
        %dma_start3A_397 = arith.constant 0 : i32
        %dma_start3A_398 = tpu.memref_slice %arg14[%dma_start3A_396, %dma_start3A_397] : memref<1025x1xf32, #tpu.memory_space<vmem_shared>> -> memref<1025x1xf32, #tpu.memory_space<vmem_shared>>
        tpu.enqueue_indirect_dma source(%arg12 : memref<128x1xf32, #tpu.memory_space<vmem>>) target(%dma_start3A_398 : memref<1025x1xf32, #tpu.memory_space<vmem_shared>>) offsets(%dma_start3A_395 : memref<128xi32, #tpu.memory_space<vmem>>) semaphore(%run_scoped3A_392 : memref<!tpu.dma_semaphore, #tpu.memory_space<semaphore_mem>>) {add = true}
        %dma_wait3A_399 = arith.constant 0 : i32
        %dma_wait3A_400 = tpu.memref_slice %arg11[%run_scoped3A_121, %dma_wait3A_399] : memref<25x128xi32, #tpu.memory_space<vmem>> -> memref<1x128xi32, #tpu.memory_space<vmem>>
        %dma_wait3A_401 = tpu.memref_squeeze %dma_wait3A_400 : memref<1x128xi32, #tpu.memory_space<vmem>> -> memref<128xi32, #tpu.memory_space<vmem>>
        %dma_wait3A_402 = arith.constant 0 : i32
        %dma_wait3A_403 = arith.constant 0 : i32
        %dma_wait3A_404 = tpu.memref_slice %arg14[%dma_wait3A_402, %dma_wait3A_403] : memref<1025x1xf32, #tpu.memory_space<vmem_shared>> -> memref<1025x1xf32, #tpu.memory_space<vmem_shared>>
        tpu.wait_indirect_dma semaphore(%run_scoped3A_392 : memref<!tpu.dma_semaphore, #tpu.memory_space<semaphore_mem>>) src(%arg12 : memref<128x1xf32, #tpu.memory_space<vmem>>) dst(%dma_wait3A_404 : memref<1025x1xf32, #tpu.memory_space<vmem_shared>>)
        tpu.yield
      }) : () -> ()
      %dma_wait3A_122 = arith.constant 0 : i32
      %dma_wait3A_123 = tpu.memref_slice %arg2[%add3A_115, %dma_wait3A_122] : memref<100000x14xf32, #tpu.memory_space<hbm>> -> memref<128x14xf32, #tpu.memory_space<hbm>>
      %dma_wait3A_124 = arith.constant 0 : i32
      %dma_wait3A_125 = tpu.memref_slice %arg2[%add3A_115, %dma_wait3A_124] : memref<100000x14xf32, #tpu.memory_space<hbm>> -> memref<128x14xf32, #tpu.memory_space<hbm>>
      tpu.wait_dma2 semaphore(%arg15 : memref<!tpu.dma_semaphore, #tpu.memory_space<semaphore_mem>>) src(%dma_wait3A_125 : memref<128x14xf32, #tpu.memory_space<hbm>>) dst(%arg9 : memref<128x14xf32, #tpu.memory_space<vmem>>)
      %add3A_126 = arith.constant 384 : i32
      %add3A_127 = arith.addi %mul3A_2, %add3A_126 : i32
      %dma_start3A_128 = arith.constant 0 : i32
      %dma_start3A_129 = tpu.memref_slice %arg2[%add3A_127, %dma_start3A_128] : memref<100000x14xf32, #tpu.memory_space<hbm>> -> memref<128x14xf32, #tpu.memory_space<hbm>>
      %dma_start3A_130 = arith.constant 0 : i32
      %dma_start3A_131 = tpu.memref_slice %arg2[%add3A_127, %dma_start3A_130] : memref<100000x14xf32, #tpu.memory_space<hbm>> -> memref<128x14xf32, #tpu.memory_space<hbm>>
      tpu.enqueue_dma source(%dma_start3A_131 : memref<128x14xf32, #tpu.memory_space<hbm>>) target(%arg10 : memref<128x14xf32, #tpu.memory_space<vmem>>) target_semaphore(%arg15 : memref<!tpu.dma_semaphore, #tpu.memory_space<semaphore_mem>>)
      %run_scoped3A_132 = arith.constant 2 : i32
      "tpu.region"() ({
        %run_scoped3A_392 = tpu.sem_alloc : memref<!tpu.dma_semaphore, #tpu.memory_space<semaphore_mem>>
        %dma_start3A_393 = arith.constant 0 : i32
        %dma_start3A_394 = tpu.memref_slice %arg11[%run_scoped3A_132, %dma_start3A_393] : memref<25x128xi32, #tpu.memory_space<vmem>> -> memref<1x128xi32, #tpu.memory_space<vmem>>
        %dma_start3A_395 = tpu.memref_squeeze %dma_start3A_394 : memref<1x128xi32, #tpu.memory_space<vmem>> -> memref<128xi32, #tpu.memory_space<vmem>>
        %dma_start3A_396 = arith.constant 0 : i32
        %dma_start3A_397 = arith.constant 0 : i32
        %dma_start3A_398 = tpu.memref_slice %arg13[%dma_start3A_396, %dma_start3A_397] : memref<1025x14xf32, #tpu.memory_space<vmem_shared>> -> memref<1025x14xf32, #tpu.memory_space<vmem_shared>>
        tpu.enqueue_indirect_dma source(%arg9 : memref<128x14xf32, #tpu.memory_space<vmem>>) target(%dma_start3A_398 : memref<1025x14xf32, #tpu.memory_space<vmem_shared>>) offsets(%dma_start3A_395 : memref<128xi32, #tpu.memory_space<vmem>>) semaphore(%run_scoped3A_392 : memref<!tpu.dma_semaphore, #tpu.memory_space<semaphore_mem>>) {add = true}
        %dma_wait3A_399 = arith.constant 0 : i32
        %dma_wait3A_400 = tpu.memref_slice %arg11[%run_scoped3A_132, %dma_wait3A_399] : memref<25x128xi32, #tpu.memory_space<vmem>> -> memref<1x128xi32, #tpu.memory_space<vmem>>
        %dma_wait3A_401 = tpu.memref_squeeze %dma_wait3A_400 : memref<1x128xi32, #tpu.memory_space<vmem>> -> memref<128xi32, #tpu.memory_space<vmem>>
        %dma_wait3A_402 = arith.constant 0 : i32
        %dma_wait3A_403 = arith.constant 0 : i32
        %dma_wait3A_404 = tpu.memref_slice %arg13[%dma_wait3A_402, %dma_wait3A_403] : memref<1025x14xf32, #tpu.memory_space<vmem_shared>> -> memref<1025x14xf32, #tpu.memory_space<vmem_shared>>
        tpu.wait_indirect_dma semaphore(%run_scoped3A_392 : memref<!tpu.dma_semaphore, #tpu.memory_space<semaphore_mem>>) src(%arg9 : memref<128x14xf32, #tpu.memory_space<vmem>>) dst(%dma_wait3A_404 : memref<1025x14xf32, #tpu.memory_space<vmem_shared>>)
        tpu.yield
      }) : () -> ()
      %run_scoped3A_133 = arith.constant 2 : i32
      "tpu.region"() ({
        %run_scoped3A_392 = tpu.sem_alloc : memref<!tpu.dma_semaphore, #tpu.memory_space<semaphore_mem>>
        %dma_start3A_393 = arith.constant 0 : i32
        %dma_start3A_394 = tpu.memref_slice %arg11[%run_scoped3A_133, %dma_start3A_393] : memref<25x128xi32, #tpu.memory_space<vmem>> -> memref<1x128xi32, #tpu.memory_space<vmem>>
        %dma_start3A_395 = tpu.memref_squeeze %dma_start3A_394 : memref<1x128xi32, #tpu.memory_space<vmem>> -> memref<128xi32, #tpu.memory_space<vmem>>
        %dma_start3A_396 = arith.constant 0 : i32
        %dma_start3A_397 = arith.constant 0 : i32
        %dma_start3A_398 = tpu.memref_slice %arg14[%dma_start3A_396, %dma_start3A_397] : memref<1025x1xf32, #tpu.memory_space<vmem_shared>> -> memref<1025x1xf32, #tpu.memory_space<vmem_shared>>
        tpu.enqueue_indirect_dma source(%arg12 : memref<128x1xf32, #tpu.memory_space<vmem>>) target(%dma_start3A_398 : memref<1025x1xf32, #tpu.memory_space<vmem_shared>>) offsets(%dma_start3A_395 : memref<128xi32, #tpu.memory_space<vmem>>) semaphore(%run_scoped3A_392 : memref<!tpu.dma_semaphore, #tpu.memory_space<semaphore_mem>>) {add = true}
        %dma_wait3A_399 = arith.constant 0 : i32
        %dma_wait3A_400 = tpu.memref_slice %arg11[%run_scoped3A_133, %dma_wait3A_399] : memref<25x128xi32, #tpu.memory_space<vmem>> -> memref<1x128xi32, #tpu.memory_space<vmem>>
        %dma_wait3A_401 = tpu.memref_squeeze %dma_wait3A_400 : memref<1x128xi32, #tpu.memory_space<vmem>> -> memref<128xi32, #tpu.memory_space<vmem>>
        %dma_wait3A_402 = arith.constant 0 : i32
        %dma_wait3A_403 = arith.constant 0 : i32
        %dma_wait3A_404 = tpu.memref_slice %arg14[%dma_wait3A_402, %dma_wait3A_403] : memref<1025x1xf32, #tpu.memory_space<vmem_shared>> -> memref<1025x1xf32, #tpu.memory_space<vmem_shared>>
        tpu.wait_indirect_dma semaphore(%run_scoped3A_392 : memref<!tpu.dma_semaphore, #tpu.memory_space<semaphore_mem>>) src(%arg12 : memref<128x1xf32, #tpu.memory_space<vmem>>) dst(%dma_wait3A_404 : memref<1025x1xf32, #tpu.memory_space<vmem_shared>>)
        tpu.yield
      }) : () -> ()
      %dma_wait3A_134 = arith.constant 0 : i32
      %dma_wait3A_135 = tpu.memref_slice %arg2[%add3A_127, %dma_wait3A_134] : memref<100000x14xf32, #tpu.memory_space<hbm>> -> memref<128x14xf32, #tpu.memory_space<hbm>>
      %dma_wait3A_136 = arith.constant 0 : i32
      %dma_wait3A_137 = tpu.memref_slice %arg2[%add3A_127, %dma_wait3A_136] : memref<100000x14xf32, #tpu.memory_space<hbm>> -> memref<128x14xf32, #tpu.memory_space<hbm>>
      tpu.wait_dma2 semaphore(%arg15 : memref<!tpu.dma_semaphore, #tpu.memory_space<semaphore_mem>>) src(%dma_wait3A_137 : memref<128x14xf32, #tpu.memory_space<hbm>>) dst(%arg10 : memref<128x14xf32, #tpu.memory_space<vmem>>)
      %add3A_138 = arith.constant 512 : i32
      %add3A_139 = arith.addi %mul3A_2, %add3A_138 : i32
      %dma_start3A_140 = arith.constant 0 : i32
      %dma_start3A_141 = tpu.memref_slice %arg2[%add3A_139, %dma_start3A_140] : memref<100000x14xf32, #tpu.memory_space<hbm>> -> memref<128x14xf32, #tpu.memory_space<hbm>>
      %dma_start3A_142 = arith.constant 0 : i32
      %dma_start3A_143 = tpu.memref_slice %arg2[%add3A_139, %dma_start3A_142] : memref<100000x14xf32, #tpu.memory_space<hbm>> -> memref<128x14xf32, #tpu.memory_space<hbm>>
      tpu.enqueue_dma source(%dma_start3A_143 : memref<128x14xf32, #tpu.memory_space<hbm>>) target(%arg9 : memref<128x14xf32, #tpu.memory_space<vmem>>) target_semaphore(%arg15 : memref<!tpu.dma_semaphore, #tpu.memory_space<semaphore_mem>>)
      %run_scoped3A_144 = arith.constant 3 : i32
      "tpu.region"() ({
        %run_scoped3A_392 = tpu.sem_alloc : memref<!tpu.dma_semaphore, #tpu.memory_space<semaphore_mem>>
        %dma_start3A_393 = arith.constant 0 : i32
        %dma_start3A_394 = tpu.memref_slice %arg11[%run_scoped3A_144, %dma_start3A_393] : memref<25x128xi32, #tpu.memory_space<vmem>> -> memref<1x128xi32, #tpu.memory_space<vmem>>
        %dma_start3A_395 = tpu.memref_squeeze %dma_start3A_394 : memref<1x128xi32, #tpu.memory_space<vmem>> -> memref<128xi32, #tpu.memory_space<vmem>>
        %dma_start3A_396 = arith.constant 0 : i32
        %dma_start3A_397 = arith.constant 0 : i32
        %dma_start3A_398 = tpu.memref_slice %arg13[%dma_start3A_396, %dma_start3A_397] : memref<1025x14xf32, #tpu.memory_space<vmem_shared>> -> memref<1025x14xf32, #tpu.memory_space<vmem_shared>>
        tpu.enqueue_indirect_dma source(%arg10 : memref<128x14xf32, #tpu.memory_space<vmem>>) target(%dma_start3A_398 : memref<1025x14xf32, #tpu.memory_space<vmem_shared>>) offsets(%dma_start3A_395 : memref<128xi32, #tpu.memory_space<vmem>>) semaphore(%run_scoped3A_392 : memref<!tpu.dma_semaphore, #tpu.memory_space<semaphore_mem>>) {add = true}
        %dma_wait3A_399 = arith.constant 0 : i32
        %dma_wait3A_400 = tpu.memref_slice %arg11[%run_scoped3A_144, %dma_wait3A_399] : memref<25x128xi32, #tpu.memory_space<vmem>> -> memref<1x128xi32, #tpu.memory_space<vmem>>
        %dma_wait3A_401 = tpu.memref_squeeze %dma_wait3A_400 : memref<1x128xi32, #tpu.memory_space<vmem>> -> memref<128xi32, #tpu.memory_space<vmem>>
        %dma_wait3A_402 = arith.constant 0 : i32
        %dma_wait3A_403 = arith.constant 0 : i32
        %dma_wait3A_404 = tpu.memref_slice %arg13[%dma_wait3A_402, %dma_wait3A_403] : memref<1025x14xf32, #tpu.memory_space<vmem_shared>> -> memref<1025x14xf32, #tpu.memory_space<vmem_shared>>
        tpu.wait_indirect_dma semaphore(%run_scoped3A_392 : memref<!tpu.dma_semaphore, #tpu.memory_space<semaphore_mem>>) src(%arg10 : memref<128x14xf32, #tpu.memory_space<vmem>>) dst(%dma_wait3A_404 : memref<1025x14xf32, #tpu.memory_space<vmem_shared>>)
        tpu.yield
      }) : () -> ()
      %run_scoped3A_145 = arith.constant 3 : i32
      "tpu.region"() ({
        %run_scoped3A_392 = tpu.sem_alloc : memref<!tpu.dma_semaphore, #tpu.memory_space<semaphore_mem>>
        %dma_start3A_393 = arith.constant 0 : i32
        %dma_start3A_394 = tpu.memref_slice %arg11[%run_scoped3A_145, %dma_start3A_393] : memref<25x128xi32, #tpu.memory_space<vmem>> -> memref<1x128xi32, #tpu.memory_space<vmem>>
        %dma_start3A_395 = tpu.memref_squeeze %dma_start3A_394 : memref<1x128xi32, #tpu.memory_space<vmem>> -> memref<128xi32, #tpu.memory_space<vmem>>
        %dma_start3A_396 = arith.constant 0 : i32
        %dma_start3A_397 = arith.constant 0 : i32
        %dma_start3A_398 = tpu.memref_slice %arg14[%dma_start3A_396, %dma_start3A_397] : memref<1025x1xf32, #tpu.memory_space<vmem_shared>> -> memref<1025x1xf32, #tpu.memory_space<vmem_shared>>
        tpu.enqueue_indirect_dma source(%arg12 : memref<128x1xf32, #tpu.memory_space<vmem>>) target(%dma_start3A_398 : memref<1025x1xf32, #tpu.memory_space<vmem_shared>>) offsets(%dma_start3A_395 : memref<128xi32, #tpu.memory_space<vmem>>) semaphore(%run_scoped3A_392 : memref<!tpu.dma_semaphore, #tpu.memory_space<semaphore_mem>>) {add = true}
        %dma_wait3A_399 = arith.constant 0 : i32
        %dma_wait3A_400 = tpu.memref_slice %arg11[%run_scoped3A_145, %dma_wait3A_399] : memref<25x128xi32, #tpu.memory_space<vmem>> -> memref<1x128xi32, #tpu.memory_space<vmem>>
        %dma_wait3A_401 = tpu.memref_squeeze %dma_wait3A_400 : memref<1x128xi32, #tpu.memory_space<vmem>> -> memref<128xi32, #tpu.memory_space<vmem>>
        %dma_wait3A_402 = arith.constant 0 : i32
        %dma_wait3A_403 = arith.constant 0 : i32
        %dma_wait3A_404 = tpu.memref_slice %arg14[%dma_wait3A_402, %dma_wait3A_403] : memref<1025x1xf32, #tpu.memory_space<vmem_shared>> -> memref<1025x1xf32, #tpu.memory_space<vmem_shared>>
        tpu.wait_indirect_dma semaphore(%run_scoped3A_392 : memref<!tpu.dma_semaphore, #tpu.memory_space<semaphore_mem>>) src(%arg12 : memref<128x1xf32, #tpu.memory_space<vmem>>) dst(%dma_wait3A_404 : memref<1025x1xf32, #tpu.memory_space<vmem_shared>>)
        tpu.yield
      }) : () -> ()
      %dma_wait3A_146 = arith.constant 0 : i32
      %dma_wait3A_147 = tpu.memref_slice %arg2[%add3A_139, %dma_wait3A_146] : memref<100000x14xf32, #tpu.memory_space<hbm>> -> memref<128x14xf32, #tpu.memory_space<hbm>>
      %dma_wait3A_148 = arith.constant 0 : i32
      %dma_wait3A_149 = tpu.memref_slice %arg2[%add3A_139, %dma_wait3A_148] : memref<100000x14xf32, #tpu.memory_space<hbm>> -> memref<128x14xf32, #tpu.memory_space<hbm>>
      tpu.wait_dma2 semaphore(%arg15 : memref<!tpu.dma_semaphore, #tpu.memory_space<semaphore_mem>>) src(%dma_wait3A_149 : memref<128x14xf32, #tpu.memory_space<hbm>>) dst(%arg9 : memref<128x14xf32, #tpu.memory_space<vmem>>)
      %add3A_150 = arith.constant 640 : i32
      %add3A_151 = arith.addi %mul3A_2, %add3A_150 : i32
      %dma_start3A_152 = arith.constant 0 : i32
      %dma_start3A_153 = tpu.memref_slice %arg2[%add3A_151, %dma_start3A_152] : memref<100000x14xf32, #tpu.memory_space<hbm>> -> memref<128x14xf32, #tpu.memory_space<hbm>>
      %dma_start3A_154 = arith.constant 0 : i32
      %dma_start3A_155 = tpu.memref_slice %arg2[%add3A_151, %dma_start3A_154] : memref<100000x14xf32, #tpu.memory_space<hbm>> -> memref<128x14xf32, #tpu.memory_space<hbm>>
      tpu.enqueue_dma source(%dma_start3A_155 : memref<128x14xf32, #tpu.memory_space<hbm>>) target(%arg10 : memref<128x14xf32, #tpu.memory_space<vmem>>) target_semaphore(%arg15 : memref<!tpu.dma_semaphore, #tpu.memory_space<semaphore_mem>>)
      %run_scoped3A_156 = arith.constant 4 : i32
      "tpu.region"() ({
        %run_scoped3A_392 = tpu.sem_alloc : memref<!tpu.dma_semaphore, #tpu.memory_space<semaphore_mem>>
        %dma_start3A_393 = arith.constant 0 : i32
        %dma_start3A_394 = tpu.memref_slice %arg11[%run_scoped3A_156, %dma_start3A_393] : memref<25x128xi32, #tpu.memory_space<vmem>> -> memref<1x128xi32, #tpu.memory_space<vmem>>
        %dma_start3A_395 = tpu.memref_squeeze %dma_start3A_394 : memref<1x128xi32, #tpu.memory_space<vmem>> -> memref<128xi32, #tpu.memory_space<vmem>>
        %dma_start3A_396 = arith.constant 0 : i32
        %dma_start3A_397 = arith.constant 0 : i32
        %dma_start3A_398 = tpu.memref_slice %arg13[%dma_start3A_396, %dma_start3A_397] : memref<1025x14xf32, #tpu.memory_space<vmem_shared>> -> memref<1025x14xf32, #tpu.memory_space<vmem_shared>>
        tpu.enqueue_indirect_dma source(%arg9 : memref<128x14xf32, #tpu.memory_space<vmem>>) target(%dma_start3A_398 : memref<1025x14xf32, #tpu.memory_space<vmem_shared>>) offsets(%dma_start3A_395 : memref<128xi32, #tpu.memory_space<vmem>>) semaphore(%run_scoped3A_392 : memref<!tpu.dma_semaphore, #tpu.memory_space<semaphore_mem>>) {add = true}
        %dma_wait3A_399 = arith.constant 0 : i32
        %dma_wait3A_400 = tpu.memref_slice %arg11[%run_scoped3A_156, %dma_wait3A_399] : memref<25x128xi32, #tpu.memory_space<vmem>> -> memref<1x128xi32, #tpu.memory_space<vmem>>
        %dma_wait3A_401 = tpu.memref_squeeze %dma_wait3A_400 : memref<1x128xi32, #tpu.memory_space<vmem>> -> memref<128xi32, #tpu.memory_space<vmem>>
        %dma_wait3A_402 = arith.constant 0 : i32
        %dma_wait3A_403 = arith.constant 0 : i32
        %dma_wait3A_404 = tpu.memref_slice %arg13[%dma_wait3A_402, %dma_wait3A_403] : memref<1025x14xf32, #tpu.memory_space<vmem_shared>> -> memref<1025x14xf32, #tpu.memory_space<vmem_shared>>
        tpu.wait_indirect_dma semaphore(%run_scoped3A_392 : memref<!tpu.dma_semaphore, #tpu.memory_space<semaphore_mem>>) src(%arg9 : memref<128x14xf32, #tpu.memory_space<vmem>>) dst(%dma_wait3A_404 : memref<1025x14xf32, #tpu.memory_space<vmem_shared>>)
        tpu.yield
      }) : () -> ()
      %run_scoped3A_157 = arith.constant 4 : i32
      "tpu.region"() ({
        %run_scoped3A_392 = tpu.sem_alloc : memref<!tpu.dma_semaphore, #tpu.memory_space<semaphore_mem>>
        %dma_start3A_393 = arith.constant 0 : i32
        %dma_start3A_394 = tpu.memref_slice %arg11[%run_scoped3A_157, %dma_start3A_393] : memref<25x128xi32, #tpu.memory_space<vmem>> -> memref<1x128xi32, #tpu.memory_space<vmem>>
        %dma_start3A_395 = tpu.memref_squeeze %dma_start3A_394 : memref<1x128xi32, #tpu.memory_space<vmem>> -> memref<128xi32, #tpu.memory_space<vmem>>
        %dma_start3A_396 = arith.constant 0 : i32
        %dma_start3A_397 = arith.constant 0 : i32
        %dma_start3A_398 = tpu.memref_slice %arg14[%dma_start3A_396, %dma_start3A_397] : memref<1025x1xf32, #tpu.memory_space<vmem_shared>> -> memref<1025x1xf32, #tpu.memory_space<vmem_shared>>
        tpu.enqueue_indirect_dma source(%arg12 : memref<128x1xf32, #tpu.memory_space<vmem>>) target(%dma_start3A_398 : memref<1025x1xf32, #tpu.memory_space<vmem_shared>>) offsets(%dma_start3A_395 : memref<128xi32, #tpu.memory_space<vmem>>) semaphore(%run_scoped3A_392 : memref<!tpu.dma_semaphore, #tpu.memory_space<semaphore_mem>>) {add = true}
        %dma_wait3A_399 = arith.constant 0 : i32
        %dma_wait3A_400 = tpu.memref_slice %arg11[%run_scoped3A_157, %dma_wait3A_399] : memref<25x128xi32, #tpu.memory_space<vmem>> -> memref<1x128xi32, #tpu.memory_space<vmem>>
        %dma_wait3A_401 = tpu.memref_squeeze %dma_wait3A_400 : memref<1x128xi32, #tpu.memory_space<vmem>> -> memref<128xi32, #tpu.memory_space<vmem>>
        %dma_wait3A_402 = arith.constant 0 : i32
        %dma_wait3A_403 = arith.constant 0 : i32
        %dma_wait3A_404 = tpu.memref_slice %arg14[%dma_wait3A_402, %dma_wait3A_403] : memref<1025x1xf32, #tpu.memory_space<vmem_shared>> -> memref<1025x1xf32, #tpu.memory_space<vmem_shared>>
        tpu.wait_indirect_dma semaphore(%run_scoped3A_392 : memref<!tpu.dma_semaphore, #tpu.memory_space<semaphore_mem>>) src(%arg12 : memref<128x1xf32, #tpu.memory_space<vmem>>) dst(%dma_wait3A_404 : memref<1025x1xf32, #tpu.memory_space<vmem_shared>>)
        tpu.yield
      }) : () -> ()
      %dma_wait3A_158 = arith.constant 0 : i32
      %dma_wait3A_159 = tpu.memref_slice %arg2[%add3A_151, %dma_wait3A_158] : memref<100000x14xf32, #tpu.memory_space<hbm>> -> memref<128x14xf32, #tpu.memory_space<hbm>>
      %dma_wait3A_160 = arith.constant 0 : i32
      %dma_wait3A_161 = tpu.memref_slice %arg2[%add3A_151, %dma_wait3A_160] : memref<100000x14xf32, #tpu.memory_space<hbm>> -> memref<128x14xf32, #tpu.memory_space<hbm>>
      tpu.wait_dma2 semaphore(%arg15 : memref<!tpu.dma_semaphore, #tpu.memory_space<semaphore_mem>>) src(%dma_wait3A_161 : memref<128x14xf32, #tpu.memory_space<hbm>>) dst(%arg10 : memref<128x14xf32, #tpu.memory_space<vmem>>)
      %add3A_162 = arith.constant 768 : i32
      %add3A_163 = arith.addi %mul3A_2, %add3A_162 : i32
      %dma_start3A_164 = arith.constant 0 : i32
      %dma_start3A_165 = tpu.memref_slice %arg2[%add3A_163, %dma_start3A_164] : memref<100000x14xf32, #tpu.memory_space<hbm>> -> memref<128x14xf32, #tpu.memory_space<hbm>>
      %dma_start3A_166 = arith.constant 0 : i32
      %dma_start3A_167 = tpu.memref_slice %arg2[%add3A_163, %dma_start3A_166] : memref<100000x14xf32, #tpu.memory_space<hbm>> -> memref<128x14xf32, #tpu.memory_space<hbm>>
      tpu.enqueue_dma source(%dma_start3A_167 : memref<128x14xf32, #tpu.memory_space<hbm>>) target(%arg9 : memref<128x14xf32, #tpu.memory_space<vmem>>) target_semaphore(%arg15 : memref<!tpu.dma_semaphore, #tpu.memory_space<semaphore_mem>>)
      %run_scoped3A_168 = arith.constant 5 : i32
      "tpu.region"() ({
        %run_scoped3A_392 = tpu.sem_alloc : memref<!tpu.dma_semaphore, #tpu.memory_space<semaphore_mem>>
        %dma_start3A_393 = arith.constant 0 : i32
        %dma_start3A_394 = tpu.memref_slice %arg11[%run_scoped3A_168, %dma_start3A_393] : memref<25x128xi32, #tpu.memory_space<vmem>> -> memref<1x128xi32, #tpu.memory_space<vmem>>
        %dma_start3A_395 = tpu.memref_squeeze %dma_start3A_394 : memref<1x128xi32, #tpu.memory_space<vmem>> -> memref<128xi32, #tpu.memory_space<vmem>>
        %dma_start3A_396 = arith.constant 0 : i32
        %dma_start3A_397 = arith.constant 0 : i32
        %dma_start3A_398 = tpu.memref_slice %arg13[%dma_start3A_396, %dma_start3A_397] : memref<1025x14xf32, #tpu.memory_space<vmem_shared>> -> memref<1025x14xf32, #tpu.memory_space<vmem_shared>>
        tpu.enqueue_indirect_dma source(%arg10 : memref<128x14xf32, #tpu.memory_space<vmem>>) target(%dma_start3A_398 : memref<1025x14xf32, #tpu.memory_space<vmem_shared>>) offsets(%dma_start3A_395 : memref<128xi32, #tpu.memory_space<vmem>>) semaphore(%run_scoped3A_392 : memref<!tpu.dma_semaphore, #tpu.memory_space<semaphore_mem>>) {add = true}
        %dma_wait3A_399 = arith.constant 0 : i32
        %dma_wait3A_400 = tpu.memref_slice %arg11[%run_scoped3A_168, %dma_wait3A_399] : memref<25x128xi32, #tpu.memory_space<vmem>> -> memref<1x128xi32, #tpu.memory_space<vmem>>
        %dma_wait3A_401 = tpu.memref_squeeze %dma_wait3A_400 : memref<1x128xi32, #tpu.memory_space<vmem>> -> memref<128xi32, #tpu.memory_space<vmem>>
        %dma_wait3A_402 = arith.constant 0 : i32
        %dma_wait3A_403 = arith.constant 0 : i32
        %dma_wait3A_404 = tpu.memref_slice %arg13[%dma_wait3A_402, %dma_wait3A_403] : memref<1025x14xf32, #tpu.memory_space<vmem_shared>> -> memref<1025x14xf32, #tpu.memory_space<vmem_shared>>
        tpu.wait_indirect_dma semaphore(%run_scoped3A_392 : memref<!tpu.dma_semaphore, #tpu.memory_space<semaphore_mem>>) src(%arg10 : memref<128x14xf32, #tpu.memory_space<vmem>>) dst(%dma_wait3A_404 : memref<1025x14xf32, #tpu.memory_space<vmem_shared>>)
        tpu.yield
      }) : () -> ()
      %run_scoped3A_169 = arith.constant 5 : i32
      "tpu.region"() ({
        %run_scoped3A_392 = tpu.sem_alloc : memref<!tpu.dma_semaphore, #tpu.memory_space<semaphore_mem>>
        %dma_start3A_393 = arith.constant 0 : i32
        %dma_start3A_394 = tpu.memref_slice %arg11[%run_scoped3A_169, %dma_start3A_393] : memref<25x128xi32, #tpu.memory_space<vmem>> -> memref<1x128xi32, #tpu.memory_space<vmem>>
        %dma_start3A_395 = tpu.memref_squeeze %dma_start3A_394 : memref<1x128xi32, #tpu.memory_space<vmem>> -> memref<128xi32, #tpu.memory_space<vmem>>
        %dma_start3A_396 = arith.constant 0 : i32
        %dma_start3A_397 = arith.constant 0 : i32
        %dma_start3A_398 = tpu.memref_slice %arg14[%dma_start3A_396, %dma_start3A_397] : memref<1025x1xf32, #tpu.memory_space<vmem_shared>> -> memref<1025x1xf32, #tpu.memory_space<vmem_shared>>
        tpu.enqueue_indirect_dma source(%arg12 : memref<128x1xf32, #tpu.memory_space<vmem>>) target(%dma_start3A_398 : memref<1025x1xf32, #tpu.memory_space<vmem_shared>>) offsets(%dma_start3A_395 : memref<128xi32, #tpu.memory_space<vmem>>) semaphore(%run_scoped3A_392 : memref<!tpu.dma_semaphore, #tpu.memory_space<semaphore_mem>>) {add = true}
        %dma_wait3A_399 = arith.constant 0 : i32
        %dma_wait3A_400 = tpu.memref_slice %arg11[%run_scoped3A_169, %dma_wait3A_399] : memref<25x128xi32, #tpu.memory_space<vmem>> -> memref<1x128xi32, #tpu.memory_space<vmem>>
        %dma_wait3A_401 = tpu.memref_squeeze %dma_wait3A_400 : memref<1x128xi32, #tpu.memory_space<vmem>> -> memref<128xi32, #tpu.memory_space<vmem>>
        %dma_wait3A_402 = arith.constant 0 : i32
        %dma_wait3A_403 = arith.constant 0 : i32
        %dma_wait3A_404 = tpu.memref_slice %arg14[%dma_wait3A_402, %dma_wait3A_403] : memref<1025x1xf32, #tpu.memory_space<vmem_shared>> -> memref<1025x1xf32, #tpu.memory_space<vmem_shared>>
        tpu.wait_indirect_dma semaphore(%run_scoped3A_392 : memref<!tpu.dma_semaphore, #tpu.memory_space<semaphore_mem>>) src(%arg12 : memref<128x1xf32, #tpu.memory_space<vmem>>) dst(%dma_wait3A_404 : memref<1025x1xf32, #tpu.memory_space<vmem_shared>>)
        tpu.yield
      }) : () -> ()
      %dma_wait3A_170 = arith.constant 0 : i32
      %dma_wait3A_171 = tpu.memref_slice %arg2[%add3A_163, %dma_wait3A_170] : memref<100000x14xf32, #tpu.memory_space<hbm>> -> memref<128x14xf32, #tpu.memory_space<hbm>>
      %dma_wait3A_172 = arith.constant 0 : i32
      %dma_wait3A_173 = tpu.memref_slice %arg2[%add3A_163, %dma_wait3A_172] : memref<100000x14xf32, #tpu.memory_space<hbm>> -> memref<128x14xf32, #tpu.memory_space<hbm>>
      tpu.wait_dma2 semaphore(%arg15 : memref<!tpu.dma_semaphore, #tpu.memory_space<semaphore_mem>>) src(%dma_wait3A_173 : memref<128x14xf32, #tpu.memory_space<hbm>>) dst(%arg9 : memref<128x14xf32, #tpu.memory_space<vmem>>)
      %add3A_174 = arith.constant 896 : i32
      %add3A_175 = arith.addi %mul3A_2, %add3A_174 : i32
      %dma_start3A_176 = arith.constant 0 : i32
      %dma_start3A_177 = tpu.memref_slice %arg2[%add3A_175, %dma_start3A_176] : memref<100000x14xf32, #tpu.memory_space<hbm>> -> memref<128x14xf32, #tpu.memory_space<hbm>>
      %dma_start3A_178 = arith.constant 0 : i32
      %dma_start3A_179 = tpu.memref_slice %arg2[%add3A_175, %dma_start3A_178] : memref<100000x14xf32, #tpu.memory_space<hbm>> -> memref<128x14xf32, #tpu.memory_space<hbm>>
      tpu.enqueue_dma source(%dma_start3A_179 : memref<128x14xf32, #tpu.memory_space<hbm>>) target(%arg10 : memref<128x14xf32, #tpu.memory_space<vmem>>) target_semaphore(%arg15 : memref<!tpu.dma_semaphore, #tpu.memory_space<semaphore_mem>>)
      %run_scoped3A_180 = arith.constant 6 : i32
      "tpu.region"() ({
        %run_scoped3A_392 = tpu.sem_alloc : memref<!tpu.dma_semaphore, #tpu.memory_space<semaphore_mem>>
        %dma_start3A_393 = arith.constant 0 : i32
        %dma_start3A_394 = tpu.memref_slice %arg11[%run_scoped3A_180, %dma_start3A_393] : memref<25x128xi32, #tpu.memory_space<vmem>> -> memref<1x128xi32, #tpu.memory_space<vmem>>
        %dma_start3A_395 = tpu.memref_squeeze %dma_start3A_394 : memref<1x128xi32, #tpu.memory_space<vmem>> -> memref<128xi32, #tpu.memory_space<vmem>>
        %dma_start3A_396 = arith.constant 0 : i32
        %dma_start3A_397 = arith.constant 0 : i32
        %dma_start3A_398 = tpu.memref_slice %arg13[%dma_start3A_396, %dma_start3A_397] : memref<1025x14xf32, #tpu.memory_space<vmem_shared>> -> memref<1025x14xf32, #tpu.memory_space<vmem_shared>>
        tpu.enqueue_indirect_dma source(%arg9 : memref<128x14xf32, #tpu.memory_space<vmem>>) target(%dma_start3A_398 : memref<1025x14xf32, #tpu.memory_space<vmem_shared>>) offsets(%dma_start3A_395 : memref<128xi32, #tpu.memory_space<vmem>>) semaphore(%run_scoped3A_392 : memref<!tpu.dma_semaphore, #tpu.memory_space<semaphore_mem>>) {add = true}
        %dma_wait3A_399 = arith.constant 0 : i32
        %dma_wait3A_400 = tpu.memref_slice %arg11[%run_scoped3A_180, %dma_wait3A_399] : memref<25x128xi32, #tpu.memory_space<vmem>> -> memref<1x128xi32, #tpu.memory_space<vmem>>
        %dma_wait3A_401 = tpu.memref_squeeze %dma_wait3A_400 : memref<1x128xi32, #tpu.memory_space<vmem>> -> memref<128xi32, #tpu.memory_space<vmem>>
        %dma_wait3A_402 = arith.constant 0 : i32
        %dma_wait3A_403 = arith.constant 0 : i32
        %dma_wait3A_404 = tpu.memref_slice %arg13[%dma_wait3A_402, %dma_wait3A_403] : memref<1025x14xf32, #tpu.memory_space<vmem_shared>> -> memref<1025x14xf32, #tpu.memory_space<vmem_shared>>
        tpu.wait_indirect_dma semaphore(%run_scoped3A_392 : memref<!tpu.dma_semaphore, #tpu.memory_space<semaphore_mem>>) src(%arg9 : memref<128x14xf32, #tpu.memory_space<vmem>>) dst(%dma_wait3A_404 : memref<1025x14xf32, #tpu.memory_space<vmem_shared>>)
        tpu.yield
      }) : () -> ()
      %run_scoped3A_181 = arith.constant 6 : i32
      "tpu.region"() ({
        %run_scoped3A_392 = tpu.sem_alloc : memref<!tpu.dma_semaphore, #tpu.memory_space<semaphore_mem>>
        %dma_start3A_393 = arith.constant 0 : i32
        %dma_start3A_394 = tpu.memref_slice %arg11[%run_scoped3A_181, %dma_start3A_393] : memref<25x128xi32, #tpu.memory_space<vmem>> -> memref<1x128xi32, #tpu.memory_space<vmem>>
        %dma_start3A_395 = tpu.memref_squeeze %dma_start3A_394 : memref<1x128xi32, #tpu.memory_space<vmem>> -> memref<128xi32, #tpu.memory_space<vmem>>
        %dma_start3A_396 = arith.constant 0 : i32
        %dma_start3A_397 = arith.constant 0 : i32
        %dma_start3A_398 = tpu.memref_slice %arg14[%dma_start3A_396, %dma_start3A_397] : memref<1025x1xf32, #tpu.memory_space<vmem_shared>> -> memref<1025x1xf32, #tpu.memory_space<vmem_shared>>
        tpu.enqueue_indirect_dma source(%arg12 : memref<128x1xf32, #tpu.memory_space<vmem>>) target(%dma_start3A_398 : memref<1025x1xf32, #tpu.memory_space<vmem_shared>>) offsets(%dma_start3A_395 : memref<128xi32, #tpu.memory_space<vmem>>) semaphore(%run_scoped3A_392 : memref<!tpu.dma_semaphore, #tpu.memory_space<semaphore_mem>>) {add = true}
        %dma_wait3A_399 = arith.constant 0 : i32
        %dma_wait3A_400 = tpu.memref_slice %arg11[%run_scoped3A_181, %dma_wait3A_399] : memref<25x128xi32, #tpu.memory_space<vmem>> -> memref<1x128xi32, #tpu.memory_space<vmem>>
        %dma_wait3A_401 = tpu.memref_squeeze %dma_wait3A_400 : memref<1x128xi32, #tpu.memory_space<vmem>> -> memref<128xi32, #tpu.memory_space<vmem>>
        %dma_wait3A_402 = arith.constant 0 : i32
        %dma_wait3A_403 = arith.constant 0 : i32
        %dma_wait3A_404 = tpu.memref_slice %arg14[%dma_wait3A_402, %dma_wait3A_403] : memref<1025x1xf32, #tpu.memory_space<vmem_shared>> -> memref<1025x1xf32, #tpu.memory_space<vmem_shared>>
        tpu.wait_indirect_dma semaphore(%run_scoped3A_392 : memref<!tpu.dma_semaphore, #tpu.memory_space<semaphore_mem>>) src(%arg12 : memref<128x1xf32, #tpu.memory_space<vmem>>) dst(%dma_wait3A_404 : memref<1025x1xf32, #tpu.memory_space<vmem_shared>>)
        tpu.yield
      }) : () -> ()
      %dma_wait3A_182 = arith.constant 0 : i32
      %dma_wait3A_183 = tpu.memref_slice %arg2[%add3A_175, %dma_wait3A_182] : memref<100000x14xf32, #tpu.memory_space<hbm>> -> memref<128x14xf32, #tpu.memory_space<hbm>>
      %dma_wait3A_184 = arith.constant 0 : i32
      %dma_wait3A_185 = tpu.memref_slice %arg2[%add3A_175, %dma_wait3A_184] : memref<100000x14xf32, #tpu.memory_space<hbm>> -> memref<128x14xf32, #tpu.memory_space<hbm>>
      tpu.wait_dma2 semaphore(%arg15 : memref<!tpu.dma_semaphore, #tpu.memory_space<semaphore_mem>>) src(%dma_wait3A_185 : memref<128x14xf32, #tpu.memory_space<hbm>>) dst(%arg10 : memref<128x14xf32, #tpu.memory_space<vmem>>)
      %add3A_186 = arith.constant 1024 : i32
      %add3A_187 = arith.addi %mul3A_2, %add3A_186 : i32
      %dma_start3A_188 = arith.constant 0 : i32
      %dma_start3A_189 = tpu.memref_slice %arg2[%add3A_187, %dma_start3A_188] : memref<100000x14xf32, #tpu.memory_space<hbm>> -> memref<128x14xf32, #tpu.memory_space<hbm>>
      %dma_start3A_190 = arith.constant 0 : i32
      %dma_start3A_191 = tpu.memref_slice %arg2[%add3A_187, %dma_start3A_190] : memref<100000x14xf32, #tpu.memory_space<hbm>> -> memref<128x14xf32, #tpu.memory_space<hbm>>
      tpu.enqueue_dma source(%dma_start3A_191 : memref<128x14xf32, #tpu.memory_space<hbm>>) target(%arg9 : memref<128x14xf32, #tpu.memory_space<vmem>>) target_semaphore(%arg15 : memref<!tpu.dma_semaphore, #tpu.memory_space<semaphore_mem>>)
      %run_scoped3A_192 = arith.constant 7 : i32
      "tpu.region"() ({
        %run_scoped3A_392 = tpu.sem_alloc : memref<!tpu.dma_semaphore, #tpu.memory_space<semaphore_mem>>
        %dma_start3A_393 = arith.constant 0 : i32
        %dma_start3A_394 = tpu.memref_slice %arg11[%run_scoped3A_192, %dma_start3A_393] : memref<25x128xi32, #tpu.memory_space<vmem>> -> memref<1x128xi32, #tpu.memory_space<vmem>>
        %dma_start3A_395 = tpu.memref_squeeze %dma_start3A_394 : memref<1x128xi32, #tpu.memory_space<vmem>> -> memref<128xi32, #tpu.memory_space<vmem>>
        %dma_start3A_396 = arith.constant 0 : i32
        %dma_start3A_397 = arith.constant 0 : i32
        %dma_start3A_398 = tpu.memref_slice %arg13[%dma_start3A_396, %dma_start3A_397] : memref<1025x14xf32, #tpu.memory_space<vmem_shared>> -> memref<1025x14xf32, #tpu.memory_space<vmem_shared>>
        tpu.enqueue_indirect_dma source(%arg10 : memref<128x14xf32, #tpu.memory_space<vmem>>) target(%dma_start3A_398 : memref<1025x14xf32, #tpu.memory_space<vmem_shared>>) offsets(%dma_start3A_395 : memref<128xi32, #tpu.memory_space<vmem>>) semaphore(%run_scoped3A_392 : memref<!tpu.dma_semaphore, #tpu.memory_space<semaphore_mem>>) {add = true}
        %dma_wait3A_399 = arith.constant 0 : i32
        %dma_wait3A_400 = tpu.memref_slice %arg11[%run_scoped3A_192, %dma_wait3A_399] : memref<25x128xi32, #tpu.memory_space<vmem>> -> memref<1x128xi32, #tpu.memory_space<vmem>>
        %dma_wait3A_401 = tpu.memref_squeeze %dma_wait3A_400 : memref<1x128xi32, #tpu.memory_space<vmem>> -> memref<128xi32, #tpu.memory_space<vmem>>
        %dma_wait3A_402 = arith.constant 0 : i32
        %dma_wait3A_403 = arith.constant 0 : i32
        %dma_wait3A_404 = tpu.memref_slice %arg13[%dma_wait3A_402, %dma_wait3A_403] : memref<1025x14xf32, #tpu.memory_space<vmem_shared>> -> memref<1025x14xf32, #tpu.memory_space<vmem_shared>>
        tpu.wait_indirect_dma semaphore(%run_scoped3A_392 : memref<!tpu.dma_semaphore, #tpu.memory_space<semaphore_mem>>) src(%arg10 : memref<128x14xf32, #tpu.memory_space<vmem>>) dst(%dma_wait3A_404 : memref<1025x14xf32, #tpu.memory_space<vmem_shared>>)
        tpu.yield
      }) : () -> ()
      %run_scoped3A_193 = arith.constant 7 : i32
      "tpu.region"() ({
        %run_scoped3A_392 = tpu.sem_alloc : memref<!tpu.dma_semaphore, #tpu.memory_space<semaphore_mem>>
        %dma_start3A_393 = arith.constant 0 : i32
        %dma_start3A_394 = tpu.memref_slice %arg11[%run_scoped3A_193, %dma_start3A_393] : memref<25x128xi32, #tpu.memory_space<vmem>> -> memref<1x128xi32, #tpu.memory_space<vmem>>
        %dma_start3A_395 = tpu.memref_squeeze %dma_start3A_394 : memref<1x128xi32, #tpu.memory_space<vmem>> -> memref<128xi32, #tpu.memory_space<vmem>>
        %dma_start3A_396 = arith.constant 0 : i32
        %dma_start3A_397 = arith.constant 0 : i32
        %dma_start3A_398 = tpu.memref_slice %arg14[%dma_start3A_396, %dma_start3A_397] : memref<1025x1xf32, #tpu.memory_space<vmem_shared>> -> memref<1025x1xf32, #tpu.memory_space<vmem_shared>>
        tpu.enqueue_indirect_dma source(%arg12 : memref<128x1xf32, #tpu.memory_space<vmem>>) target(%dma_start3A_398 : memref<1025x1xf32, #tpu.memory_space<vmem_shared>>) offsets(%dma_start3A_395 : memref<128xi32, #tpu.memory_space<vmem>>) semaphore(%run_scoped3A_392 : memref<!tpu.dma_semaphore, #tpu.memory_space<semaphore_mem>>) {add = true}
        %dma_wait3A_399 = arith.constant 0 : i32
        %dma_wait3A_400 = tpu.memref_slice %arg11[%run_scoped3A_193, %dma_wait3A_399] : memref<25x128xi32, #tpu.memory_space<vmem>> -> memref<1x128xi32, #tpu.memory_space<vmem>>
        %dma_wait3A_401 = tpu.memref_squeeze %dma_wait3A_400 : memref<1x128xi32, #tpu.memory_space<vmem>> -> memref<128xi32, #tpu.memory_space<vmem>>
        %dma_wait3A_402 = arith.constant 0 : i32
        %dma_wait3A_403 = arith.constant 0 : i32
        %dma_wait3A_404 = tpu.memref_slice %arg14[%dma_wait3A_402, %dma_wait3A_403] : memref<1025x1xf32, #tpu.memory_space<vmem_shared>> -> memref<1025x1xf32, #tpu.memory_space<vmem_shared>>
        tpu.wait_indirect_dma semaphore(%run_scoped3A_392 : memref<!tpu.dma_semaphore, #tpu.memory_space<semaphore_mem>>) src(%arg12 : memref<128x1xf32, #tpu.memory_space<vmem>>) dst(%dma_wait3A_404 : memref<1025x1xf32, #tpu.memory_space<vmem_shared>>)
        tpu.yield
      }) : () -> ()
      %dma_wait3A_194 = arith.constant 0 : i32
      %dma_wait3A_195 = tpu.memref_slice %arg2[%add3A_187, %dma_wait3A_194] : memref<100000x14xf32, #tpu.memory_space<hbm>> -> memref<128x14xf32, #tpu.memory_space<hbm>>
      %dma_wait3A_196 = arith.constant 0 : i32
      %dma_wait3A_197 = tpu.memref_slice %arg2[%add3A_187, %dma_wait3A_196] : memref<100000x14xf32, #tpu.memory_space<hbm>> -> memref<128x14xf32, #tpu.memory_space<hbm>>
      tpu.wait_dma2 semaphore(%arg15 : memref<!tpu.dma_semaphore, #tpu.memory_space<semaphore_mem>>) src(%dma_wait3A_197 : memref<128x14xf32, #tpu.memory_space<hbm>>) dst(%arg9 : memref<128x14xf32, #tpu.memory_space<vmem>>)
      %add3A_198 = arith.constant 1152 : i32
      %add3A_199 = arith.addi %mul3A_2, %add3A_198 : i32
      %dma_start3A_200 = arith.constant 0 : i32
      %dma_start3A_201 = tpu.memref_slice %arg2[%add3A_199, %dma_start3A_200] : memref<100000x14xf32, #tpu.memory_space<hbm>> -> memref<128x14xf32, #tpu.memory_space<hbm>>
      %dma_start3A_202 = arith.constant 0 : i32
      %dma_start3A_203 = tpu.memref_slice %arg2[%add3A_199, %dma_start3A_202] : memref<100000x14xf32, #tpu.memory_space<hbm>> -> memref<128x14xf32, #tpu.memory_space<hbm>>
      tpu.enqueue_dma source(%dma_start3A_203 : memref<128x14xf32, #tpu.memory_space<hbm>>) target(%arg10 : memref<128x14xf32, #tpu.memory_space<vmem>>) target_semaphore(%arg15 : memref<!tpu.dma_semaphore, #tpu.memory_space<semaphore_mem>>)
      %run_scoped3A_204 = arith.constant 8 : i32
      "tpu.region"() ({
        %run_scoped3A_392 = tpu.sem_alloc : memref<!tpu.dma_semaphore, #tpu.memory_space<semaphore_mem>>
        %dma_start3A_393 = arith.constant 0 : i32
        %dma_start3A_394 = tpu.memref_slice %arg11[%run_scoped3A_204, %dma_start3A_393] : memref<25x128xi32, #tpu.memory_space<vmem>> -> memref<1x128xi32, #tpu.memory_space<vmem>>
        %dma_start3A_395 = tpu.memref_squeeze %dma_start3A_394 : memref<1x128xi32, #tpu.memory_space<vmem>> -> memref<128xi32, #tpu.memory_space<vmem>>
        %dma_start3A_396 = arith.constant 0 : i32
        %dma_start3A_397 = arith.constant 0 : i32
        %dma_start3A_398 = tpu.memref_slice %arg13[%dma_start3A_396, %dma_start3A_397] : memref<1025x14xf32, #tpu.memory_space<vmem_shared>> -> memref<1025x14xf32, #tpu.memory_space<vmem_shared>>
        tpu.enqueue_indirect_dma source(%arg9 : memref<128x14xf32, #tpu.memory_space<vmem>>) target(%dma_start3A_398 : memref<1025x14xf32, #tpu.memory_space<vmem_shared>>) offsets(%dma_start3A_395 : memref<128xi32, #tpu.memory_space<vmem>>) semaphore(%run_scoped3A_392 : memref<!tpu.dma_semaphore, #tpu.memory_space<semaphore_mem>>) {add = true}
        %dma_wait3A_399 = arith.constant 0 : i32
        %dma_wait3A_400 = tpu.memref_slice %arg11[%run_scoped3A_204, %dma_wait3A_399] : memref<25x128xi32, #tpu.memory_space<vmem>> -> memref<1x128xi32, #tpu.memory_space<vmem>>
        %dma_wait3A_401 = tpu.memref_squeeze %dma_wait3A_400 : memref<1x128xi32, #tpu.memory_space<vmem>> -> memref<128xi32, #tpu.memory_space<vmem>>
        %dma_wait3A_402 = arith.constant 0 : i32
        %dma_wait3A_403 = arith.constant 0 : i32
        %dma_wait3A_404 = tpu.memref_slice %arg13[%dma_wait3A_402, %dma_wait3A_403] : memref<1025x14xf32, #tpu.memory_space<vmem_shared>> -> memref<1025x14xf32, #tpu.memory_space<vmem_shared>>
        tpu.wait_indirect_dma semaphore(%run_scoped3A_392 : memref<!tpu.dma_semaphore, #tpu.memory_space<semaphore_mem>>) src(%arg9 : memref<128x14xf32, #tpu.memory_space<vmem>>) dst(%dma_wait3A_404 : memref<1025x14xf32, #tpu.memory_space<vmem_shared>>)
        tpu.yield
      }) : () -> ()
      %run_scoped3A_205 = arith.constant 8 : i32
      "tpu.region"() ({
        %run_scoped3A_392 = tpu.sem_alloc : memref<!tpu.dma_semaphore, #tpu.memory_space<semaphore_mem>>
        %dma_start3A_393 = arith.constant 0 : i32
        %dma_start3A_394 = tpu.memref_slice %arg11[%run_scoped3A_205, %dma_start3A_393] : memref<25x128xi32, #tpu.memory_space<vmem>> -> memref<1x128xi32, #tpu.memory_space<vmem>>
        %dma_start3A_395 = tpu.memref_squeeze %dma_start3A_394 : memref<1x128xi32, #tpu.memory_space<vmem>> -> memref<128xi32, #tpu.memory_space<vmem>>
        %dma_start3A_396 = arith.constant 0 : i32
        %dma_start3A_397 = arith.constant 0 : i32
        %dma_start3A_398 = tpu.memref_slice %arg14[%dma_start3A_396, %dma_start3A_397] : memref<1025x1xf32, #tpu.memory_space<vmem_shared>> -> memref<1025x1xf32, #tpu.memory_space<vmem_shared>>
        tpu.enqueue_indirect_dma source(%arg12 : memref<128x1xf32, #tpu.memory_space<vmem>>) target(%dma_start3A_398 : memref<1025x1xf32, #tpu.memory_space<vmem_shared>>) offsets(%dma_start3A_395 : memref<128xi32, #tpu.memory_space<vmem>>) semaphore(%run_scoped3A_392 : memref<!tpu.dma_semaphore, #tpu.memory_space<semaphore_mem>>) {add = true}
        %dma_wait3A_399 = arith.constant 0 : i32
        %dma_wait3A_400 = tpu.memref_slice %arg11[%run_scoped3A_205, %dma_wait3A_399] : memref<25x128xi32, #tpu.memory_space<vmem>> -> memref<1x128xi32, #tpu.memory_space<vmem>>
        %dma_wait3A_401 = tpu.memref_squeeze %dma_wait3A_400 : memref<1x128xi32, #tpu.memory_space<vmem>> -> memref<128xi32, #tpu.memory_space<vmem>>
        %dma_wait3A_402 = arith.constant 0 : i32
        %dma_wait3A_403 = arith.constant 0 : i32
        %dma_wait3A_404 = tpu.memref_slice %arg14[%dma_wait3A_402, %dma_wait3A_403] : memref<1025x1xf32, #tpu.memory_space<vmem_shared>> -> memref<1025x1xf32, #tpu.memory_space<vmem_shared>>
        tpu.wait_indirect_dma semaphore(%run_scoped3A_392 : memref<!tpu.dma_semaphore, #tpu.memory_space<semaphore_mem>>) src(%arg12 : memref<128x1xf32, #tpu.memory_space<vmem>>) dst(%dma_wait3A_404 : memref<1025x1xf32, #tpu.memory_space<vmem_shared>>)
        tpu.yield
      }) : () -> ()
      %dma_wait3A_206 = arith.constant 0 : i32
      %dma_wait3A_207 = tpu.memref_slice %arg2[%add3A_199, %dma_wait3A_206] : memref<100000x14xf32, #tpu.memory_space<hbm>> -> memref<128x14xf32, #tpu.memory_space<hbm>>
      %dma_wait3A_208 = arith.constant 0 : i32
      %dma_wait3A_209 = tpu.memref_slice %arg2[%add3A_199, %dma_wait3A_208] : memref<100000x14xf32, #tpu.memory_space<hbm>> -> memref<128x14xf32, #tpu.memory_space<hbm>>
      tpu.wait_dma2 semaphore(%arg15 : memref<!tpu.dma_semaphore, #tpu.memory_space<semaphore_mem>>) src(%dma_wait3A_209 : memref<128x14xf32, #tpu.memory_space<hbm>>) dst(%arg10 : memref<128x14xf32, #tpu.memory_space<vmem>>)
      %add3A_210 = arith.constant 1280 : i32
      %add3A_211 = arith.addi %mul3A_2, %add3A_210 : i32
      %dma_start3A_212 = arith.constant 0 : i32
      %dma_start3A_213 = tpu.memref_slice %arg2[%add3A_211, %dma_start3A_212] : memref<100000x14xf32, #tpu.memory_space<hbm>> -> memref<128x14xf32, #tpu.memory_space<hbm>>
      %dma_start3A_214 = arith.constant 0 : i32
      %dma_start3A_215 = tpu.memref_slice %arg2[%add3A_211, %dma_start3A_214] : memref<100000x14xf32, #tpu.memory_space<hbm>> -> memref<128x14xf32, #tpu.memory_space<hbm>>
      tpu.enqueue_dma source(%dma_start3A_215 : memref<128x14xf32, #tpu.memory_space<hbm>>) target(%arg9 : memref<128x14xf32, #tpu.memory_space<vmem>>) target_semaphore(%arg15 : memref<!tpu.dma_semaphore, #tpu.memory_space<semaphore_mem>>)
      %run_scoped3A_216 = arith.constant 9 : i32
      "tpu.region"() ({
        %run_scoped3A_392 = tpu.sem_alloc : memref<!tpu.dma_semaphore, #tpu.memory_space<semaphore_mem>>
        %dma_start3A_393 = arith.constant 0 : i32
        %dma_start3A_394 = tpu.memref_slice %arg11[%run_scoped3A_216, %dma_start3A_393] : memref<25x128xi32, #tpu.memory_space<vmem>> -> memref<1x128xi32, #tpu.memory_space<vmem>>
        %dma_start3A_395 = tpu.memref_squeeze %dma_start3A_394 : memref<1x128xi32, #tpu.memory_space<vmem>> -> memref<128xi32, #tpu.memory_space<vmem>>
        %dma_start3A_396 = arith.constant 0 : i32
        %dma_start3A_397 = arith.constant 0 : i32
        %dma_start3A_398 = tpu.memref_slice %arg13[%dma_start3A_396, %dma_start3A_397] : memref<1025x14xf32, #tpu.memory_space<vmem_shared>> -> memref<1025x14xf32, #tpu.memory_space<vmem_shared>>
        tpu.enqueue_indirect_dma source(%arg10 : memref<128x14xf32, #tpu.memory_space<vmem>>) target(%dma_start3A_398 : memref<1025x14xf32, #tpu.memory_space<vmem_shared>>) offsets(%dma_start3A_395 : memref<128xi32, #tpu.memory_space<vmem>>) semaphore(%run_scoped3A_392 : memref<!tpu.dma_semaphore, #tpu.memory_space<semaphore_mem>>) {add = true}
        %dma_wait3A_399 = arith.constant 0 : i32
        %dma_wait3A_400 = tpu.memref_slice %arg11[%run_scoped3A_216, %dma_wait3A_399] : memref<25x128xi32, #tpu.memory_space<vmem>> -> memref<1x128xi32, #tpu.memory_space<vmem>>
        %dma_wait3A_401 = tpu.memref_squeeze %dma_wait3A_400 : memref<1x128xi32, #tpu.memory_space<vmem>> -> memref<128xi32, #tpu.memory_space<vmem>>
        %dma_wait3A_402 = arith.constant 0 : i32
        %dma_wait3A_403 = arith.constant 0 : i32
        %dma_wait3A_404 = tpu.memref_slice %arg13[%dma_wait3A_402, %dma_wait3A_403] : memref<1025x14xf32, #tpu.memory_space<vmem_shared>> -> memref<1025x14xf32, #tpu.memory_space<vmem_shared>>
        tpu.wait_indirect_dma semaphore(%run_scoped3A_392 : memref<!tpu.dma_semaphore, #tpu.memory_space<semaphore_mem>>) src(%arg10 : memref<128x14xf32, #tpu.memory_space<vmem>>) dst(%dma_wait3A_404 : memref<1025x14xf32, #tpu.memory_space<vmem_shared>>)
        tpu.yield
      }) : () -> ()
      %run_scoped3A_217 = arith.constant 9 : i32
      "tpu.region"() ({
        %run_scoped3A_392 = tpu.sem_alloc : memref<!tpu.dma_semaphore, #tpu.memory_space<semaphore_mem>>
        %dma_start3A_393 = arith.constant 0 : i32
        %dma_start3A_394 = tpu.memref_slice %arg11[%run_scoped3A_217, %dma_start3A_393] : memref<25x128xi32, #tpu.memory_space<vmem>> -> memref<1x128xi32, #tpu.memory_space<vmem>>
        %dma_start3A_395 = tpu.memref_squeeze %dma_start3A_394 : memref<1x128xi32, #tpu.memory_space<vmem>> -> memref<128xi32, #tpu.memory_space<vmem>>
        %dma_start3A_396 = arith.constant 0 : i32
        %dma_start3A_397 = arith.constant 0 : i32
        %dma_start3A_398 = tpu.memref_slice %arg14[%dma_start3A_396, %dma_start3A_397] : memref<1025x1xf32, #tpu.memory_space<vmem_shared>> -> memref<1025x1xf32, #tpu.memory_space<vmem_shared>>
        tpu.enqueue_indirect_dma source(%arg12 : memref<128x1xf32, #tpu.memory_space<vmem>>) target(%dma_start3A_398 : memref<1025x1xf32, #tpu.memory_space<vmem_shared>>) offsets(%dma_start3A_395 : memref<128xi32, #tpu.memory_space<vmem>>) semaphore(%run_scoped3A_392 : memref<!tpu.dma_semaphore, #tpu.memory_space<semaphore_mem>>) {add = true}
        %dma_wait3A_399 = arith.constant 0 : i32
        %dma_wait3A_400 = tpu.memref_slice %arg11[%run_scoped3A_217, %dma_wait3A_399] : memref<25x128xi32, #tpu.memory_space<vmem>> -> memref<1x128xi32, #tpu.memory_space<vmem>>
        %dma_wait3A_401 = tpu.memref_squeeze %dma_wait3A_400 : memref<1x128xi32, #tpu.memory_space<vmem>> -> memref<128xi32, #tpu.memory_space<vmem>>
        %dma_wait3A_402 = arith.constant 0 : i32
        %dma_wait3A_403 = arith.constant 0 : i32
        %dma_wait3A_404 = tpu.memref_slice %arg14[%dma_wait3A_402, %dma_wait3A_403] : memref<1025x1xf32, #tpu.memory_space<vmem_shared>> -> memref<1025x1xf32, #tpu.memory_space<vmem_shared>>
        tpu.wait_indirect_dma semaphore(%run_scoped3A_392 : memref<!tpu.dma_semaphore, #tpu.memory_space<semaphore_mem>>) src(%arg12 : memref<128x1xf32, #tpu.memory_space<vmem>>) dst(%dma_wait3A_404 : memref<1025x1xf32, #tpu.memory_space<vmem_shared>>)
        tpu.yield
      }) : () -> ()
      %dma_wait3A_218 = arith.constant 0 : i32
      %dma_wait3A_219 = tpu.memref_slice %arg2[%add3A_211, %dma_wait3A_218] : memref<100000x14xf32, #tpu.memory_space<hbm>> -> memref<128x14xf32, #tpu.memory_space<hbm>>
      %dma_wait3A_220 = arith.constant 0 : i32
      %dma_wait3A_221 = tpu.memref_slice %arg2[%add3A_211, %dma_wait3A_220] : memref<100000x14xf32, #tpu.memory_space<hbm>> -> memref<128x14xf32, #tpu.memory_space<hbm>>
      tpu.wait_dma2 semaphore(%arg15 : memref<!tpu.dma_semaphore, #tpu.memory_space<semaphore_mem>>) src(%dma_wait3A_221 : memref<128x14xf32, #tpu.memory_space<hbm>>) dst(%arg9 : memref<128x14xf32, #tpu.memory_space<vmem>>)
      %add3A_222 = arith.constant 1408 : i32
      %add3A_223 = arith.addi %mul3A_2, %add3A_222 : i32
      %dma_start3A_224 = arith.constant 0 : i32
      %dma_start3A_225 = tpu.memref_slice %arg2[%add3A_223, %dma_start3A_224] : memref<100000x14xf32, #tpu.memory_space<hbm>> -> memref<128x14xf32, #tpu.memory_space<hbm>>
      %dma_start3A_226 = arith.constant 0 : i32
      %dma_start3A_227 = tpu.memref_slice %arg2[%add3A_223, %dma_start3A_226] : memref<100000x14xf32, #tpu.memory_space<hbm>> -> memref<128x14xf32, #tpu.memory_space<hbm>>
      tpu.enqueue_dma source(%dma_start3A_227 : memref<128x14xf32, #tpu.memory_space<hbm>>) target(%arg10 : memref<128x14xf32, #tpu.memory_space<vmem>>) target_semaphore(%arg15 : memref<!tpu.dma_semaphore, #tpu.memory_space<semaphore_mem>>)
      %run_scoped3A_228 = arith.constant 10 : i32
      "tpu.region"() ({
        %run_scoped3A_392 = tpu.sem_alloc : memref<!tpu.dma_semaphore, #tpu.memory_space<semaphore_mem>>
        %dma_start3A_393 = arith.constant 0 : i32
        %dma_start3A_394 = tpu.memref_slice %arg11[%run_scoped3A_228, %dma_start3A_393] : memref<25x128xi32, #tpu.memory_space<vmem>> -> memref<1x128xi32, #tpu.memory_space<vmem>>
        %dma_start3A_395 = tpu.memref_squeeze %dma_start3A_394 : memref<1x128xi32, #tpu.memory_space<vmem>> -> memref<128xi32, #tpu.memory_space<vmem>>
        %dma_start3A_396 = arith.constant 0 : i32
        %dma_start3A_397 = arith.constant 0 : i32
        %dma_start3A_398 = tpu.memref_slice %arg13[%dma_start3A_396, %dma_start3A_397] : memref<1025x14xf32, #tpu.memory_space<vmem_shared>> -> memref<1025x14xf32, #tpu.memory_space<vmem_shared>>
        tpu.enqueue_indirect_dma source(%arg9 : memref<128x14xf32, #tpu.memory_space<vmem>>) target(%dma_start3A_398 : memref<1025x14xf32, #tpu.memory_space<vmem_shared>>) offsets(%dma_start3A_395 : memref<128xi32, #tpu.memory_space<vmem>>) semaphore(%run_scoped3A_392 : memref<!tpu.dma_semaphore, #tpu.memory_space<semaphore_mem>>) {add = true}
        %dma_wait3A_399 = arith.constant 0 : i32
        %dma_wait3A_400 = tpu.memref_slice %arg11[%run_scoped3A_228, %dma_wait3A_399] : memref<25x128xi32, #tpu.memory_space<vmem>> -> memref<1x128xi32, #tpu.memory_space<vmem>>
        %dma_wait3A_401 = tpu.memref_squeeze %dma_wait3A_400 : memref<1x128xi32, #tpu.memory_space<vmem>> -> memref<128xi32, #tpu.memory_space<vmem>>
        %dma_wait3A_402 = arith.constant 0 : i32
        %dma_wait3A_403 = arith.constant 0 : i32
        %dma_wait3A_404 = tpu.memref_slice %arg13[%dma_wait3A_402, %dma_wait3A_403] : memref<1025x14xf32, #tpu.memory_space<vmem_shared>> -> memref<1025x14xf32, #tpu.memory_space<vmem_shared>>
        tpu.wait_indirect_dma semaphore(%run_scoped3A_392 : memref<!tpu.dma_semaphore, #tpu.memory_space<semaphore_mem>>) src(%arg9 : memref<128x14xf32, #tpu.memory_space<vmem>>) dst(%dma_wait3A_404 : memref<1025x14xf32, #tpu.memory_space<vmem_shared>>)
        tpu.yield
      }) : () -> ()
      %run_scoped3A_229 = arith.constant 10 : i32
      "tpu.region"() ({
        %run_scoped3A_392 = tpu.sem_alloc : memref<!tpu.dma_semaphore, #tpu.memory_space<semaphore_mem>>
        %dma_start3A_393 = arith.constant 0 : i32
        %dma_start3A_394 = tpu.memref_slice %arg11[%run_scoped3A_229, %dma_start3A_393] : memref<25x128xi32, #tpu.memory_space<vmem>> -> memref<1x128xi32, #tpu.memory_space<vmem>>
        %dma_start3A_395 = tpu.memref_squeeze %dma_start3A_394 : memref<1x128xi32, #tpu.memory_space<vmem>> -> memref<128xi32, #tpu.memory_space<vmem>>
        %dma_start3A_396 = arith.constant 0 : i32
        %dma_start3A_397 = arith.constant 0 : i32
        %dma_start3A_398 = tpu.memref_slice %arg14[%dma_start3A_396, %dma_start3A_397] : memref<1025x1xf32, #tpu.memory_space<vmem_shared>> -> memref<1025x1xf32, #tpu.memory_space<vmem_shared>>
        tpu.enqueue_indirect_dma source(%arg12 : memref<128x1xf32, #tpu.memory_space<vmem>>) target(%dma_start3A_398 : memref<1025x1xf32, #tpu.memory_space<vmem_shared>>) offsets(%dma_start3A_395 : memref<128xi32, #tpu.memory_space<vmem>>) semaphore(%run_scoped3A_392 : memref<!tpu.dma_semaphore, #tpu.memory_space<semaphore_mem>>) {add = true}
        %dma_wait3A_399 = arith.constant 0 : i32
        %dma_wait3A_400 = tpu.memref_slice %arg11[%run_scoped3A_229, %dma_wait3A_399] : memref<25x128xi32, #tpu.memory_space<vmem>> -> memref<1x128xi32, #tpu.memory_space<vmem>>
        %dma_wait3A_401 = tpu.memref_squeeze %dma_wait3A_400 : memref<1x128xi32, #tpu.memory_space<vmem>> -> memref<128xi32, #tpu.memory_space<vmem>>
        %dma_wait3A_402 = arith.constant 0 : i32
        %dma_wait3A_403 = arith.constant 0 : i32
        %dma_wait3A_404 = tpu.memref_slice %arg14[%dma_wait3A_402, %dma_wait3A_403] : memref<1025x1xf32, #tpu.memory_space<vmem_shared>> -> memref<1025x1xf32, #tpu.memory_space<vmem_shared>>
        tpu.wait_indirect_dma semaphore(%run_scoped3A_392 : memref<!tpu.dma_semaphore, #tpu.memory_space<semaphore_mem>>) src(%arg12 : memref<128x1xf32, #tpu.memory_space<vmem>>) dst(%dma_wait3A_404 : memref<1025x1xf32, #tpu.memory_space<vmem_shared>>)
        tpu.yield
      }) : () -> ()
      %dma_wait3A_230 = arith.constant 0 : i32
      %dma_wait3A_231 = tpu.memref_slice %arg2[%add3A_223, %dma_wait3A_230] : memref<100000x14xf32, #tpu.memory_space<hbm>> -> memref<128x14xf32, #tpu.memory_space<hbm>>
      %dma_wait3A_232 = arith.constant 0 : i32
      %dma_wait3A_233 = tpu.memref_slice %arg2[%add3A_223, %dma_wait3A_232] : memref<100000x14xf32, #tpu.memory_space<hbm>> -> memref<128x14xf32, #tpu.memory_space<hbm>>
      tpu.wait_dma2 semaphore(%arg15 : memref<!tpu.dma_semaphore, #tpu.memory_space<semaphore_mem>>) src(%dma_wait3A_233 : memref<128x14xf32, #tpu.memory_space<hbm>>) dst(%arg10 : memref<128x14xf32, #tpu.memory_space<vmem>>)
      %add3A_234 = arith.constant 1536 : i32
      %add3A_235 = arith.addi %mul3A_2, %add3A_234 : i32
      %dma_start3A_236 = arith.constant 0 : i32
      %dma_start3A_237 = tpu.memref_slice %arg2[%add3A_235, %dma_start3A_236] : memref<100000x14xf32, #tpu.memory_space<hbm>> -> memref<128x14xf32, #tpu.memory_space<hbm>>
      %dma_start3A_238 = arith.constant 0 : i32
      %dma_start3A_239 = tpu.memref_slice %arg2[%add3A_235, %dma_start3A_238] : memref<100000x14xf32, #tpu.memory_space<hbm>> -> memref<128x14xf32, #tpu.memory_space<hbm>>
      tpu.enqueue_dma source(%dma_start3A_239 : memref<128x14xf32, #tpu.memory_space<hbm>>) target(%arg9 : memref<128x14xf32, #tpu.memory_space<vmem>>) target_semaphore(%arg15 : memref<!tpu.dma_semaphore, #tpu.memory_space<semaphore_mem>>)
      %run_scoped3A_240 = arith.constant 11 : i32
      "tpu.region"() ({
        %run_scoped3A_392 = tpu.sem_alloc : memref<!tpu.dma_semaphore, #tpu.memory_space<semaphore_mem>>
        %dma_start3A_393 = arith.constant 0 : i32
        %dma_start3A_394 = tpu.memref_slice %arg11[%run_scoped3A_240, %dma_start3A_393] : memref<25x128xi32, #tpu.memory_space<vmem>> -> memref<1x128xi32, #tpu.memory_space<vmem>>
        %dma_start3A_395 = tpu.memref_squeeze %dma_start3A_394 : memref<1x128xi32, #tpu.memory_space<vmem>> -> memref<128xi32, #tpu.memory_space<vmem>>
        %dma_start3A_396 = arith.constant 0 : i32
        %dma_start3A_397 = arith.constant 0 : i32
        %dma_start3A_398 = tpu.memref_slice %arg13[%dma_start3A_396, %dma_start3A_397] : memref<1025x14xf32, #tpu.memory_space<vmem_shared>> -> memref<1025x14xf32, #tpu.memory_space<vmem_shared>>
        tpu.enqueue_indirect_dma source(%arg10 : memref<128x14xf32, #tpu.memory_space<vmem>>) target(%dma_start3A_398 : memref<1025x14xf32, #tpu.memory_space<vmem_shared>>) offsets(%dma_start3A_395 : memref<128xi32, #tpu.memory_space<vmem>>) semaphore(%run_scoped3A_392 : memref<!tpu.dma_semaphore, #tpu.memory_space<semaphore_mem>>) {add = true}
        %dma_wait3A_399 = arith.constant 0 : i32
        %dma_wait3A_400 = tpu.memref_slice %arg11[%run_scoped3A_240, %dma_wait3A_399] : memref<25x128xi32, #tpu.memory_space<vmem>> -> memref<1x128xi32, #tpu.memory_space<vmem>>
        %dma_wait3A_401 = tpu.memref_squeeze %dma_wait3A_400 : memref<1x128xi32, #tpu.memory_space<vmem>> -> memref<128xi32, #tpu.memory_space<vmem>>
        %dma_wait3A_402 = arith.constant 0 : i32
        %dma_wait3A_403 = arith.constant 0 : i32
        %dma_wait3A_404 = tpu.memref_slice %arg13[%dma_wait3A_402, %dma_wait3A_403] : memref<1025x14xf32, #tpu.memory_space<vmem_shared>> -> memref<1025x14xf32, #tpu.memory_space<vmem_shared>>
        tpu.wait_indirect_dma semaphore(%run_scoped3A_392 : memref<!tpu.dma_semaphore, #tpu.memory_space<semaphore_mem>>) src(%arg10 : memref<128x14xf32, #tpu.memory_space<vmem>>) dst(%dma_wait3A_404 : memref<1025x14xf32, #tpu.memory_space<vmem_shared>>)
        tpu.yield
      }) : () -> ()
      %run_scoped3A_241 = arith.constant 11 : i32
      "tpu.region"() ({
        %run_scoped3A_392 = tpu.sem_alloc : memref<!tpu.dma_semaphore, #tpu.memory_space<semaphore_mem>>
        %dma_start3A_393 = arith.constant 0 : i32
        %dma_start3A_394 = tpu.memref_slice %arg11[%run_scoped3A_241, %dma_start3A_393] : memref<25x128xi32, #tpu.memory_space<vmem>> -> memref<1x128xi32, #tpu.memory_space<vmem>>
        %dma_start3A_395 = tpu.memref_squeeze %dma_start3A_394 : memref<1x128xi32, #tpu.memory_space<vmem>> -> memref<128xi32, #tpu.memory_space<vmem>>
        %dma_start3A_396 = arith.constant 0 : i32
        %dma_start3A_397 = arith.constant 0 : i32
        %dma_start3A_398 = tpu.memref_slice %arg14[%dma_start3A_396, %dma_start3A_397] : memref<1025x1xf32, #tpu.memory_space<vmem_shared>> -> memref<1025x1xf32, #tpu.memory_space<vmem_shared>>
        tpu.enqueue_indirect_dma source(%arg12 : memref<128x1xf32, #tpu.memory_space<vmem>>) target(%dma_start3A_398 : memref<1025x1xf32, #tpu.memory_space<vmem_shared>>) offsets(%dma_start3A_395 : memref<128xi32, #tpu.memory_space<vmem>>) semaphore(%run_scoped3A_392 : memref<!tpu.dma_semaphore, #tpu.memory_space<semaphore_mem>>) {add = true}
        %dma_wait3A_399 = arith.constant 0 : i32
        %dma_wait3A_400 = tpu.memref_slice %arg11[%run_scoped3A_241, %dma_wait3A_399] : memref<25x128xi32, #tpu.memory_space<vmem>> -> memref<1x128xi32, #tpu.memory_space<vmem>>
        %dma_wait3A_401 = tpu.memref_squeeze %dma_wait3A_400 : memref<1x128xi32, #tpu.memory_space<vmem>> -> memref<128xi32, #tpu.memory_space<vmem>>
        %dma_wait3A_402 = arith.constant 0 : i32
        %dma_wait3A_403 = arith.constant 0 : i32
        %dma_wait3A_404 = tpu.memref_slice %arg14[%dma_wait3A_402, %dma_wait3A_403] : memref<1025x1xf32, #tpu.memory_space<vmem_shared>> -> memref<1025x1xf32, #tpu.memory_space<vmem_shared>>
        tpu.wait_indirect_dma semaphore(%run_scoped3A_392 : memref<!tpu.dma_semaphore, #tpu.memory_space<semaphore_mem>>) src(%arg12 : memref<128x1xf32, #tpu.memory_space<vmem>>) dst(%dma_wait3A_404 : memref<1025x1xf32, #tpu.memory_space<vmem_shared>>)
        tpu.yield
      }) : () -> ()
      %dma_wait3A_242 = arith.constant 0 : i32
      %dma_wait3A_243 = tpu.memref_slice %arg2[%add3A_235, %dma_wait3A_242] : memref<100000x14xf32, #tpu.memory_space<hbm>> -> memref<128x14xf32, #tpu.memory_space<hbm>>
      %dma_wait3A_244 = arith.constant 0 : i32
      %dma_wait3A_245 = tpu.memref_slice %arg2[%add3A_235, %dma_wait3A_244] : memref<100000x14xf32, #tpu.memory_space<hbm>> -> memref<128x14xf32, #tpu.memory_space<hbm>>
      tpu.wait_dma2 semaphore(%arg15 : memref<!tpu.dma_semaphore, #tpu.memory_space<semaphore_mem>>) src(%dma_wait3A_245 : memref<128x14xf32, #tpu.memory_space<hbm>>) dst(%arg9 : memref<128x14xf32, #tpu.memory_space<vmem>>)
      %add3A_246 = arith.constant 1664 : i32
      %add3A_247 = arith.addi %mul3A_2, %add3A_246 : i32
      %dma_start3A_248 = arith.constant 0 : i32
      %dma_start3A_249 = tpu.memref_slice %arg2[%add3A_247, %dma_start3A_248] : memref<100000x14xf32, #tpu.memory_space<hbm>> -> memref<128x14xf32, #tpu.memory_space<hbm>>
      %dma_start3A_250 = arith.constant 0 : i32
      %dma_start3A_251 = tpu.memref_slice %arg2[%add3A_247, %dma_start3A_250] : memref<100000x14xf32, #tpu.memory_space<hbm>> -> memref<128x14xf32, #tpu.memory_space<hbm>>
      tpu.enqueue_dma source(%dma_start3A_251 : memref<128x14xf32, #tpu.memory_space<hbm>>) target(%arg10 : memref<128x14xf32, #tpu.memory_space<vmem>>) target_semaphore(%arg15 : memref<!tpu.dma_semaphore, #tpu.memory_space<semaphore_mem>>)
      %run_scoped3A_252 = arith.constant 12 : i32
      "tpu.region"() ({
        %run_scoped3A_392 = tpu.sem_alloc : memref<!tpu.dma_semaphore, #tpu.memory_space<semaphore_mem>>
        %dma_start3A_393 = arith.constant 0 : i32
        %dma_start3A_394 = tpu.memref_slice %arg11[%run_scoped3A_252, %dma_start3A_393] : memref<25x128xi32, #tpu.memory_space<vmem>> -> memref<1x128xi32, #tpu.memory_space<vmem>>
        %dma_start3A_395 = tpu.memref_squeeze %dma_start3A_394 : memref<1x128xi32, #tpu.memory_space<vmem>> -> memref<128xi32, #tpu.memory_space<vmem>>
        %dma_start3A_396 = arith.constant 0 : i32
        %dma_start3A_397 = arith.constant 0 : i32
        %dma_start3A_398 = tpu.memref_slice %arg13[%dma_start3A_396, %dma_start3A_397] : memref<1025x14xf32, #tpu.memory_space<vmem_shared>> -> memref<1025x14xf32, #tpu.memory_space<vmem_shared>>
        tpu.enqueue_indirect_dma source(%arg9 : memref<128x14xf32, #tpu.memory_space<vmem>>) target(%dma_start3A_398 : memref<1025x14xf32, #tpu.memory_space<vmem_shared>>) offsets(%dma_start3A_395 : memref<128xi32, #tpu.memory_space<vmem>>) semaphore(%run_scoped3A_392 : memref<!tpu.dma_semaphore, #tpu.memory_space<semaphore_mem>>) {add = true}
        %dma_wait3A_399 = arith.constant 0 : i32
        %dma_wait3A_400 = tpu.memref_slice %arg11[%run_scoped3A_252, %dma_wait3A_399] : memref<25x128xi32, #tpu.memory_space<vmem>> -> memref<1x128xi32, #tpu.memory_space<vmem>>
        %dma_wait3A_401 = tpu.memref_squeeze %dma_wait3A_400 : memref<1x128xi32, #tpu.memory_space<vmem>> -> memref<128xi32, #tpu.memory_space<vmem>>
        %dma_wait3A_402 = arith.constant 0 : i32
        %dma_wait3A_403 = arith.constant 0 : i32
        %dma_wait3A_404 = tpu.memref_slice %arg13[%dma_wait3A_402, %dma_wait3A_403] : memref<1025x14xf32, #tpu.memory_space<vmem_shared>> -> memref<1025x14xf32, #tpu.memory_space<vmem_shared>>
        tpu.wait_indirect_dma semaphore(%run_scoped3A_392 : memref<!tpu.dma_semaphore, #tpu.memory_space<semaphore_mem>>) src(%arg9 : memref<128x14xf32, #tpu.memory_space<vmem>>) dst(%dma_wait3A_404 : memref<1025x14xf32, #tpu.memory_space<vmem_shared>>)
        tpu.yield
      }) : () -> ()
      %run_scoped3A_253 = arith.constant 12 : i32
      "tpu.region"() ({
        %run_scoped3A_392 = tpu.sem_alloc : memref<!tpu.dma_semaphore, #tpu.memory_space<semaphore_mem>>
        %dma_start3A_393 = arith.constant 0 : i32
        %dma_start3A_394 = tpu.memref_slice %arg11[%run_scoped3A_253, %dma_start3A_393] : memref<25x128xi32, #tpu.memory_space<vmem>> -> memref<1x128xi32, #tpu.memory_space<vmem>>
        %dma_start3A_395 = tpu.memref_squeeze %dma_start3A_394 : memref<1x128xi32, #tpu.memory_space<vmem>> -> memref<128xi32, #tpu.memory_space<vmem>>
        %dma_start3A_396 = arith.constant 0 : i32
        %dma_start3A_397 = arith.constant 0 : i32
        %dma_start3A_398 = tpu.memref_slice %arg14[%dma_start3A_396, %dma_start3A_397] : memref<1025x1xf32, #tpu.memory_space<vmem_shared>> -> memref<1025x1xf32, #tpu.memory_space<vmem_shared>>
        tpu.enqueue_indirect_dma source(%arg12 : memref<128x1xf32, #tpu.memory_space<vmem>>) target(%dma_start3A_398 : memref<1025x1xf32, #tpu.memory_space<vmem_shared>>) offsets(%dma_start3A_395 : memref<128xi32, #tpu.memory_space<vmem>>) semaphore(%run_scoped3A_392 : memref<!tpu.dma_semaphore, #tpu.memory_space<semaphore_mem>>) {add = true}
        %dma_wait3A_399 = arith.constant 0 : i32
        %dma_wait3A_400 = tpu.memref_slice %arg11[%run_scoped3A_253, %dma_wait3A_399] : memref<25x128xi32, #tpu.memory_space<vmem>> -> memref<1x128xi32, #tpu.memory_space<vmem>>
        %dma_wait3A_401 = tpu.memref_squeeze %dma_wait3A_400 : memref<1x128xi32, #tpu.memory_space<vmem>> -> memref<128xi32, #tpu.memory_space<vmem>>
        %dma_wait3A_402 = arith.constant 0 : i32
        %dma_wait3A_403 = arith.constant 0 : i32
        %dma_wait3A_404 = tpu.memref_slice %arg14[%dma_wait3A_402, %dma_wait3A_403] : memref<1025x1xf32, #tpu.memory_space<vmem_shared>> -> memref<1025x1xf32, #tpu.memory_space<vmem_shared>>
        tpu.wait_indirect_dma semaphore(%run_scoped3A_392 : memref<!tpu.dma_semaphore, #tpu.memory_space<semaphore_mem>>) src(%arg12 : memref<128x1xf32, #tpu.memory_space<vmem>>) dst(%dma_wait3A_404 : memref<1025x1xf32, #tpu.memory_space<vmem_shared>>)
        tpu.yield
      }) : () -> ()
      %dma_wait3A_254 = arith.constant 0 : i32
      %dma_wait3A_255 = tpu.memref_slice %arg2[%add3A_247, %dma_wait3A_254] : memref<100000x14xf32, #tpu.memory_space<hbm>> -> memref<128x14xf32, #tpu.memory_space<hbm>>
      %dma_wait3A_256 = arith.constant 0 : i32
      %dma_wait3A_257 = tpu.memref_slice %arg2[%add3A_247, %dma_wait3A_256] : memref<100000x14xf32, #tpu.memory_space<hbm>> -> memref<128x14xf32, #tpu.memory_space<hbm>>
      tpu.wait_dma2 semaphore(%arg15 : memref<!tpu.dma_semaphore, #tpu.memory_space<semaphore_mem>>) src(%dma_wait3A_257 : memref<128x14xf32, #tpu.memory_space<hbm>>) dst(%arg10 : memref<128x14xf32, #tpu.memory_space<vmem>>)
      %add3A_258 = arith.constant 1792 : i32
      %add3A_259 = arith.addi %mul3A_2, %add3A_258 : i32
      %dma_start3A_260 = arith.constant 0 : i32
      %dma_start3A_261 = tpu.memref_slice %arg2[%add3A_259, %dma_start3A_260] : memref<100000x14xf32, #tpu.memory_space<hbm>> -> memref<128x14xf32, #tpu.memory_space<hbm>>
      %dma_start3A_262 = arith.constant 0 : i32
      %dma_start3A_263 = tpu.memref_slice %arg2[%add3A_259, %dma_start3A_262] : memref<100000x14xf32, #tpu.memory_space<hbm>> -> memref<128x14xf32, #tpu.memory_space<hbm>>
      tpu.enqueue_dma source(%dma_start3A_263 : memref<128x14xf32, #tpu.memory_space<hbm>>) target(%arg9 : memref<128x14xf32, #tpu.memory_space<vmem>>) target_semaphore(%arg15 : memref<!tpu.dma_semaphore, #tpu.memory_space<semaphore_mem>>)
      %run_scoped3A_264 = arith.constant 13 : i32
      "tpu.region"() ({
        %run_scoped3A_392 = tpu.sem_alloc : memref<!tpu.dma_semaphore, #tpu.memory_space<semaphore_mem>>
        %dma_start3A_393 = arith.constant 0 : i32
        %dma_start3A_394 = tpu.memref_slice %arg11[%run_scoped3A_264, %dma_start3A_393] : memref<25x128xi32, #tpu.memory_space<vmem>> -> memref<1x128xi32, #tpu.memory_space<vmem>>
        %dma_start3A_395 = tpu.memref_squeeze %dma_start3A_394 : memref<1x128xi32, #tpu.memory_space<vmem>> -> memref<128xi32, #tpu.memory_space<vmem>>
        %dma_start3A_396 = arith.constant 0 : i32
        %dma_start3A_397 = arith.constant 0 : i32
        %dma_start3A_398 = tpu.memref_slice %arg13[%dma_start3A_396, %dma_start3A_397] : memref<1025x14xf32, #tpu.memory_space<vmem_shared>> -> memref<1025x14xf32, #tpu.memory_space<vmem_shared>>
        tpu.enqueue_indirect_dma source(%arg10 : memref<128x14xf32, #tpu.memory_space<vmem>>) target(%dma_start3A_398 : memref<1025x14xf32, #tpu.memory_space<vmem_shared>>) offsets(%dma_start3A_395 : memref<128xi32, #tpu.memory_space<vmem>>) semaphore(%run_scoped3A_392 : memref<!tpu.dma_semaphore, #tpu.memory_space<semaphore_mem>>) {add = true}
        %dma_wait3A_399 = arith.constant 0 : i32
        %dma_wait3A_400 = tpu.memref_slice %arg11[%run_scoped3A_264, %dma_wait3A_399] : memref<25x128xi32, #tpu.memory_space<vmem>> -> memref<1x128xi32, #tpu.memory_space<vmem>>
        %dma_wait3A_401 = tpu.memref_squeeze %dma_wait3A_400 : memref<1x128xi32, #tpu.memory_space<vmem>> -> memref<128xi32, #tpu.memory_space<vmem>>
        %dma_wait3A_402 = arith.constant 0 : i32
        %dma_wait3A_403 = arith.constant 0 : i32
        %dma_wait3A_404 = tpu.memref_slice %arg13[%dma_wait3A_402, %dma_wait3A_403] : memref<1025x14xf32, #tpu.memory_space<vmem_shared>> -> memref<1025x14xf32, #tpu.memory_space<vmem_shared>>
        tpu.wait_indirect_dma semaphore(%run_scoped3A_392 : memref<!tpu.dma_semaphore, #tpu.memory_space<semaphore_mem>>) src(%arg10 : memref<128x14xf32, #tpu.memory_space<vmem>>) dst(%dma_wait3A_404 : memref<1025x14xf32, #tpu.memory_space<vmem_shared>>)
        tpu.yield
      }) : () -> ()
      %run_scoped3A_265 = arith.constant 13 : i32
      "tpu.region"() ({
        %run_scoped3A_392 = tpu.sem_alloc : memref<!tpu.dma_semaphore, #tpu.memory_space<semaphore_mem>>
        %dma_start3A_393 = arith.constant 0 : i32
        %dma_start3A_394 = tpu.memref_slice %arg11[%run_scoped3A_265, %dma_start3A_393] : memref<25x128xi32, #tpu.memory_space<vmem>> -> memref<1x128xi32, #tpu.memory_space<vmem>>
        %dma_start3A_395 = tpu.memref_squeeze %dma_start3A_394 : memref<1x128xi32, #tpu.memory_space<vmem>> -> memref<128xi32, #tpu.memory_space<vmem>>
        %dma_start3A_396 = arith.constant 0 : i32
        %dma_start3A_397 = arith.constant 0 : i32
        %dma_start3A_398 = tpu.memref_slice %arg14[%dma_start3A_396, %dma_start3A_397] : memref<1025x1xf32, #tpu.memory_space<vmem_shared>> -> memref<1025x1xf32, #tpu.memory_space<vmem_shared>>
        tpu.enqueue_indirect_dma source(%arg12 : memref<128x1xf32, #tpu.memory_space<vmem>>) target(%dma_start3A_398 : memref<1025x1xf32, #tpu.memory_space<vmem_shared>>) offsets(%dma_start3A_395 : memref<128xi32, #tpu.memory_space<vmem>>) semaphore(%run_scoped3A_392 : memref<!tpu.dma_semaphore, #tpu.memory_space<semaphore_mem>>) {add = true}
        %dma_wait3A_399 = arith.constant 0 : i32
        %dma_wait3A_400 = tpu.memref_slice %arg11[%run_scoped3A_265, %dma_wait3A_399] : memref<25x128xi32, #tpu.memory_space<vmem>> -> memref<1x128xi32, #tpu.memory_space<vmem>>
        %dma_wait3A_401 = tpu.memref_squeeze %dma_wait3A_400 : memref<1x128xi32, #tpu.memory_space<vmem>> -> memref<128xi32, #tpu.memory_space<vmem>>
        %dma_wait3A_402 = arith.constant 0 : i32
        %dma_wait3A_403 = arith.constant 0 : i32
        %dma_wait3A_404 = tpu.memref_slice %arg14[%dma_wait3A_402, %dma_wait3A_403] : memref<1025x1xf32, #tpu.memory_space<vmem_shared>> -> memref<1025x1xf32, #tpu.memory_space<vmem_shared>>
        tpu.wait_indirect_dma semaphore(%run_scoped3A_392 : memref<!tpu.dma_semaphore, #tpu.memory_space<semaphore_mem>>) src(%arg12 : memref<128x1xf32, #tpu.memory_space<vmem>>) dst(%dma_wait3A_404 : memref<1025x1xf32, #tpu.memory_space<vmem_shared>>)
        tpu.yield
      }) : () -> ()
      %dma_wait3A_266 = arith.constant 0 : i32
      %dma_wait3A_267 = tpu.memref_slice %arg2[%add3A_259, %dma_wait3A_266] : memref<100000x14xf32, #tpu.memory_space<hbm>> -> memref<128x14xf32, #tpu.memory_space<hbm>>
      %dma_wait3A_268 = arith.constant 0 : i32
      %dma_wait3A_269 = tpu.memref_slice %arg2[%add3A_259, %dma_wait3A_268] : memref<100000x14xf32, #tpu.memory_space<hbm>> -> memref<128x14xf32, #tpu.memory_space<hbm>>
      tpu.wait_dma2 semaphore(%arg15 : memref<!tpu.dma_semaphore, #tpu.memory_space<semaphore_mem>>) src(%dma_wait3A_269 : memref<128x14xf32, #tpu.memory_space<hbm>>) dst(%arg9 : memref<128x14xf32, #tpu.memory_space<vmem>>)
      %add3A_270 = arith.constant 1920 : i32
      %add3A_271 = arith.addi %mul3A_2, %add3A_270 : i32
      %dma_start3A_272 = arith.constant 0 : i32
      %dma_start3A_273 = tpu.memref_slice %arg2[%add3A_271, %dma_start3A_272] : memref<100000x14xf32, #tpu.memory_space<hbm>> -> memref<128x14xf32, #tpu.memory_space<hbm>>
      %dma_start3A_274 = arith.constant 0 : i32
      %dma_start3A_275 = tpu.memref_slice %arg2[%add3A_271, %dma_start3A_274] : memref<100000x14xf32, #tpu.memory_space<hbm>> -> memref<128x14xf32, #tpu.memory_space<hbm>>
      tpu.enqueue_dma source(%dma_start3A_275 : memref<128x14xf32, #tpu.memory_space<hbm>>) target(%arg10 : memref<128x14xf32, #tpu.memory_space<vmem>>) target_semaphore(%arg15 : memref<!tpu.dma_semaphore, #tpu.memory_space<semaphore_mem>>)
      %run_scoped3A_276 = arith.constant 14 : i32
      "tpu.region"() ({
        %run_scoped3A_392 = tpu.sem_alloc : memref<!tpu.dma_semaphore, #tpu.memory_space<semaphore_mem>>
        %dma_start3A_393 = arith.constant 0 : i32
        %dma_start3A_394 = tpu.memref_slice %arg11[%run_scoped3A_276, %dma_start3A_393] : memref<25x128xi32, #tpu.memory_space<vmem>> -> memref<1x128xi32, #tpu.memory_space<vmem>>
        %dma_start3A_395 = tpu.memref_squeeze %dma_start3A_394 : memref<1x128xi32, #tpu.memory_space<vmem>> -> memref<128xi32, #tpu.memory_space<vmem>>
        %dma_start3A_396 = arith.constant 0 : i32
        %dma_start3A_397 = arith.constant 0 : i32
        %dma_start3A_398 = tpu.memref_slice %arg13[%dma_start3A_396, %dma_start3A_397] : memref<1025x14xf32, #tpu.memory_space<vmem_shared>> -> memref<1025x14xf32, #tpu.memory_space<vmem_shared>>
        tpu.enqueue_indirect_dma source(%arg9 : memref<128x14xf32, #tpu.memory_space<vmem>>) target(%dma_start3A_398 : memref<1025x14xf32, #tpu.memory_space<vmem_shared>>) offsets(%dma_start3A_395 : memref<128xi32, #tpu.memory_space<vmem>>) semaphore(%run_scoped3A_392 : memref<!tpu.dma_semaphore, #tpu.memory_space<semaphore_mem>>) {add = true}
        %dma_wait3A_399 = arith.constant 0 : i32
        %dma_wait3A_400 = tpu.memref_slice %arg11[%run_scoped3A_276, %dma_wait3A_399] : memref<25x128xi32, #tpu.memory_space<vmem>> -> memref<1x128xi32, #tpu.memory_space<vmem>>
        %dma_wait3A_401 = tpu.memref_squeeze %dma_wait3A_400 : memref<1x128xi32, #tpu.memory_space<vmem>> -> memref<128xi32, #tpu.memory_space<vmem>>
        %dma_wait3A_402 = arith.constant 0 : i32
        %dma_wait3A_403 = arith.constant 0 : i32
        %dma_wait3A_404 = tpu.memref_slice %arg13[%dma_wait3A_402, %dma_wait3A_403] : memref<1025x14xf32, #tpu.memory_space<vmem_shared>> -> memref<1025x14xf32, #tpu.memory_space<vmem_shared>>
        tpu.wait_indirect_dma semaphore(%run_scoped3A_392 : memref<!tpu.dma_semaphore, #tpu.memory_space<semaphore_mem>>) src(%arg9 : memref<128x14xf32, #tpu.memory_space<vmem>>) dst(%dma_wait3A_404 : memref<1025x14xf32, #tpu.memory_space<vmem_shared>>)
        tpu.yield
      }) : () -> ()
      %run_scoped3A_277 = arith.constant 14 : i32
      "tpu.region"() ({
        %run_scoped3A_392 = tpu.sem_alloc : memref<!tpu.dma_semaphore, #tpu.memory_space<semaphore_mem>>
        %dma_start3A_393 = arith.constant 0 : i32
        %dma_start3A_394 = tpu.memref_slice %arg11[%run_scoped3A_277, %dma_start3A_393] : memref<25x128xi32, #tpu.memory_space<vmem>> -> memref<1x128xi32, #tpu.memory_space<vmem>>
        %dma_start3A_395 = tpu.memref_squeeze %dma_start3A_394 : memref<1x128xi32, #tpu.memory_space<vmem>> -> memref<128xi32, #tpu.memory_space<vmem>>
        %dma_start3A_396 = arith.constant 0 : i32
        %dma_start3A_397 = arith.constant 0 : i32
        %dma_start3A_398 = tpu.memref_slice %arg14[%dma_start3A_396, %dma_start3A_397] : memref<1025x1xf32, #tpu.memory_space<vmem_shared>> -> memref<1025x1xf32, #tpu.memory_space<vmem_shared>>
        tpu.enqueue_indirect_dma source(%arg12 : memref<128x1xf32, #tpu.memory_space<vmem>>) target(%dma_start3A_398 : memref<1025x1xf32, #tpu.memory_space<vmem_shared>>) offsets(%dma_start3A_395 : memref<128xi32, #tpu.memory_space<vmem>>) semaphore(%run_scoped3A_392 : memref<!tpu.dma_semaphore, #tpu.memory_space<semaphore_mem>>) {add = true}
        %dma_wait3A_399 = arith.constant 0 : i32
        %dma_wait3A_400 = tpu.memref_slice %arg11[%run_scoped3A_277, %dma_wait3A_399] : memref<25x128xi32, #tpu.memory_space<vmem>> -> memref<1x128xi32, #tpu.memory_space<vmem>>
        %dma_wait3A_401 = tpu.memref_squeeze %dma_wait3A_400 : memref<1x128xi32, #tpu.memory_space<vmem>> -> memref<128xi32, #tpu.memory_space<vmem>>
        %dma_wait3A_402 = arith.constant 0 : i32
        %dma_wait3A_403 = arith.constant 0 : i32
        %dma_wait3A_404 = tpu.memref_slice %arg14[%dma_wait3A_402, %dma_wait3A_403] : memref<1025x1xf32, #tpu.memory_space<vmem_shared>> -> memref<1025x1xf32, #tpu.memory_space<vmem_shared>>
        tpu.wait_indirect_dma semaphore(%run_scoped3A_392 : memref<!tpu.dma_semaphore, #tpu.memory_space<semaphore_mem>>) src(%arg12 : memref<128x1xf32, #tpu.memory_space<vmem>>) dst(%dma_wait3A_404 : memref<1025x1xf32, #tpu.memory_space<vmem_shared>>)
        tpu.yield
      }) : () -> ()
      %dma_wait3A_278 = arith.constant 0 : i32
      %dma_wait3A_279 = tpu.memref_slice %arg2[%add3A_271, %dma_wait3A_278] : memref<100000x14xf32, #tpu.memory_space<hbm>> -> memref<128x14xf32, #tpu.memory_space<hbm>>
      %dma_wait3A_280 = arith.constant 0 : i32
      %dma_wait3A_281 = tpu.memref_slice %arg2[%add3A_271, %dma_wait3A_280] : memref<100000x14xf32, #tpu.memory_space<hbm>> -> memref<128x14xf32, #tpu.memory_space<hbm>>
      tpu.wait_dma2 semaphore(%arg15 : memref<!tpu.dma_semaphore, #tpu.memory_space<semaphore_mem>>) src(%dma_wait3A_281 : memref<128x14xf32, #tpu.memory_space<hbm>>) dst(%arg10 : memref<128x14xf32, #tpu.memory_space<vmem>>)
      %add3A_282 = arith.constant 2048 : i32
      %add3A_283 = arith.addi %mul3A_2, %add3A_282 : i32
      %dma_start3A_284 = arith.constant 0 : i32
      %dma_start3A_285 = tpu.memref_slice %arg2[%add3A_283, %dma_start3A_284] : memref<100000x14xf32, #tpu.memory_space<hbm>> -> memref<128x14xf32, #tpu.memory_space<hbm>>
      %dma_start3A_286 = arith.constant 0 : i32
      %dma_start3A_287 = tpu.memref_slice %arg2[%add3A_283, %dma_start3A_286] : memref<100000x14xf32, #tpu.memory_space<hbm>> -> memref<128x14xf32, #tpu.memory_space<hbm>>
      tpu.enqueue_dma source(%dma_start3A_287 : memref<128x14xf32, #tpu.memory_space<hbm>>) target(%arg9 : memref<128x14xf32, #tpu.memory_space<vmem>>) target_semaphore(%arg15 : memref<!tpu.dma_semaphore, #tpu.memory_space<semaphore_mem>>)
      %run_scoped3A_288 = arith.constant 15 : i32
      "tpu.region"() ({
        %run_scoped3A_392 = tpu.sem_alloc : memref<!tpu.dma_semaphore, #tpu.memory_space<semaphore_mem>>
        %dma_start3A_393 = arith.constant 0 : i32
        %dma_start3A_394 = tpu.memref_slice %arg11[%run_scoped3A_288, %dma_start3A_393] : memref<25x128xi32, #tpu.memory_space<vmem>> -> memref<1x128xi32, #tpu.memory_space<vmem>>
        %dma_start3A_395 = tpu.memref_squeeze %dma_start3A_394 : memref<1x128xi32, #tpu.memory_space<vmem>> -> memref<128xi32, #tpu.memory_space<vmem>>
        %dma_start3A_396 = arith.constant 0 : i32
        %dma_start3A_397 = arith.constant 0 : i32
        %dma_start3A_398 = tpu.memref_slice %arg13[%dma_start3A_396, %dma_start3A_397] : memref<1025x14xf32, #tpu.memory_space<vmem_shared>> -> memref<1025x14xf32, #tpu.memory_space<vmem_shared>>
        tpu.enqueue_indirect_dma source(%arg10 : memref<128x14xf32, #tpu.memory_space<vmem>>) target(%dma_start3A_398 : memref<1025x14xf32, #tpu.memory_space<vmem_shared>>) offsets(%dma_start3A_395 : memref<128xi32, #tpu.memory_space<vmem>>) semaphore(%run_scoped3A_392 : memref<!tpu.dma_semaphore, #tpu.memory_space<semaphore_mem>>) {add = true}
        %dma_wait3A_399 = arith.constant 0 : i32
        %dma_wait3A_400 = tpu.memref_slice %arg11[%run_scoped3A_288, %dma_wait3A_399] : memref<25x128xi32, #tpu.memory_space<vmem>> -> memref<1x128xi32, #tpu.memory_space<vmem>>
        %dma_wait3A_401 = tpu.memref_squeeze %dma_wait3A_400 : memref<1x128xi32, #tpu.memory_space<vmem>> -> memref<128xi32, #tpu.memory_space<vmem>>
        %dma_wait3A_402 = arith.constant 0 : i32
        %dma_wait3A_403 = arith.constant 0 : i32
        %dma_wait3A_404 = tpu.memref_slice %arg13[%dma_wait3A_402, %dma_wait3A_403] : memref<1025x14xf32, #tpu.memory_space<vmem_shared>> -> memref<1025x14xf32, #tpu.memory_space<vmem_shared>>
        tpu.wait_indirect_dma semaphore(%run_scoped3A_392 : memref<!tpu.dma_semaphore, #tpu.memory_space<semaphore_mem>>) src(%arg10 : memref<128x14xf32, #tpu.memory_space<vmem>>) dst(%dma_wait3A_404 : memref<1025x14xf32, #tpu.memory_space<vmem_shared>>)
        tpu.yield
      }) : () -> ()
      %run_scoped3A_289 = arith.constant 15 : i32
      "tpu.region"() ({
        %run_scoped3A_392 = tpu.sem_alloc : memref<!tpu.dma_semaphore, #tpu.memory_space<semaphore_mem>>
        %dma_start3A_393 = arith.constant 0 : i32
        %dma_start3A_394 = tpu.memref_slice %arg11[%run_scoped3A_289, %dma_start3A_393] : memref<25x128xi32, #tpu.memory_space<vmem>> -> memref<1x128xi32, #tpu.memory_space<vmem>>
        %dma_start3A_395 = tpu.memref_squeeze %dma_start3A_394 : memref<1x128xi32, #tpu.memory_space<vmem>> -> memref<128xi32, #tpu.memory_space<vmem>>
        %dma_start3A_396 = arith.constant 0 : i32
        %dma_start3A_397 = arith.constant 0 : i32
        %dma_start3A_398 = tpu.memref_slice %arg14[%dma_start3A_396, %dma_start3A_397] : memref<1025x1xf32, #tpu.memory_space<vmem_shared>> -> memref<1025x1xf32, #tpu.memory_space<vmem_shared>>
        tpu.enqueue_indirect_dma source(%arg12 : memref<128x1xf32, #tpu.memory_space<vmem>>) target(%dma_start3A_398 : memref<1025x1xf32, #tpu.memory_space<vmem_shared>>) offsets(%dma_start3A_395 : memref<128xi32, #tpu.memory_space<vmem>>) semaphore(%run_scoped3A_392 : memref<!tpu.dma_semaphore, #tpu.memory_space<semaphore_mem>>) {add = true}
        %dma_wait3A_399 = arith.constant 0 : i32
        %dma_wait3A_400 = tpu.memref_slice %arg11[%run_scoped3A_289, %dma_wait3A_399] : memref<25x128xi32, #tpu.memory_space<vmem>> -> memref<1x128xi32, #tpu.memory_space<vmem>>
        %dma_wait3A_401 = tpu.memref_squeeze %dma_wait3A_400 : memref<1x128xi32, #tpu.memory_space<vmem>> -> memref<128xi32, #tpu.memory_space<vmem>>
        %dma_wait3A_402 = arith.constant 0 : i32
        %dma_wait3A_403 = arith.constant 0 : i32
        %dma_wait3A_404 = tpu.memref_slice %arg14[%dma_wait3A_402, %dma_wait3A_403] : memref<1025x1xf32, #tpu.memory_space<vmem_shared>> -> memref<1025x1xf32, #tpu.memory_space<vmem_shared>>
        tpu.wait_indirect_dma semaphore(%run_scoped3A_392 : memref<!tpu.dma_semaphore, #tpu.memory_space<semaphore_mem>>) src(%arg12 : memref<128x1xf32, #tpu.memory_space<vmem>>) dst(%dma_wait3A_404 : memref<1025x1xf32, #tpu.memory_space<vmem_shared>>)
        tpu.yield
      }) : () -> ()
      %dma_wait3A_290 = arith.constant 0 : i32
      %dma_wait3A_291 = tpu.memref_slice %arg2[%add3A_283, %dma_wait3A_290] : memref<100000x14xf32, #tpu.memory_space<hbm>> -> memref<128x14xf32, #tpu.memory_space<hbm>>
      %dma_wait3A_292 = arith.constant 0 : i32
      %dma_wait3A_293 = tpu.memref_slice %arg2[%add3A_283, %dma_wait3A_292] : memref<100000x14xf32, #tpu.memory_space<hbm>> -> memref<128x14xf32, #tpu.memory_space<hbm>>
      tpu.wait_dma2 semaphore(%arg15 : memref<!tpu.dma_semaphore, #tpu.memory_space<semaphore_mem>>) src(%dma_wait3A_293 : memref<128x14xf32, #tpu.memory_space<hbm>>) dst(%arg9 : memref<128x14xf32, #tpu.memory_space<vmem>>)
      %add3A_294 = arith.constant 2176 : i32
      %add3A_295 = arith.addi %mul3A_2, %add3A_294 : i32
      %dma_start3A_296 = arith.constant 0 : i32
      %dma_start3A_297 = tpu.memref_slice %arg2[%add3A_295, %dma_start3A_296] : memref<100000x14xf32, #tpu.memory_space<hbm>> -> memref<128x14xf32, #tpu.memory_space<hbm>>
      %dma_start3A_298 = arith.constant 0 : i32
      %dma_start3A_299 = tpu.memref_slice %arg2[%add3A_295, %dma_start3A_298] : memref<100000x14xf32, #tpu.memory_space<hbm>> -> memref<128x14xf32, #tpu.memory_space<hbm>>
      tpu.enqueue_dma source(%dma_start3A_299 : memref<128x14xf32, #tpu.memory_space<hbm>>) target(%arg10 : memref<128x14xf32, #tpu.memory_space<vmem>>) target_semaphore(%arg15 : memref<!tpu.dma_semaphore, #tpu.memory_space<semaphore_mem>>)
      %run_scoped3A_300 = arith.constant 16 : i32
      "tpu.region"() ({
        %run_scoped3A_392 = tpu.sem_alloc : memref<!tpu.dma_semaphore, #tpu.memory_space<semaphore_mem>>
        %dma_start3A_393 = arith.constant 0 : i32
        %dma_start3A_394 = tpu.memref_slice %arg11[%run_scoped3A_300, %dma_start3A_393] : memref<25x128xi32, #tpu.memory_space<vmem>> -> memref<1x128xi32, #tpu.memory_space<vmem>>
        %dma_start3A_395 = tpu.memref_squeeze %dma_start3A_394 : memref<1x128xi32, #tpu.memory_space<vmem>> -> memref<128xi32, #tpu.memory_space<vmem>>
        %dma_start3A_396 = arith.constant 0 : i32
        %dma_start3A_397 = arith.constant 0 : i32
        %dma_start3A_398 = tpu.memref_slice %arg13[%dma_start3A_396, %dma_start3A_397] : memref<1025x14xf32, #tpu.memory_space<vmem_shared>> -> memref<1025x14xf32, #tpu.memory_space<vmem_shared>>
        tpu.enqueue_indirect_dma source(%arg9 : memref<128x14xf32, #tpu.memory_space<vmem>>) target(%dma_start3A_398 : memref<1025x14xf32, #tpu.memory_space<vmem_shared>>) offsets(%dma_start3A_395 : memref<128xi32, #tpu.memory_space<vmem>>) semaphore(%run_scoped3A_392 : memref<!tpu.dma_semaphore, #tpu.memory_space<semaphore_mem>>) {add = true}
        %dma_wait3A_399 = arith.constant 0 : i32
        %dma_wait3A_400 = tpu.memref_slice %arg11[%run_scoped3A_300, %dma_wait3A_399] : memref<25x128xi32, #tpu.memory_space<vmem>> -> memref<1x128xi32, #tpu.memory_space<vmem>>
        %dma_wait3A_401 = tpu.memref_squeeze %dma_wait3A_400 : memref<1x128xi32, #tpu.memory_space<vmem>> -> memref<128xi32, #tpu.memory_space<vmem>>
        %dma_wait3A_402 = arith.constant 0 : i32
        %dma_wait3A_403 = arith.constant 0 : i32
        %dma_wait3A_404 = tpu.memref_slice %arg13[%dma_wait3A_402, %dma_wait3A_403] : memref<1025x14xf32, #tpu.memory_space<vmem_shared>> -> memref<1025x14xf32, #tpu.memory_space<vmem_shared>>
        tpu.wait_indirect_dma semaphore(%run_scoped3A_392 : memref<!tpu.dma_semaphore, #tpu.memory_space<semaphore_mem>>) src(%arg9 : memref<128x14xf32, #tpu.memory_space<vmem>>) dst(%dma_wait3A_404 : memref<1025x14xf32, #tpu.memory_space<vmem_shared>>)
        tpu.yield
      }) : () -> ()
      %run_scoped3A_301 = arith.constant 16 : i32
      "tpu.region"() ({
        %run_scoped3A_392 = tpu.sem_alloc : memref<!tpu.dma_semaphore, #tpu.memory_space<semaphore_mem>>
        %dma_start3A_393 = arith.constant 0 : i32
        %dma_start3A_394 = tpu.memref_slice %arg11[%run_scoped3A_301, %dma_start3A_393] : memref<25x128xi32, #tpu.memory_space<vmem>> -> memref<1x128xi32, #tpu.memory_space<vmem>>
        %dma_start3A_395 = tpu.memref_squeeze %dma_start3A_394 : memref<1x128xi32, #tpu.memory_space<vmem>> -> memref<128xi32, #tpu.memory_space<vmem>>
        %dma_start3A_396 = arith.constant 0 : i32
        %dma_start3A_397 = arith.constant 0 : i32
        %dma_start3A_398 = tpu.memref_slice %arg14[%dma_start3A_396, %dma_start3A_397] : memref<1025x1xf32, #tpu.memory_space<vmem_shared>> -> memref<1025x1xf32, #tpu.memory_space<vmem_shared>>
        tpu.enqueue_indirect_dma source(%arg12 : memref<128x1xf32, #tpu.memory_space<vmem>>) target(%dma_start3A_398 : memref<1025x1xf32, #tpu.memory_space<vmem_shared>>) offsets(%dma_start3A_395 : memref<128xi32, #tpu.memory_space<vmem>>) semaphore(%run_scoped3A_392 : memref<!tpu.dma_semaphore, #tpu.memory_space<semaphore_mem>>) {add = true}
        %dma_wait3A_399 = arith.constant 0 : i32
        %dma_wait3A_400 = tpu.memref_slice %arg11[%run_scoped3A_301, %dma_wait3A_399] : memref<25x128xi32, #tpu.memory_space<vmem>> -> memref<1x128xi32, #tpu.memory_space<vmem>>
        %dma_wait3A_401 = tpu.memref_squeeze %dma_wait3A_400 : memref<1x128xi32, #tpu.memory_space<vmem>> -> memref<128xi32, #tpu.memory_space<vmem>>
        %dma_wait3A_402 = arith.constant 0 : i32
        %dma_wait3A_403 = arith.constant 0 : i32
        %dma_wait3A_404 = tpu.memref_slice %arg14[%dma_wait3A_402, %dma_wait3A_403] : memref<1025x1xf32, #tpu.memory_space<vmem_shared>> -> memref<1025x1xf32, #tpu.memory_space<vmem_shared>>
        tpu.wait_indirect_dma semaphore(%run_scoped3A_392 : memref<!tpu.dma_semaphore, #tpu.memory_space<semaphore_mem>>) src(%arg12 : memref<128x1xf32, #tpu.memory_space<vmem>>) dst(%dma_wait3A_404 : memref<1025x1xf32, #tpu.memory_space<vmem_shared>>)
        tpu.yield
      }) : () -> ()
      %dma_wait3A_302 = arith.constant 0 : i32
      %dma_wait3A_303 = tpu.memref_slice %arg2[%add3A_295, %dma_wait3A_302] : memref<100000x14xf32, #tpu.memory_space<hbm>> -> memref<128x14xf32, #tpu.memory_space<hbm>>
      %dma_wait3A_304 = arith.constant 0 : i32
      %dma_wait3A_305 = tpu.memref_slice %arg2[%add3A_295, %dma_wait3A_304] : memref<100000x14xf32, #tpu.memory_space<hbm>> -> memref<128x14xf32, #tpu.memory_space<hbm>>
      tpu.wait_dma2 semaphore(%arg15 : memref<!tpu.dma_semaphore, #tpu.memory_space<semaphore_mem>>) src(%dma_wait3A_305 : memref<128x14xf32, #tpu.memory_space<hbm>>) dst(%arg10 : memref<128x14xf32, #tpu.memory_space<vmem>>)
      %add3A_306 = arith.constant 2304 : i32
      %add3A_307 = arith.addi %mul3A_2, %add3A_306 : i32
      %dma_start3A_308 = arith.constant 0 : i32
      %dma_start3A_309 = tpu.memref_slice %arg2[%add3A_307, %dma_start3A_308] : memref<100000x14xf32, #tpu.memory_space<hbm>> -> memref<128x14xf32, #tpu.memory_space<hbm>>
      %dma_start3A_310 = arith.constant 0 : i32
      %dma_start3A_311 = tpu.memref_slice %arg2[%add3A_307, %dma_start3A_310] : memref<100000x14xf32, #tpu.memory_space<hbm>> -> memref<128x14xf32, #tpu.memory_space<hbm>>
      tpu.enqueue_dma source(%dma_start3A_311 : memref<128x14xf32, #tpu.memory_space<hbm>>) target(%arg9 : memref<128x14xf32, #tpu.memory_space<vmem>>) target_semaphore(%arg15 : memref<!tpu.dma_semaphore, #tpu.memory_space<semaphore_mem>>)
      %run_scoped3A_312 = arith.constant 17 : i32
      "tpu.region"() ({
        %run_scoped3A_392 = tpu.sem_alloc : memref<!tpu.dma_semaphore, #tpu.memory_space<semaphore_mem>>
        %dma_start3A_393 = arith.constant 0 : i32
        %dma_start3A_394 = tpu.memref_slice %arg11[%run_scoped3A_312, %dma_start3A_393] : memref<25x128xi32, #tpu.memory_space<vmem>> -> memref<1x128xi32, #tpu.memory_space<vmem>>
        %dma_start3A_395 = tpu.memref_squeeze %dma_start3A_394 : memref<1x128xi32, #tpu.memory_space<vmem>> -> memref<128xi32, #tpu.memory_space<vmem>>
        %dma_start3A_396 = arith.constant 0 : i32
        %dma_start3A_397 = arith.constant 0 : i32
        %dma_start3A_398 = tpu.memref_slice %arg13[%dma_start3A_396, %dma_start3A_397] : memref<1025x14xf32, #tpu.memory_space<vmem_shared>> -> memref<1025x14xf32, #tpu.memory_space<vmem_shared>>
        tpu.enqueue_indirect_dma source(%arg10 : memref<128x14xf32, #tpu.memory_space<vmem>>) target(%dma_start3A_398 : memref<1025x14xf32, #tpu.memory_space<vmem_shared>>) offsets(%dma_start3A_395 : memref<128xi32, #tpu.memory_space<vmem>>) semaphore(%run_scoped3A_392 : memref<!tpu.dma_semaphore, #tpu.memory_space<semaphore_mem>>) {add = true}
        %dma_wait3A_399 = arith.constant 0 : i32
        %dma_wait3A_400 = tpu.memref_slice %arg11[%run_scoped3A_312, %dma_wait3A_399] : memref<25x128xi32, #tpu.memory_space<vmem>> -> memref<1x128xi32, #tpu.memory_space<vmem>>
        %dma_wait3A_401 = tpu.memref_squeeze %dma_wait3A_400 : memref<1x128xi32, #tpu.memory_space<vmem>> -> memref<128xi32, #tpu.memory_space<vmem>>
        %dma_wait3A_402 = arith.constant 0 : i32
        %dma_wait3A_403 = arith.constant 0 : i32
        %dma_wait3A_404 = tpu.memref_slice %arg13[%dma_wait3A_402, %dma_wait3A_403] : memref<1025x14xf32, #tpu.memory_space<vmem_shared>> -> memref<1025x14xf32, #tpu.memory_space<vmem_shared>>
        tpu.wait_indirect_dma semaphore(%run_scoped3A_392 : memref<!tpu.dma_semaphore, #tpu.memory_space<semaphore_mem>>) src(%arg10 : memref<128x14xf32, #tpu.memory_space<vmem>>) dst(%dma_wait3A_404 : memref<1025x14xf32, #tpu.memory_space<vmem_shared>>)
        tpu.yield
      }) : () -> ()
      %run_scoped3A_313 = arith.constant 17 : i32
      "tpu.region"() ({
        %run_scoped3A_392 = tpu.sem_alloc : memref<!tpu.dma_semaphore, #tpu.memory_space<semaphore_mem>>
        %dma_start3A_393 = arith.constant 0 : i32
        %dma_start3A_394 = tpu.memref_slice %arg11[%run_scoped3A_313, %dma_start3A_393] : memref<25x128xi32, #tpu.memory_space<vmem>> -> memref<1x128xi32, #tpu.memory_space<vmem>>
        %dma_start3A_395 = tpu.memref_squeeze %dma_start3A_394 : memref<1x128xi32, #tpu.memory_space<vmem>> -> memref<128xi32, #tpu.memory_space<vmem>>
        %dma_start3A_396 = arith.constant 0 : i32
        %dma_start3A_397 = arith.constant 0 : i32
        %dma_start3A_398 = tpu.memref_slice %arg14[%dma_start3A_396, %dma_start3A_397] : memref<1025x1xf32, #tpu.memory_space<vmem_shared>> -> memref<1025x1xf32, #tpu.memory_space<vmem_shared>>
        tpu.enqueue_indirect_dma source(%arg12 : memref<128x1xf32, #tpu.memory_space<vmem>>) target(%dma_start3A_398 : memref<1025x1xf32, #tpu.memory_space<vmem_shared>>) offsets(%dma_start3A_395 : memref<128xi32, #tpu.memory_space<vmem>>) semaphore(%run_scoped3A_392 : memref<!tpu.dma_semaphore, #tpu.memory_space<semaphore_mem>>) {add = true}
        %dma_wait3A_399 = arith.constant 0 : i32
        %dma_wait3A_400 = tpu.memref_slice %arg11[%run_scoped3A_313, %dma_wait3A_399] : memref<25x128xi32, #tpu.memory_space<vmem>> -> memref<1x128xi32, #tpu.memory_space<vmem>>
        %dma_wait3A_401 = tpu.memref_squeeze %dma_wait3A_400 : memref<1x128xi32, #tpu.memory_space<vmem>> -> memref<128xi32, #tpu.memory_space<vmem>>
        %dma_wait3A_402 = arith.constant 0 : i32
        %dma_wait3A_403 = arith.constant 0 : i32
        %dma_wait3A_404 = tpu.memref_slice %arg14[%dma_wait3A_402, %dma_wait3A_403] : memref<1025x1xf32, #tpu.memory_space<vmem_shared>> -> memref<1025x1xf32, #tpu.memory_space<vmem_shared>>
        tpu.wait_indirect_dma semaphore(%run_scoped3A_392 : memref<!tpu.dma_semaphore, #tpu.memory_space<semaphore_mem>>) src(%arg12 : memref<128x1xf32, #tpu.memory_space<vmem>>) dst(%dma_wait3A_404 : memref<1025x1xf32, #tpu.memory_space<vmem_shared>>)
        tpu.yield
      }) : () -> ()
      %dma_wait3A_314 = arith.constant 0 : i32
      %dma_wait3A_315 = tpu.memref_slice %arg2[%add3A_307, %dma_wait3A_314] : memref<100000x14xf32, #tpu.memory_space<hbm>> -> memref<128x14xf32, #tpu.memory_space<hbm>>
      %dma_wait3A_316 = arith.constant 0 : i32
      %dma_wait3A_317 = tpu.memref_slice %arg2[%add3A_307, %dma_wait3A_316] : memref<100000x14xf32, #tpu.memory_space<hbm>> -> memref<128x14xf32, #tpu.memory_space<hbm>>
      tpu.wait_dma2 semaphore(%arg15 : memref<!tpu.dma_semaphore, #tpu.memory_space<semaphore_mem>>) src(%dma_wait3A_317 : memref<128x14xf32, #tpu.memory_space<hbm>>) dst(%arg9 : memref<128x14xf32, #tpu.memory_space<vmem>>)
      %add3A_318 = arith.constant 2432 : i32
      %add3A_319 = arith.addi %mul3A_2, %add3A_318 : i32
      %dma_start3A_320 = arith.constant 0 : i32
      %dma_start3A_321 = tpu.memref_slice %arg2[%add3A_319, %dma_start3A_320] : memref<100000x14xf32, #tpu.memory_space<hbm>> -> memref<128x14xf32, #tpu.memory_space<hbm>>
      %dma_start3A_322 = arith.constant 0 : i32
      %dma_start3A_323 = tpu.memref_slice %arg2[%add3A_319, %dma_start3A_322] : memref<100000x14xf32, #tpu.memory_space<hbm>> -> memref<128x14xf32, #tpu.memory_space<hbm>>
      tpu.enqueue_dma source(%dma_start3A_323 : memref<128x14xf32, #tpu.memory_space<hbm>>) target(%arg10 : memref<128x14xf32, #tpu.memory_space<vmem>>) target_semaphore(%arg15 : memref<!tpu.dma_semaphore, #tpu.memory_space<semaphore_mem>>)
      %run_scoped3A_324 = arith.constant 18 : i32
      "tpu.region"() ({
        %run_scoped3A_392 = tpu.sem_alloc : memref<!tpu.dma_semaphore, #tpu.memory_space<semaphore_mem>>
        %dma_start3A_393 = arith.constant 0 : i32
        %dma_start3A_394 = tpu.memref_slice %arg11[%run_scoped3A_324, %dma_start3A_393] : memref<25x128xi32, #tpu.memory_space<vmem>> -> memref<1x128xi32, #tpu.memory_space<vmem>>
        %dma_start3A_395 = tpu.memref_squeeze %dma_start3A_394 : memref<1x128xi32, #tpu.memory_space<vmem>> -> memref<128xi32, #tpu.memory_space<vmem>>
        %dma_start3A_396 = arith.constant 0 : i32
        %dma_start3A_397 = arith.constant 0 : i32
        %dma_start3A_398 = tpu.memref_slice %arg13[%dma_start3A_396, %dma_start3A_397] : memref<1025x14xf32, #tpu.memory_space<vmem_shared>> -> memref<1025x14xf32, #tpu.memory_space<vmem_shared>>
        tpu.enqueue_indirect_dma source(%arg9 : memref<128x14xf32, #tpu.memory_space<vmem>>) target(%dma_start3A_398 : memref<1025x14xf32, #tpu.memory_space<vmem_shared>>) offsets(%dma_start3A_395 : memref<128xi32, #tpu.memory_space<vmem>>) semaphore(%run_scoped3A_392 : memref<!tpu.dma_semaphore, #tpu.memory_space<semaphore_mem>>) {add = true}
        %dma_wait3A_399 = arith.constant 0 : i32
        %dma_wait3A_400 = tpu.memref_slice %arg11[%run_scoped3A_324, %dma_wait3A_399] : memref<25x128xi32, #tpu.memory_space<vmem>> -> memref<1x128xi32, #tpu.memory_space<vmem>>
        %dma_wait3A_401 = tpu.memref_squeeze %dma_wait3A_400 : memref<1x128xi32, #tpu.memory_space<vmem>> -> memref<128xi32, #tpu.memory_space<vmem>>
        %dma_wait3A_402 = arith.constant 0 : i32
        %dma_wait3A_403 = arith.constant 0 : i32
        %dma_wait3A_404 = tpu.memref_slice %arg13[%dma_wait3A_402, %dma_wait3A_403] : memref<1025x14xf32, #tpu.memory_space<vmem_shared>> -> memref<1025x14xf32, #tpu.memory_space<vmem_shared>>
        tpu.wait_indirect_dma semaphore(%run_scoped3A_392 : memref<!tpu.dma_semaphore, #tpu.memory_space<semaphore_mem>>) src(%arg9 : memref<128x14xf32, #tpu.memory_space<vmem>>) dst(%dma_wait3A_404 : memref<1025x14xf32, #tpu.memory_space<vmem_shared>>)
        tpu.yield
      }) : () -> ()
      %run_scoped3A_325 = arith.constant 18 : i32
      "tpu.region"() ({
        %run_scoped3A_392 = tpu.sem_alloc : memref<!tpu.dma_semaphore, #tpu.memory_space<semaphore_mem>>
        %dma_start3A_393 = arith.constant 0 : i32
        %dma_start3A_394 = tpu.memref_slice %arg11[%run_scoped3A_325, %dma_start3A_393] : memref<25x128xi32, #tpu.memory_space<vmem>> -> memref<1x128xi32, #tpu.memory_space<vmem>>
        %dma_start3A_395 = tpu.memref_squeeze %dma_start3A_394 : memref<1x128xi32, #tpu.memory_space<vmem>> -> memref<128xi32, #tpu.memory_space<vmem>>
        %dma_start3A_396 = arith.constant 0 : i32
        %dma_start3A_397 = arith.constant 0 : i32
        %dma_start3A_398 = tpu.memref_slice %arg14[%dma_start3A_396, %dma_start3A_397] : memref<1025x1xf32, #tpu.memory_space<vmem_shared>> -> memref<1025x1xf32, #tpu.memory_space<vmem_shared>>
        tpu.enqueue_indirect_dma source(%arg12 : memref<128x1xf32, #tpu.memory_space<vmem>>) target(%dma_start3A_398 : memref<1025x1xf32, #tpu.memory_space<vmem_shared>>) offsets(%dma_start3A_395 : memref<128xi32, #tpu.memory_space<vmem>>) semaphore(%run_scoped3A_392 : memref<!tpu.dma_semaphore, #tpu.memory_space<semaphore_mem>>) {add = true}
        %dma_wait3A_399 = arith.constant 0 : i32
        %dma_wait3A_400 = tpu.memref_slice %arg11[%run_scoped3A_325, %dma_wait3A_399] : memref<25x128xi32, #tpu.memory_space<vmem>> -> memref<1x128xi32, #tpu.memory_space<vmem>>
        %dma_wait3A_401 = tpu.memref_squeeze %dma_wait3A_400 : memref<1x128xi32, #tpu.memory_space<vmem>> -> memref<128xi32, #tpu.memory_space<vmem>>
        %dma_wait3A_402 = arith.constant 0 : i32
        %dma_wait3A_403 = arith.constant 0 : i32
        %dma_wait3A_404 = tpu.memref_slice %arg14[%dma_wait3A_402, %dma_wait3A_403] : memref<1025x1xf32, #tpu.memory_space<vmem_shared>> -> memref<1025x1xf32, #tpu.memory_space<vmem_shared>>
        tpu.wait_indirect_dma semaphore(%run_scoped3A_392 : memref<!tpu.dma_semaphore, #tpu.memory_space<semaphore_mem>>) src(%arg12 : memref<128x1xf32, #tpu.memory_space<vmem>>) dst(%dma_wait3A_404 : memref<1025x1xf32, #tpu.memory_space<vmem_shared>>)
        tpu.yield
      }) : () -> ()
      %dma_wait3A_326 = arith.constant 0 : i32
      %dma_wait3A_327 = tpu.memref_slice %arg2[%add3A_319, %dma_wait3A_326] : memref<100000x14xf32, #tpu.memory_space<hbm>> -> memref<128x14xf32, #tpu.memory_space<hbm>>
      %dma_wait3A_328 = arith.constant 0 : i32
      %dma_wait3A_329 = tpu.memref_slice %arg2[%add3A_319, %dma_wait3A_328] : memref<100000x14xf32, #tpu.memory_space<hbm>> -> memref<128x14xf32, #tpu.memory_space<hbm>>
      tpu.wait_dma2 semaphore(%arg15 : memref<!tpu.dma_semaphore, #tpu.memory_space<semaphore_mem>>) src(%dma_wait3A_329 : memref<128x14xf32, #tpu.memory_space<hbm>>) dst(%arg10 : memref<128x14xf32, #tpu.memory_space<vmem>>)
      %add3A_330 = arith.constant 2560 : i32
      %add3A_331 = arith.addi %mul3A_2, %add3A_330 : i32
      %dma_start3A_332 = arith.constant 0 : i32
      %dma_start3A_333 = tpu.memref_slice %arg2[%add3A_331, %dma_start3A_332] : memref<100000x14xf32, #tpu.memory_space<hbm>> -> memref<128x14xf32, #tpu.memory_space<hbm>>
      %dma_start3A_334 = arith.constant 0 : i32
      %dma_start3A_335 = tpu.memref_slice %arg2[%add3A_331, %dma_start3A_334] : memref<100000x14xf32, #tpu.memory_space<hbm>> -> memref<128x14xf32, #tpu.memory_space<hbm>>
      tpu.enqueue_dma source(%dma_start3A_335 : memref<128x14xf32, #tpu.memory_space<hbm>>) target(%arg9 : memref<128x14xf32, #tpu.memory_space<vmem>>) target_semaphore(%arg15 : memref<!tpu.dma_semaphore, #tpu.memory_space<semaphore_mem>>)
      %run_scoped3A_336 = arith.constant 19 : i32
      "tpu.region"() ({
        %run_scoped3A_392 = tpu.sem_alloc : memref<!tpu.dma_semaphore, #tpu.memory_space<semaphore_mem>>
        %dma_start3A_393 = arith.constant 0 : i32
        %dma_start3A_394 = tpu.memref_slice %arg11[%run_scoped3A_336, %dma_start3A_393] : memref<25x128xi32, #tpu.memory_space<vmem>> -> memref<1x128xi32, #tpu.memory_space<vmem>>
        %dma_start3A_395 = tpu.memref_squeeze %dma_start3A_394 : memref<1x128xi32, #tpu.memory_space<vmem>> -> memref<128xi32, #tpu.memory_space<vmem>>
        %dma_start3A_396 = arith.constant 0 : i32
        %dma_start3A_397 = arith.constant 0 : i32
        %dma_start3A_398 = tpu.memref_slice %arg13[%dma_start3A_396, %dma_start3A_397] : memref<1025x14xf32, #tpu.memory_space<vmem_shared>> -> memref<1025x14xf32, #tpu.memory_space<vmem_shared>>
        tpu.enqueue_indirect_dma source(%arg10 : memref<128x14xf32, #tpu.memory_space<vmem>>) target(%dma_start3A_398 : memref<1025x14xf32, #tpu.memory_space<vmem_shared>>) offsets(%dma_start3A_395 : memref<128xi32, #tpu.memory_space<vmem>>) semaphore(%run_scoped3A_392 : memref<!tpu.dma_semaphore, #tpu.memory_space<semaphore_mem>>) {add = true}
        %dma_wait3A_399 = arith.constant 0 : i32
        %dma_wait3A_400 = tpu.memref_slice %arg11[%run_scoped3A_336, %dma_wait3A_399] : memref<25x128xi32, #tpu.memory_space<vmem>> -> memref<1x128xi32, #tpu.memory_space<vmem>>
        %dma_wait3A_401 = tpu.memref_squeeze %dma_wait3A_400 : memref<1x128xi32, #tpu.memory_space<vmem>> -> memref<128xi32, #tpu.memory_space<vmem>>
        %dma_wait3A_402 = arith.constant 0 : i32
        %dma_wait3A_403 = arith.constant 0 : i32
        %dma_wait3A_404 = tpu.memref_slice %arg13[%dma_wait3A_402, %dma_wait3A_403] : memref<1025x14xf32, #tpu.memory_space<vmem_shared>> -> memref<1025x14xf32, #tpu.memory_space<vmem_shared>>
        tpu.wait_indirect_dma semaphore(%run_scoped3A_392 : memref<!tpu.dma_semaphore, #tpu.memory_space<semaphore_mem>>) src(%arg10 : memref<128x14xf32, #tpu.memory_space<vmem>>) dst(%dma_wait3A_404 : memref<1025x14xf32, #tpu.memory_space<vmem_shared>>)
        tpu.yield
      }) : () -> ()
      %run_scoped3A_337 = arith.constant 19 : i32
      "tpu.region"() ({
        %run_scoped3A_392 = tpu.sem_alloc : memref<!tpu.dma_semaphore, #tpu.memory_space<semaphore_mem>>
        %dma_start3A_393 = arith.constant 0 : i32
        %dma_start3A_394 = tpu.memref_slice %arg11[%run_scoped3A_337, %dma_start3A_393] : memref<25x128xi32, #tpu.memory_space<vmem>> -> memref<1x128xi32, #tpu.memory_space<vmem>>
        %dma_start3A_395 = tpu.memref_squeeze %dma_start3A_394 : memref<1x128xi32, #tpu.memory_space<vmem>> -> memref<128xi32, #tpu.memory_space<vmem>>
        %dma_start3A_396 = arith.constant 0 : i32
        %dma_start3A_397 = arith.constant 0 : i32
        %dma_start3A_398 = tpu.memref_slice %arg14[%dma_start3A_396, %dma_start3A_397] : memref<1025x1xf32, #tpu.memory_space<vmem_shared>> -> memref<1025x1xf32, #tpu.memory_space<vmem_shared>>
        tpu.enqueue_indirect_dma source(%arg12 : memref<128x1xf32, #tpu.memory_space<vmem>>) target(%dma_start3A_398 : memref<1025x1xf32, #tpu.memory_space<vmem_shared>>) offsets(%dma_start3A_395 : memref<128xi32, #tpu.memory_space<vmem>>) semaphore(%run_scoped3A_392 : memref<!tpu.dma_semaphore, #tpu.memory_space<semaphore_mem>>) {add = true}
        %dma_wait3A_399 = arith.constant 0 : i32
        %dma_wait3A_400 = tpu.memref_slice %arg11[%run_scoped3A_337, %dma_wait3A_399] : memref<25x128xi32, #tpu.memory_space<vmem>> -> memref<1x128xi32, #tpu.memory_space<vmem>>
        %dma_wait3A_401 = tpu.memref_squeeze %dma_wait3A_400 : memref<1x128xi32, #tpu.memory_space<vmem>> -> memref<128xi32, #tpu.memory_space<vmem>>
        %dma_wait3A_402 = arith.constant 0 : i32
        %dma_wait3A_403 = arith.constant 0 : i32
        %dma_wait3A_404 = tpu.memref_slice %arg14[%dma_wait3A_402, %dma_wait3A_403] : memref<1025x1xf32, #tpu.memory_space<vmem_shared>> -> memref<1025x1xf32, #tpu.memory_space<vmem_shared>>
        tpu.wait_indirect_dma semaphore(%run_scoped3A_392 : memref<!tpu.dma_semaphore, #tpu.memory_space<semaphore_mem>>) src(%arg12 : memref<128x1xf32, #tpu.memory_space<vmem>>) dst(%dma_wait3A_404 : memref<1025x1xf32, #tpu.memory_space<vmem_shared>>)
        tpu.yield
      }) : () -> ()
      %dma_wait3A_338 = arith.constant 0 : i32
      %dma_wait3A_339 = tpu.memref_slice %arg2[%add3A_331, %dma_wait3A_338] : memref<100000x14xf32, #tpu.memory_space<hbm>> -> memref<128x14xf32, #tpu.memory_space<hbm>>
      %dma_wait3A_340 = arith.constant 0 : i32
      %dma_wait3A_341 = tpu.memref_slice %arg2[%add3A_331, %dma_wait3A_340] : memref<100000x14xf32, #tpu.memory_space<hbm>> -> memref<128x14xf32, #tpu.memory_space<hbm>>
      tpu.wait_dma2 semaphore(%arg15 : memref<!tpu.dma_semaphore, #tpu.memory_space<semaphore_mem>>) src(%dma_wait3A_341 : memref<128x14xf32, #tpu.memory_space<hbm>>) dst(%arg9 : memref<128x14xf32, #tpu.memory_space<vmem>>)
      %add3A_342 = arith.constant 2688 : i32
      %add3A_343 = arith.addi %mul3A_2, %add3A_342 : i32
      %dma_start3A_344 = arith.constant 0 : i32
      %dma_start3A_345 = tpu.memref_slice %arg2[%add3A_343, %dma_start3A_344] : memref<100000x14xf32, #tpu.memory_space<hbm>> -> memref<128x14xf32, #tpu.memory_space<hbm>>
      %dma_start3A_346 = arith.constant 0 : i32
      %dma_start3A_347 = tpu.memref_slice %arg2[%add3A_343, %dma_start3A_346] : memref<100000x14xf32, #tpu.memory_space<hbm>> -> memref<128x14xf32, #tpu.memory_space<hbm>>
      tpu.enqueue_dma source(%dma_start3A_347 : memref<128x14xf32, #tpu.memory_space<hbm>>) target(%arg10 : memref<128x14xf32, #tpu.memory_space<vmem>>) target_semaphore(%arg15 : memref<!tpu.dma_semaphore, #tpu.memory_space<semaphore_mem>>)
      %run_scoped3A_348 = arith.constant 20 : i32
      "tpu.region"() ({
        %run_scoped3A_392 = tpu.sem_alloc : memref<!tpu.dma_semaphore, #tpu.memory_space<semaphore_mem>>
        %dma_start3A_393 = arith.constant 0 : i32
        %dma_start3A_394 = tpu.memref_slice %arg11[%run_scoped3A_348, %dma_start3A_393] : memref<25x128xi32, #tpu.memory_space<vmem>> -> memref<1x128xi32, #tpu.memory_space<vmem>>
        %dma_start3A_395 = tpu.memref_squeeze %dma_start3A_394 : memref<1x128xi32, #tpu.memory_space<vmem>> -> memref<128xi32, #tpu.memory_space<vmem>>
        %dma_start3A_396 = arith.constant 0 : i32
        %dma_start3A_397 = arith.constant 0 : i32
        %dma_start3A_398 = tpu.memref_slice %arg13[%dma_start3A_396, %dma_start3A_397] : memref<1025x14xf32, #tpu.memory_space<vmem_shared>> -> memref<1025x14xf32, #tpu.memory_space<vmem_shared>>
        tpu.enqueue_indirect_dma source(%arg9 : memref<128x14xf32, #tpu.memory_space<vmem>>) target(%dma_start3A_398 : memref<1025x14xf32, #tpu.memory_space<vmem_shared>>) offsets(%dma_start3A_395 : memref<128xi32, #tpu.memory_space<vmem>>) semaphore(%run_scoped3A_392 : memref<!tpu.dma_semaphore, #tpu.memory_space<semaphore_mem>>) {add = true}
        %dma_wait3A_399 = arith.constant 0 : i32
        %dma_wait3A_400 = tpu.memref_slice %arg11[%run_scoped3A_348, %dma_wait3A_399] : memref<25x128xi32, #tpu.memory_space<vmem>> -> memref<1x128xi32, #tpu.memory_space<vmem>>
        %dma_wait3A_401 = tpu.memref_squeeze %dma_wait3A_400 : memref<1x128xi32, #tpu.memory_space<vmem>> -> memref<128xi32, #tpu.memory_space<vmem>>
        %dma_wait3A_402 = arith.constant 0 : i32
        %dma_wait3A_403 = arith.constant 0 : i32
        %dma_wait3A_404 = tpu.memref_slice %arg13[%dma_wait3A_402, %dma_wait3A_403] : memref<1025x14xf32, #tpu.memory_space<vmem_shared>> -> memref<1025x14xf32, #tpu.memory_space<vmem_shared>>
        tpu.wait_indirect_dma semaphore(%run_scoped3A_392 : memref<!tpu.dma_semaphore, #tpu.memory_space<semaphore_mem>>) src(%arg9 : memref<128x14xf32, #tpu.memory_space<vmem>>) dst(%dma_wait3A_404 : memref<1025x14xf32, #tpu.memory_space<vmem_shared>>)
        tpu.yield
      }) : () -> ()
      %run_scoped3A_349 = arith.constant 20 : i32
      "tpu.region"() ({
        %run_scoped3A_392 = tpu.sem_alloc : memref<!tpu.dma_semaphore, #tpu.memory_space<semaphore_mem>>
        %dma_start3A_393 = arith.constant 0 : i32
        %dma_start3A_394 = tpu.memref_slice %arg11[%run_scoped3A_349, %dma_start3A_393] : memref<25x128xi32, #tpu.memory_space<vmem>> -> memref<1x128xi32, #tpu.memory_space<vmem>>
        %dma_start3A_395 = tpu.memref_squeeze %dma_start3A_394 : memref<1x128xi32, #tpu.memory_space<vmem>> -> memref<128xi32, #tpu.memory_space<vmem>>
        %dma_start3A_396 = arith.constant 0 : i32
        %dma_start3A_397 = arith.constant 0 : i32
        %dma_start3A_398 = tpu.memref_slice %arg14[%dma_start3A_396, %dma_start3A_397] : memref<1025x1xf32, #tpu.memory_space<vmem_shared>> -> memref<1025x1xf32, #tpu.memory_space<vmem_shared>>
        tpu.enqueue_indirect_dma source(%arg12 : memref<128x1xf32, #tpu.memory_space<vmem>>) target(%dma_start3A_398 : memref<1025x1xf32, #tpu.memory_space<vmem_shared>>) offsets(%dma_start3A_395 : memref<128xi32, #tpu.memory_space<vmem>>) semaphore(%run_scoped3A_392 : memref<!tpu.dma_semaphore, #tpu.memory_space<semaphore_mem>>) {add = true}
        %dma_wait3A_399 = arith.constant 0 : i32
        %dma_wait3A_400 = tpu.memref_slice %arg11[%run_scoped3A_349, %dma_wait3A_399] : memref<25x128xi32, #tpu.memory_space<vmem>> -> memref<1x128xi32, #tpu.memory_space<vmem>>
        %dma_wait3A_401 = tpu.memref_squeeze %dma_wait3A_400 : memref<1x128xi32, #tpu.memory_space<vmem>> -> memref<128xi32, #tpu.memory_space<vmem>>
        %dma_wait3A_402 = arith.constant 0 : i32
        %dma_wait3A_403 = arith.constant 0 : i32
        %dma_wait3A_404 = tpu.memref_slice %arg14[%dma_wait3A_402, %dma_wait3A_403] : memref<1025x1xf32, #tpu.memory_space<vmem_shared>> -> memref<1025x1xf32, #tpu.memory_space<vmem_shared>>
        tpu.wait_indirect_dma semaphore(%run_scoped3A_392 : memref<!tpu.dma_semaphore, #tpu.memory_space<semaphore_mem>>) src(%arg12 : memref<128x1xf32, #tpu.memory_space<vmem>>) dst(%dma_wait3A_404 : memref<1025x1xf32, #tpu.memory_space<vmem_shared>>)
        tpu.yield
      }) : () -> ()
      %dma_wait3A_350 = arith.constant 0 : i32
      %dma_wait3A_351 = tpu.memref_slice %arg2[%add3A_343, %dma_wait3A_350] : memref<100000x14xf32, #tpu.memory_space<hbm>> -> memref<128x14xf32, #tpu.memory_space<hbm>>
      %dma_wait3A_352 = arith.constant 0 : i32
      %dma_wait3A_353 = tpu.memref_slice %arg2[%add3A_343, %dma_wait3A_352] : memref<100000x14xf32, #tpu.memory_space<hbm>> -> memref<128x14xf32, #tpu.memory_space<hbm>>
      tpu.wait_dma2 semaphore(%arg15 : memref<!tpu.dma_semaphore, #tpu.memory_space<semaphore_mem>>) src(%dma_wait3A_353 : memref<128x14xf32, #tpu.memory_space<hbm>>) dst(%arg10 : memref<128x14xf32, #tpu.memory_space<vmem>>)
      %add3A_354 = arith.constant 2816 : i32
      %add3A_355 = arith.addi %mul3A_2, %add3A_354 : i32
      %dma_start3A_356 = arith.constant 0 : i32
      %dma_start3A_357 = tpu.memref_slice %arg2[%add3A_355, %dma_start3A_356] : memref<100000x14xf32, #tpu.memory_space<hbm>> -> memref<128x14xf32, #tpu.memory_space<hbm>>
      %dma_start3A_358 = arith.constant 0 : i32
      %dma_start3A_359 = tpu.memref_slice %arg2[%add3A_355, %dma_start3A_358] : memref<100000x14xf32, #tpu.memory_space<hbm>> -> memref<128x14xf32, #tpu.memory_space<hbm>>
      tpu.enqueue_dma source(%dma_start3A_359 : memref<128x14xf32, #tpu.memory_space<hbm>>) target(%arg9 : memref<128x14xf32, #tpu.memory_space<vmem>>) target_semaphore(%arg15 : memref<!tpu.dma_semaphore, #tpu.memory_space<semaphore_mem>>)
      %run_scoped3A_360 = arith.constant 21 : i32
      "tpu.region"() ({
        %run_scoped3A_392 = tpu.sem_alloc : memref<!tpu.dma_semaphore, #tpu.memory_space<semaphore_mem>>
        %dma_start3A_393 = arith.constant 0 : i32
        %dma_start3A_394 = tpu.memref_slice %arg11[%run_scoped3A_360, %dma_start3A_393] : memref<25x128xi32, #tpu.memory_space<vmem>> -> memref<1x128xi32, #tpu.memory_space<vmem>>
        %dma_start3A_395 = tpu.memref_squeeze %dma_start3A_394 : memref<1x128xi32, #tpu.memory_space<vmem>> -> memref<128xi32, #tpu.memory_space<vmem>>
        %dma_start3A_396 = arith.constant 0 : i32
        %dma_start3A_397 = arith.constant 0 : i32
        %dma_start3A_398 = tpu.memref_slice %arg13[%dma_start3A_396, %dma_start3A_397] : memref<1025x14xf32, #tpu.memory_space<vmem_shared>> -> memref<1025x14xf32, #tpu.memory_space<vmem_shared>>
        tpu.enqueue_indirect_dma source(%arg10 : memref<128x14xf32, #tpu.memory_space<vmem>>) target(%dma_start3A_398 : memref<1025x14xf32, #tpu.memory_space<vmem_shared>>) offsets(%dma_start3A_395 : memref<128xi32, #tpu.memory_space<vmem>>) semaphore(%run_scoped3A_392 : memref<!tpu.dma_semaphore, #tpu.memory_space<semaphore_mem>>) {add = true}
        %dma_wait3A_399 = arith.constant 0 : i32
        %dma_wait3A_400 = tpu.memref_slice %arg11[%run_scoped3A_360, %dma_wait3A_399] : memref<25x128xi32, #tpu.memory_space<vmem>> -> memref<1x128xi32, #tpu.memory_space<vmem>>
        %dma_wait3A_401 = tpu.memref_squeeze %dma_wait3A_400 : memref<1x128xi32, #tpu.memory_space<vmem>> -> memref<128xi32, #tpu.memory_space<vmem>>
        %dma_wait3A_402 = arith.constant 0 : i32
        %dma_wait3A_403 = arith.constant 0 : i32
        %dma_wait3A_404 = tpu.memref_slice %arg13[%dma_wait3A_402, %dma_wait3A_403] : memref<1025x14xf32, #tpu.memory_space<vmem_shared>> -> memref<1025x14xf32, #tpu.memory_space<vmem_shared>>
        tpu.wait_indirect_dma semaphore(%run_scoped3A_392 : memref<!tpu.dma_semaphore, #tpu.memory_space<semaphore_mem>>) src(%arg10 : memref<128x14xf32, #tpu.memory_space<vmem>>) dst(%dma_wait3A_404 : memref<1025x14xf32, #tpu.memory_space<vmem_shared>>)
        tpu.yield
      }) : () -> ()
      %run_scoped3A_361 = arith.constant 21 : i32
      "tpu.region"() ({
        %run_scoped3A_392 = tpu.sem_alloc : memref<!tpu.dma_semaphore, #tpu.memory_space<semaphore_mem>>
        %dma_start3A_393 = arith.constant 0 : i32
        %dma_start3A_394 = tpu.memref_slice %arg11[%run_scoped3A_361, %dma_start3A_393] : memref<25x128xi32, #tpu.memory_space<vmem>> -> memref<1x128xi32, #tpu.memory_space<vmem>>
        %dma_start3A_395 = tpu.memref_squeeze %dma_start3A_394 : memref<1x128xi32, #tpu.memory_space<vmem>> -> memref<128xi32, #tpu.memory_space<vmem>>
        %dma_start3A_396 = arith.constant 0 : i32
        %dma_start3A_397 = arith.constant 0 : i32
        %dma_start3A_398 = tpu.memref_slice %arg14[%dma_start3A_396, %dma_start3A_397] : memref<1025x1xf32, #tpu.memory_space<vmem_shared>> -> memref<1025x1xf32, #tpu.memory_space<vmem_shared>>
        tpu.enqueue_indirect_dma source(%arg12 : memref<128x1xf32, #tpu.memory_space<vmem>>) target(%dma_start3A_398 : memref<1025x1xf32, #tpu.memory_space<vmem_shared>>) offsets(%dma_start3A_395 : memref<128xi32, #tpu.memory_space<vmem>>) semaphore(%run_scoped3A_392 : memref<!tpu.dma_semaphore, #tpu.memory_space<semaphore_mem>>) {add = true}
        %dma_wait3A_399 = arith.constant 0 : i32
        %dma_wait3A_400 = tpu.memref_slice %arg11[%run_scoped3A_361, %dma_wait3A_399] : memref<25x128xi32, #tpu.memory_space<vmem>> -> memref<1x128xi32, #tpu.memory_space<vmem>>
        %dma_wait3A_401 = tpu.memref_squeeze %dma_wait3A_400 : memref<1x128xi32, #tpu.memory_space<vmem>> -> memref<128xi32, #tpu.memory_space<vmem>>
        %dma_wait3A_402 = arith.constant 0 : i32
        %dma_wait3A_403 = arith.constant 0 : i32
        %dma_wait3A_404 = tpu.memref_slice %arg14[%dma_wait3A_402, %dma_wait3A_403] : memref<1025x1xf32, #tpu.memory_space<vmem_shared>> -> memref<1025x1xf32, #tpu.memory_space<vmem_shared>>
        tpu.wait_indirect_dma semaphore(%run_scoped3A_392 : memref<!tpu.dma_semaphore, #tpu.memory_space<semaphore_mem>>) src(%arg12 : memref<128x1xf32, #tpu.memory_space<vmem>>) dst(%dma_wait3A_404 : memref<1025x1xf32, #tpu.memory_space<vmem_shared>>)
        tpu.yield
      }) : () -> ()
      %dma_wait3A_362 = arith.constant 0 : i32
      %dma_wait3A_363 = tpu.memref_slice %arg2[%add3A_355, %dma_wait3A_362] : memref<100000x14xf32, #tpu.memory_space<hbm>> -> memref<128x14xf32, #tpu.memory_space<hbm>>
      %dma_wait3A_364 = arith.constant 0 : i32
      %dma_wait3A_365 = tpu.memref_slice %arg2[%add3A_355, %dma_wait3A_364] : memref<100000x14xf32, #tpu.memory_space<hbm>> -> memref<128x14xf32, #tpu.memory_space<hbm>>
      tpu.wait_dma2 semaphore(%arg15 : memref<!tpu.dma_semaphore, #tpu.memory_space<semaphore_mem>>) src(%dma_wait3A_365 : memref<128x14xf32, #tpu.memory_space<hbm>>) dst(%arg9 : memref<128x14xf32, #tpu.memory_space<vmem>>)
      %add3A_366 = arith.constant 2944 : i32
      %add3A_367 = arith.addi %mul3A_2, %add3A_366 : i32
      %dma_start3A_368 = arith.constant 0 : i32
      %dma_start3A_369 = tpu.memref_slice %arg2[%add3A_367, %dma_start3A_368] : memref<100000x14xf32, #tpu.memory_space<hbm>> -> memref<128x14xf32, #tpu.memory_space<hbm>>
      %dma_start3A_370 = arith.constant 0 : i32
      %dma_start3A_371 = tpu.memref_slice %arg2[%add3A_367, %dma_start3A_370] : memref<100000x14xf32, #tpu.memory_space<hbm>> -> memref<128x14xf32, #tpu.memory_space<hbm>>
      tpu.enqueue_dma source(%dma_start3A_371 : memref<128x14xf32, #tpu.memory_space<hbm>>) target(%arg10 : memref<128x14xf32, #tpu.memory_space<vmem>>) target_semaphore(%arg15 : memref<!tpu.dma_semaphore, #tpu.memory_space<semaphore_mem>>)
      %run_scoped3A_372 = arith.constant 22 : i32
      "tpu.region"() ({
        %run_scoped3A_392 = tpu.sem_alloc : memref<!tpu.dma_semaphore, #tpu.memory_space<semaphore_mem>>
        %dma_start3A_393 = arith.constant 0 : i32
        %dma_start3A_394 = tpu.memref_slice %arg11[%run_scoped3A_372, %dma_start3A_393] : memref<25x128xi32, #tpu.memory_space<vmem>> -> memref<1x128xi32, #tpu.memory_space<vmem>>
        %dma_start3A_395 = tpu.memref_squeeze %dma_start3A_394 : memref<1x128xi32, #tpu.memory_space<vmem>> -> memref<128xi32, #tpu.memory_space<vmem>>
        %dma_start3A_396 = arith.constant 0 : i32
        %dma_start3A_397 = arith.constant 0 : i32
        %dma_start3A_398 = tpu.memref_slice %arg13[%dma_start3A_396, %dma_start3A_397] : memref<1025x14xf32, #tpu.memory_space<vmem_shared>> -> memref<1025x14xf32, #tpu.memory_space<vmem_shared>>
        tpu.enqueue_indirect_dma source(%arg9 : memref<128x14xf32, #tpu.memory_space<vmem>>) target(%dma_start3A_398 : memref<1025x14xf32, #tpu.memory_space<vmem_shared>>) offsets(%dma_start3A_395 : memref<128xi32, #tpu.memory_space<vmem>>) semaphore(%run_scoped3A_392 : memref<!tpu.dma_semaphore, #tpu.memory_space<semaphore_mem>>) {add = true}
        %dma_wait3A_399 = arith.constant 0 : i32
        %dma_wait3A_400 = tpu.memref_slice %arg11[%run_scoped3A_372, %dma_wait3A_399] : memref<25x128xi32, #tpu.memory_space<vmem>> -> memref<1x128xi32, #tpu.memory_space<vmem>>
        %dma_wait3A_401 = tpu.memref_squeeze %dma_wait3A_400 : memref<1x128xi32, #tpu.memory_space<vmem>> -> memref<128xi32, #tpu.memory_space<vmem>>
        %dma_wait3A_402 = arith.constant 0 : i32
        %dma_wait3A_403 = arith.constant 0 : i32
        %dma_wait3A_404 = tpu.memref_slice %arg13[%dma_wait3A_402, %dma_wait3A_403] : memref<1025x14xf32, #tpu.memory_space<vmem_shared>> -> memref<1025x14xf32, #tpu.memory_space<vmem_shared>>
        tpu.wait_indirect_dma semaphore(%run_scoped3A_392 : memref<!tpu.dma_semaphore, #tpu.memory_space<semaphore_mem>>) src(%arg9 : memref<128x14xf32, #tpu.memory_space<vmem>>) dst(%dma_wait3A_404 : memref<1025x14xf32, #tpu.memory_space<vmem_shared>>)
        tpu.yield
      }) : () -> ()
      %run_scoped3A_373 = arith.constant 22 : i32
      "tpu.region"() ({
        %run_scoped3A_392 = tpu.sem_alloc : memref<!tpu.dma_semaphore, #tpu.memory_space<semaphore_mem>>
        %dma_start3A_393 = arith.constant 0 : i32
        %dma_start3A_394 = tpu.memref_slice %arg11[%run_scoped3A_373, %dma_start3A_393] : memref<25x128xi32, #tpu.memory_space<vmem>> -> memref<1x128xi32, #tpu.memory_space<vmem>>
        %dma_start3A_395 = tpu.memref_squeeze %dma_start3A_394 : memref<1x128xi32, #tpu.memory_space<vmem>> -> memref<128xi32, #tpu.memory_space<vmem>>
        %dma_start3A_396 = arith.constant 0 : i32
        %dma_start3A_397 = arith.constant 0 : i32
        %dma_start3A_398 = tpu.memref_slice %arg14[%dma_start3A_396, %dma_start3A_397] : memref<1025x1xf32, #tpu.memory_space<vmem_shared>> -> memref<1025x1xf32, #tpu.memory_space<vmem_shared>>
        tpu.enqueue_indirect_dma source(%arg12 : memref<128x1xf32, #tpu.memory_space<vmem>>) target(%dma_start3A_398 : memref<1025x1xf32, #tpu.memory_space<vmem_shared>>) offsets(%dma_start3A_395 : memref<128xi32, #tpu.memory_space<vmem>>) semaphore(%run_scoped3A_392 : memref<!tpu.dma_semaphore, #tpu.memory_space<semaphore_mem>>) {add = true}
        %dma_wait3A_399 = arith.constant 0 : i32
        %dma_wait3A_400 = tpu.memref_slice %arg11[%run_scoped3A_373, %dma_wait3A_399] : memref<25x128xi32, #tpu.memory_space<vmem>> -> memref<1x128xi32, #tpu.memory_space<vmem>>
        %dma_wait3A_401 = tpu.memref_squeeze %dma_wait3A_400 : memref<1x128xi32, #tpu.memory_space<vmem>> -> memref<128xi32, #tpu.memory_space<vmem>>
        %dma_wait3A_402 = arith.constant 0 : i32
        %dma_wait3A_403 = arith.constant 0 : i32
        %dma_wait3A_404 = tpu.memref_slice %arg14[%dma_wait3A_402, %dma_wait3A_403] : memref<1025x1xf32, #tpu.memory_space<vmem_shared>> -> memref<1025x1xf32, #tpu.memory_space<vmem_shared>>
        tpu.wait_indirect_dma semaphore(%run_scoped3A_392 : memref<!tpu.dma_semaphore, #tpu.memory_space<semaphore_mem>>) src(%arg12 : memref<128x1xf32, #tpu.memory_space<vmem>>) dst(%dma_wait3A_404 : memref<1025x1xf32, #tpu.memory_space<vmem_shared>>)
        tpu.yield
      }) : () -> ()
      %dma_wait3A_374 = arith.constant 0 : i32
      %dma_wait3A_375 = tpu.memref_slice %arg2[%add3A_367, %dma_wait3A_374] : memref<100000x14xf32, #tpu.memory_space<hbm>> -> memref<128x14xf32, #tpu.memory_space<hbm>>
      %dma_wait3A_376 = arith.constant 0 : i32
      %dma_wait3A_377 = tpu.memref_slice %arg2[%add3A_367, %dma_wait3A_376] : memref<100000x14xf32, #tpu.memory_space<hbm>> -> memref<128x14xf32, #tpu.memory_space<hbm>>
      tpu.wait_dma2 semaphore(%arg15 : memref<!tpu.dma_semaphore, #tpu.memory_space<semaphore_mem>>) src(%dma_wait3A_377 : memref<128x14xf32, #tpu.memory_space<hbm>>) dst(%arg10 : memref<128x14xf32, #tpu.memory_space<vmem>>)
      %add3A_378 = arith.constant 3072 : i32
      %add3A_379 = arith.addi %mul3A_2, %add3A_378 : i32
      %dma_start3A_380 = arith.constant 0 : i32
      %dma_start3A_381 = tpu.memref_slice %arg2[%add3A_379, %dma_start3A_380] : memref<100000x14xf32, #tpu.memory_space<hbm>> -> memref<128x14xf32, #tpu.memory_space<hbm>>
      %dma_start3A_382 = arith.constant 0 : i32
      %dma_start3A_383 = tpu.memref_slice %arg2[%add3A_379, %dma_start3A_382] : memref<100000x14xf32, #tpu.memory_space<hbm>> -> memref<128x14xf32, #tpu.memory_space<hbm>>
      tpu.enqueue_dma source(%dma_start3A_383 : memref<128x14xf32, #tpu.memory_space<hbm>>) target(%arg9 : memref<128x14xf32, #tpu.memory_space<vmem>>) target_semaphore(%arg15 : memref<!tpu.dma_semaphore, #tpu.memory_space<semaphore_mem>>)
      %run_scoped3A_384 = arith.constant 23 : i32
      "tpu.region"() ({
        %run_scoped3A_392 = tpu.sem_alloc : memref<!tpu.dma_semaphore, #tpu.memory_space<semaphore_mem>>
        %dma_start3A_393 = arith.constant 0 : i32
        %dma_start3A_394 = tpu.memref_slice %arg11[%run_scoped3A_384, %dma_start3A_393] : memref<25x128xi32, #tpu.memory_space<vmem>> -> memref<1x128xi32, #tpu.memory_space<vmem>>
        %dma_start3A_395 = tpu.memref_squeeze %dma_start3A_394 : memref<1x128xi32, #tpu.memory_space<vmem>> -> memref<128xi32, #tpu.memory_space<vmem>>
        %dma_start3A_396 = arith.constant 0 : i32
        %dma_start3A_397 = arith.constant 0 : i32
        %dma_start3A_398 = tpu.memref_slice %arg13[%dma_start3A_396, %dma_start3A_397] : memref<1025x14xf32, #tpu.memory_space<vmem_shared>> -> memref<1025x14xf32, #tpu.memory_space<vmem_shared>>
        tpu.enqueue_indirect_dma source(%arg10 : memref<128x14xf32, #tpu.memory_space<vmem>>) target(%dma_start3A_398 : memref<1025x14xf32, #tpu.memory_space<vmem_shared>>) offsets(%dma_start3A_395 : memref<128xi32, #tpu.memory_space<vmem>>) semaphore(%run_scoped3A_392 : memref<!tpu.dma_semaphore, #tpu.memory_space<semaphore_mem>>) {add = true}
        %dma_wait3A_399 = arith.constant 0 : i32
        %dma_wait3A_400 = tpu.memref_slice %arg11[%run_scoped3A_384, %dma_wait3A_399] : memref<25x128xi32, #tpu.memory_space<vmem>> -> memref<1x128xi32, #tpu.memory_space<vmem>>
        %dma_wait3A_401 = tpu.memref_squeeze %dma_wait3A_400 : memref<1x128xi32, #tpu.memory_space<vmem>> -> memref<128xi32, #tpu.memory_space<vmem>>
        %dma_wait3A_402 = arith.constant 0 : i32
        %dma_wait3A_403 = arith.constant 0 : i32
        %dma_wait3A_404 = tpu.memref_slice %arg13[%dma_wait3A_402, %dma_wait3A_403] : memref<1025x14xf32, #tpu.memory_space<vmem_shared>> -> memref<1025x14xf32, #tpu.memory_space<vmem_shared>>
        tpu.wait_indirect_dma semaphore(%run_scoped3A_392 : memref<!tpu.dma_semaphore, #tpu.memory_space<semaphore_mem>>) src(%arg10 : memref<128x14xf32, #tpu.memory_space<vmem>>) dst(%dma_wait3A_404 : memref<1025x14xf32, #tpu.memory_space<vmem_shared>>)
        tpu.yield
      }) : () -> ()
      %run_scoped3A_385 = arith.constant 23 : i32
      "tpu.region"() ({
        %run_scoped3A_392 = tpu.sem_alloc : memref<!tpu.dma_semaphore, #tpu.memory_space<semaphore_mem>>
        %dma_start3A_393 = arith.constant 0 : i32
        %dma_start3A_394 = tpu.memref_slice %arg11[%run_scoped3A_385, %dma_start3A_393] : memref<25x128xi32, #tpu.memory_space<vmem>> -> memref<1x128xi32, #tpu.memory_space<vmem>>
        %dma_start3A_395 = tpu.memref_squeeze %dma_start3A_394 : memref<1x128xi32, #tpu.memory_space<vmem>> -> memref<128xi32, #tpu.memory_space<vmem>>
        %dma_start3A_396 = arith.constant 0 : i32
        %dma_start3A_397 = arith.constant 0 : i32
        %dma_start3A_398 = tpu.memref_slice %arg14[%dma_start3A_396, %dma_start3A_397] : memref<1025x1xf32, #tpu.memory_space<vmem_shared>> -> memref<1025x1xf32, #tpu.memory_space<vmem_shared>>
        tpu.enqueue_indirect_dma source(%arg12 : memref<128x1xf32, #tpu.memory_space<vmem>>) target(%dma_start3A_398 : memref<1025x1xf32, #tpu.memory_space<vmem_shared>>) offsets(%dma_start3A_395 : memref<128xi32, #tpu.memory_space<vmem>>) semaphore(%run_scoped3A_392 : memref<!tpu.dma_semaphore, #tpu.memory_space<semaphore_mem>>) {add = true}
        %dma_wait3A_399 = arith.constant 0 : i32
        %dma_wait3A_400 = tpu.memref_slice %arg11[%run_scoped3A_385, %dma_wait3A_399] : memref<25x128xi32, #tpu.memory_space<vmem>> -> memref<1x128xi32, #tpu.memory_space<vmem>>
        %dma_wait3A_401 = tpu.memref_squeeze %dma_wait3A_400 : memref<1x128xi32, #tpu.memory_space<vmem>> -> memref<128xi32, #tpu.memory_space<vmem>>
        %dma_wait3A_402 = arith.constant 0 : i32
        %dma_wait3A_403 = arith.constant 0 : i32
        %dma_wait3A_404 = tpu.memref_slice %arg14[%dma_wait3A_402, %dma_wait3A_403] : memref<1025x1xf32, #tpu.memory_space<vmem_shared>> -> memref<1025x1xf32, #tpu.memory_space<vmem_shared>>
        tpu.wait_indirect_dma semaphore(%run_scoped3A_392 : memref<!tpu.dma_semaphore, #tpu.memory_space<semaphore_mem>>) src(%arg12 : memref<128x1xf32, #tpu.memory_space<vmem>>) dst(%dma_wait3A_404 : memref<1025x1xf32, #tpu.memory_space<vmem_shared>>)
        tpu.yield
      }) : () -> ()
      %dma_wait3A_386 = arith.constant 0 : i32
      %dma_wait3A_387 = tpu.memref_slice %arg2[%add3A_379, %dma_wait3A_386] : memref<100000x14xf32, #tpu.memory_space<hbm>> -> memref<128x14xf32, #tpu.memory_space<hbm>>
      %dma_wait3A_388 = arith.constant 0 : i32
      %dma_wait3A_389 = tpu.memref_slice %arg2[%add3A_379, %dma_wait3A_388] : memref<100000x14xf32, #tpu.memory_space<hbm>> -> memref<128x14xf32, #tpu.memory_space<hbm>>
      tpu.wait_dma2 semaphore(%arg15 : memref<!tpu.dma_semaphore, #tpu.memory_space<semaphore_mem>>) src(%dma_wait3A_389 : memref<128x14xf32, #tpu.memory_space<hbm>>) dst(%arg9 : memref<128x14xf32, #tpu.memory_space<vmem>>)
      %run_scoped3A_390 = arith.constant 24 : i32
      "tpu.region"() ({
        %run_scoped3A_392 = tpu.sem_alloc : memref<!tpu.dma_semaphore, #tpu.memory_space<semaphore_mem>>
        %dma_start3A_393 = arith.constant 0 : i32
        %dma_start3A_394 = tpu.memref_slice %arg11[%run_scoped3A_390, %dma_start3A_393] : memref<25x128xi32, #tpu.memory_space<vmem>> -> memref<1x128xi32, #tpu.memory_space<vmem>>
        %dma_start3A_395 = tpu.memref_squeeze %dma_start3A_394 : memref<1x128xi32, #tpu.memory_space<vmem>> -> memref<128xi32, #tpu.memory_space<vmem>>
        %dma_start3A_396 = arith.constant 0 : i32
        %dma_start3A_397 = arith.constant 0 : i32
        %dma_start3A_398 = tpu.memref_slice %arg13[%dma_start3A_396, %dma_start3A_397] : memref<1025x14xf32, #tpu.memory_space<vmem_shared>> -> memref<1025x14xf32, #tpu.memory_space<vmem_shared>>
        tpu.enqueue_indirect_dma source(%arg9 : memref<128x14xf32, #tpu.memory_space<vmem>>) target(%dma_start3A_398 : memref<1025x14xf32, #tpu.memory_space<vmem_shared>>) offsets(%dma_start3A_395 : memref<128xi32, #tpu.memory_space<vmem>>) semaphore(%run_scoped3A_392 : memref<!tpu.dma_semaphore, #tpu.memory_space<semaphore_mem>>) {add = true}
        %dma_wait3A_399 = arith.constant 0 : i32
        %dma_wait3A_400 = tpu.memref_slice %arg11[%run_scoped3A_390, %dma_wait3A_399] : memref<25x128xi32, #tpu.memory_space<vmem>> -> memref<1x128xi32, #tpu.memory_space<vmem>>
        %dma_wait3A_401 = tpu.memref_squeeze %dma_wait3A_400 : memref<1x128xi32, #tpu.memory_space<vmem>> -> memref<128xi32, #tpu.memory_space<vmem>>
        %dma_wait3A_402 = arith.constant 0 : i32
        %dma_wait3A_403 = arith.constant 0 : i32
        %dma_wait3A_404 = tpu.memref_slice %arg13[%dma_wait3A_402, %dma_wait3A_403] : memref<1025x14xf32, #tpu.memory_space<vmem_shared>> -> memref<1025x14xf32, #tpu.memory_space<vmem_shared>>
        tpu.wait_indirect_dma semaphore(%run_scoped3A_392 : memref<!tpu.dma_semaphore, #tpu.memory_space<semaphore_mem>>) src(%arg9 : memref<128x14xf32, #tpu.memory_space<vmem>>) dst(%dma_wait3A_404 : memref<1025x14xf32, #tpu.memory_space<vmem_shared>>)
        tpu.yield
      }) : () -> ()
      %run_scoped3A_391 = arith.constant 24 : i32
      "tpu.region"() ({
        %run_scoped3A_392 = tpu.sem_alloc : memref<!tpu.dma_semaphore, #tpu.memory_space<semaphore_mem>>
        %dma_start3A_393 = arith.constant 0 : i32
        %dma_start3A_394 = tpu.memref_slice %arg11[%run_scoped3A_391, %dma_start3A_393] : memref<25x128xi32, #tpu.memory_space<vmem>> -> memref<1x128xi32, #tpu.memory_space<vmem>>
        %dma_start3A_395 = tpu.memref_squeeze %dma_start3A_394 : memref<1x128xi32, #tpu.memory_space<vmem>> -> memref<128xi32, #tpu.memory_space<vmem>>
        %dma_start3A_396 = arith.constant 0 : i32
        %dma_start3A_397 = arith.constant 0 : i32
        %dma_start3A_398 = tpu.memref_slice %arg14[%dma_start3A_396, %dma_start3A_397] : memref<1025x1xf32, #tpu.memory_space<vmem_shared>> -> memref<1025x1xf32, #tpu.memory_space<vmem_shared>>
        tpu.enqueue_indirect_dma source(%arg12 : memref<128x1xf32, #tpu.memory_space<vmem>>) target(%dma_start3A_398 : memref<1025x1xf32, #tpu.memory_space<vmem_shared>>) offsets(%dma_start3A_395 : memref<128xi32, #tpu.memory_space<vmem>>) semaphore(%run_scoped3A_392 : memref<!tpu.dma_semaphore, #tpu.memory_space<semaphore_mem>>) {add = true}
        %dma_wait3A_399 = arith.constant 0 : i32
        %dma_wait3A_400 = tpu.memref_slice %arg11[%run_scoped3A_391, %dma_wait3A_399] : memref<25x128xi32, #tpu.memory_space<vmem>> -> memref<1x128xi32, #tpu.memory_space<vmem>>
        %dma_wait3A_401 = tpu.memref_squeeze %dma_wait3A_400 : memref<1x128xi32, #tpu.memory_space<vmem>> -> memref<128xi32, #tpu.memory_space<vmem>>
        %dma_wait3A_402 = arith.constant 0 : i32
        %dma_wait3A_403 = arith.constant 0 : i32
        %dma_wait3A_404 = tpu.memref_slice %arg14[%dma_wait3A_402, %dma_wait3A_403] : memref<1025x1xf32, #tpu.memory_space<vmem_shared>> -> memref<1025x1xf32, #tpu.memory_space<vmem_shared>>
        tpu.wait_indirect_dma semaphore(%run_scoped3A_392 : memref<!tpu.dma_semaphore, #tpu.memory_space<semaphore_mem>>) src(%arg12 : memref<128x1xf32, #tpu.memory_space<vmem>>) dst(%dma_wait3A_404 : memref<1025x1xf32, #tpu.memory_space<vmem_shared>>)
        tpu.yield
      }) : () -> ()
    } else {
    }
    %eq3A = arith.constant 31 : i32
    %eq3A_83 = arith.cmpi eq, %add3A, %eq3A : i32
    %convert_element_type3A_84 = arith.extui %eq3A_83 : i1 to i32
    %cond3A_85 = arith.constant 0 : i32
    %cond3A_86 = arith.cmpi ne, %convert_element_type3A_84, %cond3A_85 : i32
    scf.if %cond3A_86 {
      %dma_start3A = arith.constant 0 : i32
      %dma_start3A_96 = tpu.memref_slice %arg2[%mul3A_2, %dma_start3A] : memref<100000x14xf32, #tpu.memory_space<hbm>> -> memref<128x14xf32, #tpu.memory_space<hbm>>
      %dma_start3A_97 = arith.constant 0 : i32
      %dma_start3A_98 = tpu.memref_slice %arg2[%mul3A_2, %dma_start3A_97] : memref<100000x14xf32, #tpu.memory_space<hbm>> -> memref<128x14xf32, #tpu.memory_space<hbm>>
      tpu.enqueue_dma source(%dma_start3A_98 : memref<128x14xf32, #tpu.memory_space<hbm>>) target(%arg9 : memref<128x14xf32, #tpu.memory_space<vmem>>) target_semaphore(%arg15 : memref<!tpu.dma_semaphore, #tpu.memory_space<semaphore_mem>>)
      %dma_wait3A = arith.constant 0 : i32
      %dma_wait3A_99 = tpu.memref_slice %arg2[%mul3A_2, %dma_wait3A] : memref<100000x14xf32, #tpu.memory_space<hbm>> -> memref<128x14xf32, #tpu.memory_space<hbm>>
      %dma_wait3A_100 = arith.constant 0 : i32
      %dma_wait3A_101 = tpu.memref_slice %arg2[%mul3A_2, %dma_wait3A_100] : memref<100000x14xf32, #tpu.memory_space<hbm>> -> memref<128x14xf32, #tpu.memory_space<hbm>>
      tpu.wait_dma2 semaphore(%arg15 : memref<!tpu.dma_semaphore, #tpu.memory_space<semaphore_mem>>) src(%dma_wait3A_101 : memref<128x14xf32, #tpu.memory_space<hbm>>) dst(%arg9 : memref<128x14xf32, #tpu.memory_space<vmem>>)
      %add3A_102 = arith.constant 128 : i32
      %add3A_103 = arith.addi %mul3A_2, %add3A_102 : i32
      %dma_start3A_104 = arith.constant 0 : i32
      %dma_start3A_105 = tpu.memref_slice %arg2[%add3A_103, %dma_start3A_104] : memref<100000x14xf32, #tpu.memory_space<hbm>> -> memref<128x14xf32, #tpu.memory_space<hbm>>
      %dma_start3A_106 = arith.constant 0 : i32
      %dma_start3A_107 = tpu.memref_slice %arg2[%add3A_103, %dma_start3A_106] : memref<100000x14xf32, #tpu.memory_space<hbm>> -> memref<128x14xf32, #tpu.memory_space<hbm>>
      tpu.enqueue_dma source(%dma_start3A_107 : memref<128x14xf32, #tpu.memory_space<hbm>>) target(%arg10 : memref<128x14xf32, #tpu.memory_space<vmem>>) target_semaphore(%arg15 : memref<!tpu.dma_semaphore, #tpu.memory_space<semaphore_mem>>)
      %run_scoped3A_108 = arith.constant 0 : i32
      "tpu.region"() ({
        %run_scoped3A_168 = tpu.sem_alloc : memref<!tpu.dma_semaphore, #tpu.memory_space<semaphore_mem>>
        %dma_start3A_169 = arith.constant 0 : i32
        %dma_start3A_170 = tpu.memref_slice %arg11[%run_scoped3A_108, %dma_start3A_169] : memref<25x128xi32, #tpu.memory_space<vmem>> -> memref<1x128xi32, #tpu.memory_space<vmem>>
        %dma_start3A_171 = tpu.memref_squeeze %dma_start3A_170 : memref<1x128xi32, #tpu.memory_space<vmem>> -> memref<128xi32, #tpu.memory_space<vmem>>
        %dma_start3A_172 = arith.constant 0 : i32
        %dma_start3A_173 = arith.constant 0 : i32
        %dma_start3A_174 = tpu.memref_slice %arg13[%dma_start3A_172, %dma_start3A_173] : memref<1025x14xf32, #tpu.memory_space<vmem_shared>> -> memref<1025x14xf32, #tpu.memory_space<vmem_shared>>
        tpu.enqueue_indirect_dma source(%arg9 : memref<128x14xf32, #tpu.memory_space<vmem>>) target(%dma_start3A_174 : memref<1025x14xf32, #tpu.memory_space<vmem_shared>>) offsets(%dma_start3A_171 : memref<128xi32, #tpu.memory_space<vmem>>) semaphore(%run_scoped3A_168 : memref<!tpu.dma_semaphore, #tpu.memory_space<semaphore_mem>>) {add = true}
        %dma_wait3A_175 = arith.constant 0 : i32
        %dma_wait3A_176 = tpu.memref_slice %arg11[%run_scoped3A_108, %dma_wait3A_175] : memref<25x128xi32, #tpu.memory_space<vmem>> -> memref<1x128xi32, #tpu.memory_space<vmem>>
        %dma_wait3A_177 = tpu.memref_squeeze %dma_wait3A_176 : memref<1x128xi32, #tpu.memory_space<vmem>> -> memref<128xi32, #tpu.memory_space<vmem>>
        %dma_wait3A_178 = arith.constant 0 : i32
        %dma_wait3A_179 = arith.constant 0 : i32
        %dma_wait3A_180 = tpu.memref_slice %arg13[%dma_wait3A_178, %dma_wait3A_179] : memref<1025x14xf32, #tpu.memory_space<vmem_shared>> -> memref<1025x14xf32, #tpu.memory_space<vmem_shared>>
        tpu.wait_indirect_dma semaphore(%run_scoped3A_168 : memref<!tpu.dma_semaphore, #tpu.memory_space<semaphore_mem>>) src(%arg9 : memref<128x14xf32, #tpu.memory_space<vmem>>) dst(%dma_wait3A_180 : memref<1025x14xf32, #tpu.memory_space<vmem_shared>>)
        tpu.yield
      }) : () -> ()
      %run_scoped3A_109 = arith.constant 0 : i32
      "tpu.region"() ({
        %run_scoped3A_168 = tpu.sem_alloc : memref<!tpu.dma_semaphore, #tpu.memory_space<semaphore_mem>>
        %dma_start3A_169 = arith.constant 0 : i32
        %dma_start3A_170 = tpu.memref_slice %arg11[%run_scoped3A_109, %dma_start3A_169] : memref<25x128xi32, #tpu.memory_space<vmem>> -> memref<1x128xi32, #tpu.memory_space<vmem>>
        %dma_start3A_171 = tpu.memref_squeeze %dma_start3A_170 : memref<1x128xi32, #tpu.memory_space<vmem>> -> memref<128xi32, #tpu.memory_space<vmem>>
        %dma_start3A_172 = arith.constant 0 : i32
        %dma_start3A_173 = arith.constant 0 : i32
        %dma_start3A_174 = tpu.memref_slice %arg14[%dma_start3A_172, %dma_start3A_173] : memref<1025x1xf32, #tpu.memory_space<vmem_shared>> -> memref<1025x1xf32, #tpu.memory_space<vmem_shared>>
        tpu.enqueue_indirect_dma source(%arg12 : memref<128x1xf32, #tpu.memory_space<vmem>>) target(%dma_start3A_174 : memref<1025x1xf32, #tpu.memory_space<vmem_shared>>) offsets(%dma_start3A_171 : memref<128xi32, #tpu.memory_space<vmem>>) semaphore(%run_scoped3A_168 : memref<!tpu.dma_semaphore, #tpu.memory_space<semaphore_mem>>) {add = true}
        %dma_wait3A_175 = arith.constant 0 : i32
        %dma_wait3A_176 = tpu.memref_slice %arg11[%run_scoped3A_109, %dma_wait3A_175] : memref<25x128xi32, #tpu.memory_space<vmem>> -> memref<1x128xi32, #tpu.memory_space<vmem>>
        %dma_wait3A_177 = tpu.memref_squeeze %dma_wait3A_176 : memref<1x128xi32, #tpu.memory_space<vmem>> -> memref<128xi32, #tpu.memory_space<vmem>>
        %dma_wait3A_178 = arith.constant 0 : i32
        %dma_wait3A_179 = arith.constant 0 : i32
        %dma_wait3A_180 = tpu.memref_slice %arg14[%dma_wait3A_178, %dma_wait3A_179] : memref<1025x1xf32, #tpu.memory_space<vmem_shared>> -> memref<1025x1xf32, #tpu.memory_space<vmem_shared>>
        tpu.wait_indirect_dma semaphore(%run_scoped3A_168 : memref<!tpu.dma_semaphore, #tpu.memory_space<semaphore_mem>>) src(%arg12 : memref<128x1xf32, #tpu.memory_space<vmem>>) dst(%dma_wait3A_180 : memref<1025x1xf32, #tpu.memory_space<vmem_shared>>)
        tpu.yield
      }) : () -> ()
      %dma_wait3A_110 = arith.constant 0 : i32
      %dma_wait3A_111 = tpu.memref_slice %arg2[%add3A_103, %dma_wait3A_110] : memref<100000x14xf32, #tpu.memory_space<hbm>> -> memref<128x14xf32, #tpu.memory_space<hbm>>
      %dma_wait3A_112 = arith.constant 0 : i32
      %dma_wait3A_113 = tpu.memref_slice %arg2[%add3A_103, %dma_wait3A_112] : memref<100000x14xf32, #tpu.memory_space<hbm>> -> memref<128x14xf32, #tpu.memory_space<hbm>>
      tpu.wait_dma2 semaphore(%arg15 : memref<!tpu.dma_semaphore, #tpu.memory_space<semaphore_mem>>) src(%dma_wait3A_113 : memref<128x14xf32, #tpu.memory_space<hbm>>) dst(%arg10 : memref<128x14xf32, #tpu.memory_space<vmem>>)
      %add3A_114 = arith.constant 256 : i32
      %add3A_115 = arith.addi %mul3A_2, %add3A_114 : i32
      %dma_start3A_116 = arith.constant 0 : i32
      %dma_start3A_117 = tpu.memref_slice %arg2[%add3A_115, %dma_start3A_116] : memref<100000x14xf32, #tpu.memory_space<hbm>> -> memref<128x14xf32, #tpu.memory_space<hbm>>
      %dma_start3A_118 = arith.constant 0 : i32
      %dma_start3A_119 = tpu.memref_slice %arg2[%add3A_115, %dma_start3A_118] : memref<100000x14xf32, #tpu.memory_space<hbm>> -> memref<128x14xf32, #tpu.memory_space<hbm>>
      tpu.enqueue_dma source(%dma_start3A_119 : memref<128x14xf32, #tpu.memory_space<hbm>>) target(%arg9 : memref<128x14xf32, #tpu.memory_space<vmem>>) target_semaphore(%arg15 : memref<!tpu.dma_semaphore, #tpu.memory_space<semaphore_mem>>)
      %run_scoped3A_120 = arith.constant 1 : i32
      "tpu.region"() ({
        %run_scoped3A_168 = tpu.sem_alloc : memref<!tpu.dma_semaphore, #tpu.memory_space<semaphore_mem>>
        %dma_start3A_169 = arith.constant 0 : i32
        %dma_start3A_170 = tpu.memref_slice %arg11[%run_scoped3A_120, %dma_start3A_169] : memref<25x128xi32, #tpu.memory_space<vmem>> -> memref<1x128xi32, #tpu.memory_space<vmem>>
        %dma_start3A_171 = tpu.memref_squeeze %dma_start3A_170 : memref<1x128xi32, #tpu.memory_space<vmem>> -> memref<128xi32, #tpu.memory_space<vmem>>
        %dma_start3A_172 = arith.constant 0 : i32
        %dma_start3A_173 = arith.constant 0 : i32
        %dma_start3A_174 = tpu.memref_slice %arg13[%dma_start3A_172, %dma_start3A_173] : memref<1025x14xf32, #tpu.memory_space<vmem_shared>> -> memref<1025x14xf32, #tpu.memory_space<vmem_shared>>
        tpu.enqueue_indirect_dma source(%arg10 : memref<128x14xf32, #tpu.memory_space<vmem>>) target(%dma_start3A_174 : memref<1025x14xf32, #tpu.memory_space<vmem_shared>>) offsets(%dma_start3A_171 : memref<128xi32, #tpu.memory_space<vmem>>) semaphore(%run_scoped3A_168 : memref<!tpu.dma_semaphore, #tpu.memory_space<semaphore_mem>>) {add = true}
        %dma_wait3A_175 = arith.constant 0 : i32
        %dma_wait3A_176 = tpu.memref_slice %arg11[%run_scoped3A_120, %dma_wait3A_175] : memref<25x128xi32, #tpu.memory_space<vmem>> -> memref<1x128xi32, #tpu.memory_space<vmem>>
        %dma_wait3A_177 = tpu.memref_squeeze %dma_wait3A_176 : memref<1x128xi32, #tpu.memory_space<vmem>> -> memref<128xi32, #tpu.memory_space<vmem>>
        %dma_wait3A_178 = arith.constant 0 : i32
        %dma_wait3A_179 = arith.constant 0 : i32
        %dma_wait3A_180 = tpu.memref_slice %arg13[%dma_wait3A_178, %dma_wait3A_179] : memref<1025x14xf32, #tpu.memory_space<vmem_shared>> -> memref<1025x14xf32, #tpu.memory_space<vmem_shared>>
        tpu.wait_indirect_dma semaphore(%run_scoped3A_168 : memref<!tpu.dma_semaphore, #tpu.memory_space<semaphore_mem>>) src(%arg10 : memref<128x14xf32, #tpu.memory_space<vmem>>) dst(%dma_wait3A_180 : memref<1025x14xf32, #tpu.memory_space<vmem_shared>>)
        tpu.yield
      }) : () -> ()
      %run_scoped3A_121 = arith.constant 1 : i32
      "tpu.region"() ({
        %run_scoped3A_168 = tpu.sem_alloc : memref<!tpu.dma_semaphore, #tpu.memory_space<semaphore_mem>>
        %dma_start3A_169 = arith.constant 0 : i32
        %dma_start3A_170 = tpu.memref_slice %arg11[%run_scoped3A_121, %dma_start3A_169] : memref<25x128xi32, #tpu.memory_space<vmem>> -> memref<1x128xi32, #tpu.memory_space<vmem>>
        %dma_start3A_171 = tpu.memref_squeeze %dma_start3A_170 : memref<1x128xi32, #tpu.memory_space<vmem>> -> memref<128xi32, #tpu.memory_space<vmem>>
        %dma_start3A_172 = arith.constant 0 : i32
        %dma_start3A_173 = arith.constant 0 : i32
        %dma_start3A_174 = tpu.memref_slice %arg14[%dma_start3A_172, %dma_start3A_173] : memref<1025x1xf32, #tpu.memory_space<vmem_shared>> -> memref<1025x1xf32, #tpu.memory_space<vmem_shared>>
        tpu.enqueue_indirect_dma source(%arg12 : memref<128x1xf32, #tpu.memory_space<vmem>>) target(%dma_start3A_174 : memref<1025x1xf32, #tpu.memory_space<vmem_shared>>) offsets(%dma_start3A_171 : memref<128xi32, #tpu.memory_space<vmem>>) semaphore(%run_scoped3A_168 : memref<!tpu.dma_semaphore, #tpu.memory_space<semaphore_mem>>) {add = true}
        %dma_wait3A_175 = arith.constant 0 : i32
        %dma_wait3A_176 = tpu.memref_slice %arg11[%run_scoped3A_121, %dma_wait3A_175] : memref<25x128xi32, #tpu.memory_space<vmem>> -> memref<1x128xi32, #tpu.memory_space<vmem>>
        %dma_wait3A_177 = tpu.memref_squeeze %dma_wait3A_176 : memref<1x128xi32, #tpu.memory_space<vmem>> -> memref<128xi32, #tpu.memory_space<vmem>>
        %dma_wait3A_178 = arith.constant 0 : i32
        %dma_wait3A_179 = arith.constant 0 : i32
        %dma_wait3A_180 = tpu.memref_slice %arg14[%dma_wait3A_178, %dma_wait3A_179] : memref<1025x1xf32, #tpu.memory_space<vmem_shared>> -> memref<1025x1xf32, #tpu.memory_space<vmem_shared>>
        tpu.wait_indirect_dma semaphore(%run_scoped3A_168 : memref<!tpu.dma_semaphore, #tpu.memory_space<semaphore_mem>>) src(%arg12 : memref<128x1xf32, #tpu.memory_space<vmem>>) dst(%dma_wait3A_180 : memref<1025x1xf32, #tpu.memory_space<vmem_shared>>)
        tpu.yield
      }) : () -> ()
      %dma_wait3A_122 = arith.constant 0 : i32
      %dma_wait3A_123 = tpu.memref_slice %arg2[%add3A_115, %dma_wait3A_122] : memref<100000x14xf32, #tpu.memory_space<hbm>> -> memref<128x14xf32, #tpu.memory_space<hbm>>
      %dma_wait3A_124 = arith.constant 0 : i32
      %dma_wait3A_125 = tpu.memref_slice %arg2[%add3A_115, %dma_wait3A_124] : memref<100000x14xf32, #tpu.memory_space<hbm>> -> memref<128x14xf32, #tpu.memory_space<hbm>>
      tpu.wait_dma2 semaphore(%arg15 : memref<!tpu.dma_semaphore, #tpu.memory_space<semaphore_mem>>) src(%dma_wait3A_125 : memref<128x14xf32, #tpu.memory_space<hbm>>) dst(%arg9 : memref<128x14xf32, #tpu.memory_space<vmem>>)
      %add3A_126 = arith.constant 384 : i32
      %add3A_127 = arith.addi %mul3A_2, %add3A_126 : i32
      %dma_start3A_128 = arith.constant 0 : i32
      %dma_start3A_129 = tpu.memref_slice %arg2[%add3A_127, %dma_start3A_128] : memref<100000x14xf32, #tpu.memory_space<hbm>> -> memref<128x14xf32, #tpu.memory_space<hbm>>
      %dma_start3A_130 = arith.constant 0 : i32
      %dma_start3A_131 = tpu.memref_slice %arg2[%add3A_127, %dma_start3A_130] : memref<100000x14xf32, #tpu.memory_space<hbm>> -> memref<128x14xf32, #tpu.memory_space<hbm>>
      tpu.enqueue_dma source(%dma_start3A_131 : memref<128x14xf32, #tpu.memory_space<hbm>>) target(%arg10 : memref<128x14xf32, #tpu.memory_space<vmem>>) target_semaphore(%arg15 : memref<!tpu.dma_semaphore, #tpu.memory_space<semaphore_mem>>)
      %run_scoped3A_132 = arith.constant 2 : i32
      "tpu.region"() ({
        %run_scoped3A_168 = tpu.sem_alloc : memref<!tpu.dma_semaphore, #tpu.memory_space<semaphore_mem>>
        %dma_start3A_169 = arith.constant 0 : i32
        %dma_start3A_170 = tpu.memref_slice %arg11[%run_scoped3A_132, %dma_start3A_169] : memref<25x128xi32, #tpu.memory_space<vmem>> -> memref<1x128xi32, #tpu.memory_space<vmem>>
        %dma_start3A_171 = tpu.memref_squeeze %dma_start3A_170 : memref<1x128xi32, #tpu.memory_space<vmem>> -> memref<128xi32, #tpu.memory_space<vmem>>
        %dma_start3A_172 = arith.constant 0 : i32
        %dma_start3A_173 = arith.constant 0 : i32
        %dma_start3A_174 = tpu.memref_slice %arg13[%dma_start3A_172, %dma_start3A_173] : memref<1025x14xf32, #tpu.memory_space<vmem_shared>> -> memref<1025x14xf32, #tpu.memory_space<vmem_shared>>
        tpu.enqueue_indirect_dma source(%arg9 : memref<128x14xf32, #tpu.memory_space<vmem>>) target(%dma_start3A_174 : memref<1025x14xf32, #tpu.memory_space<vmem_shared>>) offsets(%dma_start3A_171 : memref<128xi32, #tpu.memory_space<vmem>>) semaphore(%run_scoped3A_168 : memref<!tpu.dma_semaphore, #tpu.memory_space<semaphore_mem>>) {add = true}
        %dma_wait3A_175 = arith.constant 0 : i32
        %dma_wait3A_176 = tpu.memref_slice %arg11[%run_scoped3A_132, %dma_wait3A_175] : memref<25x128xi32, #tpu.memory_space<vmem>> -> memref<1x128xi32, #tpu.memory_space<vmem>>
        %dma_wait3A_177 = tpu.memref_squeeze %dma_wait3A_176 : memref<1x128xi32, #tpu.memory_space<vmem>> -> memref<128xi32, #tpu.memory_space<vmem>>
        %dma_wait3A_178 = arith.constant 0 : i32
        %dma_wait3A_179 = arith.constant 0 : i32
        %dma_wait3A_180 = tpu.memref_slice %arg13[%dma_wait3A_178, %dma_wait3A_179] : memref<1025x14xf32, #tpu.memory_space<vmem_shared>> -> memref<1025x14xf32, #tpu.memory_space<vmem_shared>>
        tpu.wait_indirect_dma semaphore(%run_scoped3A_168 : memref<!tpu.dma_semaphore, #tpu.memory_space<semaphore_mem>>) src(%arg9 : memref<128x14xf32, #tpu.memory_space<vmem>>) dst(%dma_wait3A_180 : memref<1025x14xf32, #tpu.memory_space<vmem_shared>>)
        tpu.yield
      }) : () -> ()
      %run_scoped3A_133 = arith.constant 2 : i32
      "tpu.region"() ({
        %run_scoped3A_168 = tpu.sem_alloc : memref<!tpu.dma_semaphore, #tpu.memory_space<semaphore_mem>>
        %dma_start3A_169 = arith.constant 0 : i32
        %dma_start3A_170 = tpu.memref_slice %arg11[%run_scoped3A_133, %dma_start3A_169] : memref<25x128xi32, #tpu.memory_space<vmem>> -> memref<1x128xi32, #tpu.memory_space<vmem>>
        %dma_start3A_171 = tpu.memref_squeeze %dma_start3A_170 : memref<1x128xi32, #tpu.memory_space<vmem>> -> memref<128xi32, #tpu.memory_space<vmem>>
        %dma_start3A_172 = arith.constant 0 : i32
        %dma_start3A_173 = arith.constant 0 : i32
        %dma_start3A_174 = tpu.memref_slice %arg14[%dma_start3A_172, %dma_start3A_173] : memref<1025x1xf32, #tpu.memory_space<vmem_shared>> -> memref<1025x1xf32, #tpu.memory_space<vmem_shared>>
        tpu.enqueue_indirect_dma source(%arg12 : memref<128x1xf32, #tpu.memory_space<vmem>>) target(%dma_start3A_174 : memref<1025x1xf32, #tpu.memory_space<vmem_shared>>) offsets(%dma_start3A_171 : memref<128xi32, #tpu.memory_space<vmem>>) semaphore(%run_scoped3A_168 : memref<!tpu.dma_semaphore, #tpu.memory_space<semaphore_mem>>) {add = true}
        %dma_wait3A_175 = arith.constant 0 : i32
        %dma_wait3A_176 = tpu.memref_slice %arg11[%run_scoped3A_133, %dma_wait3A_175] : memref<25x128xi32, #tpu.memory_space<vmem>> -> memref<1x128xi32, #tpu.memory_space<vmem>>
        %dma_wait3A_177 = tpu.memref_squeeze %dma_wait3A_176 : memref<1x128xi32, #tpu.memory_space<vmem>> -> memref<128xi32, #tpu.memory_space<vmem>>
        %dma_wait3A_178 = arith.constant 0 : i32
        %dma_wait3A_179 = arith.constant 0 : i32
        %dma_wait3A_180 = tpu.memref_slice %arg14[%dma_wait3A_178, %dma_wait3A_179] : memref<1025x1xf32, #tpu.memory_space<vmem_shared>> -> memref<1025x1xf32, #tpu.memory_space<vmem_shared>>
        tpu.wait_indirect_dma semaphore(%run_scoped3A_168 : memref<!tpu.dma_semaphore, #tpu.memory_space<semaphore_mem>>) src(%arg12 : memref<128x1xf32, #tpu.memory_space<vmem>>) dst(%dma_wait3A_180 : memref<1025x1xf32, #tpu.memory_space<vmem_shared>>)
        tpu.yield
      }) : () -> ()
      %dma_wait3A_134 = arith.constant 0 : i32
      %dma_wait3A_135 = tpu.memref_slice %arg2[%add3A_127, %dma_wait3A_134] : memref<100000x14xf32, #tpu.memory_space<hbm>> -> memref<128x14xf32, #tpu.memory_space<hbm>>
      %dma_wait3A_136 = arith.constant 0 : i32
      %dma_wait3A_137 = tpu.memref_slice %arg2[%add3A_127, %dma_wait3A_136] : memref<100000x14xf32, #tpu.memory_space<hbm>> -> memref<128x14xf32, #tpu.memory_space<hbm>>
      tpu.wait_dma2 semaphore(%arg15 : memref<!tpu.dma_semaphore, #tpu.memory_space<semaphore_mem>>) src(%dma_wait3A_137 : memref<128x14xf32, #tpu.memory_space<hbm>>) dst(%arg10 : memref<128x14xf32, #tpu.memory_space<vmem>>)
      %add3A_138 = arith.constant 512 : i32
      %add3A_139 = arith.addi %mul3A_2, %add3A_138 : i32
      %dma_start3A_140 = arith.constant 0 : i32
      %dma_start3A_141 = tpu.memref_slice %arg2[%add3A_139, %dma_start3A_140] : memref<100000x14xf32, #tpu.memory_space<hbm>> -> memref<128x14xf32, #tpu.memory_space<hbm>>
      %dma_start3A_142 = arith.constant 0 : i32
      %dma_start3A_143 = tpu.memref_slice %arg2[%add3A_139, %dma_start3A_142] : memref<100000x14xf32, #tpu.memory_space<hbm>> -> memref<128x14xf32, #tpu.memory_space<hbm>>
      tpu.enqueue_dma source(%dma_start3A_143 : memref<128x14xf32, #tpu.memory_space<hbm>>) target(%arg9 : memref<128x14xf32, #tpu.memory_space<vmem>>) target_semaphore(%arg15 : memref<!tpu.dma_semaphore, #tpu.memory_space<semaphore_mem>>)
      %run_scoped3A_144 = arith.constant 3 : i32
      "tpu.region"() ({
        %run_scoped3A_168 = tpu.sem_alloc : memref<!tpu.dma_semaphore, #tpu.memory_space<semaphore_mem>>
        %dma_start3A_169 = arith.constant 0 : i32
        %dma_start3A_170 = tpu.memref_slice %arg11[%run_scoped3A_144, %dma_start3A_169] : memref<25x128xi32, #tpu.memory_space<vmem>> -> memref<1x128xi32, #tpu.memory_space<vmem>>
        %dma_start3A_171 = tpu.memref_squeeze %dma_start3A_170 : memref<1x128xi32, #tpu.memory_space<vmem>> -> memref<128xi32, #tpu.memory_space<vmem>>
        %dma_start3A_172 = arith.constant 0 : i32
        %dma_start3A_173 = arith.constant 0 : i32
        %dma_start3A_174 = tpu.memref_slice %arg13[%dma_start3A_172, %dma_start3A_173] : memref<1025x14xf32, #tpu.memory_space<vmem_shared>> -> memref<1025x14xf32, #tpu.memory_space<vmem_shared>>
        tpu.enqueue_indirect_dma source(%arg10 : memref<128x14xf32, #tpu.memory_space<vmem>>) target(%dma_start3A_174 : memref<1025x14xf32, #tpu.memory_space<vmem_shared>>) offsets(%dma_start3A_171 : memref<128xi32, #tpu.memory_space<vmem>>) semaphore(%run_scoped3A_168 : memref<!tpu.dma_semaphore, #tpu.memory_space<semaphore_mem>>) {add = true}
        %dma_wait3A_175 = arith.constant 0 : i32
        %dma_wait3A_176 = tpu.memref_slice %arg11[%run_scoped3A_144, %dma_wait3A_175] : memref<25x128xi32, #tpu.memory_space<vmem>> -> memref<1x128xi32, #tpu.memory_space<vmem>>
        %dma_wait3A_177 = tpu.memref_squeeze %dma_wait3A_176 : memref<1x128xi32, #tpu.memory_space<vmem>> -> memref<128xi32, #tpu.memory_space<vmem>>
        %dma_wait3A_178 = arith.constant 0 : i32
        %dma_wait3A_179 = arith.constant 0 : i32
        %dma_wait3A_180 = tpu.memref_slice %arg13[%dma_wait3A_178, %dma_wait3A_179] : memref<1025x14xf32, #tpu.memory_space<vmem_shared>> -> memref<1025x14xf32, #tpu.memory_space<vmem_shared>>
        tpu.wait_indirect_dma semaphore(%run_scoped3A_168 : memref<!tpu.dma_semaphore, #tpu.memory_space<semaphore_mem>>) src(%arg10 : memref<128x14xf32, #tpu.memory_space<vmem>>) dst(%dma_wait3A_180 : memref<1025x14xf32, #tpu.memory_space<vmem_shared>>)
        tpu.yield
      }) : () -> ()
      %run_scoped3A_145 = arith.constant 3 : i32
      "tpu.region"() ({
        %run_scoped3A_168 = tpu.sem_alloc : memref<!tpu.dma_semaphore, #tpu.memory_space<semaphore_mem>>
        %dma_start3A_169 = arith.constant 0 : i32
        %dma_start3A_170 = tpu.memref_slice %arg11[%run_scoped3A_145, %dma_start3A_169] : memref<25x128xi32, #tpu.memory_space<vmem>> -> memref<1x128xi32, #tpu.memory_space<vmem>>
        %dma_start3A_171 = tpu.memref_squeeze %dma_start3A_170 : memref<1x128xi32, #tpu.memory_space<vmem>> -> memref<128xi32, #tpu.memory_space<vmem>>
        %dma_start3A_172 = arith.constant 0 : i32
        %dma_start3A_173 = arith.constant 0 : i32
        %dma_start3A_174 = tpu.memref_slice %arg14[%dma_start3A_172, %dma_start3A_173] : memref<1025x1xf32, #tpu.memory_space<vmem_shared>> -> memref<1025x1xf32, #tpu.memory_space<vmem_shared>>
        tpu.enqueue_indirect_dma source(%arg12 : memref<128x1xf32, #tpu.memory_space<vmem>>) target(%dma_start3A_174 : memref<1025x1xf32, #tpu.memory_space<vmem_shared>>) offsets(%dma_start3A_171 : memref<128xi32, #tpu.memory_space<vmem>>) semaphore(%run_scoped3A_168 : memref<!tpu.dma_semaphore, #tpu.memory_space<semaphore_mem>>) {add = true}
        %dma_wait3A_175 = arith.constant 0 : i32
        %dma_wait3A_176 = tpu.memref_slice %arg11[%run_scoped3A_145, %dma_wait3A_175] : memref<25x128xi32, #tpu.memory_space<vmem>> -> memref<1x128xi32, #tpu.memory_space<vmem>>
        %dma_wait3A_177 = tpu.memref_squeeze %dma_wait3A_176 : memref<1x128xi32, #tpu.memory_space<vmem>> -> memref<128xi32, #tpu.memory_space<vmem>>
        %dma_wait3A_178 = arith.constant 0 : i32
        %dma_wait3A_179 = arith.constant 0 : i32
        %dma_wait3A_180 = tpu.memref_slice %arg14[%dma_wait3A_178, %dma_wait3A_179] : memref<1025x1xf32, #tpu.memory_space<vmem_shared>> -> memref<1025x1xf32, #tpu.memory_space<vmem_shared>>
        tpu.wait_indirect_dma semaphore(%run_scoped3A_168 : memref<!tpu.dma_semaphore, #tpu.memory_space<semaphore_mem>>) src(%arg12 : memref<128x1xf32, #tpu.memory_space<vmem>>) dst(%dma_wait3A_180 : memref<1025x1xf32, #tpu.memory_space<vmem_shared>>)
        tpu.yield
      }) : () -> ()
      %dma_wait3A_146 = arith.constant 0 : i32
      %dma_wait3A_147 = tpu.memref_slice %arg2[%add3A_139, %dma_wait3A_146] : memref<100000x14xf32, #tpu.memory_space<hbm>> -> memref<128x14xf32, #tpu.memory_space<hbm>>
      %dma_wait3A_148 = arith.constant 0 : i32
      %dma_wait3A_149 = tpu.memref_slice %arg2[%add3A_139, %dma_wait3A_148] : memref<100000x14xf32, #tpu.memory_space<hbm>> -> memref<128x14xf32, #tpu.memory_space<hbm>>
      tpu.wait_dma2 semaphore(%arg15 : memref<!tpu.dma_semaphore, #tpu.memory_space<semaphore_mem>>) src(%dma_wait3A_149 : memref<128x14xf32, #tpu.memory_space<hbm>>) dst(%arg9 : memref<128x14xf32, #tpu.memory_space<vmem>>)
      %add3A_150 = arith.constant 640 : i32
      %add3A_151 = arith.addi %mul3A_2, %add3A_150 : i32
      %dma_start3A_152 = arith.constant 0 : i32
      %dma_start3A_153 = tpu.memref_slice %arg2[%add3A_151, %dma_start3A_152] : memref<100000x14xf32, #tpu.memory_space<hbm>> -> memref<128x14xf32, #tpu.memory_space<hbm>>
      %dma_start3A_154 = arith.constant 0 : i32
      %dma_start3A_155 = tpu.memref_slice %arg2[%add3A_151, %dma_start3A_154] : memref<100000x14xf32, #tpu.memory_space<hbm>> -> memref<128x14xf32, #tpu.memory_space<hbm>>
      tpu.enqueue_dma source(%dma_start3A_155 : memref<128x14xf32, #tpu.memory_space<hbm>>) target(%arg10 : memref<128x14xf32, #tpu.memory_space<vmem>>) target_semaphore(%arg15 : memref<!tpu.dma_semaphore, #tpu.memory_space<semaphore_mem>>)
      %run_scoped3A_156 = arith.constant 4 : i32
      "tpu.region"() ({
        %run_scoped3A_168 = tpu.sem_alloc : memref<!tpu.dma_semaphore, #tpu.memory_space<semaphore_mem>>
        %dma_start3A_169 = arith.constant 0 : i32
        %dma_start3A_170 = tpu.memref_slice %arg11[%run_scoped3A_156, %dma_start3A_169] : memref<25x128xi32, #tpu.memory_space<vmem>> -> memref<1x128xi32, #tpu.memory_space<vmem>>
        %dma_start3A_171 = tpu.memref_squeeze %dma_start3A_170 : memref<1x128xi32, #tpu.memory_space<vmem>> -> memref<128xi32, #tpu.memory_space<vmem>>
        %dma_start3A_172 = arith.constant 0 : i32
        %dma_start3A_173 = arith.constant 0 : i32
        %dma_start3A_174 = tpu.memref_slice %arg13[%dma_start3A_172, %dma_start3A_173] : memref<1025x14xf32, #tpu.memory_space<vmem_shared>> -> memref<1025x14xf32, #tpu.memory_space<vmem_shared>>
        tpu.enqueue_indirect_dma source(%arg9 : memref<128x14xf32, #tpu.memory_space<vmem>>) target(%dma_start3A_174 : memref<1025x14xf32, #tpu.memory_space<vmem_shared>>) offsets(%dma_start3A_171 : memref<128xi32, #tpu.memory_space<vmem>>) semaphore(%run_scoped3A_168 : memref<!tpu.dma_semaphore, #tpu.memory_space<semaphore_mem>>) {add = true}
        %dma_wait3A_175 = arith.constant 0 : i32
        %dma_wait3A_176 = tpu.memref_slice %arg11[%run_scoped3A_156, %dma_wait3A_175] : memref<25x128xi32, #tpu.memory_space<vmem>> -> memref<1x128xi32, #tpu.memory_space<vmem>>
        %dma_wait3A_177 = tpu.memref_squeeze %dma_wait3A_176 : memref<1x128xi32, #tpu.memory_space<vmem>> -> memref<128xi32, #tpu.memory_space<vmem>>
        %dma_wait3A_178 = arith.constant 0 : i32
        %dma_wait3A_179 = arith.constant 0 : i32
        %dma_wait3A_180 = tpu.memref_slice %arg13[%dma_wait3A_178, %dma_wait3A_179] : memref<1025x14xf32, #tpu.memory_space<vmem_shared>> -> memref<1025x14xf32, #tpu.memory_space<vmem_shared>>
        tpu.wait_indirect_dma semaphore(%run_scoped3A_168 : memref<!tpu.dma_semaphore, #tpu.memory_space<semaphore_mem>>) src(%arg9 : memref<128x14xf32, #tpu.memory_space<vmem>>) dst(%dma_wait3A_180 : memref<1025x14xf32, #tpu.memory_space<vmem_shared>>)
        tpu.yield
      }) : () -> ()
      %run_scoped3A_157 = arith.constant 4 : i32
      "tpu.region"() ({
        %run_scoped3A_168 = tpu.sem_alloc : memref<!tpu.dma_semaphore, #tpu.memory_space<semaphore_mem>>
        %dma_start3A_169 = arith.constant 0 : i32
        %dma_start3A_170 = tpu.memref_slice %arg11[%run_scoped3A_157, %dma_start3A_169] : memref<25x128xi32, #tpu.memory_space<vmem>> -> memref<1x128xi32, #tpu.memory_space<vmem>>
        %dma_start3A_171 = tpu.memref_squeeze %dma_start3A_170 : memref<1x128xi32, #tpu.memory_space<vmem>> -> memref<128xi32, #tpu.memory_space<vmem>>
        %dma_start3A_172 = arith.constant 0 : i32
        %dma_start3A_173 = arith.constant 0 : i32
        %dma_start3A_174 = tpu.memref_slice %arg14[%dma_start3A_172, %dma_start3A_173] : memref<1025x1xf32, #tpu.memory_space<vmem_shared>> -> memref<1025x1xf32, #tpu.memory_space<vmem_shared>>
        tpu.enqueue_indirect_dma source(%arg12 : memref<128x1xf32, #tpu.memory_space<vmem>>) target(%dma_start3A_174 : memref<1025x1xf32, #tpu.memory_space<vmem_shared>>) offsets(%dma_start3A_171 : memref<128xi32, #tpu.memory_space<vmem>>) semaphore(%run_scoped3A_168 : memref<!tpu.dma_semaphore, #tpu.memory_space<semaphore_mem>>) {add = true}
        %dma_wait3A_175 = arith.constant 0 : i32
        %dma_wait3A_176 = tpu.memref_slice %arg11[%run_scoped3A_157, %dma_wait3A_175] : memref<25x128xi32, #tpu.memory_space<vmem>> -> memref<1x128xi32, #tpu.memory_space<vmem>>
        %dma_wait3A_177 = tpu.memref_squeeze %dma_wait3A_176 : memref<1x128xi32, #tpu.memory_space<vmem>> -> memref<128xi32, #tpu.memory_space<vmem>>
        %dma_wait3A_178 = arith.constant 0 : i32
        %dma_wait3A_179 = arith.constant 0 : i32
        %dma_wait3A_180 = tpu.memref_slice %arg14[%dma_wait3A_178, %dma_wait3A_179] : memref<1025x1xf32, #tpu.memory_space<vmem_shared>> -> memref<1025x1xf32, #tpu.memory_space<vmem_shared>>
        tpu.wait_indirect_dma semaphore(%run_scoped3A_168 : memref<!tpu.dma_semaphore, #tpu.memory_space<semaphore_mem>>) src(%arg12 : memref<128x1xf32, #tpu.memory_space<vmem>>) dst(%dma_wait3A_180 : memref<1025x1xf32, #tpu.memory_space<vmem_shared>>)
        tpu.yield
      }) : () -> ()
      %dma_wait3A_158 = arith.constant 0 : i32
      %dma_wait3A_159 = tpu.memref_slice %arg2[%add3A_151, %dma_wait3A_158] : memref<100000x14xf32, #tpu.memory_space<hbm>> -> memref<128x14xf32, #tpu.memory_space<hbm>>
      %dma_wait3A_160 = arith.constant 0 : i32
      %dma_wait3A_161 = tpu.memref_slice %arg2[%add3A_151, %dma_wait3A_160] : memref<100000x14xf32, #tpu.memory_space<hbm>> -> memref<128x14xf32, #tpu.memory_space<hbm>>
      tpu.wait_dma2 semaphore(%arg15 : memref<!tpu.dma_semaphore, #tpu.memory_space<semaphore_mem>>) src(%dma_wait3A_161 : memref<128x14xf32, #tpu.memory_space<hbm>>) dst(%arg10 : memref<128x14xf32, #tpu.memory_space<vmem>>)
      %run_scoped3A_162 = arith.constant 5 : i32
      "tpu.region"() ({
        %run_scoped3A_168 = tpu.sem_alloc : memref<!tpu.dma_semaphore, #tpu.memory_space<semaphore_mem>>
        %dma_start3A_169 = arith.constant 0 : i32
        %dma_start3A_170 = tpu.memref_slice %arg11[%run_scoped3A_162, %dma_start3A_169] : memref<25x128xi32, #tpu.memory_space<vmem>> -> memref<1x128xi32, #tpu.memory_space<vmem>>
        %dma_start3A_171 = tpu.memref_squeeze %dma_start3A_170 : memref<1x128xi32, #tpu.memory_space<vmem>> -> memref<128xi32, #tpu.memory_space<vmem>>
        %dma_start3A_172 = arith.constant 0 : i32
        %dma_start3A_173 = arith.constant 0 : i32
        %dma_start3A_174 = tpu.memref_slice %arg13[%dma_start3A_172, %dma_start3A_173] : memref<1025x14xf32, #tpu.memory_space<vmem_shared>> -> memref<1025x14xf32, #tpu.memory_space<vmem_shared>>
        tpu.enqueue_indirect_dma source(%arg10 : memref<128x14xf32, #tpu.memory_space<vmem>>) target(%dma_start3A_174 : memref<1025x14xf32, #tpu.memory_space<vmem_shared>>) offsets(%dma_start3A_171 : memref<128xi32, #tpu.memory_space<vmem>>) semaphore(%run_scoped3A_168 : memref<!tpu.dma_semaphore, #tpu.memory_space<semaphore_mem>>) {add = true}
        %dma_wait3A_175 = arith.constant 0 : i32
        %dma_wait3A_176 = tpu.memref_slice %arg11[%run_scoped3A_162, %dma_wait3A_175] : memref<25x128xi32, #tpu.memory_space<vmem>> -> memref<1x128xi32, #tpu.memory_space<vmem>>
        %dma_wait3A_177 = tpu.memref_squeeze %dma_wait3A_176 : memref<1x128xi32, #tpu.memory_space<vmem>> -> memref<128xi32, #tpu.memory_space<vmem>>
        %dma_wait3A_178 = arith.constant 0 : i32
        %dma_wait3A_179 = arith.constant 0 : i32
        %dma_wait3A_180 = tpu.memref_slice %arg13[%dma_wait3A_178, %dma_wait3A_179] : memref<1025x14xf32, #tpu.memory_space<vmem_shared>> -> memref<1025x14xf32, #tpu.memory_space<vmem_shared>>
        tpu.wait_indirect_dma semaphore(%run_scoped3A_168 : memref<!tpu.dma_semaphore, #tpu.memory_space<semaphore_mem>>) src(%arg10 : memref<128x14xf32, #tpu.memory_space<vmem>>) dst(%dma_wait3A_180 : memref<1025x14xf32, #tpu.memory_space<vmem_shared>>)
        tpu.yield
      }) : () -> ()
      %run_scoped3A_163 = arith.constant 5 : i32
      "tpu.region"() ({
        %run_scoped3A_168 = tpu.sem_alloc : memref<!tpu.dma_semaphore, #tpu.memory_space<semaphore_mem>>
        %dma_start3A_169 = arith.constant 0 : i32
        %dma_start3A_170 = tpu.memref_slice %arg11[%run_scoped3A_163, %dma_start3A_169] : memref<25x128xi32, #tpu.memory_space<vmem>> -> memref<1x128xi32, #tpu.memory_space<vmem>>
        %dma_start3A_171 = tpu.memref_squeeze %dma_start3A_170 : memref<1x128xi32, #tpu.memory_space<vmem>> -> memref<128xi32, #tpu.memory_space<vmem>>
        %dma_start3A_172 = arith.constant 0 : i32
        %dma_start3A_173 = arith.constant 0 : i32
        %dma_start3A_174 = tpu.memref_slice %arg14[%dma_start3A_172, %dma_start3A_173] : memref<1025x1xf32, #tpu.memory_space<vmem_shared>> -> memref<1025x1xf32, #tpu.memory_space<vmem_shared>>
        tpu.enqueue_indirect_dma source(%arg12 : memref<128x1xf32, #tpu.memory_space<vmem>>) target(%dma_start3A_174 : memref<1025x1xf32, #tpu.memory_space<vmem_shared>>) offsets(%dma_start3A_171 : memref<128xi32, #tpu.memory_space<vmem>>) semaphore(%run_scoped3A_168 : memref<!tpu.dma_semaphore, #tpu.memory_space<semaphore_mem>>) {add = true}
        %dma_wait3A_175 = arith.constant 0 : i32
        %dma_wait3A_176 = tpu.memref_slice %arg11[%run_scoped3A_163, %dma_wait3A_175] : memref<25x128xi32, #tpu.memory_space<vmem>> -> memref<1x128xi32, #tpu.memory_space<vmem>>
        %dma_wait3A_177 = tpu.memref_squeeze %dma_wait3A_176 : memref<1x128xi32, #tpu.memory_space<vmem>> -> memref<128xi32, #tpu.memory_space<vmem>>
        %dma_wait3A_178 = arith.constant 0 : i32
        %dma_wait3A_179 = arith.constant 0 : i32
        %dma_wait3A_180 = tpu.memref_slice %arg14[%dma_wait3A_178, %dma_wait3A_179] : memref<1025x1xf32, #tpu.memory_space<vmem_shared>> -> memref<1025x1xf32, #tpu.memory_space<vmem_shared>>
        tpu.wait_indirect_dma semaphore(%run_scoped3A_168 : memref<!tpu.dma_semaphore, #tpu.memory_space<semaphore_mem>>) src(%arg12 : memref<128x1xf32, #tpu.memory_space<vmem>>) dst(%dma_wait3A_180 : memref<1025x1xf32, #tpu.memory_space<vmem_shared>>)
        tpu.yield
      }) : () -> ()
      %add3A_164 = arith.constant 768 : i32
      %add3A_165 = arith.addi %mul3A_2, %add3A_164 : i32
      "tpu.region"() ({
        %run_scoped3A_168 = tpu.sem_alloc : memref<!tpu.dma_semaphore, #tpu.memory_space<semaphore_mem>>
        %dma_start3A_169 = arith.constant 0 : i32
        %dma_start3A_170 = arith.constant 0 : i32
        %dma_start3A_171 = tpu.memref_slice %arg9[%dma_start3A_169, %dma_start3A_170] : memref<128x14xf32, #tpu.memory_space<vmem>> -> memref<32x14xf32, #tpu.memory_space<vmem>>
        %dma_start3A_172 = arith.constant 0 : i32
        %dma_start3A_173 = tpu.memref_slice %arg2[%add3A_165, %dma_start3A_172] : memref<100000x14xf32, #tpu.memory_space<hbm>> -> memref<32x14xf32, #tpu.memory_space<hbm>>
        %dma_start3A_174 = arith.constant 0 : i32
        %dma_start3A_175 = arith.constant 0 : i32
        %dma_start3A_176 = tpu.memref_slice %arg9[%dma_start3A_174, %dma_start3A_175] : memref<128x14xf32, #tpu.memory_space<vmem>> -> memref<32x14xf32, #tpu.memory_space<vmem>>
        %dma_start3A_177 = arith.constant 0 : i32
        %dma_start3A_178 = tpu.memref_slice %arg2[%add3A_165, %dma_start3A_177] : memref<100000x14xf32, #tpu.memory_space<hbm>> -> memref<32x14xf32, #tpu.memory_space<hbm>>
        tpu.enqueue_dma source(%dma_start3A_178 : memref<32x14xf32, #tpu.memory_space<hbm>>) target(%dma_start3A_176 : memref<32x14xf32, #tpu.memory_space<vmem>>) target_semaphore(%run_scoped3A_168 : memref<!tpu.dma_semaphore, #tpu.memory_space<semaphore_mem>>)
        %dma_wait3A_179 = arith.constant 0 : i32
        %dma_wait3A_180 = arith.constant 0 : i32
        %dma_wait3A_181 = tpu.memref_slice %arg9[%dma_wait3A_179, %dma_wait3A_180] : memref<128x14xf32, #tpu.memory_space<vmem>> -> memref<32x14xf32, #tpu.memory_space<vmem>>
        %dma_wait3A_182 = arith.constant 0 : i32
        %dma_wait3A_183 = tpu.memref_slice %arg2[%add3A_165, %dma_wait3A_182] : memref<100000x14xf32, #tpu.memory_space<hbm>> -> memref<32x14xf32, #tpu.memory_space<hbm>>
        %dma_wait3A_184 = arith.constant 0 : i32
        %dma_wait3A_185 = arith.constant 0 : i32
        %dma_wait3A_186 = tpu.memref_slice %arg9[%dma_wait3A_184, %dma_wait3A_185] : memref<128x14xf32, #tpu.memory_space<vmem>> -> memref<32x14xf32, #tpu.memory_space<vmem>>
        %dma_wait3A_187 = arith.constant 0 : i32
        %dma_wait3A_188 = tpu.memref_slice %arg2[%add3A_165, %dma_wait3A_187] : memref<100000x14xf32, #tpu.memory_space<hbm>> -> memref<32x14xf32, #tpu.memory_space<hbm>>
        tpu.wait_dma2 semaphore(%run_scoped3A_168 : memref<!tpu.dma_semaphore, #tpu.memory_space<semaphore_mem>>) src(%dma_wait3A_188 : memref<32x14xf32, #tpu.memory_space<hbm>>) dst(%dma_wait3A_186 : memref<32x14xf32, #tpu.memory_space<vmem>>)
        tpu.yield
      }) : () -> ()
      %run_scoped3A_166 = arith.constant 6 : i32
      "tpu.region"() ({
        %run_scoped3A_168 = tpu.sem_alloc : memref<!tpu.dma_semaphore, #tpu.memory_space<semaphore_mem>>
        %dma_start3A_169 = arith.constant 0 : i32
        %dma_start3A_170 = tpu.memref_slice %arg11[%run_scoped3A_166, %dma_start3A_169] : memref<25x128xi32, #tpu.memory_space<vmem>> -> memref<1x128xi32, #tpu.memory_space<vmem>>
        %dma_start3A_171 = tpu.memref_squeeze %dma_start3A_170 : memref<1x128xi32, #tpu.memory_space<vmem>> -> memref<128xi32, #tpu.memory_space<vmem>>
        %dma_start3A_172 = arith.constant 0 : i32
        %dma_start3A_173 = arith.constant 0 : i32
        %dma_start3A_174 = tpu.memref_slice %arg13[%dma_start3A_172, %dma_start3A_173] : memref<1025x14xf32, #tpu.memory_space<vmem_shared>> -> memref<1025x14xf32, #tpu.memory_space<vmem_shared>>
        tpu.enqueue_indirect_dma source(%arg9 : memref<128x14xf32, #tpu.memory_space<vmem>>) target(%dma_start3A_174 : memref<1025x14xf32, #tpu.memory_space<vmem_shared>>) offsets(%dma_start3A_171 : memref<128xi32, #tpu.memory_space<vmem>>) semaphore(%run_scoped3A_168 : memref<!tpu.dma_semaphore, #tpu.memory_space<semaphore_mem>>) {add = true}
        %dma_wait3A_175 = arith.constant 0 : i32
        %dma_wait3A_176 = tpu.memref_slice %arg11[%run_scoped3A_166, %dma_wait3A_175] : memref<25x128xi32, #tpu.memory_space<vmem>> -> memref<1x128xi32, #tpu.memory_space<vmem>>
        %dma_wait3A_177 = tpu.memref_squeeze %dma_wait3A_176 : memref<1x128xi32, #tpu.memory_space<vmem>> -> memref<128xi32, #tpu.memory_space<vmem>>
        %dma_wait3A_178 = arith.constant 0 : i32
        %dma_wait3A_179 = arith.constant 0 : i32
        %dma_wait3A_180 = tpu.memref_slice %arg13[%dma_wait3A_178, %dma_wait3A_179] : memref<1025x14xf32, #tpu.memory_space<vmem_shared>> -> memref<1025x14xf32, #tpu.memory_space<vmem_shared>>
        tpu.wait_indirect_dma semaphore(%run_scoped3A_168 : memref<!tpu.dma_semaphore, #tpu.memory_space<semaphore_mem>>) src(%arg9 : memref<128x14xf32, #tpu.memory_space<vmem>>) dst(%dma_wait3A_180 : memref<1025x14xf32, #tpu.memory_space<vmem_shared>>)
        tpu.yield
      }) : () -> ()
      %run_scoped3A_167 = arith.constant 6 : i32
      "tpu.region"() ({
        %run_scoped3A_168 = tpu.sem_alloc : memref<!tpu.dma_semaphore, #tpu.memory_space<semaphore_mem>>
        %dma_start3A_169 = arith.constant 0 : i32
        %dma_start3A_170 = tpu.memref_slice %arg11[%run_scoped3A_167, %dma_start3A_169] : memref<25x128xi32, #tpu.memory_space<vmem>> -> memref<1x128xi32, #tpu.memory_space<vmem>>
        %dma_start3A_171 = tpu.memref_squeeze %dma_start3A_170 : memref<1x128xi32, #tpu.memory_space<vmem>> -> memref<128xi32, #tpu.memory_space<vmem>>
        %dma_start3A_172 = arith.constant 0 : i32
        %dma_start3A_173 = arith.constant 0 : i32
        %dma_start3A_174 = tpu.memref_slice %arg14[%dma_start3A_172, %dma_start3A_173] : memref<1025x1xf32, #tpu.memory_space<vmem_shared>> -> memref<1025x1xf32, #tpu.memory_space<vmem_shared>>
        tpu.enqueue_indirect_dma source(%arg12 : memref<128x1xf32, #tpu.memory_space<vmem>>) target(%dma_start3A_174 : memref<1025x1xf32, #tpu.memory_space<vmem_shared>>) offsets(%dma_start3A_171 : memref<128xi32, #tpu.memory_space<vmem>>) semaphore(%run_scoped3A_168 : memref<!tpu.dma_semaphore, #tpu.memory_space<semaphore_mem>>) {add = true}
        %dma_wait3A_175 = arith.constant 0 : i32
        %dma_wait3A_176 = tpu.memref_slice %arg11[%run_scoped3A_167, %dma_wait3A_175] : memref<25x128xi32, #tpu.memory_space<vmem>> -> memref<1x128xi32, #tpu.memory_space<vmem>>
        %dma_wait3A_177 = tpu.memref_squeeze %dma_wait3A_176 : memref<1x128xi32, #tpu.memory_space<vmem>> -> memref<128xi32, #tpu.memory_space<vmem>>
        %dma_wait3A_178 = arith.constant 0 : i32
        %dma_wait3A_179 = arith.constant 0 : i32
        %dma_wait3A_180 = tpu.memref_slice %arg14[%dma_wait3A_178, %dma_wait3A_179] : memref<1025x1xf32, #tpu.memory_space<vmem_shared>> -> memref<1025x1xf32, #tpu.memory_space<vmem_shared>>
        tpu.wait_indirect_dma semaphore(%run_scoped3A_168 : memref<!tpu.dma_semaphore, #tpu.memory_space<semaphore_mem>>) src(%arg12 : memref<128x1xf32, #tpu.memory_space<vmem>>) dst(%dma_wait3A_180 : memref<1025x1xf32, #tpu.memory_space<vmem_shared>>)
        tpu.yield
      }) : () -> ()
    } else {
    }
    %barrier3A_87 = arith.constant 0 : index
    tpu.barrier barrier_id(%barrier3A_87)
    %mul3A_88 = arith.constant 64 : i32
    %mul3A_89 = arith.muli %arg1, %mul3A_88 : i32
    %mul3A_90 = arith.constant 64 : i32
    %mul3A_91 = arith.muli %arg1, %mul3A_90 : i32
    "tpu.region"() ({
      %run_scoped3A_96 = tpu.sem_alloc : memref<!tpu.dma_semaphore, #tpu.memory_space<semaphore_mem>>
      %dma_start3A = arith.constant 0 : i32
      %dma_start3A_97 = tpu.memref_slice %arg7[%arg0, %mul3A_91, %dma_start3A] : memref<2x1024x14xf32, #tpu.memory_space<hbm>> -> memref<1x64x14xf32, #tpu.memory_space<hbm>>
      %dma_start3A_98 = tpu.memref_squeeze %dma_start3A_97 : memref<1x64x14xf32, #tpu.memory_space<hbm>> -> memref<64x14xf32, #tpu.memory_space<hbm>>
      %dma_start3A_99 = arith.constant 0 : i32
      %dma_start3A_100 = tpu.memref_slice %arg13[%mul3A_89, %dma_start3A_99] : memref<1025x14xf32, #tpu.memory_space<vmem_shared>> -> memref<64x14xf32, #tpu.memory_space<vmem_shared>>
      tpu.enqueue_dma source(%dma_start3A_100 : memref<64x14xf32, #tpu.memory_space<vmem_shared>>) target(%dma_start3A_98 : memref<64x14xf32, #tpu.memory_space<hbm>>) target_semaphore(%run_scoped3A_96 : memref<!tpu.dma_semaphore, #tpu.memory_space<semaphore_mem>>)
      %dma_wait3A = arith.constant 0 : i32
      %dma_wait3A_101 = tpu.memref_slice %arg7[%arg0, %mul3A_91, %dma_wait3A] : memref<2x1024x14xf32, #tpu.memory_space<hbm>> -> memref<1x64x14xf32, #tpu.memory_space<hbm>>
      %dma_wait3A_102 = tpu.memref_squeeze %dma_wait3A_101 : memref<1x64x14xf32, #tpu.memory_space<hbm>> -> memref<64x14xf32, #tpu.memory_space<hbm>>
      %dma_wait3A_103 = arith.constant 0 : i32
      %dma_wait3A_104 = tpu.memref_slice %arg13[%mul3A_89, %dma_wait3A_103] : memref<1025x14xf32, #tpu.memory_space<vmem_shared>> -> memref<64x14xf32, #tpu.memory_space<vmem_shared>>
      tpu.wait_dma2 semaphore(%run_scoped3A_96 : memref<!tpu.dma_semaphore, #tpu.memory_space<semaphore_mem>>) src(%dma_wait3A_104 : memref<64x14xf32, #tpu.memory_space<vmem_shared>>) dst(%dma_wait3A_102 : memref<64x14xf32, #tpu.memory_space<hbm>>)
      tpu.yield
    }) : () -> ()
    %mul3A_92 = arith.constant 64 : i32
    %mul3A_93 = arith.muli %arg1, %mul3A_92 : i32
    %mul3A_94 = arith.constant 64 : i32
    %mul3A_95 = arith.muli %arg1, %mul3A_94 : i32
    "tpu.region"() ({
      %run_scoped3A_96 = tpu.sem_alloc : memref<!tpu.dma_semaphore, #tpu.memory_space<semaphore_mem>>
      %dma_start3A = arith.constant 0 : i32
      %dma_start3A_97 = tpu.memref_slice %arg8[%arg0, %mul3A_95, %dma_start3A] : memref<2x1024x1xf32, #tpu.memory_space<hbm>> -> memref<1x64x1xf32, #tpu.memory_space<hbm>>
      %dma_start3A_98 = tpu.memref_squeeze %dma_start3A_97 : memref<1x64x1xf32, #tpu.memory_space<hbm>> -> memref<64x1xf32, #tpu.memory_space<hbm>>
      %dma_start3A_99 = arith.constant 0 : i32
      %dma_start3A_100 = tpu.memref_slice %arg14[%mul3A_93, %dma_start3A_99] : memref<1025x1xf32, #tpu.memory_space<vmem_shared>> -> memref<64x1xf32, #tpu.memory_space<vmem_shared>>
      tpu.enqueue_dma source(%dma_start3A_100 : memref<64x1xf32, #tpu.memory_space<vmem_shared>>) target(%dma_start3A_98 : memref<64x1xf32, #tpu.memory_space<hbm>>) target_semaphore(%run_scoped3A_96 : memref<!tpu.dma_semaphore, #tpu.memory_space<semaphore_mem>>)
      %dma_wait3A = arith.constant 0 : i32
      %dma_wait3A_101 = tpu.memref_slice %arg8[%arg0, %mul3A_95, %dma_wait3A] : memref<2x1024x1xf32, #tpu.memory_space<hbm>> -> memref<1x64x1xf32, #tpu.memory_space<hbm>>
      %dma_wait3A_102 = tpu.memref_squeeze %dma_wait3A_101 : memref<1x64x1xf32, #tpu.memory_space<hbm>> -> memref<64x1xf32, #tpu.memory_space<hbm>>
      %dma_wait3A_103 = arith.constant 0 : i32
      %dma_wait3A_104 = tpu.memref_slice %arg14[%mul3A_93, %dma_wait3A_103] : memref<1025x1xf32, #tpu.memory_space<vmem_shared>> -> memref<64x1xf32, #tpu.memory_space<vmem_shared>>
      tpu.wait_dma2 semaphore(%run_scoped3A_96 : memref<!tpu.dma_semaphore, #tpu.memory_space<semaphore_mem>>) src(%dma_wait3A_104 : memref<64x1xf32, #tpu.memory_space<vmem_shared>>) dst(%dma_wait3A_102 : memref<64x1xf32, #tpu.memory_space<hbm>>)
      tpu.yield
    }) : () -> ()
    return
  }
}

module attributes {stable_mosaic.version = 14 : i64} {
  func.func @_mlp_body(%arg0: memref<2x1024x14xf32, #tpu.memory_space<vmem>>, %arg1: memref<2x1024x1xf32, #tpu.memory_space<vmem>>, %arg2: memref<14x14xf32, #tpu.memory_space<vmem>>, %arg3: memref<1x14xf32, #tpu.memory_space<vmem>>, %arg4: memref<14x2xf32, #tpu.memory_space<vmem>>, %arg5: memref<1x2xf32, #tpu.memory_space<vmem>>, %arg6: memref<1024x2xf32, #tpu.memory_space<vmem>>) attributes {dimension_semantics = [], scalar_prefetch = 0 : i64, scratch_operands = 0 : i64, tpu.core_type = #tpu.core_type<tc>} {
    %get3A = arith.constant 0 : index
    %get3A_0 = arith.constant 0 : index
    %get3A_1 = arith.constant 0 : index
    %get3A_2 = vector.load %arg1[%get3A, %get3A_0, %get3A_1] : memref<2x1024x1xf32, #tpu.memory_space<vmem>>, vector<1x1024x1xf32>
    %get3A_3 = vector.shape_cast %get3A_2 : vector<1x1024x1xf32> to vector<1024x1xf32>
    %get3A_4 = arith.constant 1 : index
    %get3A_5 = arith.constant 0 : index
    %get3A_6 = arith.constant 0 : index
    %get3A_7 = vector.load %arg1[%get3A_4, %get3A_5, %get3A_6] : memref<2x1024x1xf32, #tpu.memory_space<vmem>>, vector<1x1024x1xf32>
    %get3A_8 = vector.shape_cast %get3A_7 : vector<1x1024x1xf32> to vector<1024x1xf32>
    %add3A = arith.addf %get3A_3, %get3A_8 : vector<1024x1xf32>
    %max3A = arith.constant 1.000000e+00 : f32
    %max3A_9 = vector.broadcast %max3A : f32 to vector<1024x1xf32>
    %max3A_10 = arith.maximumf %add3A, %max3A_9 : vector<1024x1xf32>
    %get3A_11 = arith.constant 0 : index
    %get3A_12 = arith.constant 0 : index
    %get3A_13 = arith.constant 0 : index
    %get3A_14 = vector.load %arg0[%get3A_11, %get3A_12, %get3A_13] : memref<2x1024x14xf32, #tpu.memory_space<vmem>>, vector<1x1024x14xf32>
    %get3A_15 = vector.shape_cast %get3A_14 : vector<1x1024x14xf32> to vector<1024x14xf32>
    %get3A_16 = arith.constant 1 : index
    %get3A_17 = arith.constant 0 : index
    %get3A_18 = arith.constant 0 : index
    %get3A_19 = vector.load %arg0[%get3A_16, %get3A_17, %get3A_18] : memref<2x1024x14xf32, #tpu.memory_space<vmem>>, vector<1x1024x14xf32>
    %get3A_20 = vector.shape_cast %get3A_19 : vector<1x1024x14xf32> to vector<1024x14xf32>
    %add3A_21 = arith.addf %get3A_15, %get3A_20 : vector<1024x14xf32>
    %div3A = vector.broadcast %max3A_10 : vector<1024x1xf32> to vector<1024x14xf32>
    %div3A_22 = arith.divf %add3A_21, %div3A : vector<1024x14xf32>
    %get3A_23 = arith.constant 0 : index
    %get3A_24 = arith.constant 0 : index
    %get3A_25 = vector.load %arg2[%get3A_23, %get3A_24] : memref<14x14xf32, #tpu.memory_space<vmem>>, vector<14x14xf32>
    %dot_general3A = arith.constant dense<0.000000e+00> : vector<1024x14xf32>
    %dot_general3A_26 = tpu.matmul %div3A_22, %get3A_25, %dot_general3A {dimension_numbers = #tpu.dot_dimension_numbers<[1], [0], [0], [1], [0, 0, 1, 1], [], []>, transpose_lhs_hint = false} : vector<1024x14xf32>, vector<14x14xf32>, vector<1024x14xf32> -> vector<1024x14xf32>
    %get3A_27 = arith.constant 0 : index
    %get3A_28 = arith.constant 0 : index
    %get3A_29 = vector.load %arg3[%get3A_27, %get3A_28] : memref<1x14xf32, #tpu.memory_space<vmem>>, vector<1x14xf32>
    %add3A_30 = vector.broadcast %get3A_29 : vector<1x14xf32> to vector<1024x14xf32>
    %add3A_31 = arith.addf %dot_general3A_26, %add3A_30 : vector<1024x14xf32>
    %max3A_32 = arith.constant 0.000000e+00 : f32
    %max3A_33 = vector.broadcast %max3A_32 : f32 to vector<1024x14xf32>
    %max3A_34 = arith.maximumf %add3A_31, %max3A_33 : vector<1024x14xf32>
    %get3A_35 = arith.constant 0 : index
    %get3A_36 = arith.constant 0 : index
    %get3A_37 = vector.load %arg4[%get3A_35, %get3A_36] : memref<14x2xf32, #tpu.memory_space<vmem>>, vector<14x2xf32>
    %dot_general3A_38 = arith.constant dense<0.000000e+00> : vector<1024x2xf32>
    %dot_general3A_39 = tpu.matmul %max3A_34, %get3A_37, %dot_general3A_38 {dimension_numbers = #tpu.dot_dimension_numbers<[1], [0], [0], [1], [0, 0, 1, 1], [], []>, transpose_lhs_hint = false} : vector<1024x14xf32>, vector<14x2xf32>, vector<1024x2xf32> -> vector<1024x2xf32>
    %get3A_40 = arith.constant 0 : index
    %get3A_41 = arith.constant 0 : index
    %get3A_42 = vector.load %arg5[%get3A_40, %get3A_41] : memref<1x2xf32, #tpu.memory_space<vmem>>, vector<1x2xf32>
    %add3A_43 = vector.broadcast %get3A_42 : vector<1x2xf32> to vector<1024x2xf32>
    %add3A_44 = arith.addf %dot_general3A_39, %add3A_43 : vector<1024x2xf32>
    %swap3A = arith.constant 0 : index
    %swap3A_45 = arith.constant 0 : index
    %swap3A_46 = vector.load %arg6[%swap3A, %swap3A_45] : memref<1024x2xf32, #tpu.memory_space<vmem>>, vector<1024x2xf32>
    tpu.vector_store %arg6[%swap3A, %swap3A_45], %add3A_44 {strides = array<i32>} : memref<1024x2xf32, #tpu.memory_space<vmem>>, vector<1024x2xf32>,
    return
  }
}

</mosaic_0001>

<sc_bundles>
// kernel: kernel.4.cloned.1.call-start
scs
__scs_entry_jumppad:
0x0: {  	(pc) =	sbr.rel $0x88, $3  }
0x1: {  	(tag) =	ssettag $0x0;
	lr =	simm.s32 $0x1  }
0x2: {  	[smem:$0x3F9B] =	sst lr;
	_ =	strace $0xD0000000  }
0x3: {  	_ = 	snop  }
0x4: {  	_ = 	snop  }
0x5: {  	_ = 	snop  }
0x6: {  	_ = 	snop  }
0x7: {  	_ = 	snop  }
__scs_overlays_trampoline_lowered:
0x8: {  	[smem:$0x3FAA] =	sst s0  }
0x9: {  	[smem:$0x3FAB] =	sst s1  }
0xa: {  	[smem:$0x3FAC] =	sst s2  }
0xb: {  	[smem:$0x3FAD] =	sst s3  }
0xc: {  	[smem:$0x3FAE] =	sst s4  }
0xd: {  	[smem:$0x3FAF] =	sst s5  }
0xe: {  	[smem:$0x3FB0] =	sst s6  }
0xf: {  	[smem:$0x3FB1] =	sst s7  }
0x10: {  	[smem:$0x3FB2] =	sst s8  }
0x11: {  	[smem:$0x3FB3] =	sst s9;
	s0 =	simm.s32 @!p0 $0x0  }
0x12: {  	s1 =	sld [smem:$0x3F99];
	s0 =	simm.s32 @p0 $0x1  }
0x13: {  	[smem:$0x3FB4] =	sst s0;
	s0 =	simm.s32 @!p1 $0x0  }
0x14: {  	s2 =	sld [smem:$0x3F98];
	s0 =	simm.s32 @p1 $0x1  }
0x15: {  	[smem:$0x3FB5] =	sst s0;
	s0 =	simm.s32 @!p2 $0x0  }
0x16: {  	s3 =	sld [smem:$0x3FDB];
	s0 =	simm.s32 @p2 $0x1  }
0x17: {  	s4 =	simm.s32 $0x1BF5;
	[smem:$0x3FB7] =	sst s0  }
0x18: {  	s0 =	sld [smem:$0x3F9A];
	_ =	swait.ge [sflag:s4], $0x0  }
0x19: {  	s7 =	sld [smem:$0x3F9B]  }
0x1a: {  	s8 =	sadd.s32 $0xFFFFE003, lr  }
0x1b: {  	s9 =	sadd.s32 $0xFFFFFEF7, lr;
	s5 =	simm.s32 $0xFFFFFFFF;
	p2 =	slt.u32 s8, $0xFFFFF086  }
0x1c: {  	p1 =	slt.u32 s9, $0xF7A;
	s5 =	simm.s32 @!p2 $0x0  }
0x1d: {  	s5 =	simm.s32 @p1 $0x1;
	p0 =	seq.s32 s7, s2  }
0x1e: {  	s7 =	smul.u32 @!p0 $0xF7A, s2;
	p2 =	seq.s32 @!p0 s5, $0x0  }
0x1f: {  	s9 =	smul.u32 $0xF7A, s1;
	s8 =	simm.s32 @!p0 $0x1BF5;
	p2 =	por !p2, p0  }
0x20: {  	[sflag:s8] =	ssyncset.s32 @!p0 $0xFFFFF086;
	s6 =	sadd.s32 @!p0 s3, s7;
	s7 =	simm.s32 @!p0 $0x108  }
0x21: {  	s3 =	sadd.s32 s3, s9;
	s6 =	sadd.s32 @!p0 $0x88, s6;
	s7 =	simm.s32 @p2 $0x1082  }
0x22: {  	[simem:s7], [sflag:s8] =	dma.local @!p0 [hbm:s6], $0xF7A  }
0x23: {  	s9 =	sor.u32 $0xD0000000, s2;
	s6 =	simm.s32 $0x108;
	_ =	swait.ge @!p0 [sflag:s8], $0x0  }
0x24: {  	s3 =	sadd.s32 $0x88, s3;
	s6 =	simm.s32 @!p1 $0x1082;
	[sflag:s4] =	ssyncset.s32 $0xFFFFF086  }
0x25: {  	[simem:s6], [sflag:s4] =	dma.local [hbm:s3], $0xF7A  }
0x26: {  	[smem:$0x3F9B] =	sst s1;
	(tag) =	ssettag s2;
	_ =	strace s9  }
0x27: {  	s1 =	sld [smem:$0x3FAB]  }
0x28: {  	s2 =	sld [smem:$0x3FAC]  }
0x29: {  	s4 =	sld [smem:$0x3FAE]  }
0x2a: {  	p0 =	seq.s32 s5, $0x0;
	s5 =	sld [smem:$0x3FAF]  }
0x2b: {  	s6 =	sld [smem:$0x3FB0]  }
0x2c: {  	s7 =	sld [smem:$0x3FB1]  }
0x2d: {  	s3 =	simm.s32 $0x108;
	s8 =	sld [smem:$0x3FB2]  }
0x2e: {  	s3 =	simm.s32 @!p0 $0x1082;
	s9 =	sld [smem:$0x3FB3]  }
0x2f: {  	lr =	sadd.s32 s0, s3;
	s0 =	sld [smem:$0x3FAA]  }
0x30: {  	s3 =	sld [smem:$0x3FAD]  }
0x31: {  	[smem:$0x3FB6] =	sst s10  }
0x32: {  	s10 =	sld [smem:$0x3FB4];
	_ =	sdelay $0x3  }
0x33: {  	p0 =	seq.s32 s10, $0x1;
	s10 =	sld [smem:$0x3FB6];
	_ =	sdelay $0x3  }
0x34: {  	[smem:$0x3FB6] =	sst s10  }
0x35: {  	s10 =	sld [smem:$0x3FB5];
	_ =	sdelay $0x3  }
0x36: {  	p1 =	seq.s32 s10, $0x1;
	s10 =	sld [smem:$0x3FB6];
	_ =	sdelay $0x3  }
0x37: {  	[smem:$0x3FB6] =	sst s10  }
0x38: {  	s10 =	sld [smem:$0x3FB7]  }
0x39: {  	_ = 	snop;
	(pc) =	sbr.ind lr, $3  }
0x3a: {  	_ = 	snop  }
0x3b: {  	_ = 	snop  }
0x3c: {  	p2 =	seq.s32 s10, $0x1;
	s10 =	sld [smem:$0x3FB6]  }
0x3d: {  	_ =	shalt  }
0x3e: {  	_ =	shalt  }
0x3f: {  	_ =	shalt  }
0x40: {  	_ =	shalt  }
0x41: {  	_ =	shalt  }
0x42: {  	_ =	shalt  }
0x43: {  	_ =	shalt  }
0x44: {  	_ =	shalt  }
0x45: {  	_ =	shalt  }
0x46: {  	_ =	shalt  }
0x47: {  	_ =	shalt  }
0x48: {  	_ =	shalt  }
0x49: {  	_ =	shalt  }
0x4a: {  	_ =	shalt  }
0x4b: {  	_ =	shalt  }
0x4c: {  	_ =	shalt  }
0x4d: {  	_ =	shalt  }
0x4e: {  	_ =	shalt  }
0x4f: {  	_ =	shalt  }
0x50: {  	_ =	shalt  }
0x51: {  	_ =	shalt  }
0x52: {  	_ =	shalt  }
0x53: {  	_ =	shalt  }
0x54: {  	_ =	shalt  }
0x55: {  	_ =	shalt  }
0x56: {  	_ =	shalt  }
0x57: {  	_ =	shalt  }
0x58: {  	_ =	shalt  }
0x59: {  	_ =	shalt  }
0x5a: {  	_ =	shalt  }
0x5b: {  	_ =	shalt  }
0x5c: {  	_ =	shalt  }
0x5d: {  	_ =	shalt  }
0x5e: {  	_ =	shalt  }
0x5f: {  	_ =	shalt  }
0x60: {  	_ =	shalt  }
0x61: {  	_ =	shalt  }
0x62: {  	_ =	shalt  }
0x63: {  	_ =	shalt  }
0x64: {  	_ =	shalt  }
0x65: {  	_ =	shalt  }
0x66: {  	_ =	shalt  }
0x67: {  	_ =	shalt  }
0x68: {  	_ =	shalt  }
0x69: {  	_ =	shalt  }
0x6a: {  	_ =	shalt  }
0x6b: {  	_ =	shalt  }
0x6c: {  	_ =	shalt  }
0x6d: {  	_ =	shalt  }
0x6e: {  	_ =	shalt  }
0x6f: {  	_ =	shalt  }
0x70: {  	_ =	shalt  }
0x71: {  	_ =	shalt  }
0x72: {  	_ =	shalt  }
0x73: {  	_ =	shalt  }
0x74: {  	_ =	shalt  }
0x75: {  	_ =	shalt  }
0x76: {  	_ =	shalt  }
0x77: {  	_ =	shalt  }
0x78: {  	_ =	shalt  }
0x79: {  	_ =	shalt  }
0x7a: {  	_ =	shalt  }
0x7b: {  	_ =	shalt  }
0x7c: {  	_ =	shalt  }
0x7d: {  	_ =	shalt  }
0x7e: {  	_ =	shalt  }
0x7f: {  	_ =	shalt  }
0x80: {  	_ =	shalt  }
0x81: {  	_ =	shalt  }
0x82: {  	_ =	shalt  }
0x83: {  	_ =	shalt  }
0x84: {  	_ =	shalt  }
0x85: {  	_ =	shalt  }
0x86: {  	_ =	shalt  }
0x87: {  	_ =	shalt  }
.Lfunc_end0:
.L_simem_size_0:
called_computation_lowered:
.L_overlay_start_0:
0x88: {  	s2 =	sld [smem:$0x3FD9]  }
0x89: {  	s3 =	sld [smem:$0x3FFE];
	_ =	sdelay $0x1  }
0x8a: {  	s1 =	srdreg.scid  }
0x8b: {  	s0 =	sand.u32 $0x1, s1  }
0x8c: {  	s16 =	sshll.u32 s0, $0xA;
	s2 =	sadd.s32 s3, s2  }
0x8d: {  	s2 =	sadd.s32 s2, s16  }
0x8e: {  	[smem:$0x3FC2] =	sst s2  }
0x8f: {  	_ = 	snop  }
0x90: {  	(tm) =	ssettm $0x1  }
0x91: {  	s17 =	sld [smem:$0x3FFB];
	_ =	sdelay $0x3  }
0x92: {  	_ =	strace s17  }
0x93: {  	s2 =	sld [smem:$0x3FFC];
	_ =	sdelay $0x3  }
0x94: {  	_ =	strace s2  }
0x95: {  	s2 =	sld [smem:$0x3FFD];
	_ =	sdelay $0x3  }
0x96: {  	_ =	strace s2  }
0x97: {  	_ =	strace $0x8FFFFFFF  }
0x98: {  	s18 =	sld [smem:$0x3FDB];
	_ =	sdelay $0x1  }
0x99: {  	s19 =	simm.s32 $_scs_section_size  }
0x9a: {  	s4 =	simm.s32 $_size__tile_overlayer_lowered;
	s5 =	simm.s32 $_tile_overlayer_lowered  }
0x9b: {  	s22 =	simm.s32 $0x1BFF;
	s21 =	sshll.u32 s5, $0x1;
	s2 =	sadd.s32 s19, s18  }
0x9c: {  	s6 =	simm.s32 $0x0;
	s20 =	sshll.u32 s4, $0x1;
	s4 =	sadd.s32 s21, s2  }
0x9d: {  	[timem:s6], [sflag:s22] =	dma.local [hbm:s4], s20  }
0x9e: {  	_ =	swait.ge [sflag:s22], s20  }
0x9f: {  	s3 =	ssub.s32 $0x0, s20;
	[sflag:s22] =	ssyncset.done $0x0  }
0xa0: {  	[sflag:s22] =	ssyncadd.s32 s3;
	_ =	sdelay $0x1  }
0xa1: {  	s23 =	simm.s32 $0x1B8B  }
0xa2: {  	_ =	swait.ge [sflag:s23], $0x1  }
0xa3: {  	[sflag:s23] =	ssyncset.done $0x0  }
0xa4: {  	s25 =	simm.s32 $0x1B8E;
	s24 =	sld [smem:$0x3FFE];
	[sflag:s23] =	ssyncadd.s32 $0xFFFFFFFF  }
0xa5: {  	s26 =	simm.s32 $execute0_lowered;
	[smem:$0x3FD2] =	sst s25  }
0xa6: {  	s4 =	sshll.u32 s26, $0x1;
	_ =	strace $0x80000046;
	[dreg:$0x1] =	wrdreg $0xFFFFFFFF  }
0xa7: {  	s28 =	simm.s32 $_size_execute0_lowered;
	s2 =	sadd.s32 s2, s4;
	[dreg:$0x0] =	wrdreg $0x0  }
0xa8: {  	s4 =	sshll.u32 s28, $0x1;
	[dreg:$0x2] =	wrdreg s2  }
0xa9: {  	[dreg:$0x3] =	wrdreg s4  }
0xaa: {  	[dreg:$0x4] =	wrdreg $0xC0  }
0xab: {  	_ =	task [dreg:s6], $0x5FFFF  }
0xac: {  	[dreg:$0x1] =	wrdreg $0xFFFFFFFF  }
0xad: {  	[dreg:$0x0] =	wrdreg $0x60  }
0xae: {  	[dreg:$0x2] =	wrdreg s24  }
0xaf: {  	[dreg:$0x3] =	wrdreg $0xD0000  }
0xb0: {  	[dreg:$0x4] =	wrdreg $0xD3880  }
0xb1: {  	[dreg:$0x5] =	wrdreg $0x9  }
0xb2: {  	_ =	task.clear_ibuf [dreg:s6], $0x6FFFF;
	_ =	strace $0x90000046  }
0xb3: {  	s29 =	simm.s32 $0x9;
	_ =	strace $0x80000048  }
0xb4: {  	_ =	swait.ge [sflag:s29], $0x1  }
0xb5: {  	[sflag:s29] =	ssyncadd.s32 $0xFFFFFFFF  }
0xb6: {  	_ =	strace $0x90000048  }
0xb7: {  	_ =	sfence  }
0xb8: {  	s30 =	sld [smem:$0x0];
	_ =	sdelay $0x2  }
0xb9: {  	s31 =	sshll.u32 s1, $0xD;
	s1 =	sshrl.u32 s1, $0x2  }
0xba: {  	s3 =	sand.u32 $0x4000, s31;
	s1 =	sadd.s32 s1, s30  }
0xbb: {  	s0 =	sor.u32 s3, s0;
	s1 =	sshll.u32 s1, $0x11  }
0xbc: {  	s0 =	sor.u32 s1, s0  }
0xbd: {  	s0 =	sadd.s32 $0x8F2B, s0  }
0xbe: {  	[sflag:s0] =	ssyncadd.remote.s32 $0x1  }
0xbf: {  	_ =	sfence.sel $0xFFFF  }
0xc0: {  	[dreg:$0x0] =	wrdreg $0xFFFFFFFF;
	(pc) =	sbr.abs _section_cstart, $3  }
0xc1: {  	[dreg:$0x1] =	wrdreg $0xFFFFFFFF  }
0xc2: {  	_ =	task.clear_ibuf [dreg:s6], $0x2FFFF;
	_ =	strace $0x9FFFFFFF  }
0xc3: {  	(tm) =	ssettm $0x7FFFFFFF  }
tec
execute0_lowered:
.L_overlay_start_1:
0x0: {  	(tag) =	ssettag $0x1  }
0x1: {  	s0 =	srdreg.scid  }
0x2: {  	s2 =	sand.u32 $0x1, s0  }
0x3: {  	s1 =	stileid.u32;
	s0 =	sshll.u32 s2, $0x4  }
0x4: {  	s4 =	sor.u32 s1, s0  }
0x5: {  	s3 =	rddreg [dreg:$0x0];
	s24 =	ssub.s32 $0x2, s2;
	s11 =	smul.u32 $0xC80, s4  }
0x6: {  	s6 =	sadd.s32 $0x188000, s3;
	[smem:$0x7EF] =	sst s2;
	s2 =	sshrl.u32 s24, $0x1  }
0x7: {  	s2 =	ssub.s32 s24, s2;
	s25 =	sshrl.u32 s11, $0x3;
	s7 =	sadd.s32 $0x80, s11  }
0x8: {  	s5 =	sadd.s32 $0x180, s11;
	s29 =	sadd.s32 $0xA80, s11;
	s0 =	sadd.s32 s6, s25  }
0x9: {  	s8 =	sshrl.u32 s7, $0x3;
	[dreg:$0x4] =	wrdreg s0;
	s0 =	sadd.s32 $0x100, s11  }
0xa: {  	s30 =	sadd.s32 $0xB80, s11;
	s26 =	sadd.s32 s6, s8;
	s9 =	sshrl.u32 s0, $0x3  }
0xb: {  	[dreg:$0x5] =	wrdreg s26;
	s8 =	sadd.s32 s6, s9;
	s9 =	sshrl.u32 s5, $0x3  }
0xc: {  	[dreg:$0x6] =	wrdreg s8;
	s10 =	sadd.s32 s6, s9;
	s8 =	sadd.s32 $0x280, s11  }
0xd: {  	s9 =	sadd.s32 $0x300, s11;
	[dreg:$0x7] =	wrdreg s10;
	s13 =	sshrl.u32 s8, $0x3  }
0xe: {  	s10 =	sadd.s32 $0x200, s11;
	s15 =	sshrl.u32 s9, $0x3;
	s14 =	sadd.s32 s6, s13  }
0xf: {  	s12 =	sshrl.u32 s10, $0x3;
	s16 =	sadd.s32 s6, s15;
	[dreg:$0x9] =	wrdreg s14  }
0x10: {  	s13 =	sadd.s32 $0x480, s11;
	s12 =	sadd.s32 s6, s12;
	[dreg:$0xa] =	wrdreg s16  }
0x11: {  	s14 =	sadd.s32 $0x380, s11;
	s19 =	sshrl.u32 s13, $0x3;
	[dreg:$0x8] =	wrdreg s12  }
0x12: {  	s12 =	sadd.s32 $0x400, s11;
	s15 =	sshrl.u32 s14, $0x3;
	s20 =	sadd.s32 s6, s19  }
0x13: {  	s16 =	sshrl.u32 s12, $0x3;
	s17 =	sadd.s32 s6, s15;
	[dreg:$0xd] =	wrdreg s20  }
0x14: {  	s15 =	sadd.s32 $0x580, s11;
	s20 =	sadd.s32 $0x680, s11;
	[dreg:$0xb] =	wrdreg s17  }
0x15: {  	s18 =	sadd.s32 s6, s16;
	s17 =	sadd.s32 $0x500, s11;
	s19 =	sshrl.u32 s15, $0x3  }
0x16: {  	s16 =	sadd.s32 $0x600, s11;
	[dreg:$0xc] =	wrdreg s18;
	s18 =	sshrl.u32 s17, $0x3  }
0x17: {  	s22 =	sadd.s32 s6, s19;
	s23 =	sshrl.u32 s16, $0x3;
	s19 =	sadd.s32 $0x780, s11  }
0x18: {  	s21 =	sadd.s32 s6, s18;
	[dreg:$0xf] =	wrdreg s22;
	s24 =	sadd.s32 s6, s23  }
0x19: {  	s18 =	sadd.s32 $0x700, s11;
	[dreg:$0xe] =	wrdreg s21;
	s21 =	sshrl.u32 s20, $0x3  }
0x1a: {  	[dreg:$0x10] =	wrdreg s24;
	s22 =	sshrl.u32 s18, $0x3;
	s25 =	sadd.s32 s6, s21  }
0x1b: {  	s1 =	sshrl.u32 s19, $0x3;
	s26 =	sadd.s32 s6, s22;
	[dreg:$0x11] =	wrdreg s25  }
0x1c: {  	s22 =	sadd.s32 s6, s1;
	s21 =	sadd.s32 $0x880, s11;
	[dreg:$0x12] =	wrdreg s26  }
0x1d: {  	[dreg:$0x13] =	wrdreg s22;
	s22 =	sadd.s32 $0x800, s11;
	s24 =	sshrl.u32 s21, $0x3  }
0x1e: {  	s25 =	sadd.s32 $0x900, s11;
	s23 =	sshrl.u32 s22, $0x3;
	s26 =	sadd.s32 s6, s24  }
0x1f: {  	s1 =	sshrl.u32 s25, $0x3;
	s23 =	sadd.s32 s6, s23;
	[dreg:$0x15] =	wrdreg s26  }
0x20: {  	s24 =	sadd.s32 s6, s1;
	[dreg:$0x14] =	wrdreg s23;
	s23 =	sadd.s32 $0x980, s11  }
0x21: {  	[dreg:$0x16] =	wrdreg s24;
	s24 =	sadd.s32 $0xA00, s11;
	s26 =	sshrl.u32 s23, $0x3  }
0x22: {  	s1 =	sshrl.u32 s29, $0x3;
	s28 =	sshrl.u32 s24, $0x3;
	s26 =	sadd.s32 s6, s26  }
0x23: {  	[dreg:$0x17] =	wrdreg s26;
	s26 =	sadd.s32 s6, s28;
	s28 =	sadd.s32 $0xB00, s11  }
0x24: {  	[dreg:$0x18] =	wrdreg s26;
	s26 =	sadd.s32 s6, s1;
	s1 =	sshrl.u32 s28, $0x3  }
0x25: {  	s31 =	sshrl.u32 s30, $0x3;
	[dreg:$0x19] =	wrdreg s26;
	s26 =	sadd.s32 s6, s1  }
0x26: {  	s7 =	sshll.u32 s7, $0x4;
	s11 =	sadd.s32 $0xC00, s11;
	[dreg:$0x1a] =	wrdreg s26  }
0x27: {  	s1 =	sshrl.u32 s11, $0x3;
	s26 =	sadd.s32 s6, s31;
	s31 =	rddreg [dreg:$0x1]  }
0x28: {  	s0 =	sshll.u32 s0, $0x4;
	s6 =	sadd.s32 s6, s1;
	[dreg:$0x1b] =	wrdreg s26  }
0x29: {  	s1 =	sadd.s32 $0x1600, s3;
	[dreg:$0x1c] =	wrdreg s6;
	s26 =	simm.s32 $0x0  }
0x2a: {  	s5 =	sshll.u32 s5, $0x4;
	s7 =	sadd.s32 s1, s7;
	[smem:$0x7FF] =	sst s26  }
0x2b: {  	s14 =	sshll.u32 s14, $0x4;
	s0 =	sadd.s32 s1, s0;
	[dreg:$0x1e] =	wrdreg s7  }
0x2c: {  	s6 =	smul.u32 $0xC800, s4;
	[dreg:$0x1f] =	wrdreg s0;
	s0 =	sadd.s32 s1, s5  }
0x2d: {  	s5 =	sadd.s32 s1, s14;
	[smem:$0x7D9] =	sst s0  }
0x2e: {  	s8 =	sshll.u32 s8, $0x4;
	s6 =	sadd.s32 s1, s6;
	[smem:$0x7DD] =	sst s5  }
0x2f: {  	s0 =	sadd.s32 s1, s8;
	s8 =	sshll.u32 s17, $0x4;
	[dreg:$0x1d] =	wrdreg s6  }
0x30: {  	s17 =	sshll.u32 s22, $0x4;
	s6 =	sshll.u32 s10, $0x4;
	[smem:$0x7DB] =	sst s0  }
0x31: {  	s10 =	sshll.u32 s9, $0x4;
	s9 =	sadd.s32 s1, s8;
	s7 =	sadd.s32 s1, s6  }
0x32: {  	s0 =	sadd.s32 s1, s10;
	s6 =	sshll.u32 s12, $0x4;
	[smem:$0x7E0] =	sst s9  }
0x33: {  	s10 =	sshll.u32 s15, $0x4;
	s12 =	sshll.u32 s16, $0x4;
	s15 =	sshll.u32 s18, $0x4  }
0x34: {  	s16 =	sshll.u32 s19, $0x4;
	s18 =	sadd.s32 s1, s17;
	[smem:$0x7DA] =	sst s7  }
0x35: {  	s19 =	sshll.u32 s21, $0x4;
	s21 =	sshll.u32 s23, $0x4;
	[smem:$0x7DC] =	sst s0  }
0x36: {  	s0 =	sadd.s32 s1, s6;
	s7 =	sshll.u32 s13, $0x4;
	[smem:$0x7E6] =	sst s18  }
0x37: {  	s13 =	sshll.u32 s20, $0x4;
	s22 =	sadd.s32 s1, s21;
	[smem:$0x7DE] =	sst s0  }
0x38: {  	s20 =	sshll.u32 s25, $0x4;
	s0 =	sadd.s32 s1, s7;
	[smem:$0x7E9] =	sst s22  }
0x39: {  	s25 =	sshll.u32 s28, $0x4;
	s14 =	sadd.s32 s1, s13;
	[smem:$0x7DF] =	sst s0  }
0x3a: {  	s6 =	sadd.s32 s1, s25;
	[smem:$0x7E3] =	sst s14  }
0x3b: {  	s7 =	sshll.u32 s30, $0x4;
	s0 =	sadd.s32 s1, s10;
	[smem:$0x7EC] =	sst s6  }
0x3c: {  	s5 =	sadd.s32 s1, s7;
	[smem:$0x7E1] =	sst s0  }
0x3d: {  	s0 =	sadd.s32 s1, s12;
	[smem:$0x7ED] =	sst s5  }
0x3e: {  	[smem:$0x7E2] =	sst s0;
	s0 =	sadd.s32 s1, s15  }
0x3f: {  	[smem:$0x7E4] =	sst s0;
	s0 =	sadd.s32 s1, s16  }
0x40: {  	[smem:$0x7E5] =	sst s0;
	s0 =	sadd.s32 s1, s19  }
0x41: {  	s23 =	sshll.u32 s24, $0x4;
	[smem:$0x7E7] =	sst s0;
	s0 =	sadd.s32 s1, s20  }
0x42: {  	s24 =	sshll.u32 s29, $0x4;
	[smem:$0x7E8] =	sst s0;
	s0 =	sadd.s32 s1, s23  }
0x43: {  	s17 =	sadd.s32 $0x185600, s3;
	[smem:$0x7EA] =	sst s0;
	s0 =	sadd.s32 s1, s24  }
0x44: {  	s8 =	sshll.u32 s11, $0x4;
	s18 =	sadd.s32 $0x185E00, s3;
	[smem:$0x7EB] =	sst s0  }
0x45: {  	s13 =	sadd.s32 $0x18BE00, s3;
	s1 =	sadd.s32 s1, s8;
	s0 =	rddreg [dreg:$0x2]  }
0x46: {  	s14 =	sadd.s32 $0x18BA00, s3;
	[smem:$0x7EE] =	sst s1  }
0x47: {  	p0 =	seq.s32 s4, $0x1F;
	_ =	strace $0x80000047;
	[smem:$0x7F0] =	sst s13  }
0x48: {  	s9 =	stileid.u32;
	s15 =	sadd.s32 $0x18B200, s3;
	[smem:$0x7F1] =	sst s14  }
0x49: {  	s29 =	simm.s32 $0x8600;
	s16 =	sadd.s32 $0x184E00, s3;
	[smem:$0x7F2] =	sst s15  }
0x4a: {  	s21 =	sadd.s32 $0x186E00, s3;
	s28 =	simm.s32 $0x8580;
	[smem:$0x7F3] =	sst s16  }
0x4b: {  	s22 =	sadd.s32 $0x187600, s3;
	s12 =	sshll.u32 s9, $0xD;
	[smem:$0x7F4] =	sst s17  }
0x4c: {  	s10 =	sshll.u32 s9, $0x6;
	s19 =	sadd.s32 s12, s31;
	[smem:$0x7F5] =	sst s18  }
0x4d: {  	s6 =	smax.u32 s2, $0x1;
	s20 =	sadd.s32 $0x186600, s3;
	[smem:$0x7F6] =	sst s19  }
0x4e: {  	s7 =	simm.s32 $0x2;
	s2 =	simm.s32 $0x8080;
	[smem:$0x7F7] =	sst s20  }
0x4f: {  	s30 =	sor.u32 $0x1C02, s10;
	s5 =	simm.s32 $0x8200;
	[smem:$0x7F8] =	sst s21  }
0x50: {  	s9 =	simm.s32 $0x8280;
	s10 =	simm.s32 $0x8000;
	[smem:$0x7FA] =	sst s22  }
0x51: {  	s23 =	sadd.s32 $0x187E00, s3;
	s8 =	simm.s32 $0x9000;
	s11 =	sld [smem:$0x7EF]  }
0x52: {  	s1 =	sadd.s32 s12, s0;
	[smem:$0x7FB] =	sst s23;
	s15 =	simm.s32 $0x1  }
0x53: {  	s16 =	simm.s32 $0x4000;
	s17 =	simm.s32 $0x80;
	s21 =	simm.s32 $0x8300  }
0x54: {  	s22 =	simm.s32 $0x8380;
	s23 =	simm.s32 $0x8400;
	s4 =	sshll.u32 s11, $0x11  }
0x55: {  	s13 =	simm.s32 $0x8180;
	s14 =	simm.s32 $0x8200;
	s4 =	sor.u32 s12, s4  }
.Ltmp0:
0x56: {  	[smem:$0x7F9] =	sst s1;
	s4 =	sshrl.u32 s4, $0x3;
	(pc) =	sbr.rel .LBB2_1-.Ltmp0, $4  }
0x57: {  	s1 =	simm.s32 $0x8000;
	s11 =	simm.s32 $0x8080;
	s4 =	sadd.s32 s4, s3  }
0x58: {  	s12 =	simm.s32 $0x8100;
	s3 =	simm.s32 $0x8100;
	s24 =	sadd.s32 $0x18C200, s4  }
0x59: {  	s25 =	sadd.s32 $0x194200, s4;
	s4 =	simm.s32 $0x8180;
	[smem:$0x7FC] =	sst s24  }
0x5a: {  	[smem:$0x7FD] =	sst s25;
	s24 =	simm.s32 $0x8480;
	s25 =	simm.s32 $0x8500  }
.LBB2_3:
0x5b: {  	s20 =	sld [smem:$0x7F3];
	_ =	sdelay $0x2  }
0x5c: {  	[tilespmem:s26], [sflag:$0x1] =	stream.linear.gather [hbm4b:s20+s26], $0x4000, $0x38;
	[tilespmem:$0xD3D0] =	vst v63  }
0x5d: {  	_ =	swait.ge [sflag:s15], $0x4000  }
0x5e: {  	s1 =	sld [smem:$0x7F4]  }
0x5f: {  	[sflag:s15] =	ssyncset.done $0x0  }
0x60: {  	[sflag:s15] =	ssyncadd.s32 $0xFFFFC000  }
0x61: {  	[tilespmem:s16], [sflag:$0x1] =	stream.linear.gather [hbm4b:s1+s26], $0x4000, $0x38;
	[tilespmem:$0xD3D0] =	vst v63  }
0x62: {  	_ = 	snop  }
0x63: {  	[spmem:s31] =	stream.indirect.scatter.add.f32 [tilespmem:s26], [sflag:$0x2], $0xE, s10, s17, $0xb8;
	[tilespmem:$0xD3D0] =	vst v63  }
0x64: {  	_ =	swait.ge [sflag:s7], $0x700  }
0x65: {  	[sflag:s7] =	ssyncset.done $0x0  }
0x66: {  	[sflag:s7] =	ssyncadd.s32 $0xFFFFF900  }
0x67: {  	[spmem:s0] =	stream.indirect.scatter.add.f32 [tilespmem:s8], [sflag:$0x2], $0x1, s10, s17, $0xb8;
	[tilespmem:$0xD3D0] =	vst v63  }
0x68: {  	_ =	swait.ge [sflag:s7], $0x80  }
0x69: {  	[sflag:s7] =	ssyncset.done $0x0  }
0x6a: {  	[sflag:s7] =	ssyncadd.s32 $0xFFFFFF80  }
0x6b: {  	_ =	swait.ge [sflag:s15], $0x4000  }
0x6c: {  	s2 =	sld [smem:$0x7F5]  }
0x6d: {  	[sflag:s15] =	ssyncset.done $0x0  }
0x6e: {  	[sflag:s15] =	ssyncadd.s32 $0xFFFFC000  }
0x6f: {  	[tilespmem:s26], [sflag:$0x1] =	stream.linear.gather [hbm4b:s2+s26], $0x4000, $0x38;
	[tilespmem:$0xD3D0] =	vst v63  }
0x70: {  	_ = 	snop  }
0x71: {  	[spmem:s31] =	stream.indirect.scatter.add.f32 [tilespmem:s16], [sflag:$0x2], $0xE, s11, s17, $0xb8;
	[tilespmem:$0xD3D0] =	vst v63  }
0x72: {  	_ =	swait.ge [sflag:s7], $0x700  }
0x73: {  	[sflag:s7] =	ssyncset.done $0x0  }
0x74: {  	[sflag:s7] =	ssyncadd.s32 $0xFFFFF900  }
0x75: {  	[spmem:s0] =	stream.indirect.scatter.add.f32 [tilespmem:s8], [sflag:$0x2], $0x1, s11, s17, $0xb8;
	[tilespmem:$0xD3D0] =	vst v63  }
0x76: {  	_ =	swait.ge [sflag:s7], $0x80  }
0x77: {  	[sflag:s7] =	ssyncset.done $0x0  }
0x78: {  	[sflag:s7] =	ssyncadd.s32 $0xFFFFFF80  }
0x79: {  	_ =	swait.ge [sflag:s15], $0x4000  }
0x7a: {  	s3 =	sld [smem:$0x7F7]  }
0x7b: {  	[sflag:s15] =	ssyncset.done $0x0  }
0x7c: {  	[sflag:s15] =	ssyncadd.s32 $0xFFFFC000  }
0x7d: {  	[tilespmem:s16], [sflag:$0x1] =	stream.linear.gather [hbm4b:s3+s26], $0x4000, $0x38;
	[tilespmem:$0xD3D0] =	vst v63  }
0x7e: {  	_ = 	snop  }
0x7f: {  	[spmem:s31] =	stream.indirect.scatter.add.f32 [tilespmem:s26], [sflag:$0x2], $0xE, s12, s17, $0xb8;
	[tilespmem:$0xD3D0] =	vst v63  }
0x80: {  	_ =	swait.ge [sflag:s7], $0x700  }
0x81: {  	[sflag:s7] =	ssyncset.done $0x0  }
0x82: {  	[sflag:s7] =	ssyncadd.s32 $0xFFFFF900  }
0x83: {  	[spmem:s0] =	stream.indirect.scatter.add.f32 [tilespmem:s8], [sflag:$0x2], $0x1, s12, s17, $0xb8;
	[tilespmem:$0xD3D0] =	vst v63  }
0x84: {  	_ =	swait.ge [sflag:s7], $0x80  }
0x85: {  	[sflag:s7] =	ssyncset.done $0x0  }
0x86: {  	[sflag:s7] =	ssyncadd.s32 $0xFFFFFF80  }
0x87: {  	_ =	swait.ge [sflag:s15], $0x4000  }
0x88: {  	s4 =	sld [smem:$0x7F8]  }
0x89: {  	[sflag:s15] =	ssyncset.done $0x0  }
0x8a: {  	[sflag:s15] =	ssyncadd.s32 $0xFFFFC000  }
0x8b: {  	[tilespmem:s26], [sflag:$0x1] =	stream.linear.gather [hbm4b:s4+s26], $0x4000, $0x38;
	[tilespmem:$0xD3D0] =	vst v63  }
0x8c: {  	_ = 	snop  }
0x8d: {  	[spmem:s31] =	stream.indirect.scatter.add.f32 [tilespmem:s16], [sflag:$0x2], $0xE, s13, s17, $0xb8;
	[tilespmem:$0xD3D0] =	vst v63  }
0x8e: {  	_ =	swait.ge [sflag:s7], $0x700  }
0x8f: {  	[sflag:s7] =	ssyncset.done $0x0  }
0x90: {  	[sflag:s7] =	ssyncadd.s32 $0xFFFFF900  }
0x91: {  	[spmem:s0] =	stream.indirect.scatter.add.f32 [tilespmem:s8], [sflag:$0x2], $0x1, s13, s17, $0xb8;
	[tilespmem:$0xD3D0] =	vst v63  }
0x92: {  	_ =	swait.ge [sflag:s7], $0x80  }
0x93: {  	[sflag:s7] =	ssyncset.done $0x0  }
0x94: {  	[sflag:s7] =	ssyncadd.s32 $0xFFFFFF80  }
0x95: {  	_ =	swait.ge [sflag:s15], $0x4000  }
0x96: {  	s5 =	sld [smem:$0x7FA]  }
0x97: {  	[sflag:s15] =	ssyncset.done $0x0  }
0x98: {  	[sflag:s15] =	ssyncadd.s32 $0xFFFFC000  }
0x99: {  	[tilespmem:s16], [sflag:$0x1] =	stream.linear.gather [hbm4b:s5+s26], $0x4000, $0x38;
	[tilespmem:$0xD3D0] =	vst v63  }
0x9a: {  	_ = 	snop  }
0x9b: {  	[spmem:s31] =	stream.indirect.scatter.add.f32 [tilespmem:s26], [sflag:$0x2], $0xE, s14, s17, $0xb8;
	[tilespmem:$0xD3D0] =	vst v63  }
0x9c: {  	_ =	swait.ge [sflag:s7], $0x700  }
0x9d: {  	[sflag:s7] =	ssyncset.done $0x0  }
0x9e: {  	[sflag:s7] =	ssyncadd.s32 $0xFFFFF900  }
0x9f: {  	[spmem:s0] =	stream.indirect.scatter.add.f32 [tilespmem:s8], [sflag:$0x2], $0x1, s14, s17, $0xb8;
	[tilespmem:$0xD3D0] =	vst v63  }
0xa0: {  	_ =	swait.ge [sflag:s7], $0x80  }
0xa1: {  	[sflag:s7] =	ssyncset.done $0x0  }
0xa2: {  	[sflag:s7] =	ssyncadd.s32 $0xFFFFFF80  }
0xa3: {  	_ =	swait.ge [sflag:s15], $0x4000  }
0xa4: {  	[sflag:s15] =	ssyncset.done $0x0  }
0xa5: {  	[sflag:s15] =	ssyncadd.s32 $0xFFFFC000  }
0xa6: {  	[spmem:s31] =	stream.indirect.scatter.add.f32 [tilespmem:s16], [sflag:$0x2], $0xE, s9, s17, $0xb8;
	[tilespmem:$0xD3D0] =	vst v63  }
0xa7: {  	_ =	swait.ge [sflag:s7], $0x700  }
0xa8: {  	[sflag:s7] =	ssyncset.done $0x0  }
0xa9: {  	[sflag:s7] =	ssyncadd.s32 $0xFFFFF900  }
0xaa: {  	[spmem:s0] =	stream.indirect.scatter.add.f32 [tilespmem:s8], [sflag:$0x2], $0x1, s9, s17, $0xb8;
	[tilespmem:$0xD3D0] =	vst v63  }
0xab: {  	_ =	swait.ge [sflag:s7], $0x80  }
0xac: {  	s9 =	sld [smem:$0x7FB]  }
0xad: {  	[sflag:s7] =	ssyncset.done $0x0  }
0xae: {  	s20 =	simm.s32 $0x8300;
	[sflag:s7] =	ssyncadd.s32 $0xFFFFFF80  }
0xaf: {  	[tilespmem:s26], [sflag:$0x2] =	stream.linear.gather [hbm4b:s9+s26], $0x1000, $0x38;
	[tilespmem:$0xD3D0] =	vst v63  }
0xb0: {  	s1 =	simm.s32 $0x8000;
	s2 =	simm.s32 $0x8080;
	_ =	swait.ge [sflag:s7], $0x1000  }
0xb1: {  	s3 =	simm.s32 $0x8100;
	s4 =	simm.s32 $0x8180;
	[sflag:s7] =	ssyncset.done $0x0  }
0xb2: {  	s5 =	simm.s32 $0x8200;
	s9 =	simm.s32 $0x8280;
	[sflag:s7] =	ssyncadd.s32 $0xFFFFF000  }
.LBB2_4:
0xb3: {  	[spmem:s31] =	stream.indirect.scatter.add.f32 [tilespmem:s26], [sflag:$0x2], $0xE, s20, s17, $0xb8;
	[tilespmem:$0xD3D0] =	vst v63  }
0xb4: {  	_ =	swait.ge [sflag:s7], $0x700  }
0xb5: {  	[sflag:s7] =	ssyncset.done $0x0  }
0xb6: {  	[sflag:s7] =	ssyncadd.s32 $0xFFFFF900  }
0xb7: {  	[spmem:s0] =	stream.indirect.scatter.add.f32 [tilespmem:s8], [sflag:$0x2], $0x1, s20, s17, $0xb8;
	[tilespmem:$0xD3D0] =	vst v63  }
0xb8: {  	_ =	swait.ge [sflag:s7], $0x80  }
0xb9: {  	[sflag:s7] =	ssyncset.done $0x0  }
0xba: {  	[sflag:s7] =	ssyncadd.s32 $0xFFFFFF80  }
0xbb: {  	[bflag:$0x0] =	sbarrier.arrive $0xFFFF  }
0xbc: {  	s20 =	sld [smem:$0x7FC];
	_ =	sdelay $0x2  }
0xbd: {  	[hbm:s20], [sflag:s30] =	dma.local [spmem:s18], $0x400  }
0xbe: {  	_ =	swait.ge [sflag:s7], $0x400  }
0xbf: {  	s6 =	sadd.s32 $0xFFFFFFFF, s6;
	s20 =	sld [smem:$0x7FD]  }
0xc0: {  	p1 =	sne.s32 s6, $0x0;
	[sflag:s7] =	ssyncset.done $0x0  }
.Ltmp1:
0xc1: {  	[sflag:s7] =	ssyncadd.s32 $0xFFFFFC00;
	(pc) =	sbr.rel @!p1 .LBB2_5-.Ltmp1, $4  }
0xc2: {  	[hbm:s20], [sflag:s30] =	dma.local [spmem:s19], $0x400  }
0xc3: {  	_ =	swait.ge [sflag:s7], $0x400  }
0xc4: {  	[sflag:s7] =	ssyncset.done $0x0  }
0xc5: {  	[sflag:s7] =	ssyncadd.s32 $0xFFFFFC00  }
.LBB2_1:
0xc6: {  	s18 =	sld [smem:$0x7F6]  }
0xc7: {  	s19 =	sld [smem:$0x7F0];
	_ =	sdelay $0x1  }
0xc8: {  	s18 =	sshrl.u32 s18, $0x3  }
0xc9: {  	[spmem:s18], [sflag:s30] =	dma.local [hbm:s19], $0x400  }
0xca: {  	_ =	swait.ge [sflag:s7], $0x400  }
0xcb: {  	s20 =	sld [smem:$0x7F9];
	_ =	sdelay $0x2  }
0xcc: {  	s19 =	sshrl.u32 s20, $0x3;
	s20 =	sld [smem:$0x7F1]  }
0xcd: {  	[sflag:s7] =	ssyncset.done $0x0  }
0xce: {  	[sflag:s7] =	ssyncadd.s32 $0xFFFFFC00  }
0xcf: {  	[spmem:s19], [sflag:s30] =	dma.local [hbm:s20], $0x400  }
0xd0: {  	_ =	swait.ge [sflag:s7], $0x400  }
0xd1: {  	s20 =	sld [smem:$0x7F2]  }
0xd2: {  	[sflag:s7] =	ssyncset.done $0x0  }
0xd3: {  	[sflag:s7] =	ssyncadd.s32 $0xFFFFFC00  }
0xd4: {  	[tilespmem:s8], [sflag:$0x2] =	stream.linear.gather [hbm4b:s20+s26], $0x4000, $0x38;
	[tilespmem:$0xD3D0] =	vst v63  }
0xd5: {  	_ =	swait.ge [sflag:s7], $0x4000  }
0xd6: {  	[sflag:s7] =	ssyncset.done $0x0  }
0xd7: {  	s20 =	rddreg [dreg:$0x4];
	[sflag:s7] =	ssyncadd.s32 $0xFFFFC000  }
0xd8: {  	[tilespmem:s1], [sflag:$0x2] =	stream.linear.gather [hbm4b:s20+s26], $0x80, $0x38;
	[tilespmem:$0xD3D0] =	vst v63  }
0xd9: {  	_ =	swait.ge [sflag:s7], $0x80  }
0xda: {  	[sflag:s7] =	ssyncset.done $0x0  }
0xdb: {  	s1 =	rddreg [dreg:$0x5];
	[sflag:s7] =	ssyncadd.s32 $0xFFFFFF80  }
0xdc: {  	[tilespmem:s2], [sflag:$0x2] =	stream.linear.gather [hbm4b:s1+s26], $0x80, $0x38;
	[tilespmem:$0xD3D0] =	vst v63  }
0xdd: {  	_ =	swait.ge [sflag:s7], $0x80  }
0xde: {  	[sflag:s7] =	ssyncset.done $0x0  }
0xdf: {  	s2 =	rddreg [dreg:$0x6];
	[sflag:s7] =	ssyncadd.s32 $0xFFFFFF80  }
0xe0: {  	[tilespmem:s3], [sflag:$0x2] =	stream.linear.gather [hbm4b:s2+s26], $0x80, $0x38;
	[tilespmem:$0xD3D0] =	vst v63  }
0xe1: {  	_ =	swait.ge [sflag:s7], $0x80  }
0xe2: {  	[sflag:s7] =	ssyncset.done $0x0  }
0xe3: {  	s3 =	rddreg [dreg:$0x7];
	[sflag:s7] =	ssyncadd.s32 $0xFFFFFF80  }
0xe4: {  	[tilespmem:s4], [sflag:$0x2] =	stream.linear.gather [hbm4b:s3+s26], $0x80, $0x38;
	[tilespmem:$0xD3D0] =	vst v63  }
0xe5: {  	_ =	swait.ge [sflag:s7], $0x80  }
0xe6: {  	[sflag:s7] =	ssyncset.done $0x0  }
0xe7: {  	s4 =	rddreg [dreg:$0x8];
	[sflag:s7] =	ssyncadd.s32 $0xFFFFFF80  }
0xe8: {  	[tilespmem:s5], [sflag:$0x2] =	stream.linear.gather [hbm4b:s4+s26], $0x80, $0x38;
	[tilespmem:$0xD3D0] =	vst v63  }
0xe9: {  	_ =	swait.ge [sflag:s7], $0x80  }
0xea: {  	[sflag:s7] =	ssyncset.done $0x0  }
0xeb: {  	s5 =	rddreg [dreg:$0x9];
	[sflag:s7] =	ssyncadd.s32 $0xFFFFFF80  }
0xec: {  	[tilespmem:s9], [sflag:$0x2] =	stream.linear.gather [hbm4b:s5+s26], $0x80, $0x38;
	[tilespmem:$0xD3D0] =	vst v63  }
0xed: {  	_ =	swait.ge [sflag:s7], $0x80  }
0xee: {  	[sflag:s7] =	ssyncset.done $0x0  }
0xef: {  	s1 =	rddreg [dreg:$0xa];
	[sflag:s7] =	ssyncadd.s32 $0xFFFFFF80  }
0xf0: {  	[tilespmem:s21], [sflag:$0x2] =	stream.linear.gather [hbm4b:s1+s26], $0x80, $0x38;
	[tilespmem:$0xD3D0] =	vst v63  }
0xf1: {  	_ =	swait.ge [sflag:s7], $0x80  }
0xf2: {  	[sflag:s7] =	ssyncset.done $0x0  }
0xf3: {  	s2 =	rddreg [dreg:$0xb];
	[sflag:s7] =	ssyncadd.s32 $0xFFFFFF80  }
0xf4: {  	[tilespmem:s22], [sflag:$0x2] =	stream.linear.gather [hbm4b:s2+s26], $0x80, $0x38;
	[tilespmem:$0xD3D0] =	vst v63  }
0xf5: {  	_ =	swait.ge [sflag:s7], $0x80  }
0xf6: {  	[sflag:s7] =	ssyncset.done $0x0  }
0xf7: {  	s3 =	rddreg [dreg:$0xc];
	[sflag:s7] =	ssyncadd.s32 $0xFFFFFF80  }
0xf8: {  	[tilespmem:s23], [sflag:$0x2] =	stream.linear.gather [hbm4b:s3+s26], $0x80, $0x38;
	[tilespmem:$0xD3D0] =	vst v63  }
0xf9: {  	_ =	swait.ge [sflag:s7], $0x80  }
0xfa: {  	[sflag:s7] =	ssyncset.done $0x0  }
0xfb: {  	s4 =	rddreg [dreg:$0xd];
	[sflag:s7] =	ssyncadd.s32 $0xFFFFFF80  }
0xfc: {  	[tilespmem:s24], [sflag:$0x2] =	stream.linear.gather [hbm4b:s4+s26], $0x80, $0x38;
	[tilespmem:$0xD3D0] =	vst v63  }
0xfd: {  	_ =	swait.ge [sflag:s7], $0x80  }
0xfe: {  	[sflag:s7] =	ssyncset.done $0x0  }
0xff: {  	s5 =	rddreg [dreg:$0xe];
	[sflag:s7] =	ssyncadd.s32 $0xFFFFFF80  }
0x100: {  	[tilespmem:s25], [sflag:$0x2] =	stream.linear.gather [hbm4b:s5+s26], $0x80, $0x38;
	[tilespmem:$0xD3D0] =	vst v63  }
0x101: {  	_ =	swait.ge [sflag:s7], $0x80  }
0x102: {  	[sflag:s7] =	ssyncset.done $0x0  }
0x103: {  	s9 =	rddreg [dreg:$0xf];
	[sflag:s7] =	ssyncadd.s32 $0xFFFFFF80  }
0x104: {  	[tilespmem:s28], [sflag:$0x2] =	stream.linear.gather [hbm4b:s9+s26], $0x80, $0x38;
	[tilespmem:$0xD3D0] =	vst v63  }
0x105: {  	_ =	swait.ge [sflag:s7], $0x80  }
0x106: {  	[sflag:s7] =	ssyncset.done $0x0  }
0x107: {  	s1 =	rddreg [dreg:$0x10];
	[sflag:s7] =	ssyncadd.s32 $0xFFFFFF80  }
0x108: {  	[tilespmem:s29], [sflag:$0x2] =	stream.linear.gather [hbm4b:s1+s26], $0x80, $0x38;
	[tilespmem:$0xD3D0] =	vst v63  }
0x109: {  	_ =	swait.ge [sflag:s7], $0x80  }
0x10a: {  	[sflag:s7] =	ssyncset.done $0x0  }
0x10b: {  	s1 =	simm.s32 $0x8680;
	s2 =	rddreg [dreg:$0x11];
	[sflag:s7] =	ssyncadd.s32 $0xFFFFFF80  }
0x10c: {  	[tilespmem:s1], [sflag:$0x2] =	stream.linear.gather [hbm4b:s2+s26], $0x80, $0x38;
	[tilespmem:$0xD3D0] =	vst v63  }
0x10d: {  	_ =	swait.ge [sflag:s7], $0x80  }
0x10e: {  	[sflag:s7] =	ssyncset.done $0x0  }
0x10f: {  	s2 =	simm.s32 $0x8700;
	s3 =	rddreg [dreg:$0x12];
	[sflag:s7] =	ssyncadd.s32 $0xFFFFFF80  }
0x110: {  	[tilespmem:s2], [sflag:$0x2] =	stream.linear.gather [hbm4b:s3+s26], $0x80, $0x38;
	[tilespmem:$0xD3D0] =	vst v63  }
0x111: {  	_ =	swait.ge [sflag:s7], $0x80  }
0x112: {  	[sflag:s7] =	ssyncset.done $0x0  }
0x113: {  	s3 =	simm.s32 $0x8780;
	s4 =	rddreg [dreg:$0x13];
	[sflag:s7] =	ssyncadd.s32 $0xFFFFFF80  }
0x114: {  	[tilespmem:s3], [sflag:$0x2] =	stream.linear.gather [hbm4b:s4+s26], $0x80, $0x38;
	[tilespmem:$0xD3D0] =	vst v63  }
0x115: {  	_ =	swait.ge [sflag:s7], $0x80  }
0x116: {  	[sflag:s7] =	ssyncset.done $0x0  }
0x117: {  	s4 =	simm.s32 $0x8800;
	s5 =	rddreg [dreg:$0x14];
	[sflag:s7] =	ssyncadd.s32 $0xFFFFFF80  }
0x118: {  	[tilespmem:s4], [sflag:$0x2] =	stream.linear.gather [hbm4b:s5+s26], $0x80, $0x38;
	[tilespmem:$0xD3D0] =	vst v63  }
0x119: {  	_ =	swait.ge [sflag:s7], $0x80  }
0x11a: {  	[sflag:s7] =	ssyncset.done $0x0  }
0x11b: {  	s5 =	simm.s32 $0x8880;
	s20 =	rddreg [dreg:$0x15];
	[sflag:s7] =	ssyncadd.s32 $0xFFFFFF80  }
0x11c: {  	[tilespmem:s5], [sflag:$0x2] =	stream.linear.gather [hbm4b:s20+s26], $0x80, $0x38;
	[tilespmem:$0xD3D0] =	vst v63  }
0x11d: {  	_ =	swait.ge [sflag:s7], $0x80  }
0x11e: {  	[sflag:s7] =	ssyncset.done $0x0  }
0x11f: {  	s5 =	simm.s32 $0x8900;
	s20 =	rddreg [dreg:$0x16];
	[sflag:s7] =	ssyncadd.s32 $0xFFFFFF80  }
0x120: {  	[tilespmem:s5], [sflag:$0x2] =	stream.linear.gather [hbm4b:s20+s26], $0x80, $0x38;
	[tilespmem:$0xD3D0] =	vst v63  }
0x121: {  	_ =	swait.ge [sflag:s7], $0x80  }
0x122: {  	[sflag:s7] =	ssyncset.done $0x0  }
0x123: {  	s5 =	simm.s32 $0x8980;
	s20 =	rddreg [dreg:$0x17];
	[sflag:s7] =	ssyncadd.s32 $0xFFFFFF80  }
0x124: {  	[tilespmem:s5], [sflag:$0x2] =	stream.linear.gather [hbm4b:s20+s26], $0x80, $0x38;
	[tilespmem:$0xD3D0] =	vst v63  }
0x125: {  	_ =	swait.ge [sflag:s7], $0x80  }
0x126: {  	[sflag:s7] =	ssyncset.done $0x0  }
0x127: {  	s5 =	simm.s32 $0x8A00;
	s20 =	rddreg [dreg:$0x18];
	[sflag:s7] =	ssyncadd.s32 $0xFFFFFF80  }
0x128: {  	[tilespmem:s5], [sflag:$0x2] =	stream.linear.gather [hbm4b:s20+s26], $0x80, $0x38;
	[tilespmem:$0xD3D0] =	vst v63  }
0x129: {  	_ =	swait.ge [sflag:s7], $0x80  }
0x12a: {  	[sflag:s7] =	ssyncset.done $0x0  }
0x12b: {  	s5 =	simm.s32 $0x8A80;
	s20 =	rddreg [dreg:$0x19];
	[sflag:s7] =	ssyncadd.s32 $0xFFFFFF80  }
0x12c: {  	[tilespmem:s5], [sflag:$0x2] =	stream.linear.gather [hbm4b:s20+s26], $0x80, $0x38;
	[tilespmem:$0xD3D0] =	vst v63  }
0x12d: {  	_ =	swait.ge [sflag:s7], $0x80  }
0x12e: {  	[sflag:s7] =	ssyncset.done $0x0  }
0x12f: {  	s5 =	simm.s32 $0x8B00;
	s20 =	rddreg [dreg:$0x1a];
	[sflag:s7] =	ssyncadd.s32 $0xFFFFFF80  }
0x130: {  	[tilespmem:s5], [sflag:$0x2] =	stream.linear.gather [hbm4b:s20+s26], $0x80, $0x38;
	[tilespmem:$0xD3D0] =	vst v63  }
0x131: {  	_ =	swait.ge [sflag:s7], $0x80  }
0x132: {  	[sflag:s7] =	ssyncset.done $0x0  }
0x133: {  	s5 =	simm.s32 $0x8B80;
	s20 =	rddreg [dreg:$0x1b];
	[sflag:s7] =	ssyncadd.s32 $0xFFFFFF80  }
0x134: {  	[tilespmem:s5], [sflag:$0x2] =	stream.linear.gather [hbm4b:s20+s26], $0x80, $0x38;
	[tilespmem:$0xD3D0] =	vst v63  }
0x135: {  	_ =	swait.ge [sflag:s7], $0x80  }
0x136: {  	[sflag:s7] =	ssyncset.done $0x0  }
0x137: {  	s5 =	simm.s32 $0x8C00;
	s20 =	rddreg [dreg:$0x1c];
	[sflag:s7] =	ssyncadd.s32 $0xFFFFFF80  }
0x138: {  	[tilespmem:s5], [sflag:$0x2] =	stream.linear.gather [hbm4b:s20+s26], $0x80, $0x38;
	[tilespmem:$0xD3D0] =	vst v63  }
.Ltmp2:
0x139: {  	_ =	swait.ge [sflag:s7], $0x80;
	(pc) =	sbr.rel @p0 .LBB2_3-.Ltmp2, $4  }
0x13a: {  	[sflag:s7] =	ssyncset.done $0x0  }
0x13b: {  	[sflag:s7] =	ssyncadd.s32 $0xFFFFFF80  }
0x13c: {  	[bflag:$0x0] =	sbarrier.arrive $0xFFFF  }
0x13d: {  	s9 =	simm.s32 $0x8280  }
0x13e: {  	s20 =	rddreg [dreg:$0x1d]  }
0x13f: {  	[tilespmem:s26], [sflag:$0x1] =	stream.linear.gather [hbm4b:s20+s26], $0x4000, $0x38;
	[tilespmem:$0xD3D0] =	vst v63  }
0x140: {  	_ =	swait.ge [sflag:s15], $0x4000  }
0x141: {  	[sflag:s15] =	ssyncset.done $0x0  }
0x142: {  	s5 =	rddreg [dreg:$0x1e];
	[sflag:s15] =	ssyncadd.s32 $0xFFFFC000  }
0x143: {  	[tilespmem:s16], [sflag:$0x1] =	stream.linear.gather [hbm4b:s5+s26], $0x4000, $0x38;
	[tilespmem:$0xD3D0] =	vst v63  }
0x144: {  	_ = 	snop  }
0x145: {  	[spmem:s31] =	stream.indirect.scatter.add.f32 [tilespmem:s26], [sflag:$0x2], $0xE, s10, s17, $0xb8;
	[tilespmem:$0xD3D0] =	vst v63  }
0x146: {  	_ =	swait.ge [sflag:s7], $0x700  }
0x147: {  	[sflag:s7] =	ssyncset.done $0x0  }
0x148: {  	[sflag:s7] =	ssyncadd.s32 $0xFFFFF900  }
0x149: {  	[spmem:s0] =	stream.indirect.scatter.add.f32 [tilespmem:s8], [sflag:$0x2], $0x1, s10, s17, $0xb8;
	[tilespmem:$0xD3D0] =	vst v63  }
0x14a: {  	_ =	swait.ge [sflag:s7], $0x80  }
0x14b: {  	[sflag:s7] =	ssyncset.done $0x0  }
0x14c: {  	[sflag:s7] =	ssyncadd.s32 $0xFFFFFF80  }
0x14d: {  	_ =	swait.ge [sflag:s15], $0x4000  }
0x14e: {  	[sflag:s15] =	ssyncset.done $0x0  }
0x14f: {  	s5 =	rddreg [dreg:$0x1f];
	[sflag:s15] =	ssyncadd.s32 $0xFFFFC000  }
0x150: {  	[tilespmem:s26], [sflag:$0x1] =	stream.linear.gather [hbm4b:s5+s26], $0x4000, $0x38;
	[tilespmem:$0xD3D0] =	vst v63  }
0x151: {  	_ = 	snop  }
0x152: {  	[spmem:s31] =	stream.indirect.scatter.add.f32 [tilespmem:s16], [sflag:$0x2], $0xE, s11, s17, $0xb8;
	[tilespmem:$0xD3D0] =	vst v63  }
0x153: {  	_ =	swait.ge [sflag:s7], $0x700  }
0x154: {  	[sflag:s7] =	ssyncset.done $0x0  }
0x155: {  	[sflag:s7] =	ssyncadd.s32 $0xFFFFF900  }
0x156: {  	[spmem:s0] =	stream.indirect.scatter.add.f32 [tilespmem:s8], [sflag:$0x2], $0x1, s11, s17, $0xb8;
	[tilespmem:$0xD3D0] =	vst v63  }
0x157: {  	_ =	swait.ge [sflag:s7], $0x80  }
0x158: {  	[sflag:s7] =	ssyncset.done $0x0  }
0x159: {  	[sflag:s7] =	ssyncadd.s32 $0xFFFFFF80  }
0x15a: {  	_ =	swait.ge [sflag:s15], $0x4000  }
0x15b: {  	s5 =	sld [smem:$0x7D9]  }
0x15c: {  	[sflag:s15] =	ssyncset.done $0x0  }
0x15d: {  	[sflag:s15] =	ssyncadd.s32 $0xFFFFC000  }
0x15e: {  	[tilespmem:s16], [sflag:$0x1] =	stream.linear.gather [hbm4b:s5+s26], $0x4000, $0x38;
	[tilespmem:$0xD3D0] =	vst v63  }
0x15f: {  	_ = 	snop  }
0x160: {  	[spmem:s31] =	stream.indirect.scatter.add.f32 [tilespmem:s26], [sflag:$0x2], $0xE, s12, s17, $0xb8;
	[tilespmem:$0xD3D0] =	vst v63  }
0x161: {  	_ =	swait.ge [sflag:s7], $0x700  }
0x162: {  	[sflag:s7] =	ssyncset.done $0x0  }
0x163: {  	[sflag:s7] =	ssyncadd.s32 $0xFFFFF900  }
0x164: {  	[spmem:s0] =	stream.indirect.scatter.add.f32 [tilespmem:s8], [sflag:$0x2], $0x1, s12, s17, $0xb8;
	[tilespmem:$0xD3D0] =	vst v63  }
0x165: {  	_ =	swait.ge [sflag:s7], $0x80  }
0x166: {  	[sflag:s7] =	ssyncset.done $0x0  }
0x167: {  	[sflag:s7] =	ssyncadd.s32 $0xFFFFFF80  }
0x168: {  	_ =	swait.ge [sflag:s15], $0x4000  }
0x169: {  	s5 =	sld [smem:$0x7DA]  }
0x16a: {  	[sflag:s15] =	ssyncset.done $0x0  }
0x16b: {  	[sflag:s15] =	ssyncadd.s32 $0xFFFFC000  }
0x16c: {  	[tilespmem:s26], [sflag:$0x1] =	stream.linear.gather [hbm4b:s5+s26], $0x4000, $0x38;
	[tilespmem:$0xD3D0] =	vst v63  }
0x16d: {  	_ = 	snop  }
0x16e: {  	[spmem:s31] =	stream.indirect.scatter.add.f32 [tilespmem:s16], [sflag:$0x2], $0xE, s13, s17, $0xb8;
	[tilespmem:$0xD3D0] =	vst v63  }
0x16f: {  	_ =	swait.ge [sflag:s7], $0x700  }
0x170: {  	[sflag:s7] =	ssyncset.done $0x0  }
0x171: {  	[sflag:s7] =	ssyncadd.s32 $0xFFFFF900  }
0x172: {  	[spmem:s0] =	stream.indirect.scatter.add.f32 [tilespmem:s8], [sflag:$0x2], $0x1, s13, s17, $0xb8;
	[tilespmem:$0xD3D0] =	vst v63  }
0x173: {  	_ =	swait.ge [sflag:s7], $0x80  }
0x174: {  	[sflag:s7] =	ssyncset.done $0x0  }
0x175: {  	[sflag:s7] =	ssyncadd.s32 $0xFFFFFF80  }
0x176: {  	_ =	swait.ge [sflag:s15], $0x4000  }
0x177: {  	s5 =	sld [smem:$0x7DB]  }
0x178: {  	[sflag:s15] =	ssyncset.done $0x0  }
0x179: {  	[sflag:s15] =	ssyncadd.s32 $0xFFFFC000  }
0x17a: {  	[tilespmem:s16], [sflag:$0x1] =	stream.linear.gather [hbm4b:s5+s26], $0x4000, $0x38;
	[tilespmem:$0xD3D0] =	vst v63  }
0x17b: {  	_ = 	snop  }
0x17c: {  	[spmem:s31] =	stream.indirect.scatter.add.f32 [tilespmem:s26], [sflag:$0x2], $0xE, s14, s17, $0xb8;
	[tilespmem:$0xD3D0] =	vst v63  }
0x17d: {  	_ =	swait.ge [sflag:s7], $0x700  }
0x17e: {  	[sflag:s7] =	ssyncset.done $0x0  }
0x17f: {  	[sflag:s7] =	ssyncadd.s32 $0xFFFFF900  }
0x180: {  	[spmem:s0] =	stream.indirect.scatter.add.f32 [tilespmem:s8], [sflag:$0x2], $0x1, s14, s17, $0xb8;
	[tilespmem:$0xD3D0] =	vst v63  }
0x181: {  	_ =	swait.ge [sflag:s7], $0x80  }
0x182: {  	[sflag:s7] =	ssyncset.done $0x0  }
0x183: {  	[sflag:s7] =	ssyncadd.s32 $0xFFFFFF80  }
0x184: {  	_ =	swait.ge [sflag:s15], $0x4000  }
0x185: {  	s5 =	sld [smem:$0x7DC]  }
0x186: {  	[sflag:s15] =	ssyncset.done $0x0  }
0x187: {  	[sflag:s15] =	ssyncadd.s32 $0xFFFFC000  }
0x188: {  	[tilespmem:s26], [sflag:$0x1] =	stream.linear.gather [hbm4b:s5+s26], $0x4000, $0x38;
	[tilespmem:$0xD3D0] =	vst v63  }
0x189: {  	_ = 	snop  }
0x18a: {  	[spmem:s31] =	stream.indirect.scatter.add.f32 [tilespmem:s16], [sflag:$0x2], $0xE, s9, s17, $0xb8;
	[tilespmem:$0xD3D0] =	vst v63  }
0x18b: {  	_ =	swait.ge [sflag:s7], $0x700  }
0x18c: {  	[sflag:s7] =	ssyncset.done $0x0  }
0x18d: {  	[sflag:s7] =	ssyncadd.s32 $0xFFFFF900  }
0x18e: {  	[spmem:s0] =	stream.indirect.scatter.add.f32 [tilespmem:s8], [sflag:$0x2], $0x1, s9, s17, $0xb8;
	[tilespmem:$0xD3D0] =	vst v63  }
0x18f: {  	_ =	swait.ge [sflag:s7], $0x80  }
0x190: {  	[sflag:s7] =	ssyncset.done $0x0  }
0x191: {  	[sflag:s7] =	ssyncadd.s32 $0xFFFFFF80  }
0x192: {  	_ =	swait.ge [sflag:s15], $0x4000  }
0x193: {  	s5 =	sld [smem:$0x7DD]  }
0x194: {  	[sflag:s15] =	ssyncset.done $0x0  }
0x195: {  	[sflag:s15] =	ssyncadd.s32 $0xFFFFC000  }
0x196: {  	[tilespmem:s16], [sflag:$0x1] =	stream.linear.gather [hbm4b:s5+s26], $0x4000, $0x38;
	[tilespmem:$0xD3D0] =	vst v63  }
0x197: {  	_ = 	snop  }
0x198: {  	[spmem:s31] =	stream.indirect.scatter.add.f32 [tilespmem:s26], [sflag:$0x2], $0xE, s21, s17, $0xb8;
	[tilespmem:$0xD3D0] =	vst v63  }
0x199: {  	_ =	swait.ge [sflag:s7], $0x700  }
0x19a: {  	[sflag:s7] =	ssyncset.done $0x0  }
0x19b: {  	[sflag:s7] =	ssyncadd.s32 $0xFFFFF900  }
0x19c: {  	[spmem:s0] =	stream.indirect.scatter.add.f32 [tilespmem:s8], [sflag:$0x2], $0x1, s21, s17, $0xb8;
	[tilespmem:$0xD3D0] =	vst v63  }
0x19d: {  	_ =	swait.ge [sflag:s7], $0x80  }
0x19e: {  	[sflag:s7] =	ssyncset.done $0x0  }
0x19f: {  	[sflag:s7] =	ssyncadd.s32 $0xFFFFFF80  }
0x1a0: {  	_ =	swait.ge [sflag:s15], $0x4000  }
0x1a1: {  	s9 =	sld [smem:$0x7DE]  }
0x1a2: {  	[sflag:s15] =	ssyncset.done $0x0  }
0x1a3: {  	[sflag:s15] =	ssyncadd.s32 $0xFFFFC000  }
0x1a4: {  	[tilespmem:s26], [sflag:$0x1] =	stream.linear.gather [hbm4b:s9+s26], $0x4000, $0x38;
	[tilespmem:$0xD3D0] =	vst v63  }
0x1a5: {  	_ = 	snop  }
0x1a6: {  	[spmem:s31] =	stream.indirect.scatter.add.f32 [tilespmem:s16], [sflag:$0x2], $0xE, s22, s17, $0xb8;
	[tilespmem:$0xD3D0] =	vst v63  }
0x1a7: {  	_ =	swait.ge [sflag:s7], $0x700  }
0x1a8: {  	[sflag:s7] =	ssyncset.done $0x0  }
0x1a9: {  	[sflag:s7] =	ssyncadd.s32 $0xFFFFF900  }
0x1aa: {  	[spmem:s0] =	stream.indirect.scatter.add.f32 [tilespmem:s8], [sflag:$0x2], $0x1, s22, s17, $0xb8;
	[tilespmem:$0xD3D0] =	vst v63  }
0x1ab: {  	_ =	swait.ge [sflag:s7], $0x80  }
0x1ac: {  	[sflag:s7] =	ssyncset.done $0x0  }
0x1ad: {  	[sflag:s7] =	ssyncadd.s32 $0xFFFFFF80  }
0x1ae: {  	_ =	swait.ge [sflag:s15], $0x4000  }
0x1af: {  	s5 =	sld [smem:$0x7DF]  }
0x1b0: {  	[sflag:s15] =	ssyncset.done $0x0  }
0x1b1: {  	[sflag:s15] =	ssyncadd.s32 $0xFFFFC000  }
0x1b2: {  	[tilespmem:s16], [sflag:$0x1] =	stream.linear.gather [hbm4b:s5+s26], $0x4000, $0x38;
	[tilespmem:$0xD3D0] =	vst v63  }
0x1b3: {  	_ = 	snop  }
0x1b4: {  	[spmem:s31] =	stream.indirect.scatter.add.f32 [tilespmem:s26], [sflag:$0x2], $0xE, s23, s17, $0xb8;
	[tilespmem:$0xD3D0] =	vst v63  }
0x1b5: {  	_ =	swait.ge [sflag:s7], $0x700  }
0x1b6: {  	[sflag:s7] =	ssyncset.done $0x0  }
0x1b7: {  	[sflag:s7] =	ssyncadd.s32 $0xFFFFF900  }
0x1b8: {  	[spmem:s0] =	stream.indirect.scatter.add.f32 [tilespmem:s8], [sflag:$0x2], $0x1, s23, s17, $0xb8;
	[tilespmem:$0xD3D0] =	vst v63  }
0x1b9: {  	_ =	swait.ge [sflag:s7], $0x80  }
0x1ba: {  	[sflag:s7] =	ssyncset.done $0x0  }
0x1bb: {  	[sflag:s7] =	ssyncadd.s32 $0xFFFFFF80  }
0x1bc: {  	_ =	swait.ge [sflag:s15], $0x4000  }
0x1bd: {  	s9 =	sld [smem:$0x7E0]  }
0x1be: {  	[sflag:s15] =	ssyncset.done $0x0  }
0x1bf: {  	[sflag:s15] =	ssyncadd.s32 $0xFFFFC000  }
0x1c0: {  	[tilespmem:s26], [sflag:$0x1] =	stream.linear.gather [hbm4b:s9+s26], $0x4000, $0x38;
	[tilespmem:$0xD3D0] =	vst v63  }
0x1c1: {  	_ = 	snop  }
0x1c2: {  	[spmem:s31] =	stream.indirect.scatter.add.f32 [tilespmem:s16], [sflag:$0x2], $0xE, s24, s17, $0xb8;
	[tilespmem:$0xD3D0] =	vst v63  }
0x1c3: {  	_ =	swait.ge [sflag:s7], $0x700  }
0x1c4: {  	[sflag:s7] =	ssyncset.done $0x0  }
0x1c5: {  	[sflag:s7] =	ssyncadd.s32 $0xFFFFF900  }
0x1c6: {  	[spmem:s0] =	stream.indirect.scatter.add.f32 [tilespmem:s8], [sflag:$0x2], $0x1, s24, s17, $0xb8;
	[tilespmem:$0xD3D0] =	vst v63  }
0x1c7: {  	_ =	swait.ge [sflag:s7], $0x80  }
0x1c8: {  	[sflag:s7] =	ssyncset.done $0x0  }
0x1c9: {  	[sflag:s7] =	ssyncadd.s32 $0xFFFFFF80  }
0x1ca: {  	_ =	swait.ge [sflag:s15], $0x4000  }
0x1cb: {  	s5 =	sld [smem:$0x7E1]  }
0x1cc: {  	[sflag:s15] =	ssyncset.done $0x0  }
0x1cd: {  	[sflag:s15] =	ssyncadd.s32 $0xFFFFC000  }
0x1ce: {  	[tilespmem:s16], [sflag:$0x1] =	stream.linear.gather [hbm4b:s5+s26], $0x4000, $0x38;
	[tilespmem:$0xD3D0] =	vst v63  }
0x1cf: {  	_ = 	snop  }
0x1d0: {  	[spmem:s31] =	stream.indirect.scatter.add.f32 [tilespmem:s26], [sflag:$0x2], $0xE, s25, s17, $0xb8;
	[tilespmem:$0xD3D0] =	vst v63  }
0x1d1: {  	_ =	swait.ge [sflag:s7], $0x700  }
0x1d2: {  	[sflag:s7] =	ssyncset.done $0x0  }
0x1d3: {  	[sflag:s7] =	ssyncadd.s32 $0xFFFFF900  }
0x1d4: {  	[spmem:s0] =	stream.indirect.scatter.add.f32 [tilespmem:s8], [sflag:$0x2], $0x1, s25, s17, $0xb8;
	[tilespmem:$0xD3D0] =	vst v63  }
0x1d5: {  	_ =	swait.ge [sflag:s7], $0x80  }
0x1d6: {  	[sflag:s7] =	ssyncset.done $0x0  }
0x1d7: {  	[sflag:s7] =	ssyncadd.s32 $0xFFFFFF80  }
0x1d8: {  	_ =	swait.ge [sflag:s15], $0x4000  }
0x1d9: {  	s9 =	sld [smem:$0x7E2]  }
0x1da: {  	[sflag:s15] =	ssyncset.done $0x0  }
0x1db: {  	[sflag:s15] =	ssyncadd.s32 $0xFFFFC000  }
0x1dc: {  	[tilespmem:s26], [sflag:$0x1] =	stream.linear.gather [hbm4b:s9+s26], $0x4000, $0x38;
	[tilespmem:$0xD3D0] =	vst v63  }
0x1dd: {  	_ = 	snop  }
0x1de: {  	[spmem:s31] =	stream.indirect.scatter.add.f32 [tilespmem:s16], [sflag:$0x2], $0xE, s28, s17, $0xb8;
	[tilespmem:$0xD3D0] =	vst v63  }
0x1df: {  	_ =	swait.ge [sflag:s7], $0x700  }
0x1e0: {  	[sflag:s7] =	ssyncset.done $0x0  }
0x1e1: {  	[sflag:s7] =	ssyncadd.s32 $0xFFFFF900  }
0x1e2: {  	[spmem:s0] =	stream.indirect.scatter.add.f32 [tilespmem:s8], [sflag:$0x2], $0x1, s28, s17, $0xb8;
	[tilespmem:$0xD3D0] =	vst v63  }
0x1e3: {  	_ =	swait.ge [sflag:s7], $0x80  }
0x1e4: {  	[sflag:s7] =	ssyncset.done $0x0  }
0x1e5: {  	[sflag:s7] =	ssyncadd.s32 $0xFFFFFF80  }
0x1e6: {  	_ =	swait.ge [sflag:s15], $0x4000  }
0x1e7: {  	s5 =	sld [smem:$0x7E3]  }
0x1e8: {  	[sflag:s15] =	ssyncset.done $0x0  }
0x1e9: {  	[sflag:s15] =	ssyncadd.s32 $0xFFFFC000  }
0x1ea: {  	[tilespmem:s16], [sflag:$0x1] =	stream.linear.gather [hbm4b:s5+s26], $0x4000, $0x38;
	[tilespmem:$0xD3D0] =	vst v63  }
0x1eb: {  	_ = 	snop  }
0x1ec: {  	[spmem:s31] =	stream.indirect.scatter.add.f32 [tilespmem:s26], [sflag:$0x2], $0xE, s29, s17, $0xb8;
	[tilespmem:$0xD3D0] =	vst v63  }
0x1ed: {  	_ =	swait.ge [sflag:s7], $0x700  }
0x1ee: {  	[sflag:s7] =	ssyncset.done $0x0  }
0x1ef: {  	[sflag:s7] =	ssyncadd.s32 $0xFFFFF900  }
0x1f0: {  	[spmem:s0] =	stream.indirect.scatter.add.f32 [tilespmem:s8], [sflag:$0x2], $0x1, s29, s17, $0xb8;
	[tilespmem:$0xD3D0] =	vst v63  }
0x1f1: {  	_ =	swait.ge [sflag:s7], $0x80  }
0x1f2: {  	[sflag:s7] =	ssyncset.done $0x0  }
0x1f3: {  	[sflag:s7] =	ssyncadd.s32 $0xFFFFFF80  }
0x1f4: {  	_ =	swait.ge [sflag:s15], $0x4000  }
0x1f5: {  	s9 =	sld [smem:$0x7E4]  }
0x1f6: {  	[sflag:s15] =	ssyncset.done $0x0  }
0x1f7: {  	[sflag:s15] =	ssyncadd.s32 $0xFFFFC000  }
0x1f8: {  	[tilespmem:s26], [sflag:$0x1] =	stream.linear.gather [hbm4b:s9+s26], $0x4000, $0x38;
	[tilespmem:$0xD3D0] =	vst v63  }
0x1f9: {  	_ = 	snop  }
0x1fa: {  	[spmem:s31] =	stream.indirect.scatter.add.f32 [tilespmem:s16], [sflag:$0x2], $0xE, s1, s17, $0xb8;
	[tilespmem:$0xD3D0] =	vst v63  }
0x1fb: {  	_ =	swait.ge [sflag:s7], $0x700  }
0x1fc: {  	[sflag:s7] =	ssyncset.done $0x0  }
0x1fd: {  	[sflag:s7] =	ssyncadd.s32 $0xFFFFF900  }
0x1fe: {  	[spmem:s0] =	stream.indirect.scatter.add.f32 [tilespmem:s8], [sflag:$0x2], $0x1, s1, s17, $0xb8;
	[tilespmem:$0xD3D0] =	vst v63  }
0x1ff: {  	_ =	swait.ge [sflag:s7], $0x80  }
0x200: {  	[sflag:s7] =	ssyncset.done $0x0  }
0x201: {  	[sflag:s7] =	ssyncadd.s32 $0xFFFFFF80  }
0x202: {  	_ =	swait.ge [sflag:s15], $0x4000  }
0x203: {  	s1 =	sld [smem:$0x7E5]  }
0x204: {  	[sflag:s15] =	ssyncset.done $0x0  }
0x205: {  	[sflag:s15] =	ssyncadd.s32 $0xFFFFC000  }
0x206: {  	[tilespmem:s16], [sflag:$0x1] =	stream.linear.gather [hbm4b:s1+s26], $0x4000, $0x38;
	[tilespmem:$0xD3D0] =	vst v63  }
0x207: {  	_ = 	snop  }
0x208: {  	[spmem:s31] =	stream.indirect.scatter.add.f32 [tilespmem:s26], [sflag:$0x2], $0xE, s2, s17, $0xb8;
	[tilespmem:$0xD3D0] =	vst v63  }
0x209: {  	_ =	swait.ge [sflag:s7], $0x700  }
0x20a: {  	[sflag:s7] =	ssyncset.done $0x0  }
0x20b: {  	[sflag:s7] =	ssyncadd.s32 $0xFFFFF900  }
0x20c: {  	[spmem:s0] =	stream.indirect.scatter.add.f32 [tilespmem:s8], [sflag:$0x2], $0x1, s2, s17, $0xb8;
	[tilespmem:$0xD3D0] =	vst v63  }
0x20d: {  	_ =	swait.ge [sflag:s7], $0x80  }
0x20e: {  	[sflag:s7] =	ssyncset.done $0x0  }
0x20f: {  	[sflag:s7] =	ssyncadd.s32 $0xFFFFFF80  }
0x210: {  	_ =	swait.ge [sflag:s15], $0x4000  }
0x211: {  	s2 =	sld [smem:$0x7E6]  }
0x212: {  	[sflag:s15] =	ssyncset.done $0x0  }
0x213: {  	[sflag:s15] =	ssyncadd.s32 $0xFFFFC000  }
0x214: {  	[tilespmem:s26], [sflag:$0x1] =	stream.linear.gather [hbm4b:s2+s26], $0x4000, $0x38;
	[tilespmem:$0xD3D0] =	vst v63  }
0x215: {  	_ = 	snop  }
0x216: {  	[spmem:s31] =	stream.indirect.scatter.add.f32 [tilespmem:s16], [sflag:$0x2], $0xE, s3, s17, $0xb8;
	[tilespmem:$0xD3D0] =	vst v63  }
0x217: {  	_ =	swait.ge [sflag:s7], $0x700  }
0x218: {  	[sflag:s7] =	ssyncset.done $0x0  }
0x219: {  	[sflag:s7] =	ssyncadd.s32 $0xFFFFF900  }
0x21a: {  	[spmem:s0] =	stream.indirect.scatter.add.f32 [tilespmem:s8], [sflag:$0x2], $0x1, s3, s17, $0xb8;
	[tilespmem:$0xD3D0] =	vst v63  }
0x21b: {  	_ =	swait.ge [sflag:s7], $0x80  }
0x21c: {  	[sflag:s7] =	ssyncset.done $0x0  }
0x21d: {  	[sflag:s7] =	ssyncadd.s32 $0xFFFFFF80  }
0x21e: {  	_ =	swait.ge [sflag:s15], $0x4000  }
0x21f: {  	s5 =	sld [smem:$0x7E7]  }
0x220: {  	[sflag:s15] =	ssyncset.done $0x0  }
0x221: {  	[sflag:s15] =	ssyncadd.s32 $0xFFFFC000  }
0x222: {  	[tilespmem:s16], [sflag:$0x1] =	stream.linear.gather [hbm4b:s5+s26], $0x4000, $0x38;
	[tilespmem:$0xD3D0] =	vst v63  }
0x223: {  	_ = 	snop  }
0x224: {  	[spmem:s31] =	stream.indirect.scatter.add.f32 [tilespmem:s26], [sflag:$0x2], $0xE, s4, s17, $0xb8;
	[tilespmem:$0xD3D0] =	vst v63  }
0x225: {  	_ =	swait.ge [sflag:s7], $0x700  }
0x226: {  	[sflag:s7] =	ssyncset.done $0x0  }
0x227: {  	[sflag:s7] =	ssyncadd.s32 $0xFFFFF900  }
0x228: {  	[spmem:s0] =	stream.indirect.scatter.add.f32 [tilespmem:s8], [sflag:$0x2], $0x1, s4, s17, $0xb8;
	[tilespmem:$0xD3D0] =	vst v63  }
0x229: {  	_ =	swait.ge [sflag:s7], $0x80  }
0x22a: {  	[sflag:s7] =	ssyncset.done $0x0  }
0x22b: {  	[sflag:s7] =	ssyncadd.s32 $0xFFFFFF80  }
0x22c: {  	_ =	swait.ge [sflag:s15], $0x4000  }
0x22d: {  	s9 =	sld [smem:$0x7E8]  }
0x22e: {  	[sflag:s15] =	ssyncset.done $0x0  }
0x22f: {  	[sflag:s15] =	ssyncadd.s32 $0xFFFFC000  }
0x230: {  	[tilespmem:s26], [sflag:$0x1] =	stream.linear.gather [hbm4b:s9+s26], $0x4000, $0x38;
	[tilespmem:$0xD3D0] =	vst v63  }
0x231: {  	s20 =	simm.s32 $0x8880  }
0x232: {  	[spmem:s31] =	stream.indirect.scatter.add.f32 [tilespmem:s16], [sflag:$0x2], $0xE, s20, s17, $0xb8;
	[tilespmem:$0xD3D0] =	vst v63  }
0x233: {  	_ =	swait.ge [sflag:s7], $0x700  }
0x234: {  	[sflag:s7] =	ssyncset.done $0x0  }
0x235: {  	[sflag:s7] =	ssyncadd.s32 $0xFFFFF900  }
0x236: {  	[spmem:s0] =	stream.indirect.scatter.add.f32 [tilespmem:s8], [sflag:$0x2], $0x1, s20, s17, $0xb8;
	[tilespmem:$0xD3D0] =	vst v63  }
0x237: {  	_ =	swait.ge [sflag:s7], $0x80  }
0x238: {  	[sflag:s7] =	ssyncset.done $0x0  }
0x239: {  	[sflag:s7] =	ssyncadd.s32 $0xFFFFFF80  }
0x23a: {  	_ =	swait.ge [sflag:s15], $0x4000  }
0x23b: {  	s2 =	sld [smem:$0x7E9]  }
0x23c: {  	[sflag:s15] =	ssyncset.done $0x0  }
0x23d: {  	[sflag:s15] =	ssyncadd.s32 $0xFFFFC000  }
0x23e: {  	[tilespmem:s16], [sflag:$0x1] =	stream.linear.gather [hbm4b:s2+s26], $0x4000, $0x38;
	[tilespmem:$0xD3D0] =	vst v63  }
0x23f: {  	s3 =	simm.s32 $0x8900  }
0x240: {  	[spmem:s31] =	stream.indirect.scatter.add.f32 [tilespmem:s26], [sflag:$0x2], $0xE, s3, s17, $0xb8;
	[tilespmem:$0xD3D0] =	vst v63  }
0x241: {  	_ =	swait.ge [sflag:s7], $0x700  }
0x242: {  	[sflag:s7] =	ssyncset.done $0x0  }
0x243: {  	[sflag:s7] =	ssyncadd.s32 $0xFFFFF900  }
0x244: {  	[spmem:s0] =	stream.indirect.scatter.add.f32 [tilespmem:s8], [sflag:$0x2], $0x1, s3, s17, $0xb8;
	[tilespmem:$0xD3D0] =	vst v63  }
0x245: {  	_ =	swait.ge [sflag:s7], $0x80  }
0x246: {  	[sflag:s7] =	ssyncset.done $0x0  }
0x247: {  	[sflag:s7] =	ssyncadd.s32 $0xFFFFFF80  }
0x248: {  	_ =	swait.ge [sflag:s15], $0x4000  }
0x249: {  	s4 =	sld [smem:$0x7EA]  }
0x24a: {  	[sflag:s15] =	ssyncset.done $0x0  }
0x24b: {  	[sflag:s15] =	ssyncadd.s32 $0xFFFFC000  }
0x24c: {  	[tilespmem:s26], [sflag:$0x1] =	stream.linear.gather [hbm4b:s4+s26], $0x4000, $0x38;
	[tilespmem:$0xD3D0] =	vst v63  }
0x24d: {  	s5 =	simm.s32 $0x8980  }
0x24e: {  	[spmem:s31] =	stream.indirect.scatter.add.f32 [tilespmem:s16], [sflag:$0x2], $0xE, s5, s17, $0xb8;
	[tilespmem:$0xD3D0] =	vst v63  }
0x24f: {  	_ =	swait.ge [sflag:s7], $0x700  }
0x250: {  	[sflag:s7] =	ssyncset.done $0x0  }
0x251: {  	[sflag:s7] =	ssyncadd.s32 $0xFFFFF900  }
0x252: {  	[spmem:s0] =	stream.indirect.scatter.add.f32 [tilespmem:s8], [sflag:$0x2], $0x1, s5, s17, $0xb8;
	[tilespmem:$0xD3D0] =	vst v63  }
0x253: {  	_ =	swait.ge [sflag:s7], $0x80  }
0x254: {  	[sflag:s7] =	ssyncset.done $0x0  }
0x255: {  	[sflag:s7] =	ssyncadd.s32 $0xFFFFFF80  }
0x256: {  	_ =	swait.ge [sflag:s15], $0x4000  }
0x257: {  	s9 =	sld [smem:$0x7EB]  }
0x258: {  	[sflag:s15] =	ssyncset.done $0x0  }
0x259: {  	[sflag:s15] =	ssyncadd.s32 $0xFFFFC000  }
0x25a: {  	[tilespmem:s16], [sflag:$0x1] =	stream.linear.gather [hbm4b:s9+s26], $0x4000, $0x38;
	[tilespmem:$0xD3D0] =	vst v63  }
0x25b: {  	s20 =	simm.s32 $0x8A00  }
0x25c: {  	[spmem:s31] =	stream.indirect.scatter.add.f32 [tilespmem:s26], [sflag:$0x2], $0xE, s20, s17, $0xb8;
	[tilespmem:$0xD3D0] =	vst v63  }
0x25d: {  	_ =	swait.ge [sflag:s7], $0x700  }
0x25e: {  	[sflag:s7] =	ssyncset.done $0x0  }
0x25f: {  	[sflag:s7] =	ssyncadd.s32 $0xFFFFF900  }
0x260: {  	[spmem:s0] =	stream.indirect.scatter.add.f32 [tilespmem:s8], [sflag:$0x2], $0x1, s20, s17, $0xb8;
	[tilespmem:$0xD3D0] =	vst v63  }
0x261: {  	_ =	swait.ge [sflag:s7], $0x80  }
0x262: {  	[sflag:s7] =	ssyncset.done $0x0  }
0x263: {  	[sflag:s7] =	ssyncadd.s32 $0xFFFFFF80  }
0x264: {  	_ =	swait.ge [sflag:s15], $0x4000  }
0x265: {  	s2 =	sld [smem:$0x7EC]  }
0x266: {  	[sflag:s15] =	ssyncset.done $0x0  }
0x267: {  	[sflag:s15] =	ssyncadd.s32 $0xFFFFC000  }
0x268: {  	[tilespmem:s26], [sflag:$0x1] =	stream.linear.gather [hbm4b:s2+s26], $0x4000, $0x38;
	[tilespmem:$0xD3D0] =	vst v63  }
0x269: {  	s3 =	simm.s32 $0x8A80  }
0x26a: {  	[spmem:s31] =	stream.indirect.scatter.add.f32 [tilespmem:s16], [sflag:$0x2], $0xE, s3, s17, $0xb8;
	[tilespmem:$0xD3D0] =	vst v63  }
0x26b: {  	_ =	swait.ge [sflag:s7], $0x700  }
0x26c: {  	[sflag:s7] =	ssyncset.done $0x0  }
0x26d: {  	[sflag:s7] =	ssyncadd.s32 $0xFFFFF900  }
0x26e: {  	[spmem:s0] =	stream.indirect.scatter.add.f32 [tilespmem:s8], [sflag:$0x2], $0x1, s3, s17, $0xb8;
	[tilespmem:$0xD3D0] =	vst v63  }
0x26f: {  	_ =	swait.ge [sflag:s7], $0x80  }
0x270: {  	[sflag:s7] =	ssyncset.done $0x0  }
0x271: {  	[sflag:s7] =	ssyncadd.s32 $0xFFFFFF80  }
0x272: {  	_ =	swait.ge [sflag:s15], $0x4000  }
0x273: {  	s4 =	sld [smem:$0x7ED]  }
0x274: {  	[sflag:s15] =	ssyncset.done $0x0  }
0x275: {  	[sflag:s15] =	ssyncadd.s32 $0xFFFFC000  }
0x276: {  	[tilespmem:s16], [sflag:$0x1] =	stream.linear.gather [hbm4b:s4+s26], $0x4000, $0x38;
	[tilespmem:$0xD3D0] =	vst v63  }
0x277: {  	s5 =	simm.s32 $0x8B00  }
0x278: {  	[spmem:s31] =	stream.indirect.scatter.add.f32 [tilespmem:s26], [sflag:$0x2], $0xE, s5, s17, $0xb8;
	[tilespmem:$0xD3D0] =	vst v63  }
0x279: {  	_ =	swait.ge [sflag:s7], $0x700  }
0x27a: {  	[sflag:s7] =	ssyncset.done $0x0  }
0x27b: {  	[sflag:s7] =	ssyncadd.s32 $0xFFFFF900  }
0x27c: {  	[spmem:s0] =	stream.indirect.scatter.add.f32 [tilespmem:s8], [sflag:$0x2], $0x1, s5, s17, $0xb8;
	[tilespmem:$0xD3D0] =	vst v63  }
0x27d: {  	_ =	swait.ge [sflag:s7], $0x80  }
0x27e: {  	[sflag:s7] =	ssyncset.done $0x0  }
0x27f: {  	[sflag:s7] =	ssyncadd.s32 $0xFFFFFF80  }
0x280: {  	_ =	swait.ge [sflag:s15], $0x4000  }
0x281: {  	s9 =	sld [smem:$0x7EE]  }
0x282: {  	[sflag:s15] =	ssyncset.done $0x0  }
0x283: {  	[sflag:s15] =	ssyncadd.s32 $0xFFFFC000  }
0x284: {  	[tilespmem:s26], [sflag:$0x1] =	stream.linear.gather [hbm4b:s9+s26], $0x4000, $0x38;
	[tilespmem:$0xD3D0] =	vst v63  }
0x285: {  	s20 =	simm.s32 $0x8B80  }
0x286: {  	[spmem:s31] =	stream.indirect.scatter.add.f32 [tilespmem:s16], [sflag:$0x2], $0xE, s20, s17, $0xb8;
	[tilespmem:$0xD3D0] =	vst v63  }
0x287: {  	_ =	swait.ge [sflag:s7], $0x700  }
0x288: {  	[sflag:s7] =	ssyncset.done $0x0  }
0x289: {  	[sflag:s7] =	ssyncadd.s32 $0xFFFFF900  }
0x28a: {  	[spmem:s0] =	stream.indirect.scatter.add.f32 [tilespmem:s8], [sflag:$0x2], $0x1, s20, s17, $0xb8;
	[tilespmem:$0xD3D0] =	vst v63  }
0x28b: {  	_ =	swait.ge [sflag:s7], $0x80  }
.Ltmp3:
0x28c: {  	[sflag:s7] =	ssyncset.done $0x0;
	(pc) =	sbr.rel .LBB2_4-.Ltmp3, $4  }
0x28d: {  	s1 =	simm.s32 $0x8000;
	[sflag:s7] =	ssyncadd.s32 $0xFFFFFF80  }
0x28e: {  	s2 =	simm.s32 $0x8080;
	s3 =	simm.s32 $0x8100;
	_ =	swait.ge [sflag:s15], $0x4000  }
0x28f: {  	s4 =	simm.s32 $0x8180;
	s5 =	simm.s32 $0x8200;
	[sflag:s15] =	ssyncset.done $0x0  }
0x290: {  	s9 =	simm.s32 $0x8280;
	s20 =	simm.s32 $0x8C00;
	[sflag:s15] =	ssyncadd.s32 $0xFFFFC000  }
.LBB2_5:
0x291: {  	_ =	sfence.sel $0x180000  }
0x292: {  	[bflag:$0x0] =	sbarrier.arrive $0xFFFF  }
0x293: {  	_ =	strace $0x90000047  }
0x294: {  	s0 =	stileid.u32;
	[bflag:$0x2] =	sbarrier.arrive $0xFFFF  }
0x295: {  	p0 =	sne.s32 s0, $0x0;
	s0 =	rddreg [dreg:$0x3]  }
0x296: {  	s0 =	sadd.s32 @!p0 $0x100000, s0  }
0x297: {  	[sflag:s0] =	ssyncadd.tile.s32 @!p0 $0x1;
	_ =	shalt  }
.Lfunc_end2:
_tile_overlayer_lowered:
.L_overlay_start_2:
0x298: {  	(tag) =	ssettag $0x2  }
0x299: {  	s0 =	rddreg [dreg:$0x0];
	s2 =	stileid.u32  }
0x29a: {  	s1 =	rddreg [dreg:$0x1];
	p0 =	sne.s32 s2, $0x0  }
0x29b: {  	s3 =	rddreg [dreg:$0x2];
	[bflag:$0x3] =	sbarrier.arrive $0xFFFF;
	s2 =	simm.s32 @!p0 $0x1C02  }
0x29c: {  	[timem:s3], [sflag:s2] =	dma.local @!p0 [hbm:s0], s1  }
0x29d: {  	s0 =	simm.s32 @!p0 $0x2  }
0x29e: {  	_ =	swait.ge @!p0 [sflag:s0], s1  }
0x29f: {  	s1 =	ssub.s32 @!p0 $0x0, s1;
	[sflag:s0] =	ssyncset.done @!p0 $0x0  }
0x2a0: {  	[sflag:s0] =	ssyncadd.s32 @!p0 s1  }
0x2a1: {  	[bflag:$0x3] =	sbarrier.arrive $0xFFFF  }
0x2a2: {  	_ =	shalt  }

</sc_bundles>
